<compile_context>
chip_gen: v7x
topology: tpu7x:2x2x1
jax: 0.10.2.dev20260603
libtpu: 0.0.44.dev20260713+nightly
codegen_flags: <defaults>
</compile_context>

<pallas_src>
import functools

import jax
import jax.numpy as jnp
from jax import lax
from jax.experimental import pallas as pl
from jax.experimental.pallas import tpu as pltpu
from jax.experimental.pallas import tpu_sc as plsc

N = 10000
E = 160000
W = 32
WP = 128
KW = 256
KIN = 4
DEPTH = 6

NC, NS = 2, 16
NW = NC * NS
CHUNK = 128
RPW = 40
ROWS_P = NW * RPW
E_PAD = ROWS_P * CHUNK
GG = 4
GS = 2
NP_ = 10240
NPW = NP_ // NS

_sc_mesh = plsc.VectorSubcoreMesh(
    core_axis_name="c", subcore_axis_name="s", num_cores=NC, num_subcores=NS)



@functools.partial(
    pl.kernel,
    out_type=jax.ShapeDtypeStruct((E_PAD, WP), jnp.float32),
    mesh=_sc_mesh,
    scratch_types=[pltpu.VMEM((GG, CHUNK), jnp.int32),
                   pltpu.VMEM((GG * CHUNK, WP), jnp.float32),
                   pltpu.SemaphoreType.DMA],
)
def _sc_gather(h_hbm, src_hbm, out_hbm, idx_v, rows_v, sem):
    wid = lax.axis_index("s") * NC + lax.axis_index("c")
    base = wid * RPW

    def body(g, carry):
        r0 = base + g * GG
        pltpu.sync_copy(src_hbm.at[pl.ds(r0, GG)], idx_v)
        descs = [
            pltpu.async_copy(h_hbm.at[idx_v.at[t]],
                             rows_v.at[pl.ds(t * CHUNK, CHUNK)], sem)
            for t in range(GG)
        ]
        for d in descs:
            d.wait()
        pltpu.sync_copy(rows_v, out_hbm.at[pl.ds(r0 * CHUNK, GG * CHUNK)])
        return carry

    lax.fori_loop(0, RPW // GG, body, 0)


@functools.partial(
    pl.kernel,
    out_type=jax.ShapeDtypeStruct((NC * NP_, WP), jnp.float32),
    mesh=_sc_mesh,
    scratch_types=[pltpu.VMEM((CHUNK,), jnp.int32),
                   pltpu.VMEM((CHUNK,), jnp.int32),
                   pltpu.VMEM((CHUNK, WP), jnp.float32),
                   pltpu.VMEM((CHUNK, WP), jnp.float32),
                   pltpu.SemaphoreType.DMA,
                   pltpu.SemaphoreType.DMA,
                   pltpu.VMEM_SHARED((NP_, WP), jnp.float32)],
)
def _sc_scatter(msg_hbm, dst_hbm, zeros_hbm, out_hbm, idx0, idx1, rows0,
                rows1, sem0, sem1, acc_s):
    c = lax.axis_index("c")
    s = lax.axis_index("s")
    wid = s * NC + c
    base = wid * RPW
    idx = (idx0, idx1)
    rows = (rows0, rows1)
    sems = (sem0, sem1)
    pltpu.sync_copy(zeros_hbm, acc_s.at[pl.ds(s * NPW, NPW)])
    plsc.subcore_barrier()

    pltpu.sync_copy(dst_hbm.at[base], idx0)
    pltpu.async_copy(msg_hbm.at[pl.ds(base * CHUNK, CHUNK)], rows0, sem0)

    def body(gg, carry):
        for b in range(2):
            g = gg * 2 + b
            r = base + g
            pltpu.make_async_copy(
                msg_hbm.at[pl.ds(r * CHUNK, CHUNK)], rows[b], sems[b]).wait()

            @pl.when(g + 1 < RPW)
            def _():
                pltpu.sync_copy(dst_hbm.at[r + 1], idx[1 - b])
                pltpu.async_copy(msg_hbm.at[pl.ds((r + 1) * CHUNK, CHUNK)],
                                 rows[1 - b], sems[1 - b])
            pltpu.sync_copy(rows[b], acc_s.at[idx[b]], add=True)
        return carry

    lax.fori_loop(0, RPW // 2, body, 0)
    plsc.subcore_barrier()
    pltpu.sync_copy(acc_s.at[pl.ds(s * NPW, NPW)],
                    out_hbm.at[pl.ds(c * NP_ + s * NPW, NPW)])


@functools.partial(
    pl.kernel,
    out_type=jax.ShapeDtypeStruct((NC * NP_, WP), jnp.float32),
    mesh=_sc_mesh,
    scratch_types=[pltpu.VMEM((CHUNK,), jnp.int32),
                   pltpu.VMEM((CHUNK, WP), jnp.float32),
                   pltpu.SemaphoreType.DMA,
                   pltpu.VMEM_SHARED((NP_, WP), jnp.float32)],
)
def _sc_degree(dst_hbm, ones_hbm, zeros_hbm, out_hbm, idx_v, ones_v, sem, acc_s):
    c = lax.axis_index("c")
    s = lax.axis_index("s")
    wid = s * NC + c
    base = wid * RPW
    pltpu.sync_copy(zeros_hbm, acc_s.at[pl.ds(s * NPW, NPW)])
    pltpu.sync_copy(ones_hbm, ones_v)
    plsc.subcore_barrier()

    def body(g, carry):
        r = base + g
        pltpu.sync_copy(dst_hbm.at[r], idx_v)
        pltpu.sync_copy(ones_v, acc_s.at[idx_v], add=True)
        return carry

    lax.fori_loop(0, RPW, body, 0)
    plsc.subcore_barrier()
    pltpu.sync_copy(acc_s.at[pl.ds(s * NPW, NPW)],
                    out_hbm.at[pl.ds(c * NP_ + s * NPW, NPW)])



EB = 2048


def _mlp_body(ea, k1t, k1b, k2t, k2b, k3t, k3b, out):
    a = jnp.maximum(jnp.dot(ea[...], k1t[...],
                            preferred_element_type=jnp.float32) + k1b[...], 0.0)
    a = jnp.maximum(jnp.dot(a, k2t[...],
                            preferred_element_type=jnp.float32) + k2b[...], 0.0)
    out[...] = jnp.dot(a, k3t[...],
                       preferred_element_type=jnp.float32) + k3b[...]


def _edge_mlp(edge_attr, k1t, k1b, k2t, k2b, k3t, k3b):
    grid = (E_PAD // EB,)
    return pl.pallas_call(
        _mlp_body,
        grid=grid,
        in_specs=[
            pl.BlockSpec((EB, KIN), lambda i: (i, 0)),
            pl.BlockSpec((KIN, KW), lambda i: (0, 0)),
            pl.BlockSpec((1, KW), lambda i: (0, 0)),
            pl.BlockSpec((KW, KW), lambda i: (0, 0)),
            pl.BlockSpec((1, KW), lambda i: (0, 0)),
            pl.BlockSpec((KW, W * W), lambda i: (0, 0)),
            pl.BlockSpec((1, W * W), lambda i: (0, 0)),
        ],
        out_specs=pl.BlockSpec((EB, W * W), lambda i: (i, 0)),
        out_shape=jax.ShapeDtypeStruct((E_PAD, W * W), jnp.float32),
    )(edge_attr, k1t, k1b, k2t, k2b, k3t, k3b)


def _matvec_body(xj, we, tile, out):
    x = xj[...][:, :W]
    t = tile[...]
    x1 = x.astype(jnp.bfloat16).astype(jnp.float32)
    r1 = x - x1
    x2 = r1.astype(jnp.bfloat16).astype(jnp.float32)
    x3 = r1 - x2
    xrep = (jnp.dot(x1, t, preferred_element_type=jnp.float32)
            + jnp.dot(x2, t, preferred_element_type=jnp.float32)
            + jnp.dot(x3, t, preferred_element_type=jnp.float32))
    w = we[...]
    acc = w[:, 0:128] * xrep[:, 0:128]
    for k in range(1, 8):
        acc = acc + w[:, 128 * k:128 * (k + 1)] * xrep[:, 128 * k:128 * (k + 1)]
    msg = acc[:, 0:32] + acc[:, 32:64] + acc[:, 64:96] + acc[:, 96:128]
    out[...] = jnp.concatenate(
        [msg, jnp.zeros((EB, WP - W), jnp.float32)], axis=1)


def _matvec(xj, we, tile):
    grid = (E_PAD // EB,)
    return pl.pallas_call(
        _matvec_body,
        grid=grid,
        in_specs=[
            pl.BlockSpec((EB, WP), lambda i: (i, 0)),
            pl.BlockSpec((EB, W * W), lambda i: (i, 0)),
            pl.BlockSpec((W, W * W), lambda i: (0, 0)),
        ],
        out_specs=pl.BlockSpec((EB, WP), lambda i: (i, 0)),
        out_shape=jax.ShapeDtypeStruct((E_PAD, WP), jnp.float32),
    )(xj, we, tile)


def _prologue_body(x, fw, fb, degp, h0, invd):
    h = x[...] * fw[...] + fb[...]
    h0[...] = jnp.concatenate(
        [h, jnp.zeros((N, WP - W), jnp.float32)], axis=1)
    d = degp[...]
    deg = d[:N, :1] + d[NP_:NP_ + N, :1]
    invd[...] = jnp.broadcast_to(1.0 / jnp.maximum(deg, 1.0), (N, W))


def _prologue(x, fw, fb, degp):
    return pl.pallas_call(
        _prologue_body,
        out_shape=[jax.ShapeDtypeStruct((N, WP), jnp.float32),
                   jax.ShapeDtypeStruct((N, W), jnp.float32)],
    )(x, fw, fb, degp)


def _update_body(p, invd, h, root, b, out):
    pp = p[...]
    agg = (pp[:N, :W] + pp[NP_:NP_ + N, :W]) * invd[...]
    hn = jnp.maximum(
        agg + jnp.dot(h[...][:, :W], root[...],
                      preferred_element_type=jnp.float32) + b[...], 0.0)
    out[...] = jnp.concatenate(
        [hn, jnp.zeros((N, WP - W), jnp.float32)], axis=1)


def _update(aggp, invd, h, root, b):
    return pl.pallas_call(
        _update_body,
        out_shape=jax.ShapeDtypeStruct((N, WP), jnp.float32),
    )(aggp, invd, h, root, b)


def _epilogue_body(h, fw, fb, out):
    out[...] = jnp.dot(h[...][:, :W], fw[...],
                       preferred_element_type=jnp.float32) + fb[...]


def _epilogue(h, fw, fb):
    return pl.pallas_call(
        _epilogue_body,
        out_shape=jax.ShapeDtypeStruct((N, 1), jnp.float32),
    )(h, fw, fb)



def kernel(x, edge_attr, fc1_w, fc1_b, k1_w, k1_b, k2_w, k2_b, k3_w, k3_b,
           root, conv_bias, fc2_w, fc2_b, edge_index):
    ei = edge_index.astype(jnp.int32)
    pad_src = jnp.arange(E_PAD - E, dtype=jnp.int32) % N
    pad_dst = N + jnp.arange(E_PAD - E, dtype=jnp.int32) % (NP_ - N)
    src2d = jnp.concatenate([ei[0], pad_src]).reshape(ROWS_P, CHUNK)
    dst2d = jnp.concatenate([ei[1], pad_dst]).reshape(ROWS_P, CHUNK)
    ea_p = jnp.pad(edge_attr, ((0, E_PAD - E), (0, 0)))
    zeros = jnp.zeros((NPW, WP), jnp.float32)
    ones = jnp.ones((CHUNK, WP), jnp.float32)
    tile_i = jnp.repeat(jnp.eye(W, dtype=jnp.float32), W, axis=1)

    we = _edge_mlp(ea_p, k1_w.T, k1_b.reshape(1, KW),
                   k2_w.T, k2_b.reshape(1, KW),
                   k3_w.T, k3_b.reshape(1, W * W))
    degp = _sc_degree(dst2d, ones, zeros)
    h, invd = _prologue(x, fc1_w.T, fc1_b.reshape(1, W), degp)
    cb = conv_bias.reshape(1, W)
    for _ in range(DEPTH):
        xj = _sc_gather(h, src2d)
        msg = _matvec(xj, we, tile_i)
        aggp = _sc_scatter(msg, dst2d, zeros)
        h = _update(aggp, invd, h, root, cb)
    return _epilogue(h, fc2_w.T, fc2_b.reshape(1, 1))

# --- scband reference (transcript-rebuilt; emitter-appended) ---
"""Pipeline reference for scband-kernel-nn-52896817218079 (READ-ONLY COPY).

The authoritative reference and input builder live on the scoring server;
editing this copy changes nothing except your own understanding.
"""

import jax, jax.numpy as jnp
import numpy as np

N = 10000
E = 160000
WIDTH = 32
KER_WIDTH = 256
KER_IN = 4
DEPTH = 6


def setup_inputs(seed: int = 0) -> dict:
    key = jax.random.key(seed)
    ks = jax.random.split(key, 16)
    x = jax.random.normal(ks[0], (N, 1), dtype=jnp.float32)
    edge_index = jax.random.randint(ks[1], (2, E), 0, N)
    edge_attr = jax.random.uniform(ks[2], (E, KER_IN), dtype=jnp.float32)
    def lin(k, fan_out, fan_in):
        return jax.random.normal(k, (fan_out, fan_in), dtype=jnp.float32) / np.sqrt(fan_in)
    fc1_w = lin(ks[3], WIDTH, 1)
    fc1_b = jnp.zeros((WIDTH,), jnp.float32)
    k1_w = lin(ks[4], KER_WIDTH, KER_IN)
    k1_b = jnp.zeros((KER_WIDTH,), jnp.float32)
    k2_w = lin(ks[5], KER_WIDTH, KER_WIDTH)
    k2_b = jnp.zeros((KER_WIDTH,), jnp.float32)
    k3_w = lin(ks[6], WIDTH * WIDTH, KER_WIDTH)
    k3_b = jnp.zeros((WIDTH * WIDTH,), jnp.float32)
    root = jax.random.normal(ks[7], (WIDTH, WIDTH), dtype=jnp.float32) / np.sqrt(WIDTH)
    conv_bias = jnp.zeros((WIDTH,), jnp.float32)
    fc2_w = lin(ks[8], 1, WIDTH)
    fc2_b = jnp.zeros((1,), jnp.float32)
    return {
        'x': x, 'edge_attr': edge_attr,
        'fc1_w': fc1_w, 'fc1_b': fc1_b,
        'k1_w': k1_w, 'k1_b': k1_b,
        'k2_w': k2_w, 'k2_b': k2_b,
        'k3_w': k3_w, 'k3_b': k3_b,
        'root': root, 'conv_bias': conv_bias,
        'fc2_w': fc2_w, 'fc2_b': fc2_b,
        'edge_index': edge_index,
    }


def reference(x, edge_attr, fc1_w, fc1_b, k1_w, k1_b, k2_w, k2_b, k3_w, k3_b,
              root, conv_bias, fc2_w, fc2_b, edge_index):
    # fc1
    h = x @ fc1_w.T + fc1_b
    # DenseNet kernel: edge_attr -> [E, width*width]; edge_attr is constant
    # across depth iterations so the kernel matrices are computed once.
    a = jax.nn.relu(edge_attr @ k1_w.T + k1_b)
    a = jax.nn.relu(a @ k2_w.T + k2_b)
    a = a @ k3_w.T + k3_b
    W_e = a.reshape(E, WIDTH, WIDTH)
    src = edge_index[0]
    dst = edge_index[1]
    deg = jax.ops.segment_sum(jnp.ones((E,), jnp.float32), dst, num_segments=N)
    deg = jnp.maximum(deg, 1.0)
    for _ in range(DEPTH):
        x_j = jnp.take(h, src, axis=0)                      # gather [E, width]
        msg = jnp.einsum('ei,eio->eo', x_j, W_e)            # per-edge matvec
        agg = jax.ops.segment_sum(msg, dst, num_segments=N) / deg[:, None]  # mean aggr
        h = jax.nn.relu(agg + h @ root + conv_bias)         # NNConv_old update + relu
    out = h @ fc2_w.T + fc2_b
    return out

if __name__ == "__main__":
    import jax
    _d = setup_inputs()
    print(jax.jit(kernel)(*tuple(_d.values())))

</pallas_src>

<mosaic_0001>
#map = affine_map<(d0, d1) -> (0, 0)>
module attributes {stable_mosaic.version = 14 : i64} {
  func.func @_sc_degree(%arg0: i32, %arg1: i32, %arg2: memref<1280x128xi32, #tpu.memory_space<hbm>>, %arg3: memref<128x128xf32, #tpu.memory_space<hbm>>, %arg4: memref<640x128xf32, #tpu.memory_space<hbm>>, %arg5: memref<20480x128xf32, #tpu.memory_space<hbm>>, %arg6: memref<128xi32, #tpu.memory_space<vmem>>, %arg7: memref<128x128xf32, #tpu.memory_space<vmem>>, %arg8: memref<!tpu.dma_semaphore, #tpu.memory_space<semaphore_mem>>, %arg9: memref<10240x128xf32, #tpu.memory_space<vmem_shared>>) attributes {dimension_semantics = [#tpu.dimension_semantics<core_parallel>, #tpu.dimension_semantics<subcore_parallel>], iteration_bounds = array<i64: 2, 16>, scalar_prefetch = 0 : i64, scratch_operands = 4 : i64, tpu.core_type = #tpu.core_type<sc_vector_subcore>, window_params = [{transform_indices = #map}, {transform_indices = #map}, {transform_indices = #map}, {transform_indices = #map}]} {
    %mul3A = arith.constant 2 : i32
    %mul3A_0 = arith.muli %arg1, %mul3A : i32
    %add3A = arith.addi %mul3A_0, %arg0 : i32
    %mul3A_1 = arith.constant 40 : i32
    %mul3A_2 = arith.muli %add3A, %mul3A_1 : i32
    %mul3A_3 = arith.constant 640 : i32
    %mul3A_4 = arith.muli %arg1, %mul3A_3 : i32
    "tpu.region"() ({
      %run_scoped3A = tpu.sem_alloc : memref<!tpu.dma_semaphore, #tpu.memory_space<semaphore_mem>>
      %dma_start3A = arith.constant 0 : i32
      %dma_start3A_18 = tpu.memref_slice %arg9[%mul3A_4, %dma_start3A] : memref<10240x128xf32, #tpu.memory_space<vmem_shared>> -> memref<640x128xf32, #tpu.memory_space<vmem_shared>>
      tpu.enqueue_dma source(%arg4 : memref<640x128xf32, #tpu.memory_space<hbm>>) target(%dma_start3A_18 : memref<640x128xf32, #tpu.memory_space<vmem_shared>>) target_semaphore(%run_scoped3A : memref<!tpu.dma_semaphore, #tpu.memory_space<semaphore_mem>>)
      %dma_wait3A = arith.constant 0 : i32
      %dma_wait3A_19 = tpu.memref_slice %arg9[%mul3A_4, %dma_wait3A] : memref<10240x128xf32, #tpu.memory_space<vmem_shared>> -> memref<640x128xf32, #tpu.memory_space<vmem_shared>>
      tpu.wait_dma2 semaphore(%run_scoped3A : memref<!tpu.dma_semaphore, #tpu.memory_space<semaphore_mem>>) src(%arg4 : memref<640x128xf32, #tpu.memory_space<hbm>>) dst(%dma_wait3A_19 : memref<640x128xf32, #tpu.memory_space<vmem_shared>>)
      tpu.yield
    }) : () -> ()
    "tpu.region"() ({
      %run_scoped3A = tpu.sem_alloc : memref<!tpu.dma_semaphore, #tpu.memory_space<semaphore_mem>>
      tpu.enqueue_dma source(%arg3 : memref<128x128xf32, #tpu.memory_space<hbm>>) target(%arg7 : memref<128x128xf32, #tpu.memory_space<vmem>>) target_semaphore(%run_scoped3A : memref<!tpu.dma_semaphore, #tpu.memory_space<semaphore_mem>>)
      tpu.wait_dma2 semaphore(%run_scoped3A : memref<!tpu.dma_semaphore, #tpu.memory_space<semaphore_mem>>) src(%arg3 : memref<128x128xf32, #tpu.memory_space<hbm>>) dst(%arg7 : memref<128x128xf32, #tpu.memory_space<vmem>>)
      tpu.yield
    }) : () -> ()
    %barrier3A = arith.constant 0 : index
    tpu.barrier barrier_id(%barrier3A)
    %scan3A = arith.constant 0 : i32
    %scan3A_5 = arith.constant 0 : i32
    %scan3A_6 = arith.constant 40 : i32
    %scan3A_7 = arith.addi %scan3A_5, %scan3A_6 : i32
    %scan3A_8 = arith.constant 1 : i32
    scf.for %scan3A_18 = %scan3A_5 to %scan3A_7 step %scan3A_8  : i32 {
      %add3A_19 = arith.addi %mul3A_2, %scan3A_18 : i32
      "tpu.region"() ({
        %run_scoped3A = tpu.sem_alloc : memref<!tpu.dma_semaphore, #tpu.memory_space<semaphore_mem>>
        %dma_start3A = arith.constant 0 : i32
        %dma_start3A_20 = tpu.memref_slice %arg2[%add3A_19, %dma_start3A] : memref<1280x128xi32, #tpu.memory_space<hbm>> -> memref<1x128xi32, #tpu.memory_space<hbm>>
        %dma_start3A_21 = tpu.memref_squeeze %dma_start3A_20 : memref<1x128xi32, #tpu.memory_space<hbm>> -> memref<128xi32, #tpu.memory_space<hbm>>
        %dma_start3A_22 = arith.constant 0 : i32
        %dma_start3A_23 = tpu.memref_slice %arg2[%add3A_19, %dma_start3A_22] : memref<1280x128xi32, #tpu.memory_space<hbm>> -> memref<1x128xi32, #tpu.memory_space<hbm>>
        %dma_start3A_24 = tpu.memref_squeeze %dma_start3A_23 : memref<1x128xi32, #tpu.memory_space<hbm>> -> memref<128xi32, #tpu.memory_space<hbm>>
        tpu.enqueue_dma source(%dma_start3A_24 : memref<128xi32, #tpu.memory_space<hbm>>) target(%arg6 : memref<128xi32, #tpu.memory_space<vmem>>) target_semaphore(%run_scoped3A : memref<!tpu.dma_semaphore, #tpu.memory_space<semaphore_mem>>)
        %dma_wait3A = arith.constant 0 : i32
        %dma_wait3A_25 = tpu.memref_slice %arg2[%add3A_19, %dma_wait3A] : memref<1280x128xi32, #tpu.memory_space<hbm>> -> memref<1x128xi32, #tpu.memory_space<hbm>>
        %dma_wait3A_26 = tpu.memref_squeeze %dma_wait3A_25 : memref<1x128xi32, #tpu.memory_space<hbm>> -> memref<128xi32, #tpu.memory_space<hbm>>
        %dma_wait3A_27 = arith.constant 0 : i32
        %dma_wait3A_28 = tpu.memref_slice %arg2[%add3A_19, %dma_wait3A_27] : memref<1280x128xi32, #tpu.memory_space<hbm>> -> memref<1x128xi32, #tpu.memory_space<hbm>>
        %dma_wait3A_29 = tpu.memref_squeeze %dma_wait3A_28 : memref<1x128xi32, #tpu.memory_space<hbm>> -> memref<128xi32, #tpu.memory_space<hbm>>
        tpu.wait_dma2 semaphore(%run_scoped3A : memref<!tpu.dma_semaphore, #tpu.memory_space<semaphore_mem>>) src(%dma_wait3A_29 : memref<128xi32, #tpu.memory_space<hbm>>) dst(%arg6 : memref<128xi32, #tpu.memory_space<vmem>>)
        tpu.yield
      }) : () -> ()
      "tpu.region"() ({
        %run_scoped3A = tpu.sem_alloc : memref<!tpu.dma_semaphore, #tpu.memory_space<semaphore_mem>>
        %dma_start3A = arith.constant 0 : i32
        %dma_start3A_20 = arith.constant 0 : i32
        %dma_start3A_21 = tpu.memref_slice %arg9[%dma_start3A, %dma_start3A_20] : memref<10240x128xf32, #tpu.memory_space<vmem_shared>> -> memref<10240x128xf32, #tpu.memory_space<vmem_shared>>
        tpu.enqueue_indirect_dma source(%arg7 : memref<128x128xf32, #tpu.memory_space<vmem>>) target(%dma_start3A_21 : memref<10240x128xf32, #tpu.memory_space<vmem_shared>>) offsets(%arg6 : memref<128xi32, #tpu.memory_space<vmem>>) semaphore(%run_scoped3A : memref<!tpu.dma_semaphore, #tpu.memory_space<semaphore_mem>>) {add = true}
        %dma_wait3A = arith.constant 0 : i32
        %dma_wait3A_22 = arith.constant 0 : i32
        %dma_wait3A_23 = tpu.memref_slice %arg9[%dma_wait3A, %dma_wait3A_22] : memref<10240x128xf32, #tpu.memory_space<vmem_shared>> -> memref<10240x128xf32, #tpu.memory_space<vmem_shared>>
        tpu.wait_indirect_dma semaphore(%run_scoped3A : memref<!tpu.dma_semaphore, #tpu.memory_space<semaphore_mem>>) src(%arg7 : memref<128x128xf32, #tpu.memory_space<vmem>>) dst(%dma_wait3A_23 : memref<10240x128xf32, #tpu.memory_space<vmem_shared>>)
        tpu.yield
      }) : () -> ()
    }
    %scan3A_9 = arith.constant 40 : i32
    %barrier3A_10 = arith.constant 0 : index
    tpu.barrier barrier_id(%barrier3A_10)
    %mul3A_11 = arith.constant 640 : i32
    %mul3A_12 = arith.muli %arg1, %mul3A_11 : i32
    %mul3A_13 = arith.constant 10240 : i32
    %mul3A_14 = arith.muli %arg0, %mul3A_13 : i32
    %mul3A_15 = arith.constant 640 : i32
    %mul3A_16 = arith.muli %arg1, %mul3A_15 : i32
    %add3A_17 = arith.addi %mul3A_14, %mul3A_16 : i32
    "tpu.region"() ({
      %run_scoped3A = tpu.sem_alloc : memref<!tpu.dma_semaphore, #tpu.memory_space<semaphore_mem>>
      %dma_start3A = arith.constant 0 : i32
      %dma_start3A_18 = tpu.memref_slice %arg5[%add3A_17, %dma_start3A] : memref<20480x128xf32, #tpu.memory_space<hbm>> -> memref<640x128xf32, #tpu.memory_space<hbm>>
      %dma_start3A_19 = arith.constant 0 : i32
      %dma_start3A_20 = tpu.memref_slice %arg9[%mul3A_12, %dma_start3A_19] : memref<10240x128xf32, #tpu.memory_space<vmem_shared>> -> memref<640x128xf32, #tpu.memory_space<vmem_shared>>
      tpu.enqueue_dma source(%dma_start3A_20 : memref<640x128xf32, #tpu.memory_space<vmem_shared>>) target(%dma_start3A_18 : memref<640x128xf32, #tpu.memory_space<hbm>>) target_semaphore(%run_scoped3A : memref<!tpu.dma_semaphore, #tpu.memory_space<semaphore_mem>>)
      %dma_wait3A = arith.constant 0 : i32
      %dma_wait3A_21 = tpu.memref_slice %arg5[%add3A_17, %dma_wait3A] : memref<20480x128xf32, #tpu.memory_space<hbm>> -> memref<640x128xf32, #tpu.memory_space<hbm>>
      %dma_wait3A_22 = arith.constant 0 : i32
      %dma_wait3A_23 = tpu.memref_slice %arg9[%mul3A_12, %dma_wait3A_22] : memref<10240x128xf32, #tpu.memory_space<vmem_shared>> -> memref<640x128xf32, #tpu.memory_space<vmem_shared>>
      tpu.wait_dma2 semaphore(%run_scoped3A : memref<!tpu.dma_semaphore, #tpu.memory_space<semaphore_mem>>) src(%dma_wait3A_23 : memref<640x128xf32, #tpu.memory_space<vmem_shared>>) dst(%dma_wait3A_21 : memref<640x128xf32, #tpu.memory_space<hbm>>)
      tpu.yield
    }) : () -> ()
    return
  }
}

#map = affine_map<(d0, d1) -> (0, 0)>
module attributes {stable_mosaic.version = 14 : i64} {
  func.func @_sc_gather(%arg0: i32, %arg1: i32, %arg2: memref<10000x128xf32, #tpu.memory_space<hbm>>, %arg3: memref<1280x128xi32, #tpu.memory_space<hbm>>, %arg4: memref<163840x128xf32, #tpu.memory_space<hbm>>, %arg5: memref<4x128xi32, #tpu.memory_space<vmem>>, %arg6: memref<512x128xf32, #tpu.memory_space<vmem>>, %arg7: memref<!tpu.dma_semaphore, #tpu.memory_space<semaphore_mem>>) attributes {dimension_semantics = [#tpu.dimension_semantics<core_parallel>, #tpu.dimension_semantics<subcore_parallel>], iteration_bounds = array<i64: 2, 16>, scalar_prefetch = 0 : i64, scratch_operands = 3 : i64, tpu.core_type = #tpu.core_type<sc_vector_subcore>, window_params = [{transform_indices = #map}, {transform_indices = #map}, {transform_indices = #map}]} {
    %mul3A = arith.constant 2 : i32
    %mul3A_0 = arith.muli %arg1, %mul3A : i32
    %add3A = arith.addi %mul3A_0, %arg0 : i32
    %mul3A_1 = arith.constant 40 : i32
    %mul3A_2 = arith.muli %add3A, %mul3A_1 : i32
    %scan3A = arith.constant 0 : i32
    %scan3A_3 = arith.constant 0 : i32
    %scan3A_4 = arith.constant 10 : i32
    %scan3A_5 = arith.addi %scan3A_3, %scan3A_4 : i32
    %scan3A_6 = arith.constant 1 : i32
    scf.for %scan3A_8 = %scan3A_3 to %scan3A_5 step %scan3A_6  : i32 {
      %mul3A_9 = arith.constant 4 : i32
      %mul3A_10 = arith.muli %scan3A_8, %mul3A_9 : i32
      %add3A_11 = arith.addi %mul3A_2, %mul3A_10 : i32
      "tpu.region"() ({
        %run_scoped3A = tpu.sem_alloc : memref<!tpu.dma_semaphore, #tpu.memory_space<semaphore_mem>>
        %dma_start3A_92 = arith.constant 0 : i32
        %dma_start3A_93 = tpu.memref_slice %arg3[%add3A_11, %dma_start3A_92] : memref<1280x128xi32, #tpu.memory_space<hbm>> -> memref<4x128xi32, #tpu.memory_space<hbm>>
        %dma_start3A_94 = arith.constant 0 : i32
        %dma_start3A_95 = tpu.memref_slice %arg3[%add3A_11, %dma_start3A_94] : memref<1280x128xi32, #tpu.memory_space<hbm>> -> memref<4x128xi32, #tpu.memory_space<hbm>>
        tpu.enqueue_dma source(%dma_start3A_95 : memref<4x128xi32, #tpu.memory_space<hbm>>) target(%arg5 : memref<4x128xi32, #tpu.memory_space<vmem>>) target_semaphore(%run_scoped3A : memref<!tpu.dma_semaphore, #tpu.memory_space<semaphore_mem>>)
        %dma_wait3A_96 = arith.constant 0 : i32
        %dma_wait3A_97 = tpu.memref_slice %arg3[%add3A_11, %dma_wait3A_96] : memref<1280x128xi32, #tpu.memory_space<hbm>> -> memref<4x128xi32, #tpu.memory_space<hbm>>
        %dma_wait3A_98 = arith.constant 0 : i32
        %dma_wait3A_99 = tpu.memref_slice %arg3[%add3A_11, %dma_wait3A_98] : memref<1280x128xi32, #tpu.memory_space<hbm>> -> memref<4x128xi32, #tpu.memory_space<hbm>>
        tpu.wait_dma2 semaphore(%run_scoped3A : memref<!tpu.dma_semaphore, #tpu.memory_space<semaphore_mem>>) src(%dma_wait3A_99 : memref<4x128xi32, #tpu.memory_space<hbm>>) dst(%arg5 : memref<4x128xi32, #tpu.memory_space<vmem>>)
        tpu.yield
      }) : () -> ()
      %dma_start3A = arith.constant 0 : i32
      %dma_start3A_12 = arith.constant 0 : i32
      %dma_start3A_13 = arith.constant 0 : i32
      %dma_start3A_14 = tpu.memref_slice %arg6[%dma_start3A_12, %dma_start3A_13] : memref<512x128xf32, #tpu.memory_space<vmem>> -> memref<128x128xf32, #tpu.memory_space<vmem>>
      %dma_start3A_15 = arith.constant 0 : i32
      %dma_start3A_16 = tpu.memref_slice %arg5[%dma_start3A, %dma_start3A_15] : memref<4x128xi32, #tpu.memory_space<vmem>> -> memref<1x128xi32, #tpu.memory_space<vmem>>
      %dma_start3A_17 = tpu.memref_squeeze %dma_start3A_16 : memref<1x128xi32, #tpu.memory_space<vmem>> -> memref<128xi32, #tpu.memory_space<vmem>>
      %dma_start3A_18 = arith.constant 0 : i32
      %dma_start3A_19 = arith.constant 0 : i32
      %dma_start3A_20 = tpu.memref_slice %arg2[%dma_start3A_18, %dma_start3A_19] : memref<10000x128xf32, #tpu.memory_space<hbm>> -> memref<10000x128xf32, #tpu.memory_space<hbm>>
      tpu.enqueue_indirect_dma source(%dma_start3A_20 : memref<10000x128xf32, #tpu.memory_space<hbm>>) target(%dma_start3A_14 : memref<128x128xf32, #tpu.memory_space<vmem>>) offsets(%dma_start3A_17 : memref<128xi32, #tpu.memory_space<vmem>>) semaphore(%arg7 : memref<!tpu.dma_semaphore, #tpu.memory_space<semaphore_mem>>)
      %dma_start3A_21 = arith.constant 1 : i32
      %dma_start3A_22 = arith.constant 128 : i32
      %dma_start3A_23 = arith.constant 0 : i32
      %dma_start3A_24 = tpu.memref_slice %arg6[%dma_start3A_22, %dma_start3A_23] : memref<512x128xf32, #tpu.memory_space<vmem>> -> memref<128x128xf32, #tpu.memory_space<vmem>>
      %dma_start3A_25 = arith.constant 0 : i32
      %dma_start3A_26 = tpu.memref_slice %arg5[%dma_start3A_21, %dma_start3A_25] : memref<4x128xi32, #tpu.memory_space<vmem>> -> memref<1x128xi32, #tpu.memory_space<vmem>>
      %dma_start3A_27 = tpu.memref_squeeze %dma_start3A_26 : memref<1x128xi32, #tpu.memory_space<vmem>> -> memref<128xi32, #tpu.memory_space<vmem>>
      %dma_start3A_28 = arith.constant 0 : i32
      %dma_start3A_29 = arith.constant 0 : i32
      %dma_start3A_30 = tpu.memref_slice %arg2[%dma_start3A_28, %dma_start3A_29] : memref<10000x128xf32, #tpu.memory_space<hbm>> -> memref<10000x128xf32, #tpu.memory_space<hbm>>
      tpu.enqueue_indirect_dma source(%dma_start3A_30 : memref<10000x128xf32, #tpu.memory_space<hbm>>) target(%dma_start3A_24 : memref<128x128xf32, #tpu.memory_space<vmem>>) offsets(%dma_start3A_27 : memref<128xi32, #tpu.memory_space<vmem>>) semaphore(%arg7 : memref<!tpu.dma_semaphore, #tpu.memory_space<semaphore_mem>>)
      %dma_start3A_31 = arith.constant 2 : i32
      %dma_start3A_32 = arith.constant 256 : i32
      %dma_start3A_33 = arith.constant 0 : i32
      %dma_start3A_34 = tpu.memref_slice %arg6[%dma_start3A_32, %dma_start3A_33] : memref<512x128xf32, #tpu.memory_space<vmem>> -> memref<128x128xf32, #tpu.memory_space<vmem>>
      %dma_start3A_35 = arith.constant 0 : i32
      %dma_start3A_36 = tpu.memref_slice %arg5[%dma_start3A_31, %dma_start3A_35] : memref<4x128xi32, #tpu.memory_space<vmem>> -> memref<1x128xi32, #tpu.memory_space<vmem>>
      %dma_start3A_37 = tpu.memref_squeeze %dma_start3A_36 : memref<1x128xi32, #tpu.memory_space<vmem>> -> memref<128xi32, #tpu.memory_space<vmem>>
      %dma_start3A_38 = arith.constant 0 : i32
      %dma_start3A_39 = arith.constant 0 : i32
      %dma_start3A_40 = tpu.memref_slice %arg2[%dma_start3A_38, %dma_start3A_39] : memref<10000x128xf32, #tpu.memory_space<hbm>> -> memref<10000x128xf32, #tpu.memory_space<hbm>>
      tpu.enqueue_indirect_dma source(%dma_start3A_40 : memref<10000x128xf32, #tpu.memory_space<hbm>>) target(%dma_start3A_34 : memref<128x128xf32, #tpu.memory_space<vmem>>) offsets(%dma_start3A_37 : memref<128xi32, #tpu.memory_space<vmem>>) semaphore(%arg7 : memref<!tpu.dma_semaphore, #tpu.memory_space<semaphore_mem>>)
      %dma_start3A_41 = arith.constant 3 : i32
      %dma_start3A_42 = arith.constant 384 : i32
      %dma_start3A_43 = arith.constant 0 : i32
      %dma_start3A_44 = tpu.memref_slice %arg6[%dma_start3A_42, %dma_start3A_43] : memref<512x128xf32, #tpu.memory_space<vmem>> -> memref<128x128xf32, #tpu.memory_space<vmem>>
      %dma_start3A_45 = arith.constant 0 : i32
      %dma_start3A_46 = tpu.memref_slice %arg5[%dma_start3A_41, %dma_start3A_45] : memref<4x128xi32, #tpu.memory_space<vmem>> -> memref<1x128xi32, #tpu.memory_space<vmem>>
      %dma_start3A_47 = tpu.memref_squeeze %dma_start3A_46 : memref<1x128xi32, #tpu.memory_space<vmem>> -> memref<128xi32, #tpu.memory_space<vmem>>
      %dma_start3A_48 = arith.constant 0 : i32
      %dma_start3A_49 = arith.constant 0 : i32
      %dma_start3A_50 = tpu.memref_slice %arg2[%dma_start3A_48, %dma_start3A_49] : memref<10000x128xf32, #tpu.memory_space<hbm>> -> memref<10000x128xf32, #tpu.memory_space<hbm>>
      tpu.enqueue_indirect_dma source(%dma_start3A_50 : memref<10000x128xf32, #tpu.memory_space<hbm>>) target(%dma_start3A_44 : memref<128x128xf32, #tpu.memory_space<vmem>>) offsets(%dma_start3A_47 : memref<128xi32, #tpu.memory_space<vmem>>) semaphore(%arg7 : memref<!tpu.dma_semaphore, #tpu.memory_space<semaphore_mem>>)
      %dma_wait3A = arith.constant 0 : i32
      %dma_wait3A_51 = arith.constant 0 : i32
      %dma_wait3A_52 = arith.constant 0 : i32
      %dma_wait3A_53 = tpu.memref_slice %arg6[%dma_wait3A_51, %dma_wait3A_52] : memref<512x128xf32, #tpu.memory_space<vmem>> -> memref<128x128xf32, #tpu.memory_space<vmem>>
      %dma_wait3A_54 = arith.constant 0 : i32
      %dma_wait3A_55 = tpu.memref_slice %arg5[%dma_wait3A, %dma_wait3A_54] : memref<4x128xi32, #tpu.memory_space<vmem>> -> memref<1x128xi32, #tpu.memory_space<vmem>>
      %dma_wait3A_56 = tpu.memref_squeeze %dma_wait3A_55 : memref<1x128xi32, #tpu.memory_space<vmem>> -> memref<128xi32, #tpu.memory_space<vmem>>
      %dma_wait3A_57 = arith.constant 0 : i32
      %dma_wait3A_58 = arith.constant 0 : i32
      %dma_wait3A_59 = tpu.memref_slice %arg2[%dma_wait3A_57, %dma_wait3A_58] : memref<10000x128xf32, #tpu.memory_space<hbm>> -> memref<10000x128xf32, #tpu.memory_space<hbm>>
      tpu.wait_indirect_dma semaphore(%arg7 : memref<!tpu.dma_semaphore, #tpu.memory_space<semaphore_mem>>) src(%dma_wait3A_59 : memref<10000x128xf32, #tpu.memory_space<hbm>>) dst(%dma_wait3A_53 : memref<128x128xf32, #tpu.memory_space<vmem>>)
      %dma_wait3A_60 = arith.constant 1 : i32
      %dma_wait3A_61 = arith.constant 128 : i32
      %dma_wait3A_62 = arith.constant 0 : i32
      %dma_wait3A_63 = tpu.memref_slice %arg6[%dma_wait3A_61, %dma_wait3A_62] : memref<512x128xf32, #tpu.memory_space<vmem>> -> memref<128x128xf32, #tpu.memory_space<vmem>>
      %dma_wait3A_64 = arith.constant 0 : i32
      %dma_wait3A_65 = tpu.memref_slice %arg5[%dma_wait3A_60, %dma_wait3A_64] : memref<4x128xi32, #tpu.memory_space<vmem>> -> memref<1x128xi32, #tpu.memory_space<vmem>>
      %dma_wait3A_66 = tpu.memref_squeeze %dma_wait3A_65 : memref<1x128xi32, #tpu.memory_space<vmem>> -> memref<128xi32, #tpu.memory_space<vmem>>
      %dma_wait3A_67 = arith.constant 0 : i32
      %dma_wait3A_68 = arith.constant 0 : i32
      %dma_wait3A_69 = tpu.memref_slice %arg2[%dma_wait3A_67, %dma_wait3A_68] : memref<10000x128xf32, #tpu.memory_space<hbm>> -> memref<10000x128xf32, #tpu.memory_space<hbm>>
      tpu.wait_indirect_dma semaphore(%arg7 : memref<!tpu.dma_semaphore, #tpu.memory_space<semaphore_mem>>) src(%dma_wait3A_69 : memref<10000x128xf32, #tpu.memory_space<hbm>>) dst(%dma_wait3A_63 : memref<128x128xf32, #tpu.memory_space<vmem>>)
      %dma_wait3A_70 = arith.constant 2 : i32
      %dma_wait3A_71 = arith.constant 256 : i32
      %dma_wait3A_72 = arith.constant 0 : i32
      %dma_wait3A_73 = tpu.memref_slice %arg6[%dma_wait3A_71, %dma_wait3A_72] : memref<512x128xf32, #tpu.memory_space<vmem>> -> memref<128x128xf32, #tpu.memory_space<vmem>>
      %dma_wait3A_74 = arith.constant 0 : i32
      %dma_wait3A_75 = tpu.memref_slice %arg5[%dma_wait3A_70, %dma_wait3A_74] : memref<4x128xi32, #tpu.memory_space<vmem>> -> memref<1x128xi32, #tpu.memory_space<vmem>>
      %dma_wait3A_76 = tpu.memref_squeeze %dma_wait3A_75 : memref<1x128xi32, #tpu.memory_space<vmem>> -> memref<128xi32, #tpu.memory_space<vmem>>
      %dma_wait3A_77 = arith.constant 0 : i32
      %dma_wait3A_78 = arith.constant 0 : i32
      %dma_wait3A_79 = tpu.memref_slice %arg2[%dma_wait3A_77, %dma_wait3A_78] : memref<10000x128xf32, #tpu.memory_space<hbm>> -> memref<10000x128xf32, #tpu.memory_space<hbm>>
      tpu.wait_indirect_dma semaphore(%arg7 : memref<!tpu.dma_semaphore, #tpu.memory_space<semaphore_mem>>) src(%dma_wait3A_79 : memref<10000x128xf32, #tpu.memory_space<hbm>>) dst(%dma_wait3A_73 : memref<128x128xf32, #tpu.memory_space<vmem>>)
      %dma_wait3A_80 = arith.constant 3 : i32
      %dma_wait3A_81 = arith.constant 384 : i32
      %dma_wait3A_82 = arith.constant 0 : i32
      %dma_wait3A_83 = tpu.memref_slice %arg6[%dma_wait3A_81, %dma_wait3A_82] : memref<512x128xf32, #tpu.memory_space<vmem>> -> memref<128x128xf32, #tpu.memory_space<vmem>>
      %dma_wait3A_84 = arith.constant 0 : i32
      %dma_wait3A_85 = tpu.memref_slice %arg5[%dma_wait3A_80, %dma_wait3A_84] : memref<4x128xi32, #tpu.memory_space<vmem>> -> memref<1x128xi32, #tpu.memory_space<vmem>>
      %dma_wait3A_86 = tpu.memref_squeeze %dma_wait3A_85 : memref<1x128xi32, #tpu.memory_space<vmem>> -> memref<128xi32, #tpu.memory_space<vmem>>
      %dma_wait3A_87 = arith.constant 0 : i32
      %dma_wait3A_88 = arith.constant 0 : i32
      %dma_wait3A_89 = tpu.memref_slice %arg2[%dma_wait3A_87, %dma_wait3A_88] : memref<10000x128xf32, #tpu.memory_space<hbm>> -> memref<10000x128xf32, #tpu.memory_space<hbm>>
      tpu.wait_indirect_dma semaphore(%arg7 : memref<!tpu.dma_semaphore, #tpu.memory_space<semaphore_mem>>) src(%dma_wait3A_89 : memref<10000x128xf32, #tpu.memory_space<hbm>>) dst(%dma_wait3A_83 : memref<128x128xf32, #tpu.memory_space<vmem>>)
      %mul3A_90 = arith.constant 128 : i32
      %mul3A_91 = arith.muli %add3A_11, %mul3A_90 : i32
      "tpu.region"() ({
        %run_scoped3A = tpu.sem_alloc : memref<!tpu.dma_semaphore, #tpu.memory_space<semaphore_mem>>
        %dma_start3A_92 = arith.constant 0 : i32
        %dma_start3A_93 = tpu.memref_slice %arg4[%mul3A_91, %dma_start3A_92] : memref<163840x128xf32, #tpu.memory_space<hbm>> -> memref<512x128xf32, #tpu.memory_space<hbm>>
        %dma_start3A_94 = arith.constant 0 : i32
        %dma_start3A_95 = tpu.memref_slice %arg4[%mul3A_91, %dma_start3A_94] : memref<163840x128xf32, #tpu.memory_space<hbm>> -> memref<512x128xf32, #tpu.memory_space<hbm>>
        tpu.enqueue_dma source(%arg6 : memref<512x128xf32, #tpu.memory_space<vmem>>) target(%dma_start3A_95 : memref<512x128xf32, #tpu.memory_space<hbm>>) target_semaphore(%run_scoped3A : memref<!tpu.dma_semaphore, #tpu.memory_space<semaphore_mem>>)
        %dma_wait3A_96 = arith.constant 0 : i32
        %dma_wait3A_97 = tpu.memref_slice %arg4[%mul3A_91, %dma_wait3A_96] : memref<163840x128xf32, #tpu.memory_space<hbm>> -> memref<512x128xf32, #tpu.memory_space<hbm>>
        %dma_wait3A_98 = arith.constant 0 : i32
        %dma_wait3A_99 = tpu.memref_slice %arg4[%mul3A_91, %dma_wait3A_98] : memref<163840x128xf32, #tpu.memory_space<hbm>> -> memref<512x128xf32, #tpu.memory_space<hbm>>
        tpu.wait_dma2 semaphore(%run_scoped3A : memref<!tpu.dma_semaphore, #tpu.memory_space<semaphore_mem>>) src(%arg6 : memref<512x128xf32, #tpu.memory_space<vmem>>) dst(%dma_wait3A_99 : memref<512x128xf32, #tpu.memory_space<hbm>>)
        tpu.yield
      }) : () -> ()
    }
    %scan3A_7 = arith.constant 10 : i32
    return
  }
}

#map = affine_map<(d0, d1) -> (0, 0)>
module attributes {stable_mosaic.version = 14 : i64} {
  func.func @_sc_scatter(%arg0: i32, %arg1: i32, %arg2: memref<163840x128xf32, #tpu.memory_space<hbm>>, %arg3: memref<1280x128xi32, #tpu.memory_space<hbm>>, %arg4: memref<640x128xf32, #tpu.memory_space<hbm>>, %arg5: memref<20480x128xf32, #tpu.memory_space<hbm>>, %arg6: memref<128xi32, #tpu.memory_space<vmem>>, %arg7: memref<128xi32, #tpu.memory_space<vmem>>, %arg8: memref<128x128xf32, #tpu.memory_space<vmem>>, %arg9: memref<128x128xf32, #tpu.memory_space<vmem>>, %arg10: memref<!tpu.dma_semaphore, #tpu.memory_space<semaphore_mem>>, %arg11: memref<!tpu.dma_semaphore, #tpu.memory_space<semaphore_mem>>, %arg12: memref<10240x128xf32, #tpu.memory_space<vmem_shared>>) attributes {dimension_semantics = [#tpu.dimension_semantics<core_parallel>, #tpu.dimension_semantics<subcore_parallel>], iteration_bounds = array<i64: 2, 16>, scalar_prefetch = 0 : i64, scratch_operands = 7 : i64, tpu.core_type = #tpu.core_type<sc_vector_subcore>, window_params = [{transform_indices = #map}, {transform_indices = #map}, {transform_indices = #map}, {transform_indices = #map}]} {
    %mul3A = arith.constant 2 : i32
    %mul3A_0 = arith.muli %arg1, %mul3A : i32
    %add3A = arith.addi %mul3A_0, %arg0 : i32
    %mul3A_1 = arith.constant 40 : i32
    %mul3A_2 = arith.muli %add3A, %mul3A_1 : i32
    %mul3A_3 = arith.constant 640 : i32
    %mul3A_4 = arith.muli %arg1, %mul3A_3 : i32
    "tpu.region"() ({
      %run_scoped3A = tpu.sem_alloc : memref<!tpu.dma_semaphore, #tpu.memory_space<semaphore_mem>>
      %dma_start3A_23 = arith.constant 0 : i32
      %dma_start3A_24 = tpu.memref_slice %arg12[%mul3A_4, %dma_start3A_23] : memref<10240x128xf32, #tpu.memory_space<vmem_shared>> -> memref<640x128xf32, #tpu.memory_space<vmem_shared>>
      tpu.enqueue_dma source(%arg4 : memref<640x128xf32, #tpu.memory_space<hbm>>) target(%dma_start3A_24 : memref<640x128xf32, #tpu.memory_space<vmem_shared>>) target_semaphore(%run_scoped3A : memref<!tpu.dma_semaphore, #tpu.memory_space<semaphore_mem>>)
      %dma_wait3A = arith.constant 0 : i32
      %dma_wait3A_25 = tpu.memref_slice %arg12[%mul3A_4, %dma_wait3A] : memref<10240x128xf32, #tpu.memory_space<vmem_shared>> -> memref<640x128xf32, #tpu.memory_space<vmem_shared>>
      tpu.wait_dma2 semaphore(%run_scoped3A : memref<!tpu.dma_semaphore, #tpu.memory_space<semaphore_mem>>) src(%arg4 : memref<640x128xf32, #tpu.memory_space<hbm>>) dst(%dma_wait3A_25 : memref<640x128xf32, #tpu.memory_space<vmem_shared>>)
      tpu.yield
    }) : () -> ()
    %barrier3A = arith.constant 0 : index
    tpu.barrier barrier_id(%barrier3A)
    "tpu.region"() ({
      %run_scoped3A = tpu.sem_alloc : memref<!tpu.dma_semaphore, #tpu.memory_space<semaphore_mem>>
      %dma_start3A_23 = arith.constant 0 : i32
      %dma_start3A_24 = tpu.memref_slice %arg3[%mul3A_2, %dma_start3A_23] : memref<1280x128xi32, #tpu.memory_space<hbm>> -> memref<1x128xi32, #tpu.memory_space<hbm>>
      %dma_start3A_25 = tpu.memref_squeeze %dma_start3A_24 : memref<1x128xi32, #tpu.memory_space<hbm>> -> memref<128xi32, #tpu.memory_space<hbm>>
      %dma_start3A_26 = arith.constant 0 : i32
      %dma_start3A_27 = tpu.memref_slice %arg3[%mul3A_2, %dma_start3A_26] : memref<1280x128xi32, #tpu.memory_space<hbm>> -> memref<1x128xi32, #tpu.memory_space<hbm>>
      %dma_start3A_28 = tpu.memref_squeeze %dma_start3A_27 : memref<1x128xi32, #tpu.memory_space<hbm>> -> memref<128xi32, #tpu.memory_space<hbm>>
      tpu.enqueue_dma source(%dma_start3A_28 : memref<128xi32, #tpu.memory_space<hbm>>) target(%arg6 : memref<128xi32, #tpu.memory_space<vmem>>) target_semaphore(%run_scoped3A : memref<!tpu.dma_semaphore, #tpu.memory_space<semaphore_mem>>)
      %dma_wait3A = arith.constant 0 : i32
      %dma_wait3A_29 = tpu.memref_slice %arg3[%mul3A_2, %dma_wait3A] : memref<1280x128xi32, #tpu.memory_space<hbm>> -> memref<1x128xi32, #tpu.memory_space<hbm>>
      %dma_wait3A_30 = tpu.memref_squeeze %dma_wait3A_29 : memref<1x128xi32, #tpu.memory_space<hbm>> -> memref<128xi32, #tpu.memory_space<hbm>>
      %dma_wait3A_31 = arith.constant 0 : i32
      %dma_wait3A_32 = tpu.memref_slice %arg3[%mul3A_2, %dma_wait3A_31] : memref<1280x128xi32, #tpu.memory_space<hbm>> -> memref<1x128xi32, #tpu.memory_space<hbm>>
      %dma_wait3A_33 = tpu.memref_squeeze %dma_wait3A_32 : memref<1x128xi32, #tpu.memory_space<hbm>> -> memref<128xi32, #tpu.memory_space<hbm>>
      tpu.wait_dma2 semaphore(%run_scoped3A : memref<!tpu.dma_semaphore, #tpu.memory_space<semaphore_mem>>) src(%dma_wait3A_33 : memref<128xi32, #tpu.memory_space<hbm>>) dst(%arg6 : memref<128xi32, #tpu.memory_space<vmem>>)
      tpu.yield
    }) : () -> ()
    %mul3A_5 = arith.constant 128 : i32
    %mul3A_6 = arith.muli %mul3A_2, %mul3A_5 : i32
    %dma_start3A = arith.constant 0 : i32
    %dma_start3A_7 = tpu.memref_slice %arg2[%mul3A_6, %dma_start3A] : memref<163840x128xf32, #tpu.memory_space<hbm>> -> memref<128x128xf32, #tpu.memory_space<hbm>>
    %dma_start3A_8 = arith.constant 0 : i32
    %dma_start3A_9 = tpu.memref_slice %arg2[%mul3A_6, %dma_start3A_8] : memref<163840x128xf32, #tpu.memory_space<hbm>> -> memref<128x128xf32, #tpu.memory_space<hbm>>
    tpu.enqueue_dma source(%dma_start3A_9 : memref<128x128xf32, #tpu.memory_space<hbm>>) target(%arg8 : memref<128x128xf32, #tpu.memory_space<vmem>>) target_semaphore(%arg10 : memref<!tpu.dma_semaphore, #tpu.memory_space<semaphore_mem>>)
    %scan3A = arith.constant 0 : i32
    %scan3A_10 = arith.constant 0 : i32
    %scan3A_11 = arith.constant 20 : i32
    %scan3A_12 = arith.addi %scan3A_10, %scan3A_11 : i32
    %scan3A_13 = arith.constant 1 : i32
    scf.for %scan3A_23 = %scan3A_10 to %scan3A_12 step %scan3A_13  : i32 {
      %mul3A_24 = arith.constant 2 : i32
      %mul3A_25 = arith.muli %scan3A_23, %mul3A_24 : i32
      %add3A_26 = arith.constant 0 : i32
      %add3A_27 = arith.addi %mul3A_25, %add3A_26 : i32
      %add3A_28 = arith.addi %mul3A_2, %add3A_27 : i32
      %mul3A_29 = arith.constant 128 : i32
      %mul3A_30 = arith.muli %add3A_28, %mul3A_29 : i32
      %dma_wait3A = arith.constant 0 : i32
      %dma_wait3A_31 = tpu.memref_slice %arg2[%mul3A_30, %dma_wait3A] : memref<163840x128xf32, #tpu.memory_space<hbm>> -> memref<128x128xf32, #tpu.memory_space<hbm>>
      %dma_wait3A_32 = arith.constant 0 : i32
      %dma_wait3A_33 = tpu.memref_slice %arg2[%mul3A_30, %dma_wait3A_32] : memref<163840x128xf32, #tpu.memory_space<hbm>> -> memref<128x128xf32, #tpu.memory_space<hbm>>
      tpu.wait_dma2 semaphore(%arg10 : memref<!tpu.dma_semaphore, #tpu.memory_space<semaphore_mem>>) src(%dma_wait3A_33 : memref<128x128xf32, #tpu.memory_space<hbm>>) dst(%arg8 : memref<128x128xf32, #tpu.memory_space<vmem>>)
      %add3A_34 = arith.constant 1 : i32
      %add3A_35 = arith.addi %add3A_27, %add3A_34 : i32
      %lt3A = arith.constant 40 : i32
      %lt3A_36 = arith.cmpi slt, %add3A_35, %lt3A : i32
      %convert_element_type3A = arith.extui %lt3A_36 : i1 to i32
      %cond3A = arith.constant 0 : i32
      %cond3A_37 = arith.cmpi ne, %convert_element_type3A, %cond3A : i32
      scf.if %cond3A_37 {
        %add3A_56 = arith.constant 1 : i32
        %add3A_57 = arith.addi %add3A_28, %add3A_56 : i32
        "tpu.region"() ({
          %run_scoped3A = tpu.sem_alloc : memref<!tpu.dma_semaphore, #tpu.memory_space<semaphore_mem>>
          %dma_start3A_66 = arith.constant 0 : i32
          %dma_start3A_67 = tpu.memref_slice %arg3[%add3A_57, %dma_start3A_66] : memref<1280x128xi32, #tpu.memory_space<hbm>> -> memref<1x128xi32, #tpu.memory_space<hbm>>
          %dma_start3A_68 = tpu.memref_squeeze %dma_start3A_67 : memref<1x128xi32, #tpu.memory_space<hbm>> -> memref<128xi32, #tpu.memory_space<hbm>>
          %dma_start3A_69 = arith.constant 0 : i32
          %dma_start3A_70 = tpu.memref_slice %arg3[%add3A_57, %dma_start3A_69] : memref<1280x128xi32, #tpu.memory_space<hbm>> -> memref<1x128xi32, #tpu.memory_space<hbm>>
          %dma_start3A_71 = tpu.memref_squeeze %dma_start3A_70 : memref<1x128xi32, #tpu.memory_space<hbm>> -> memref<128xi32, #tpu.memory_space<hbm>>
          tpu.enqueue_dma source(%dma_start3A_71 : memref<128xi32, #tpu.memory_space<hbm>>) target(%arg7 : memref<128xi32, #tpu.memory_space<vmem>>) target_semaphore(%run_scoped3A : memref<!tpu.dma_semaphore, #tpu.memory_space<semaphore_mem>>)
          %dma_wait3A_72 = arith.constant 0 : i32
          %dma_wait3A_73 = tpu.memref_slice %arg3[%add3A_57, %dma_wait3A_72] : memref<1280x128xi32, #tpu.memory_space<hbm>> -> memref<1x128xi32, #tpu.memory_space<hbm>>
          %dma_wait3A_74 = tpu.memref_squeeze %dma_wait3A_73 : memref<1x128xi32, #tpu.memory_space<hbm>> -> memref<128xi32, #tpu.memory_space<hbm>>
          %dma_wait3A_75 = arith.constant 0 : i32
          %dma_wait3A_76 = tpu.memref_slice %arg3[%add3A_57, %dma_wait3A_75] : memref<1280x128xi32, #tpu.memory_space<hbm>> -> memref<1x128xi32, #tpu.memory_space<hbm>>
          %dma_wait3A_77 = tpu.memref_squeeze %dma_wait3A_76 : memref<1x128xi32, #tpu.memory_space<hbm>> -> memref<128xi32, #tpu.memory_space<hbm>>
          tpu.wait_dma2 semaphore(%run_scoped3A : memref<!tpu.dma_semaphore, #tpu.memory_space<semaphore_mem>>) src(%dma_wait3A_77 : memref<128xi32, #tpu.memory_space<hbm>>) dst(%arg7 : memref<128xi32, #tpu.memory_space<vmem>>)
          tpu.yield
        }) : () -> ()
        %add3A_58 = arith.constant 1 : i32
        %add3A_59 = arith.addi %add3A_28, %add3A_58 : i32
        %mul3A_60 = arith.constant 128 : i32
        %mul3A_61 = arith.muli %add3A_59, %mul3A_60 : i32
        %dma_start3A_62 = arith.constant 0 : i32
        %dma_start3A_63 = tpu.memref_slice %arg2[%mul3A_61, %dma_start3A_62] : memref<163840x128xf32, #tpu.memory_space<hbm>> -> memref<128x128xf32, #tpu.memory_space<hbm>>
        %dma_start3A_64 = arith.constant 0 : i32
        %dma_start3A_65 = tpu.memref_slice %arg2[%mul3A_61, %dma_start3A_64] : memref<163840x128xf32, #tpu.memory_space<hbm>> -> memref<128x128xf32, #tpu.memory_space<hbm>>
        tpu.enqueue_dma source(%dma_start3A_65 : memref<128x128xf32, #tpu.memory_space<hbm>>) target(%arg9 : memref<128x128xf32, #tpu.memory_space<vmem>>) target_semaphore(%arg11 : memref<!tpu.dma_semaphore, #tpu.memory_space<semaphore_mem>>)
      } else {
      }
      "tpu.region"() ({
        %run_scoped3A = tpu.sem_alloc : memref<!tpu.dma_semaphore, #tpu.memory_space<semaphore_mem>>
        %dma_start3A_56 = arith.constant 0 : i32
        %dma_start3A_57 = arith.constant 0 : i32
        %dma_start3A_58 = tpu.memref_slice %arg12[%dma_start3A_56, %dma_start3A_57] : memref<10240x128xf32, #tpu.memory_space<vmem_shared>> -> memref<10240x128xf32, #tpu.memory_space<vmem_shared>>
        tpu.enqueue_indirect_dma source(%arg8 : memref<128x128xf32, #tpu.memory_space<vmem>>) target(%dma_start3A_58 : memref<10240x128xf32, #tpu.memory_space<vmem_shared>>) offsets(%arg6 : memref<128xi32, #tpu.memory_space<vmem>>) semaphore(%run_scoped3A : memref<!tpu.dma_semaphore, #tpu.memory_space<semaphore_mem>>) {add = true}
        %dma_wait3A_59 = arith.constant 0 : i32
        %dma_wait3A_60 = arith.constant 0 : i32
        %dma_wait3A_61 = tpu.memref_slice %arg12[%dma_wait3A_59, %dma_wait3A_60] : memref<10240x128xf32, #tpu.memory_space<vmem_shared>> -> memref<10240x128xf32, #tpu.memory_space<vmem_shared>>
        tpu.wait_indirect_dma semaphore(%run_scoped3A : memref<!tpu.dma_semaphore, #tpu.memory_space<semaphore_mem>>) src(%arg8 : memref<128x128xf32, #tpu.memory_space<vmem>>) dst(%dma_wait3A_61 : memref<10240x128xf32, #tpu.memory_space<vmem_shared>>)
        tpu.yield
      }) : () -> ()
      %mul3A_38 = arith.constant 2 : i32
      %mul3A_39 = arith.muli %scan3A_23, %mul3A_38 : i32
      %add3A_40 = arith.constant 1 : i32
      %add3A_41 = arith.addi %mul3A_39, %add3A_40 : i32
      %add3A_42 = arith.addi %mul3A_2, %add3A_41 : i32
      %mul3A_43 = arith.constant 128 : i32
      %mul3A_44 = arith.muli %add3A_42, %mul3A_43 : i32
      %dma_wait3A_45 = arith.constant 0 : i32
      %dma_wait3A_46 = tpu.memref_slice %arg2[%mul3A_44, %dma_wait3A_45] : memref<163840x128xf32, #tpu.memory_space<hbm>> -> memref<128x128xf32, #tpu.memory_space<hbm>>
      %dma_wait3A_47 = arith.constant 0 : i32
      %dma_wait3A_48 = tpu.memref_slice %arg2[%mul3A_44, %dma_wait3A_47] : memref<163840x128xf32, #tpu.memory_space<hbm>> -> memref<128x128xf32, #tpu.memory_space<hbm>>
      tpu.wait_dma2 semaphore(%arg11 : memref<!tpu.dma_semaphore, #tpu.memory_space<semaphore_mem>>) src(%dma_wait3A_48 : memref<128x128xf32, #tpu.memory_space<hbm>>) dst(%arg9 : memref<128x128xf32, #tpu.memory_space<vmem>>)
      %add3A_49 = arith.constant 1 : i32
      %add3A_50 = arith.addi %add3A_41, %add3A_49 : i32
      %lt3A_51 = arith.constant 40 : i32
      %lt3A_52 = arith.cmpi slt, %add3A_50, %lt3A_51 : i32
      %convert_element_type3A_53 = arith.extui %lt3A_52 : i1 to i32
      %cond3A_54 = arith.constant 0 : i32
      %cond3A_55 = arith.cmpi ne, %convert_element_type3A_53, %cond3A_54 : i32
      scf.if %cond3A_55 {
        %add3A_56 = arith.constant 1 : i32
        %add3A_57 = arith.addi %add3A_42, %add3A_56 : i32
        "tpu.region"() ({
          %run_scoped3A = tpu.sem_alloc : memref<!tpu.dma_semaphore, #tpu.memory_space<semaphore_mem>>
          %dma_start3A_66 = arith.constant 0 : i32
          %dma_start3A_67 = tpu.memref_slice %arg3[%add3A_57, %dma_start3A_66] : memref<1280x128xi32, #tpu.memory_space<hbm>> -> memref<1x128xi32, #tpu.memory_space<hbm>>
          %dma_start3A_68 = tpu.memref_squeeze %dma_start3A_67 : memref<1x128xi32, #tpu.memory_space<hbm>> -> memref<128xi32, #tpu.memory_space<hbm>>
          %dma_start3A_69 = arith.constant 0 : i32
          %dma_start3A_70 = tpu.memref_slice %arg3[%add3A_57, %dma_start3A_69] : memref<1280x128xi32, #tpu.memory_space<hbm>> -> memref<1x128xi32, #tpu.memory_space<hbm>>
          %dma_start3A_71 = tpu.memref_squeeze %dma_start3A_70 : memref<1x128xi32, #tpu.memory_space<hbm>> -> memref<128xi32, #tpu.memory_space<hbm>>
          tpu.enqueue_dma source(%dma_start3A_71 : memref<128xi32, #tpu.memory_space<hbm>>) target(%arg6 : memref<128xi32, #tpu.memory_space<vmem>>) target_semaphore(%run_scoped3A : memref<!tpu.dma_semaphore, #tpu.memory_space<semaphore_mem>>)
          %dma_wait3A_72 = arith.constant 0 : i32
          %dma_wait3A_73 = tpu.memref_slice %arg3[%add3A_57, %dma_wait3A_72] : memref<1280x128xi32, #tpu.memory_space<hbm>> -> memref<1x128xi32, #tpu.memory_space<hbm>>
          %dma_wait3A_74 = tpu.memref_squeeze %dma_wait3A_73 : memref<1x128xi32, #tpu.memory_space<hbm>> -> memref<128xi32, #tpu.memory_space<hbm>>
          %dma_wait3A_75 = arith.constant 0 : i32
          %dma_wait3A_76 = tpu.memref_slice %arg3[%add3A_57, %dma_wait3A_75] : memref<1280x128xi32, #tpu.memory_space<hbm>> -> memref<1x128xi32, #tpu.memory_space<hbm>>
          %dma_wait3A_77 = tpu.memref_squeeze %dma_wait3A_76 : memref<1x128xi32, #tpu.memory_space<hbm>> -> memref<128xi32, #tpu.memory_space<hbm>>
          tpu.wait_dma2 semaphore(%run_scoped3A : memref<!tpu.dma_semaphore, #tpu.memory_space<semaphore_mem>>) src(%dma_wait3A_77 : memref<128xi32, #tpu.memory_space<hbm>>) dst(%arg6 : memref<128xi32, #tpu.memory_space<vmem>>)
          tpu.yield
        }) : () -> ()
        %add3A_58 = arith.constant 1 : i32
        %add3A_59 = arith.addi %add3A_42, %add3A_58 : i32
        %mul3A_60 = arith.constant 128 : i32
        %mul3A_61 = arith.muli %add3A_59, %mul3A_60 : i32
        %dma_start3A_62 = arith.constant 0 : i32
        %dma_start3A_63 = tpu.memref_slice %arg2[%mul3A_61, %dma_start3A_62] : memref<163840x128xf32, #tpu.memory_space<hbm>> -> memref<128x128xf32, #tpu.memory_space<hbm>>
        %dma_start3A_64 = arith.constant 0 : i32
        %dma_start3A_65 = tpu.memref_slice %arg2[%mul3A_61, %dma_start3A_64] : memref<163840x128xf32, #tpu.memory_space<hbm>> -> memref<128x128xf32, #tpu.memory_space<hbm>>
        tpu.enqueue_dma source(%dma_start3A_65 : memref<128x128xf32, #tpu.memory_space<hbm>>) target(%arg8 : memref<128x128xf32, #tpu.memory_space<vmem>>) target_semaphore(%arg10 : memref<!tpu.dma_semaphore, #tpu.memory_space<semaphore_mem>>)
      } else {
      }
      "tpu.region"() ({
        %run_scoped3A = tpu.sem_alloc : memref<!tpu.dma_semaphore, #tpu.memory_space<semaphore_mem>>
        %dma_start3A_56 = arith.constant 0 : i32
        %dma_start3A_57 = arith.constant 0 : i32
        %dma_start3A_58 = tpu.memref_slice %arg12[%dma_start3A_56, %dma_start3A_57] : memref<10240x128xf32, #tpu.memory_space<vmem_shared>> -> memref<10240x128xf32, #tpu.memory_space<vmem_shared>>
        tpu.enqueue_indirect_dma source(%arg9 : memref<128x128xf32, #tpu.memory_space<vmem>>) target(%dma_start3A_58 : memref<10240x128xf32, #tpu.memory_space<vmem_shared>>) offsets(%arg7 : memref<128xi32, #tpu.memory_space<vmem>>) semaphore(%run_scoped3A : memref<!tpu.dma_semaphore, #tpu.memory_space<semaphore_mem>>) {add = true}
        %dma_wait3A_59 = arith.constant 0 : i32
        %dma_wait3A_60 = arith.constant 0 : i32
        %dma_wait3A_61 = tpu.memref_slice %arg12[%dma_wait3A_59, %dma_wait3A_60] : memref<10240x128xf32, #tpu.memory_space<vmem_shared>> -> memref<10240x128xf32, #tpu.memory_space<vmem_shared>>
        tpu.wait_indirect_dma semaphore(%run_scoped3A : memref<!tpu.dma_semaphore, #tpu.memory_space<semaphore_mem>>) src(%arg9 : memref<128x128xf32, #tpu.memory_space<vmem>>) dst(%dma_wait3A_61 : memref<10240x128xf32, #tpu.memory_space<vmem_shared>>)
        tpu.yield
      }) : () -> ()
    }
    %scan3A_14 = arith.constant 20 : i32
    %barrier3A_15 = arith.constant 0 : index
    tpu.barrier barrier_id(%barrier3A_15)
    %mul3A_16 = arith.constant 640 : i32
    %mul3A_17 = arith.muli %arg1, %mul3A_16 : i32
    %mul3A_18 = arith.constant 10240 : i32
    %mul3A_19 = arith.muli %arg0, %mul3A_18 : i32
    %mul3A_20 = arith.constant 640 : i32
    %mul3A_21 = arith.muli %arg1, %mul3A_20 : i32
    %add3A_22 = arith.addi %mul3A_19, %mul3A_21 : i32
    "tpu.region"() ({
      %run_scoped3A = tpu.sem_alloc : memref<!tpu.dma_semaphore, #tpu.memory_space<semaphore_mem>>
      %dma_start3A_23 = arith.constant 0 : i32
      %dma_start3A_24 = tpu.memref_slice %arg5[%add3A_22, %dma_start3A_23] : memref<20480x128xf32, #tpu.memory_space<hbm>> -> memref<640x128xf32, #tpu.memory_space<hbm>>
      %dma_start3A_25 = arith.constant 0 : i32
      %dma_start3A_26 = tpu.memref_slice %arg12[%mul3A_17, %dma_start3A_25] : memref<10240x128xf32, #tpu.memory_space<vmem_shared>> -> memref<640x128xf32, #tpu.memory_space<vmem_shared>>
      tpu.enqueue_dma source(%dma_start3A_26 : memref<640x128xf32, #tpu.memory_space<vmem_shared>>) target(%dma_start3A_24 : memref<640x128xf32, #tpu.memory_space<hbm>>) target_semaphore(%run_scoped3A : memref<!tpu.dma_semaphore, #tpu.memory_space<semaphore_mem>>)
      %dma_wait3A = arith.constant 0 : i32
      %dma_wait3A_27 = tpu.memref_slice %arg5[%add3A_22, %dma_wait3A] : memref<20480x128xf32, #tpu.memory_space<hbm>> -> memref<640x128xf32, #tpu.memory_space<hbm>>
      %dma_wait3A_28 = arith.constant 0 : i32
      %dma_wait3A_29 = tpu.memref_slice %arg12[%mul3A_17, %dma_wait3A_28] : memref<10240x128xf32, #tpu.memory_space<vmem_shared>> -> memref<640x128xf32, #tpu.memory_space<vmem_shared>>
      tpu.wait_dma2 semaphore(%run_scoped3A : memref<!tpu.dma_semaphore, #tpu.memory_space<semaphore_mem>>) src(%dma_wait3A_29 : memref<640x128xf32, #tpu.memory_space<vmem_shared>>) dst(%dma_wait3A_27 : memref<640x128xf32, #tpu.memory_space<hbm>>)
      tpu.yield
    }) : () -> ()
    return
  }
}

#map = affine_map<(d0, d1) -> (0, 0)>
module attributes {stable_mosaic.version = 14 : i64} {
  func.func @_sc_gather(%arg0: i32, %arg1: i32, %arg2: memref<10000x128xf32, #tpu.memory_space<hbm>>, %arg3: memref<1280x128xi32, #tpu.memory_space<hbm>>, %arg4: memref<163840x128xf32, #tpu.memory_space<hbm>>, %arg5: memref<4x128xi32, #tpu.memory_space<vmem>>, %arg6: memref<512x128xf32, #tpu.memory_space<vmem>>, %arg7: memref<!tpu.dma_semaphore, #tpu.memory_space<semaphore_mem>>) attributes {dimension_semantics = [#tpu.dimension_semantics<core_parallel>, #tpu.dimension_semantics<subcore_parallel>], iteration_bounds = array<i64: 2, 16>, scalar_prefetch = 0 : i64, scratch_operands = 3 : i64, tpu.core_type = #tpu.core_type<sc_vector_subcore>, window_params = [{transform_indices = #map}, {transform_indices = #map}, {transform_indices = #map}]} {
    %mul3A = arith.constant 2 : i32
    %mul3A_0 = arith.muli %arg1, %mul3A : i32
    %add3A = arith.addi %mul3A_0, %arg0 : i32
    %mul3A_1 = arith.constant 40 : i32
    %mul3A_2 = arith.muli %add3A, %mul3A_1 : i32
    %scan3A = arith.constant 0 : i32
    %scan3A_3 = arith.constant 0 : i32
    %scan3A_4 = arith.constant 10 : i32
    %scan3A_5 = arith.addi %scan3A_3, %scan3A_4 : i32
    %scan3A_6 = arith.constant 1 : i32
    scf.for %scan3A_8 = %scan3A_3 to %scan3A_5 step %scan3A_6  : i32 {
      %mul3A_9 = arith.constant 4 : i32
      %mul3A_10 = arith.muli %scan3A_8, %mul3A_9 : i32
      %add3A_11 = arith.addi %mul3A_2, %mul3A_10 : i32
      "tpu.region"() ({
        %run_scoped3A = tpu.sem_alloc : memref<!tpu.dma_semaphore, #tpu.memory_space<semaphore_mem>>
        %dma_start3A_92 = arith.constant 0 : i32
        %dma_start3A_93 = tpu.memref_slice %arg3[%add3A_11, %dma_start3A_92] : memref<1280x128xi32, #tpu.memory_space<hbm>> -> memref<4x128xi32, #tpu.memory_space<hbm>>
        %dma_start3A_94 = arith.constant 0 : i32
        %dma_start3A_95 = tpu.memref_slice %arg3[%add3A_11, %dma_start3A_94] : memref<1280x128xi32, #tpu.memory_space<hbm>> -> memref<4x128xi32, #tpu.memory_space<hbm>>
        tpu.enqueue_dma source(%dma_start3A_95 : memref<4x128xi32, #tpu.memory_space<hbm>>) target(%arg5 : memref<4x128xi32, #tpu.memory_space<vmem>>) target_semaphore(%run_scoped3A : memref<!tpu.dma_semaphore, #tpu.memory_space<semaphore_mem>>)
        %dma_wait3A_96 = arith.constant 0 : i32
        %dma_wait3A_97 = tpu.memref_slice %arg3[%add3A_11, %dma_wait3A_96] : memref<1280x128xi32, #tpu.memory_space<hbm>> -> memref<4x128xi32, #tpu.memory_space<hbm>>
        %dma_wait3A_98 = arith.constant 0 : i32
        %dma_wait3A_99 = tpu.memref_slice %arg3[%add3A_11, %dma_wait3A_98] : memref<1280x128xi32, #tpu.memory_space<hbm>> -> memref<4x128xi32, #tpu.memory_space<hbm>>
        tpu.wait_dma2 semaphore(%run_scoped3A : memref<!tpu.dma_semaphore, #tpu.memory_space<semaphore_mem>>) src(%dma_wait3A_99 : memref<4x128xi32, #tpu.memory_space<hbm>>) dst(%arg5 : memref<4x128xi32, #tpu.memory_space<vmem>>)
        tpu.yield
      }) : () -> ()
      %dma_start3A = arith.constant 0 : i32
      %dma_start3A_12 = arith.constant 0 : i32
      %dma_start3A_13 = arith.constant 0 : i32
      %dma_start3A_14 = tpu.memref_slice %arg6[%dma_start3A_12, %dma_start3A_13] : memref<512x128xf32, #tpu.memory_space<vmem>> -> memref<128x128xf32, #tpu.memory_space<vmem>>
      %dma_start3A_15 = arith.constant 0 : i32
      %dma_start3A_16 = tpu.memref_slice %arg5[%dma_start3A, %dma_start3A_15] : memref<4x128xi32, #tpu.memory_space<vmem>> -> memref<1x128xi32, #tpu.memory_space<vmem>>
      %dma_start3A_17 = tpu.memref_squeeze %dma_start3A_16 : memref<1x128xi32, #tpu.memory_space<vmem>> -> memref<128xi32, #tpu.memory_space<vmem>>
      %dma_start3A_18 = arith.constant 0 : i32
      %dma_start3A_19 = arith.constant 0 : i32
      %dma_start3A_20 = tpu.memref_slice %arg2[%dma_start3A_18, %dma_start3A_19] : memref<10000x128xf32, #tpu.memory_space<hbm>> -> memref<10000x128xf32, #tpu.memory_space<hbm>>
      tpu.enqueue_indirect_dma source(%dma_start3A_20 : memref<10000x128xf32, #tpu.memory_space<hbm>>) target(%dma_start3A_14 : memref<128x128xf32, #tpu.memory_space<vmem>>) offsets(%dma_start3A_17 : memref<128xi32, #tpu.memory_space<vmem>>) semaphore(%arg7 : memref<!tpu.dma_semaphore, #tpu.memory_space<semaphore_mem>>)
      %dma_start3A_21 = arith.constant 1 : i32
      %dma_start3A_22 = arith.constant 128 : i32
      %dma_start3A_23 = arith.constant 0 : i32
      %dma_start3A_24 = tpu.memref_slice %arg6[%dma_start3A_22, %dma_start3A_23] : memref<512x128xf32, #tpu.memory_space<vmem>> -> memref<128x128xf32, #tpu.memory_space<vmem>>
      %dma_start3A_25 = arith.constant 0 : i32
      %dma_start3A_26 = tpu.memref_slice %arg5[%dma_start3A_21, %dma_start3A_25] : memref<4x128xi32, #tpu.memory_space<vmem>> -> memref<1x128xi32, #tpu.memory_space<vmem>>
      %dma_start3A_27 = tpu.memref_squeeze %dma_start3A_26 : memref<1x128xi32, #tpu.memory_space<vmem>> -> memref<128xi32, #tpu.memory_space<vmem>>
      %dma_start3A_28 = arith.constant 0 : i32
      %dma_start3A_29 = arith.constant 0 : i32
      %dma_start3A_30 = tpu.memref_slice %arg2[%dma_start3A_28, %dma_start3A_29] : memref<10000x128xf32, #tpu.memory_space<hbm>> -> memref<10000x128xf32, #tpu.memory_space<hbm>>
      tpu.enqueue_indirect_dma source(%dma_start3A_30 : memref<10000x128xf32, #tpu.memory_space<hbm>>) target(%dma_start3A_24 : memref<128x128xf32, #tpu.memory_space<vmem>>) offsets(%dma_start3A_27 : memref<128xi32, #tpu.memory_space<vmem>>) semaphore(%arg7 : memref<!tpu.dma_semaphore, #tpu.memory_space<semaphore_mem>>)
      %dma_start3A_31 = arith.constant 2 : i32
      %dma_start3A_32 = arith.constant 256 : i32
      %dma_start3A_33 = arith.constant 0 : i32
      %dma_start3A_34 = tpu.memref_slice %arg6[%dma_start3A_32, %dma_start3A_33] : memref<512x128xf32, #tpu.memory_space<vmem>> -> memref<128x128xf32, #tpu.memory_space<vmem>>
      %dma_start3A_35 = arith.constant 0 : i32
      %dma_start3A_36 = tpu.memref_slice %arg5[%dma_start3A_31, %dma_start3A_35] : memref<4x128xi32, #tpu.memory_space<vmem>> -> memref<1x128xi32, #tpu.memory_space<vmem>>
      %dma_start3A_37 = tpu.memref_squeeze %dma_start3A_36 : memref<1x128xi32, #tpu.memory_space<vmem>> -> memref<128xi32, #tpu.memory_space<vmem>>
      %dma_start3A_38 = arith.constant 0 : i32
      %dma_start3A_39 = arith.constant 0 : i32
      %dma_start3A_40 = tpu.memref_slice %arg2[%dma_start3A_38, %dma_start3A_39] : memref<10000x128xf32, #tpu.memory_space<hbm>> -> memref<10000x128xf32, #tpu.memory_space<hbm>>
      tpu.enqueue_indirect_dma source(%dma_start3A_40 : memref<10000x128xf32, #tpu.memory_space<hbm>>) target(%dma_start3A_34 : memref<128x128xf32, #tpu.memory_space<vmem>>) offsets(%dma_start3A_37 : memref<128xi32, #tpu.memory_space<vmem>>) semaphore(%arg7 : memref<!tpu.dma_semaphore, #tpu.memory_space<semaphore_mem>>)
      %dma_start3A_41 = arith.constant 3 : i32
      %dma_start3A_42 = arith.constant 384 : i32
      %dma_start3A_43 = arith.constant 0 : i32
      %dma_start3A_44 = tpu.memref_slice %arg6[%dma_start3A_42, %dma_start3A_43] : memref<512x128xf32, #tpu.memory_space<vmem>> -> memref<128x128xf32, #tpu.memory_space<vmem>>
      %dma_start3A_45 = arith.constant 0 : i32
      %dma_start3A_46 = tpu.memref_slice %arg5[%dma_start3A_41, %dma_start3A_45] : memref<4x128xi32, #tpu.memory_space<vmem>> -> memref<1x128xi32, #tpu.memory_space<vmem>>
      %dma_start3A_47 = tpu.memref_squeeze %dma_start3A_46 : memref<1x128xi32, #tpu.memory_space<vmem>> -> memref<128xi32, #tpu.memory_space<vmem>>
      %dma_start3A_48 = arith.constant 0 : i32
      %dma_start3A_49 = arith.constant 0 : i32
      %dma_start3A_50 = tpu.memref_slice %arg2[%dma_start3A_48, %dma_start3A_49] : memref<10000x128xf32, #tpu.memory_space<hbm>> -> memref<10000x128xf32, #tpu.memory_space<hbm>>
      tpu.enqueue_indirect_dma source(%dma_start3A_50 : memref<10000x128xf32, #tpu.memory_space<hbm>>) target(%dma_start3A_44 : memref<128x128xf32, #tpu.memory_space<vmem>>) offsets(%dma_start3A_47 : memref<128xi32, #tpu.memory_space<vmem>>) semaphore(%arg7 : memref<!tpu.dma_semaphore, #tpu.memory_space<semaphore_mem>>)
      %dma_wait3A = arith.constant 0 : i32
      %dma_wait3A_51 = arith.constant 0 : i32
      %dma_wait3A_52 = arith.constant 0 : i32
      %dma_wait3A_53 = tpu.memref_slice %arg6[%dma_wait3A_51, %dma_wait3A_52] : memref<512x128xf32, #tpu.memory_space<vmem>> -> memref<128x128xf32, #tpu.memory_space<vmem>>
      %dma_wait3A_54 = arith.constant 0 : i32
      %dma_wait3A_55 = tpu.memref_slice %arg5[%dma_wait3A, %dma_wait3A_54] : memref<4x128xi32, #tpu.memory_space<vmem>> -> memref<1x128xi32, #tpu.memory_space<vmem>>
      %dma_wait3A_56 = tpu.memref_squeeze %dma_wait3A_55 : memref<1x128xi32, #tpu.memory_space<vmem>> -> memref<128xi32, #tpu.memory_space<vmem>>
      %dma_wait3A_57 = arith.constant 0 : i32
      %dma_wait3A_58 = arith.constant 0 : i32
      %dma_wait3A_59 = tpu.memref_slice %arg2[%dma_wait3A_57, %dma_wait3A_58] : memref<10000x128xf32, #tpu.memory_space<hbm>> -> memref<10000x128xf32, #tpu.memory_space<hbm>>
      tpu.wait_indirect_dma semaphore(%arg7 : memref<!tpu.dma_semaphore, #tpu.memory_space<semaphore_mem>>) src(%dma_wait3A_59 : memref<10000x128xf32, #tpu.memory_space<hbm>>) dst(%dma_wait3A_53 : memref<128x128xf32, #tpu.memory_space<vmem>>)
      %dma_wait3A_60 = arith.constant 1 : i32
      %dma_wait3A_61 = arith.constant 128 : i32
      %dma_wait3A_62 = arith.constant 0 : i32
      %dma_wait3A_63 = tpu.memref_slice %arg6[%dma_wait3A_61, %dma_wait3A_62] : memref<512x128xf32, #tpu.memory_space<vmem>> -> memref<128x128xf32, #tpu.memory_space<vmem>>
      %dma_wait3A_64 = arith.constant 0 : i32
      %dma_wait3A_65 = tpu.memref_slice %arg5[%dma_wait3A_60, %dma_wait3A_64] : memref<4x128xi32, #tpu.memory_space<vmem>> -> memref<1x128xi32, #tpu.memory_space<vmem>>
      %dma_wait3A_66 = tpu.memref_squeeze %dma_wait3A_65 : memref<1x128xi32, #tpu.memory_space<vmem>> -> memref<128xi32, #tpu.memory_space<vmem>>
      %dma_wait3A_67 = arith.constant 0 : i32
      %dma_wait3A_68 = arith.constant 0 : i32
      %dma_wait3A_69 = tpu.memref_slice %arg2[%dma_wait3A_67, %dma_wait3A_68] : memref<10000x128xf32, #tpu.memory_space<hbm>> -> memref<10000x128xf32, #tpu.memory_space<hbm>>
      tpu.wait_indirect_dma semaphore(%arg7 : memref<!tpu.dma_semaphore, #tpu.memory_space<semaphore_mem>>) src(%dma_wait3A_69 : memref<10000x128xf32, #tpu.memory_space<hbm>>) dst(%dma_wait3A_63 : memref<128x128xf32, #tpu.memory_space<vmem>>)
      %dma_wait3A_70 = arith.constant 2 : i32
      %dma_wait3A_71 = arith.constant 256 : i32
      %dma_wait3A_72 = arith.constant 0 : i32
      %dma_wait3A_73 = tpu.memref_slice %arg6[%dma_wait3A_71, %dma_wait3A_72] : memref<512x128xf32, #tpu.memory_space<vmem>> -> memref<128x128xf32, #tpu.memory_space<vmem>>
      %dma_wait3A_74 = arith.constant 0 : i32
      %dma_wait3A_75 = tpu.memref_slice %arg5[%dma_wait3A_70, %dma_wait3A_74] : memref<4x128xi32, #tpu.memory_space<vmem>> -> memref<1x128xi32, #tpu.memory_space<vmem>>
      %dma_wait3A_76 = tpu.memref_squeeze %dma_wait3A_75 : memref<1x128xi32, #tpu.memory_space<vmem>> -> memref<128xi32, #tpu.memory_space<vmem>>
      %dma_wait3A_77 = arith.constant 0 : i32
      %dma_wait3A_78 = arith.constant 0 : i32
      %dma_wait3A_79 = tpu.memref_slice %arg2[%dma_wait3A_77, %dma_wait3A_78] : memref<10000x128xf32, #tpu.memory_space<hbm>> -> memref<10000x128xf32, #tpu.memory_space<hbm>>
      tpu.wait_indirect_dma semaphore(%arg7 : memref<!tpu.dma_semaphore, #tpu.memory_space<semaphore_mem>>) src(%dma_wait3A_79 : memref<10000x128xf32, #tpu.memory_space<hbm>>) dst(%dma_wait3A_73 : memref<128x128xf32, #tpu.memory_space<vmem>>)
      %dma_wait3A_80 = arith.constant 3 : i32
      %dma_wait3A_81 = arith.constant 384 : i32
      %dma_wait3A_82 = arith.constant 0 : i32
      %dma_wait3A_83 = tpu.memref_slice %arg6[%dma_wait3A_81, %dma_wait3A_82] : memref<512x128xf32, #tpu.memory_space<vmem>> -> memref<128x128xf32, #tpu.memory_space<vmem>>
      %dma_wait3A_84 = arith.constant 0 : i32
      %dma_wait3A_85 = tpu.memref_slice %arg5[%dma_wait3A_80, %dma_wait3A_84] : memref<4x128xi32, #tpu.memory_space<vmem>> -> memref<1x128xi32, #tpu.memory_space<vmem>>
      %dma_wait3A_86 = tpu.memref_squeeze %dma_wait3A_85 : memref<1x128xi32, #tpu.memory_space<vmem>> -> memref<128xi32, #tpu.memory_space<vmem>>
      %dma_wait3A_87 = arith.constant 0 : i32
      %dma_wait3A_88 = arith.constant 0 : i32
      %dma_wait3A_89 = tpu.memref_slice %arg2[%dma_wait3A_87, %dma_wait3A_88] : memref<10000x128xf32, #tpu.memory_space<hbm>> -> memref<10000x128xf32, #tpu.memory_space<hbm>>
      tpu.wait_indirect_dma semaphore(%arg7 : memref<!tpu.dma_semaphore, #tpu.memory_space<semaphore_mem>>) src(%dma_wait3A_89 : memref<10000x128xf32, #tpu.memory_space<hbm>>) dst(%dma_wait3A_83 : memref<128x128xf32, #tpu.memory_space<vmem>>)
      %mul3A_90 = arith.constant 128 : i32
      %mul3A_91 = arith.muli %add3A_11, %mul3A_90 : i32
      "tpu.region"() ({
        %run_scoped3A = tpu.sem_alloc : memref<!tpu.dma_semaphore, #tpu.memory_space<semaphore_mem>>
        %dma_start3A_92 = arith.constant 0 : i32
        %dma_start3A_93 = tpu.memref_slice %arg4[%mul3A_91, %dma_start3A_92] : memref<163840x128xf32, #tpu.memory_space<hbm>> -> memref<512x128xf32, #tpu.memory_space<hbm>>
        %dma_start3A_94 = arith.constant 0 : i32
        %dma_start3A_95 = tpu.memref_slice %arg4[%mul3A_91, %dma_start3A_94] : memref<163840x128xf32, #tpu.memory_space<hbm>> -> memref<512x128xf32, #tpu.memory_space<hbm>>
        tpu.enqueue_dma source(%arg6 : memref<512x128xf32, #tpu.memory_space<vmem>>) target(%dma_start3A_95 : memref<512x128xf32, #tpu.memory_space<hbm>>) target_semaphore(%run_scoped3A : memref<!tpu.dma_semaphore, #tpu.memory_space<semaphore_mem>>)
        %dma_wait3A_96 = arith.constant 0 : i32
        %dma_wait3A_97 = tpu.memref_slice %arg4[%mul3A_91, %dma_wait3A_96] : memref<163840x128xf32, #tpu.memory_space<hbm>> -> memref<512x128xf32, #tpu.memory_space<hbm>>
        %dma_wait3A_98 = arith.constant 0 : i32
        %dma_wait3A_99 = tpu.memref_slice %arg4[%mul3A_91, %dma_wait3A_98] : memref<163840x128xf32, #tpu.memory_space<hbm>> -> memref<512x128xf32, #tpu.memory_space<hbm>>
        tpu.wait_dma2 semaphore(%run_scoped3A : memref<!tpu.dma_semaphore, #tpu.memory_space<semaphore_mem>>) src(%arg6 : memref<512x128xf32, #tpu.memory_space<vmem>>) dst(%dma_wait3A_99 : memref<512x128xf32, #tpu.memory_space<hbm>>)
        tpu.yield
      }) : () -> ()
    }
    %scan3A_7 = arith.constant 10 : i32
    return
  }
}

#map = affine_map<(d0, d1) -> (0, 0)>
module attributes {stable_mosaic.version = 14 : i64} {
  func.func @_sc_scatter(%arg0: i32, %arg1: i32, %arg2: memref<163840x128xf32, #tpu.memory_space<hbm>>, %arg3: memref<1280x128xi32, #tpu.memory_space<hbm>>, %arg4: memref<640x128xf32, #tpu.memory_space<hbm>>, %arg5: memref<20480x128xf32, #tpu.memory_space<hbm>>, %arg6: memref<128xi32, #tpu.memory_space<vmem>>, %arg7: memref<128xi32, #tpu.memory_space<vmem>>, %arg8: memref<128x128xf32, #tpu.memory_space<vmem>>, %arg9: memref<128x128xf32, #tpu.memory_space<vmem>>, %arg10: memref<!tpu.dma_semaphore, #tpu.memory_space<semaphore_mem>>, %arg11: memref<!tpu.dma_semaphore, #tpu.memory_space<semaphore_mem>>, %arg12: memref<10240x128xf32, #tpu.memory_space<vmem_shared>>) attributes {dimension_semantics = [#tpu.dimension_semantics<core_parallel>, #tpu.dimension_semantics<subcore_parallel>], iteration_bounds = array<i64: 2, 16>, scalar_prefetch = 0 : i64, scratch_operands = 7 : i64, tpu.core_type = #tpu.core_type<sc_vector_subcore>, window_params = [{transform_indices = #map}, {transform_indices = #map}, {transform_indices = #map}, {transform_indices = #map}]} {
    %mul3A = arith.constant 2 : i32
    %mul3A_0 = arith.muli %arg1, %mul3A : i32
    %add3A = arith.addi %mul3A_0, %arg0 : i32
    %mul3A_1 = arith.constant 40 : i32
    %mul3A_2 = arith.muli %add3A, %mul3A_1 : i32
    %mul3A_3 = arith.constant 640 : i32
    %mul3A_4 = arith.muli %arg1, %mul3A_3 : i32
    "tpu.region"() ({
      %run_scoped3A = tpu.sem_alloc : memref<!tpu.dma_semaphore, #tpu.memory_space<semaphore_mem>>
      %dma_start3A_23 = arith.constant 0 : i32
      %dma_start3A_24 = tpu.memref_slice %arg12[%mul3A_4, %dma_start3A_23] : memref<10240x128xf32, #tpu.memory_space<vmem_shared>> -> memref<640x128xf32, #tpu.memory_space<vmem_shared>>
      tpu.enqueue_dma source(%arg4 : memref<640x128xf32, #tpu.memory_space<hbm>>) target(%dma_start3A_24 : memref<640x128xf32, #tpu.memory_space<vmem_shared>>) target_semaphore(%run_scoped3A : memref<!tpu.dma_semaphore, #tpu.memory_space<semaphore_mem>>)
      %dma_wait3A = arith.constant 0 : i32
      %dma_wait3A_25 = tpu.memref_slice %arg12[%mul3A_4, %dma_wait3A] : memref<10240x128xf32, #tpu.memory_space<vmem_shared>> -> memref<640x128xf32, #tpu.memory_space<vmem_shared>>
      tpu.wait_dma2 semaphore(%run_scoped3A : memref<!tpu.dma_semaphore, #tpu.memory_space<semaphore_mem>>) src(%arg4 : memref<640x128xf32, #tpu.memory_space<hbm>>) dst(%dma_wait3A_25 : memref<640x128xf32, #tpu.memory_space<vmem_shared>>)
      tpu.yield
    }) : () -> ()
    %barrier3A = arith.constant 0 : index
    tpu.barrier barrier_id(%barrier3A)
    "tpu.region"() ({
      %run_scoped3A = tpu.sem_alloc : memref<!tpu.dma_semaphore, #tpu.memory_space<semaphore_mem>>
      %dma_start3A_23 = arith.constant 0 : i32
      %dma_start3A_24 = tpu.memref_slice %arg3[%mul3A_2, %dma_start3A_23] : memref<1280x128xi32, #tpu.memory_space<hbm>> -> memref<1x128xi32, #tpu.memory_space<hbm>>
      %dma_start3A_25 = tpu.memref_squeeze %dma_start3A_24 : memref<1x128xi32, #tpu.memory_space<hbm>> -> memref<128xi32, #tpu.memory_space<hbm>>
      %dma_start3A_26 = arith.constant 0 : i32
      %dma_start3A_27 = tpu.memref_slice %arg3[%mul3A_2, %dma_start3A_26] : memref<1280x128xi32, #tpu.memory_space<hbm>> -> memref<1x128xi32, #tpu.memory_space<hbm>>
      %dma_start3A_28 = tpu.memref_squeeze %dma_start3A_27 : memref<1x128xi32, #tpu.memory_space<hbm>> -> memref<128xi32, #tpu.memory_space<hbm>>
      tpu.enqueue_dma source(%dma_start3A_28 : memref<128xi32, #tpu.memory_space<hbm>>) target(%arg6 : memref<128xi32, #tpu.memory_space<vmem>>) target_semaphore(%run_scoped3A : memref<!tpu.dma_semaphore, #tpu.memory_space<semaphore_mem>>)
      %dma_wait3A = arith.constant 0 : i32
      %dma_wait3A_29 = tpu.memref_slice %arg3[%mul3A_2, %dma_wait3A] : memref<1280x128xi32, #tpu.memory_space<hbm>> -> memref<1x128xi32, #tpu.memory_space<hbm>>
      %dma_wait3A_30 = tpu.memref_squeeze %dma_wait3A_29 : memref<1x128xi32, #tpu.memory_space<hbm>> -> memref<128xi32, #tpu.memory_space<hbm>>
      %dma_wait3A_31 = arith.constant 0 : i32
      %dma_wait3A_32 = tpu.memref_slice %arg3[%mul3A_2, %dma_wait3A_31] : memref<1280x128xi32, #tpu.memory_space<hbm>> -> memref<1x128xi32, #tpu.memory_space<hbm>>
      %dma_wait3A_33 = tpu.memref_squeeze %dma_wait3A_32 : memref<1x128xi32, #tpu.memory_space<hbm>> -> memref<128xi32, #tpu.memory_space<hbm>>
      tpu.wait_dma2 semaphore(%run_scoped3A : memref<!tpu.dma_semaphore, #tpu.memory_space<semaphore_mem>>) src(%dma_wait3A_33 : memref<128xi32, #tpu.memory_space<hbm>>) dst(%arg6 : memref<128xi32, #tpu.memory_space<vmem>>)
      tpu.yield
    }) : () -> ()
    %mul3A_5 = arith.constant 128 : i32
    %mul3A_6 = arith.muli %mul3A_2, %mul3A_5 : i32
    %dma_start3A = arith.constant 0 : i32
    %dma_start3A_7 = tpu.memref_slice %arg2[%mul3A_6, %dma_start3A] : memref<163840x128xf32, #tpu.memory_space<hbm>> -> memref<128x128xf32, #tpu.memory_space<hbm>>
    %dma_start3A_8 = arith.constant 0 : i32
    %dma_start3A_9 = tpu.memref_slice %arg2[%mul3A_6, %dma_start3A_8] : memref<163840x128xf32, #tpu.memory_space<hbm>> -> memref<128x128xf32, #tpu.memory_space<hbm>>
    tpu.enqueue_dma source(%dma_start3A_9 : memref<128x128xf32, #tpu.memory_space<hbm>>) target(%arg8 : memref<128x128xf32, #tpu.memory_space<vmem>>) target_semaphore(%arg10 : memref<!tpu.dma_semaphore, #tpu.memory_space<semaphore_mem>>)
    %scan3A = arith.constant 0 : i32
    %scan3A_10 = arith.constant 0 : i32
    %scan3A_11 = arith.constant 20 : i32
    %scan3A_12 = arith.addi %scan3A_10, %scan3A_11 : i32
    %scan3A_13 = arith.constant 1 : i32
    scf.for %scan3A_23 = %scan3A_10 to %scan3A_12 step %scan3A_13  : i32 {
      %mul3A_24 = arith.constant 2 : i32
      %mul3A_25 = arith.muli %scan3A_23, %mul3A_24 : i32
      %add3A_26 = arith.constant 0 : i32
      %add3A_27 = arith.addi %mul3A_25, %add3A_26 : i32
      %add3A_28 = arith.addi %mul3A_2, %add3A_27 : i32
      %mul3A_29 = arith.constant 128 : i32
      %mul3A_30 = arith.muli %add3A_28, %mul3A_29 : i32
      %dma_wait3A = arith.constant 0 : i32
      %dma_wait3A_31 = tpu.memref_slice %arg2[%mul3A_30, %dma_wait3A] : memref<163840x128xf32, #tpu.memory_space<hbm>> -> memref<128x128xf32, #tpu.memory_space<hbm>>
      %dma_wait3A_32 = arith.constant 0 : i32
      %dma_wait3A_33 = tpu.memref_slice %arg2[%mul3A_30, %dma_wait3A_32] : memref<163840x128xf32, #tpu.memory_space<hbm>> -> memref<128x128xf32, #tpu.memory_space<hbm>>
      tpu.wait_dma2 semaphore(%arg10 : memref<!tpu.dma_semaphore, #tpu.memory_space<semaphore_mem>>) src(%dma_wait3A_33 : memref<128x128xf32, #tpu.memory_space<hbm>>) dst(%arg8 : memref<128x128xf32, #tpu.memory_space<vmem>>)
      %add3A_34 = arith.constant 1 : i32
      %add3A_35 = arith.addi %add3A_27, %add3A_34 : i32
      %lt3A = arith.constant 40 : i32
      %lt3A_36 = arith.cmpi slt, %add3A_35, %lt3A : i32
      %convert_element_type3A = arith.extui %lt3A_36 : i1 to i32
      %cond3A = arith.constant 0 : i32
      %cond3A_37 = arith.cmpi ne, %convert_element_type3A, %cond3A : i32
      scf.if %cond3A_37 {
        %add3A_56 = arith.constant 1 : i32
        %add3A_57 = arith.addi %add3A_28, %add3A_56 : i32
        "tpu.region"() ({
          %run_scoped3A = tpu.sem_alloc : memref<!tpu.dma_semaphore, #tpu.memory_space<semaphore_mem>>
          %dma_start3A_66 = arith.constant 0 : i32
          %dma_start3A_67 = tpu.memref_slice %arg3[%add3A_57, %dma_start3A_66] : memref<1280x128xi32, #tpu.memory_space<hbm>> -> memref<1x128xi32, #tpu.memory_space<hbm>>
          %dma_start3A_68 = tpu.memref_squeeze %dma_start3A_67 : memref<1x128xi32, #tpu.memory_space<hbm>> -> memref<128xi32, #tpu.memory_space<hbm>>
          %dma_start3A_69 = arith.constant 0 : i32
          %dma_start3A_70 = tpu.memref_slice %arg3[%add3A_57, %dma_start3A_69] : memref<1280x128xi32, #tpu.memory_space<hbm>> -> memref<1x128xi32, #tpu.memory_space<hbm>>
          %dma_start3A_71 = tpu.memref_squeeze %dma_start3A_70 : memref<1x128xi32, #tpu.memory_space<hbm>> -> memref<128xi32, #tpu.memory_space<hbm>>
          tpu.enqueue_dma source(%dma_start3A_71 : memref<128xi32, #tpu.memory_space<hbm>>) target(%arg7 : memref<128xi32, #tpu.memory_space<vmem>>) target_semaphore(%run_scoped3A : memref<!tpu.dma_semaphore, #tpu.memory_space<semaphore_mem>>)
          %dma_wait3A_72 = arith.constant 0 : i32
          %dma_wait3A_73 = tpu.memref_slice %arg3[%add3A_57, %dma_wait3A_72] : memref<1280x128xi32, #tpu.memory_space<hbm>> -> memref<1x128xi32, #tpu.memory_space<hbm>>
          %dma_wait3A_74 = tpu.memref_squeeze %dma_wait3A_73 : memref<1x128xi32, #tpu.memory_space<hbm>> -> memref<128xi32, #tpu.memory_space<hbm>>
          %dma_wait3A_75 = arith.constant 0 : i32
          %dma_wait3A_76 = tpu.memref_slice %arg3[%add3A_57, %dma_wait3A_75] : memref<1280x128xi32, #tpu.memory_space<hbm>> -> memref<1x128xi32, #tpu.memory_space<hbm>>
          %dma_wait3A_77 = tpu.memref_squeeze %dma_wait3A_76 : memref<1x128xi32, #tpu.memory_space<hbm>> -> memref<128xi32, #tpu.memory_space<hbm>>
          tpu.wait_dma2 semaphore(%run_scoped3A : memref<!tpu.dma_semaphore, #tpu.memory_space<semaphore_mem>>) src(%dma_wait3A_77 : memref<128xi32, #tpu.memory_space<hbm>>) dst(%arg7 : memref<128xi32, #tpu.memory_space<vmem>>)
          tpu.yield
        }) : () -> ()
        %add3A_58 = arith.constant 1 : i32
        %add3A_59 = arith.addi %add3A_28, %add3A_58 : i32
        %mul3A_60 = arith.constant 128 : i32
        %mul3A_61 = arith.muli %add3A_59, %mul3A_60 : i32
        %dma_start3A_62 = arith.constant 0 : i32
        %dma_start3A_63 = tpu.memref_slice %arg2[%mul3A_61, %dma_start3A_62] : memref<163840x128xf32, #tpu.memory_space<hbm>> -> memref<128x128xf32, #tpu.memory_space<hbm>>
        %dma_start3A_64 = arith.constant 0 : i32
        %dma_start3A_65 = tpu.memref_slice %arg2[%mul3A_61, %dma_start3A_64] : memref<163840x128xf32, #tpu.memory_space<hbm>> -> memref<128x128xf32, #tpu.memory_space<hbm>>
        tpu.enqueue_dma source(%dma_start3A_65 : memref<128x128xf32, #tpu.memory_space<hbm>>) target(%arg9 : memref<128x128xf32, #tpu.memory_space<vmem>>) target_semaphore(%arg11 : memref<!tpu.dma_semaphore, #tpu.memory_space<semaphore_mem>>)
      } else {
      }
      "tpu.region"() ({
        %run_scoped3A = tpu.sem_alloc : memref<!tpu.dma_semaphore, #tpu.memory_space<semaphore_mem>>
        %dma_start3A_56 = arith.constant 0 : i32
        %dma_start3A_57 = arith.constant 0 : i32
        %dma_start3A_58 = tpu.memref_slice %arg12[%dma_start3A_56, %dma_start3A_57] : memref<10240x128xf32, #tpu.memory_space<vmem_shared>> -> memref<10240x128xf32, #tpu.memory_space<vmem_shared>>
        tpu.enqueue_indirect_dma source(%arg8 : memref<128x128xf32, #tpu.memory_space<vmem>>) target(%dma_start3A_58 : memref<10240x128xf32, #tpu.memory_space<vmem_shared>>) offsets(%arg6 : memref<128xi32, #tpu.memory_space<vmem>>) semaphore(%run_scoped3A : memref<!tpu.dma_semaphore, #tpu.memory_space<semaphore_mem>>) {add = true}
        %dma_wait3A_59 = arith.constant 0 : i32
        %dma_wait3A_60 = arith.constant 0 : i32
        %dma_wait3A_61 = tpu.memref_slice %arg12[%dma_wait3A_59, %dma_wait3A_60] : memref<10240x128xf32, #tpu.memory_space<vmem_shared>> -> memref<10240x128xf32, #tpu.memory_space<vmem_shared>>
        tpu.wait_indirect_dma semaphore(%run_scoped3A : memref<!tpu.dma_semaphore, #tpu.memory_space<semaphore_mem>>) src(%arg8 : memref<128x128xf32, #tpu.memory_space<vmem>>) dst(%dma_wait3A_61 : memref<10240x128xf32, #tpu.memory_space<vmem_shared>>)
        tpu.yield
      }) : () -> ()
      %mul3A_38 = arith.constant 2 : i32
      %mul3A_39 = arith.muli %scan3A_23, %mul3A_38 : i32
      %add3A_40 = arith.constant 1 : i32
      %add3A_41 = arith.addi %mul3A_39, %add3A_40 : i32
      %add3A_42 = arith.addi %mul3A_2, %add3A_41 : i32
      %mul3A_43 = arith.constant 128 : i32
      %mul3A_44 = arith.muli %add3A_42, %mul3A_43 : i32
      %dma_wait3A_45 = arith.constant 0 : i32
      %dma_wait3A_46 = tpu.memref_slice %arg2[%mul3A_44, %dma_wait3A_45] : memref<163840x128xf32, #tpu.memory_space<hbm>> -> memref<128x128xf32, #tpu.memory_space<hbm>>
      %dma_wait3A_47 = arith.constant 0 : i32
      %dma_wait3A_48 = tpu.memref_slice %arg2[%mul3A_44, %dma_wait3A_47] : memref<163840x128xf32, #tpu.memory_space<hbm>> -> memref<128x128xf32, #tpu.memory_space<hbm>>
      tpu.wait_dma2 semaphore(%arg11 : memref<!tpu.dma_semaphore, #tpu.memory_space<semaphore_mem>>) src(%dma_wait3A_48 : memref<128x128xf32, #tpu.memory_space<hbm>>) dst(%arg9 : memref<128x128xf32, #tpu.memory_space<vmem>>)
      %add3A_49 = arith.constant 1 : i32
      %add3A_50 = arith.addi %add3A_41, %add3A_49 : i32
      %lt3A_51 = arith.constant 40 : i32
      %lt3A_52 = arith.cmpi slt, %add3A_50, %lt3A_51 : i32
      %convert_element_type3A_53 = arith.extui %lt3A_52 : i1 to i32
      %cond3A_54 = arith.constant 0 : i32
      %cond3A_55 = arith.cmpi ne, %convert_element_type3A_53, %cond3A_54 : i32
      scf.if %cond3A_55 {
        %add3A_56 = arith.constant 1 : i32
        %add3A_57 = arith.addi %add3A_42, %add3A_56 : i32
        "tpu.region"() ({
          %run_scoped3A = tpu.sem_alloc : memref<!tpu.dma_semaphore, #tpu.memory_space<semaphore_mem>>
          %dma_start3A_66 = arith.constant 0 : i32
          %dma_start3A_67 = tpu.memref_slice %arg3[%add3A_57, %dma_start3A_66] : memref<1280x128xi32, #tpu.memory_space<hbm>> -> memref<1x128xi32, #tpu.memory_space<hbm>>
          %dma_start3A_68 = tpu.memref_squeeze %dma_start3A_67 : memref<1x128xi32, #tpu.memory_space<hbm>> -> memref<128xi32, #tpu.memory_space<hbm>>
          %dma_start3A_69 = arith.constant 0 : i32
          %dma_start3A_70 = tpu.memref_slice %arg3[%add3A_57, %dma_start3A_69] : memref<1280x128xi32, #tpu.memory_space<hbm>> -> memref<1x128xi32, #tpu.memory_space<hbm>>
          %dma_start3A_71 = tpu.memref_squeeze %dma_start3A_70 : memref<1x128xi32, #tpu.memory_space<hbm>> -> memref<128xi32, #tpu.memory_space<hbm>>
          tpu.enqueue_dma source(%dma_start3A_71 : memref<128xi32, #tpu.memory_space<hbm>>) target(%arg6 : memref<128xi32, #tpu.memory_space<vmem>>) target_semaphore(%run_scoped3A : memref<!tpu.dma_semaphore, #tpu.memory_space<semaphore_mem>>)
          %dma_wait3A_72 = arith.constant 0 : i32
          %dma_wait3A_73 = tpu.memref_slice %arg3[%add3A_57, %dma_wait3A_72] : memref<1280x128xi32, #tpu.memory_space<hbm>> -> memref<1x128xi32, #tpu.memory_space<hbm>>
          %dma_wait3A_74 = tpu.memref_squeeze %dma_wait3A_73 : memref<1x128xi32, #tpu.memory_space<hbm>> -> memref<128xi32, #tpu.memory_space<hbm>>
          %dma_wait3A_75 = arith.constant 0 : i32
          %dma_wait3A_76 = tpu.memref_slice %arg3[%add3A_57, %dma_wait3A_75] : memref<1280x128xi32, #tpu.memory_space<hbm>> -> memref<1x128xi32, #tpu.memory_space<hbm>>
          %dma_wait3A_77 = tpu.memref_squeeze %dma_wait3A_76 : memref<1x128xi32, #tpu.memory_space<hbm>> -> memref<128xi32, #tpu.memory_space<hbm>>
          tpu.wait_dma2 semaphore(%run_scoped3A : memref<!tpu.dma_semaphore, #tpu.memory_space<semaphore_mem>>) src(%dma_wait3A_77 : memref<128xi32, #tpu.memory_space<hbm>>) dst(%arg6 : memref<128xi32, #tpu.memory_space<vmem>>)
          tpu.yield
        }) : () -> ()
        %add3A_58 = arith.constant 1 : i32
        %add3A_59 = arith.addi %add3A_42, %add3A_58 : i32
        %mul3A_60 = arith.constant 128 : i32
        %mul3A_61 = arith.muli %add3A_59, %mul3A_60 : i32
        %dma_start3A_62 = arith.constant 0 : i32
        %dma_start3A_63 = tpu.memref_slice %arg2[%mul3A_61, %dma_start3A_62] : memref<163840x128xf32, #tpu.memory_space<hbm>> -> memref<128x128xf32, #tpu.memory_space<hbm>>
        %dma_start3A_64 = arith.constant 0 : i32
        %dma_start3A_65 = tpu.memref_slice %arg2[%mul3A_61, %dma_start3A_64] : memref<163840x128xf32, #tpu.memory_space<hbm>> -> memref<128x128xf32, #tpu.memory_space<hbm>>
        tpu.enqueue_dma source(%dma_start3A_65 : memref<128x128xf32, #tpu.memory_space<hbm>>) target(%arg8 : memref<128x128xf32, #tpu.memory_space<vmem>>) target_semaphore(%arg10 : memref<!tpu.dma_semaphore, #tpu.memory_space<semaphore_mem>>)
      } else {
      }
      "tpu.region"() ({
        %run_scoped3A = tpu.sem_alloc : memref<!tpu.dma_semaphore, #tpu.memory_space<semaphore_mem>>
        %dma_start3A_56 = arith.constant 0 : i32
        %dma_start3A_57 = arith.constant 0 : i32
        %dma_start3A_58 = tpu.memref_slice %arg12[%dma_start3A_56, %dma_start3A_57] : memref<10240x128xf32, #tpu.memory_space<vmem_shared>> -> memref<10240x128xf32, #tpu.memory_space<vmem_shared>>
        tpu.enqueue_indirect_dma source(%arg9 : memref<128x128xf32, #tpu.memory_space<vmem>>) target(%dma_start3A_58 : memref<10240x128xf32, #tpu.memory_space<vmem_shared>>) offsets(%arg7 : memref<128xi32, #tpu.memory_space<vmem>>) semaphore(%run_scoped3A : memref<!tpu.dma_semaphore, #tpu.memory_space<semaphore_mem>>) {add = true}
        %dma_wait3A_59 = arith.constant 0 : i32
        %dma_wait3A_60 = arith.constant 0 : i32
        %dma_wait3A_61 = tpu.memref_slice %arg12[%dma_wait3A_59, %dma_wait3A_60] : memref<10240x128xf32, #tpu.memory_space<vmem_shared>> -> memref<10240x128xf32, #tpu.memory_space<vmem_shared>>
        tpu.wait_indirect_dma semaphore(%run_scoped3A : memref<!tpu.dma_semaphore, #tpu.memory_space<semaphore_mem>>) src(%arg9 : memref<128x128xf32, #tpu.memory_space<vmem>>) dst(%dma_wait3A_61 : memref<10240x128xf32, #tpu.memory_space<vmem_shared>>)
        tpu.yield
      }) : () -> ()
    }
    %scan3A_14 = arith.constant 20 : i32
    %barrier3A_15 = arith.constant 0 : index
    tpu.barrier barrier_id(%barrier3A_15)
    %mul3A_16 = arith.constant 640 : i32
    %mul3A_17 = arith.muli %arg1, %mul3A_16 : i32
    %mul3A_18 = arith.constant 10240 : i32
    %mul3A_19 = arith.muli %arg0, %mul3A_18 : i32
    %mul3A_20 = arith.constant 640 : i32
    %mul3A_21 = arith.muli %arg1, %mul3A_20 : i32
    %add3A_22 = arith.addi %mul3A_19, %mul3A_21 : i32
    "tpu.region"() ({
      %run_scoped3A = tpu.sem_alloc : memref<!tpu.dma_semaphore, #tpu.memory_space<semaphore_mem>>
      %dma_start3A_23 = arith.constant 0 : i32
      %dma_start3A_24 = tpu.memref_slice %arg5[%add3A_22, %dma_start3A_23] : memref<20480x128xf32, #tpu.memory_space<hbm>> -> memref<640x128xf32, #tpu.memory_space<hbm>>
      %dma_start3A_25 = arith.constant 0 : i32
      %dma_start3A_26 = tpu.memref_slice %arg12[%mul3A_17, %dma_start3A_25] : memref<10240x128xf32, #tpu.memory_space<vmem_shared>> -> memref<640x128xf32, #tpu.memory_space<vmem_shared>>
      tpu.enqueue_dma source(%dma_start3A_26 : memref<640x128xf32, #tpu.memory_space<vmem_shared>>) target(%dma_start3A_24 : memref<640x128xf32, #tpu.memory_space<hbm>>) target_semaphore(%run_scoped3A : memref<!tpu.dma_semaphore, #tpu.memory_space<semaphore_mem>>)
      %dma_wait3A = arith.constant 0 : i32
      %dma_wait3A_27 = tpu.memref_slice %arg5[%add3A_22, %dma_wait3A] : memref<20480x128xf32, #tpu.memory_space<hbm>> -> memref<640x128xf32, #tpu.memory_space<hbm>>
      %dma_wait3A_28 = arith.constant 0 : i32
      %dma_wait3A_29 = tpu.memref_slice %arg12[%mul3A_17, %dma_wait3A_28] : memref<10240x128xf32, #tpu.memory_space<vmem_shared>> -> memref<640x128xf32, #tpu.memory_space<vmem_shared>>
      tpu.wait_dma2 semaphore(%run_scoped3A : memref<!tpu.dma_semaphore, #tpu.memory_space<semaphore_mem>>) src(%dma_wait3A_29 : memref<640x128xf32, #tpu.memory_space<vmem_shared>>) dst(%dma_wait3A_27 : memref<640x128xf32, #tpu.memory_space<hbm>>)
      tpu.yield
    }) : () -> ()
    return
  }
}

#map = affine_map<(d0, d1) -> (0, 0)>
module attributes {stable_mosaic.version = 14 : i64} {
  func.func @_sc_gather(%arg0: i32, %arg1: i32, %arg2: memref<10000x128xf32, #tpu.memory_space<hbm>>, %arg3: memref<1280x128xi32, #tpu.memory_space<hbm>>, %arg4: memref<163840x128xf32, #tpu.memory_space<hbm>>, %arg5: memref<4x128xi32, #tpu.memory_space<vmem>>, %arg6: memref<512x128xf32, #tpu.memory_space<vmem>>, %arg7: memref<!tpu.dma_semaphore, #tpu.memory_space<semaphore_mem>>) attributes {dimension_semantics = [#tpu.dimension_semantics<core_parallel>, #tpu.dimension_semantics<subcore_parallel>], iteration_bounds = array<i64: 2, 16>, scalar_prefetch = 0 : i64, scratch_operands = 3 : i64, tpu.core_type = #tpu.core_type<sc_vector_subcore>, window_params = [{transform_indices = #map}, {transform_indices = #map}, {transform_indices = #map}]} {
    %mul3A = arith.constant 2 : i32
    %mul3A_0 = arith.muli %arg1, %mul3A : i32
    %add3A = arith.addi %mul3A_0, %arg0 : i32
    %mul3A_1 = arith.constant 40 : i32
    %mul3A_2 = arith.muli %add3A, %mul3A_1 : i32
    %scan3A = arith.constant 0 : i32
    %scan3A_3 = arith.constant 0 : i32
    %scan3A_4 = arith.constant 10 : i32
    %scan3A_5 = arith.addi %scan3A_3, %scan3A_4 : i32
    %scan3A_6 = arith.constant 1 : i32
    scf.for %scan3A_8 = %scan3A_3 to %scan3A_5 step %scan3A_6  : i32 {
      %mul3A_9 = arith.constant 4 : i32
      %mul3A_10 = arith.muli %scan3A_8, %mul3A_9 : i32
      %add3A_11 = arith.addi %mul3A_2, %mul3A_10 : i32
      "tpu.region"() ({
        %run_scoped3A = tpu.sem_alloc : memref<!tpu.dma_semaphore, #tpu.memory_space<semaphore_mem>>
        %dma_start3A_92 = arith.constant 0 : i32
        %dma_start3A_93 = tpu.memref_slice %arg3[%add3A_11, %dma_start3A_92] : memref<1280x128xi32, #tpu.memory_space<hbm>> -> memref<4x128xi32, #tpu.memory_space<hbm>>
        %dma_start3A_94 = arith.constant 0 : i32
        %dma_start3A_95 = tpu.memref_slice %arg3[%add3A_11, %dma_start3A_94] : memref<1280x128xi32, #tpu.memory_space<hbm>> -> memref<4x128xi32, #tpu.memory_space<hbm>>
        tpu.enqueue_dma source(%dma_start3A_95 : memref<4x128xi32, #tpu.memory_space<hbm>>) target(%arg5 : memref<4x128xi32, #tpu.memory_space<vmem>>) target_semaphore(%run_scoped3A : memref<!tpu.dma_semaphore, #tpu.memory_space<semaphore_mem>>)
        %dma_wait3A_96 = arith.constant 0 : i32
        %dma_wait3A_97 = tpu.memref_slice %arg3[%add3A_11, %dma_wait3A_96] : memref<1280x128xi32, #tpu.memory_space<hbm>> -> memref<4x128xi32, #tpu.memory_space<hbm>>
        %dma_wait3A_98 = arith.constant 0 : i32
        %dma_wait3A_99 = tpu.memref_slice %arg3[%add3A_11, %dma_wait3A_98] : memref<1280x128xi32, #tpu.memory_space<hbm>> -> memref<4x128xi32, #tpu.memory_space<hbm>>
        tpu.wait_dma2 semaphore(%run_scoped3A : memref<!tpu.dma_semaphore, #tpu.memory_space<semaphore_mem>>) src(%dma_wait3A_99 : memref<4x128xi32, #tpu.memory_space<hbm>>) dst(%arg5 : memref<4x128xi32, #tpu.memory_space<vmem>>)
        tpu.yield
      }) : () -> ()
      %dma_start3A = arith.constant 0 : i32
      %dma_start3A_12 = arith.constant 0 : i32
      %dma_start3A_13 = arith.constant 0 : i32
      %dma_start3A_14 = tpu.memref_slice %arg6[%dma_start3A_12, %dma_start3A_13] : memref<512x128xf32, #tpu.memory_space<vmem>> -> memref<128x128xf32, #tpu.memory_space<vmem>>
      %dma_start3A_15 = arith.constant 0 : i32
      %dma_start3A_16 = tpu.memref_slice %arg5[%dma_start3A, %dma_start3A_15] : memref<4x128xi32, #tpu.memory_space<vmem>> -> memref<1x128xi32, #tpu.memory_space<vmem>>
      %dma_start3A_17 = tpu.memref_squeeze %dma_start3A_16 : memref<1x128xi32, #tpu.memory_space<vmem>> -> memref<128xi32, #tpu.memory_space<vmem>>
      %dma_start3A_18 = arith.constant 0 : i32
      %dma_start3A_19 = arith.constant 0 : i32
      %dma_start3A_20 = tpu.memref_slice %arg2[%dma_start3A_18, %dma_start3A_19] : memref<10000x128xf32, #tpu.memory_space<hbm>> -> memref<10000x128xf32, #tpu.memory_space<hbm>>
      tpu.enqueue_indirect_dma source(%dma_start3A_20 : memref<10000x128xf32, #tpu.memory_space<hbm>>) target(%dma_start3A_14 : memref<128x128xf32, #tpu.memory_space<vmem>>) offsets(%dma_start3A_17 : memref<128xi32, #tpu.memory_space<vmem>>) semaphore(%arg7 : memref<!tpu.dma_semaphore, #tpu.memory_space<semaphore_mem>>)
      %dma_start3A_21 = arith.constant 1 : i32
      %dma_start3A_22 = arith.constant 128 : i32
      %dma_start3A_23 = arith.constant 0 : i32
      %dma_start3A_24 = tpu.memref_slice %arg6[%dma_start3A_22, %dma_start3A_23] : memref<512x128xf32, #tpu.memory_space<vmem>> -> memref<128x128xf32, #tpu.memory_space<vmem>>
      %dma_start3A_25 = arith.constant 0 : i32
      %dma_start3A_26 = tpu.memref_slice %arg5[%dma_start3A_21, %dma_start3A_25] : memref<4x128xi32, #tpu.memory_space<vmem>> -> memref<1x128xi32, #tpu.memory_space<vmem>>
      %dma_start3A_27 = tpu.memref_squeeze %dma_start3A_26 : memref<1x128xi32, #tpu.memory_space<vmem>> -> memref<128xi32, #tpu.memory_space<vmem>>
      %dma_start3A_28 = arith.constant 0 : i32
      %dma_start3A_29 = arith.constant 0 : i32
      %dma_start3A_30 = tpu.memref_slice %arg2[%dma_start3A_28, %dma_start3A_29] : memref<10000x128xf32, #tpu.memory_space<hbm>> -> memref<10000x128xf32, #tpu.memory_space<hbm>>
      tpu.enqueue_indirect_dma source(%dma_start3A_30 : memref<10000x128xf32, #tpu.memory_space<hbm>>) target(%dma_start3A_24 : memref<128x128xf32, #tpu.memory_space<vmem>>) offsets(%dma_start3A_27 : memref<128xi32, #tpu.memory_space<vmem>>) semaphore(%arg7 : memref<!tpu.dma_semaphore, #tpu.memory_space<semaphore_mem>>)
      %dma_start3A_31 = arith.constant 2 : i32
      %dma_start3A_32 = arith.constant 256 : i32
      %dma_start3A_33 = arith.constant 0 : i32
      %dma_start3A_34 = tpu.memref_slice %arg6[%dma_start3A_32, %dma_start3A_33] : memref<512x128xf32, #tpu.memory_space<vmem>> -> memref<128x128xf32, #tpu.memory_space<vmem>>
      %dma_start3A_35 = arith.constant 0 : i32
      %dma_start3A_36 = tpu.memref_slice %arg5[%dma_start3A_31, %dma_start3A_35] : memref<4x128xi32, #tpu.memory_space<vmem>> -> memref<1x128xi32, #tpu.memory_space<vmem>>
      %dma_start3A_37 = tpu.memref_squeeze %dma_start3A_36 : memref<1x128xi32, #tpu.memory_space<vmem>> -> memref<128xi32, #tpu.memory_space<vmem>>
      %dma_start3A_38 = arith.constant 0 : i32
      %dma_start3A_39 = arith.constant 0 : i32
      %dma_start3A_40 = tpu.memref_slice %arg2[%dma_start3A_38, %dma_start3A_39] : memref<10000x128xf32, #tpu.memory_space<hbm>> -> memref<10000x128xf32, #tpu.memory_space<hbm>>
      tpu.enqueue_indirect_dma source(%dma_start3A_40 : memref<10000x128xf32, #tpu.memory_space<hbm>>) target(%dma_start3A_34 : memref<128x128xf32, #tpu.memory_space<vmem>>) offsets(%dma_start3A_37 : memref<128xi32, #tpu.memory_space<vmem>>) semaphore(%arg7 : memref<!tpu.dma_semaphore, #tpu.memory_space<semaphore_mem>>)
      %dma_start3A_41 = arith.constant 3 : i32
      %dma_start3A_42 = arith.constant 384 : i32
      %dma_start3A_43 = arith.constant 0 : i32
      %dma_start3A_44 = tpu.memref_slice %arg6[%dma_start3A_42, %dma_start3A_43] : memref<512x128xf32, #tpu.memory_space<vmem>> -> memref<128x128xf32, #tpu.memory_space<vmem>>
      %dma_start3A_45 = arith.constant 0 : i32
      %dma_start3A_46 = tpu.memref_slice %arg5[%dma_start3A_41, %dma_start3A_45] : memref<4x128xi32, #tpu.memory_space<vmem>> -> memref<1x128xi32, #tpu.memory_space<vmem>>
      %dma_start3A_47 = tpu.memref_squeeze %dma_start3A_46 : memref<1x128xi32, #tpu.memory_space<vmem>> -> memref<128xi32, #tpu.memory_space<vmem>>
      %dma_start3A_48 = arith.constant 0 : i32
      %dma_start3A_49 = arith.constant 0 : i32
      %dma_start3A_50 = tpu.memref_slice %arg2[%dma_start3A_48, %dma_start3A_49] : memref<10000x128xf32, #tpu.memory_space<hbm>> -> memref<10000x128xf32, #tpu.memory_space<hbm>>
      tpu.enqueue_indirect_dma source(%dma_start3A_50 : memref<10000x128xf32, #tpu.memory_space<hbm>>) target(%dma_start3A_44 : memref<128x128xf32, #tpu.memory_space<vmem>>) offsets(%dma_start3A_47 : memref<128xi32, #tpu.memory_space<vmem>>) semaphore(%arg7 : memref<!tpu.dma_semaphore, #tpu.memory_space<semaphore_mem>>)
      %dma_wait3A = arith.constant 0 : i32
      %dma_wait3A_51 = arith.constant 0 : i32
      %dma_wait3A_52 = arith.constant 0 : i32
      %dma_wait3A_53 = tpu.memref_slice %arg6[%dma_wait3A_51, %dma_wait3A_52] : memref<512x128xf32, #tpu.memory_space<vmem>> -> memref<128x128xf32, #tpu.memory_space<vmem>>
      %dma_wait3A_54 = arith.constant 0 : i32
      %dma_wait3A_55 = tpu.memref_slice %arg5[%dma_wait3A, %dma_wait3A_54] : memref<4x128xi32, #tpu.memory_space<vmem>> -> memref<1x128xi32, #tpu.memory_space<vmem>>
      %dma_wait3A_56 = tpu.memref_squeeze %dma_wait3A_55 : memref<1x128xi32, #tpu.memory_space<vmem>> -> memref<128xi32, #tpu.memory_space<vmem>>
      %dma_wait3A_57 = arith.constant 0 : i32
      %dma_wait3A_58 = arith.constant 0 : i32
      %dma_wait3A_59 = tpu.memref_slice %arg2[%dma_wait3A_57, %dma_wait3A_58] : memref<10000x128xf32, #tpu.memory_space<hbm>> -> memref<10000x128xf32, #tpu.memory_space<hbm>>
      tpu.wait_indirect_dma semaphore(%arg7 : memref<!tpu.dma_semaphore, #tpu.memory_space<semaphore_mem>>) src(%dma_wait3A_59 : memref<10000x128xf32, #tpu.memory_space<hbm>>) dst(%dma_wait3A_53 : memref<128x128xf32, #tpu.memory_space<vmem>>)
      %dma_wait3A_60 = arith.constant 1 : i32
      %dma_wait3A_61 = arith.constant 128 : i32
      %dma_wait3A_62 = arith.constant 0 : i32
      %dma_wait3A_63 = tpu.memref_slice %arg6[%dma_wait3A_61, %dma_wait3A_62] : memref<512x128xf32, #tpu.memory_space<vmem>> -> memref<128x128xf32, #tpu.memory_space<vmem>>
      %dma_wait3A_64 = arith.constant 0 : i32
      %dma_wait3A_65 = tpu.memref_slice %arg5[%dma_wait3A_60, %dma_wait3A_64] : memref<4x128xi32, #tpu.memory_space<vmem>> -> memref<1x128xi32, #tpu.memory_space<vmem>>
      %dma_wait3A_66 = tpu.memref_squeeze %dma_wait3A_65 : memref<1x128xi32, #tpu.memory_space<vmem>> -> memref<128xi32, #tpu.memory_space<vmem>>
      %dma_wait3A_67 = arith.constant 0 : i32
      %dma_wait3A_68 = arith.constant 0 : i32
      %dma_wait3A_69 = tpu.memref_slice %arg2[%dma_wait3A_67, %dma_wait3A_68] : memref<10000x128xf32, #tpu.memory_space<hbm>> -> memref<10000x128xf32, #tpu.memory_space<hbm>>
      tpu.wait_indirect_dma semaphore(%arg7 : memref<!tpu.dma_semaphore, #tpu.memory_space<semaphore_mem>>) src(%dma_wait3A_69 : memref<10000x128xf32, #tpu.memory_space<hbm>>) dst(%dma_wait3A_63 : memref<128x128xf32, #tpu.memory_space<vmem>>)
      %dma_wait3A_70 = arith.constant 2 : i32
      %dma_wait3A_71 = arith.constant 256 : i32
      %dma_wait3A_72 = arith.constant 0 : i32
      %dma_wait3A_73 = tpu.memref_slice %arg6[%dma_wait3A_71, %dma_wait3A_72] : memref<512x128xf32, #tpu.memory_space<vmem>> -> memref<128x128xf32, #tpu.memory_space<vmem>>
      %dma_wait3A_74 = arith.constant 0 : i32
      %dma_wait3A_75 = tpu.memref_slice %arg5[%dma_wait3A_70, %dma_wait3A_74] : memref<4x128xi32, #tpu.memory_space<vmem>> -> memref<1x128xi32, #tpu.memory_space<vmem>>
      %dma_wait3A_76 = tpu.memref_squeeze %dma_wait3A_75 : memref<1x128xi32, #tpu.memory_space<vmem>> -> memref<128xi32, #tpu.memory_space<vmem>>
      %dma_wait3A_77 = arith.constant 0 : i32
      %dma_wait3A_78 = arith.constant 0 : i32
      %dma_wait3A_79 = tpu.memref_slice %arg2[%dma_wait3A_77, %dma_wait3A_78] : memref<10000x128xf32, #tpu.memory_space<hbm>> -> memref<10000x128xf32, #tpu.memory_space<hbm>>
      tpu.wait_indirect_dma semaphore(%arg7 : memref<!tpu.dma_semaphore, #tpu.memory_space<semaphore_mem>>) src(%dma_wait3A_79 : memref<10000x128xf32, #tpu.memory_space<hbm>>) dst(%dma_wait3A_73 : memref<128x128xf32, #tpu.memory_space<vmem>>)
      %dma_wait3A_80 = arith.constant 3 : i32
      %dma_wait3A_81 = arith.constant 384 : i32
      %dma_wait3A_82 = arith.constant 0 : i32
      %dma_wait3A_83 = tpu.memref_slice %arg6[%dma_wait3A_81, %dma_wait3A_82] : memref<512x128xf32, #tpu.memory_space<vmem>> -> memref<128x128xf32, #tpu.memory_space<vmem>>
      %dma_wait3A_84 = arith.constant 0 : i32
      %dma_wait3A_85 = tpu.memref_slice %arg5[%dma_wait3A_80, %dma_wait3A_84] : memref<4x128xi32, #tpu.memory_space<vmem>> -> memref<1x128xi32, #tpu.memory_space<vmem>>
      %dma_wait3A_86 = tpu.memref_squeeze %dma_wait3A_85 : memref<1x128xi32, #tpu.memory_space<vmem>> -> memref<128xi32, #tpu.memory_space<vmem>>
      %dma_wait3A_87 = arith.constant 0 : i32
      %dma_wait3A_88 = arith.constant 0 : i32
      %dma_wait3A_89 = tpu.memref_slice %arg2[%dma_wait3A_87, %dma_wait3A_88] : memref<10000x128xf32, #tpu.memory_space<hbm>> -> memref<10000x128xf32, #tpu.memory_space<hbm>>
      tpu.wait_indirect_dma semaphore(%arg7 : memref<!tpu.dma_semaphore, #tpu.memory_space<semaphore_mem>>) src(%dma_wait3A_89 : memref<10000x128xf32, #tpu.memory_space<hbm>>) dst(%dma_wait3A_83 : memref<128x128xf32, #tpu.memory_space<vmem>>)
      %mul3A_90 = arith.constant 128 : i32
      %mul3A_91 = arith.muli %add3A_11, %mul3A_90 : i32
      "tpu.region"() ({
        %run_scoped3A = tpu.sem_alloc : memref<!tpu.dma_semaphore, #tpu.memory_space<semaphore_mem>>
        %dma_start3A_92 = arith.constant 0 : i32
        %dma_start3A_93 = tpu.memref_slice %arg4[%mul3A_91, %dma_start3A_92] : memref<163840x128xf32, #tpu.memory_space<hbm>> -> memref<512x128xf32, #tpu.memory_space<hbm>>
        %dma_start3A_94 = arith.constant 0 : i32
        %dma_start3A_95 = tpu.memref_slice %arg4[%mul3A_91, %dma_start3A_94] : memref<163840x128xf32, #tpu.memory_space<hbm>> -> memref<512x128xf32, #tpu.memory_space<hbm>>
        tpu.enqueue_dma source(%arg6 : memref<512x128xf32, #tpu.memory_space<vmem>>) target(%dma_start3A_95 : memref<512x128xf32, #tpu.memory_space<hbm>>) target_semaphore(%run_scoped3A : memref<!tpu.dma_semaphore, #tpu.memory_space<semaphore_mem>>)
        %dma_wait3A_96 = arith.constant 0 : i32
        %dma_wait3A_97 = tpu.memref_slice %arg4[%mul3A_91, %dma_wait3A_96] : memref<163840x128xf32, #tpu.memory_space<hbm>> -> memref<512x128xf32, #tpu.memory_space<hbm>>
        %dma_wait3A_98 = arith.constant 0 : i32
        %dma_wait3A_99 = tpu.memref_slice %arg4[%mul3A_91, %dma_wait3A_98] : memref<163840x128xf32, #tpu.memory_space<hbm>> -> memref<512x128xf32, #tpu.memory_space<hbm>>
        tpu.wait_dma2 semaphore(%run_scoped3A : memref<!tpu.dma_semaphore, #tpu.memory_space<semaphore_mem>>) src(%arg6 : memref<512x128xf32, #tpu.memory_space<vmem>>) dst(%dma_wait3A_99 : memref<512x128xf32, #tpu.memory_space<hbm>>)
        tpu.yield
      }) : () -> ()
    }
    %scan3A_7 = arith.constant 10 : i32
    return
  }
}

#map = affine_map<(d0, d1) -> (0, 0)>
module attributes {stable_mosaic.version = 14 : i64} {
  func.func @_sc_scatter(%arg0: i32, %arg1: i32, %arg2: memref<163840x128xf32, #tpu.memory_space<hbm>>, %arg3: memref<1280x128xi32, #tpu.memory_space<hbm>>, %arg4: memref<640x128xf32, #tpu.memory_space<hbm>>, %arg5: memref<20480x128xf32, #tpu.memory_space<hbm>>, %arg6: memref<128xi32, #tpu.memory_space<vmem>>, %arg7: memref<128xi32, #tpu.memory_space<vmem>>, %arg8: memref<128x128xf32, #tpu.memory_space<vmem>>, %arg9: memref<128x128xf32, #tpu.memory_space<vmem>>, %arg10: memref<!tpu.dma_semaphore, #tpu.memory_space<semaphore_mem>>, %arg11: memref<!tpu.dma_semaphore, #tpu.memory_space<semaphore_mem>>, %arg12: memref<10240x128xf32, #tpu.memory_space<vmem_shared>>) attributes {dimension_semantics = [#tpu.dimension_semantics<core_parallel>, #tpu.dimension_semantics<subcore_parallel>], iteration_bounds = array<i64: 2, 16>, scalar_prefetch = 0 : i64, scratch_operands = 7 : i64, tpu.core_type = #tpu.core_type<sc_vector_subcore>, window_params = [{transform_indices = #map}, {transform_indices = #map}, {transform_indices = #map}, {transform_indices = #map}]} {
    %mul3A = arith.constant 2 : i32
    %mul3A_0 = arith.muli %arg1, %mul3A : i32
    %add3A = arith.addi %mul3A_0, %arg0 : i32
    %mul3A_1 = arith.constant 40 : i32
    %mul3A_2 = arith.muli %add3A, %mul3A_1 : i32
    %mul3A_3 = arith.constant 640 : i32
    %mul3A_4 = arith.muli %arg1, %mul3A_3 : i32
    "tpu.region"() ({
      %run_scoped3A = tpu.sem_alloc : memref<!tpu.dma_semaphore, #tpu.memory_space<semaphore_mem>>
      %dma_start3A_23 = arith.constant 0 : i32
      %dma_start3A_24 = tpu.memref_slice %arg12[%mul3A_4, %dma_start3A_23] : memref<10240x128xf32, #tpu.memory_space<vmem_shared>> -> memref<640x128xf32, #tpu.memory_space<vmem_shared>>
      tpu.enqueue_dma source(%arg4 : memref<640x128xf32, #tpu.memory_space<hbm>>) target(%dma_start3A_24 : memref<640x128xf32, #tpu.memory_space<vmem_shared>>) target_semaphore(%run_scoped3A : memref<!tpu.dma_semaphore, #tpu.memory_space<semaphore_mem>>)
      %dma_wait3A = arith.constant 0 : i32
      %dma_wait3A_25 = tpu.memref_slice %arg12[%mul3A_4, %dma_wait3A] : memref<10240x128xf32, #tpu.memory_space<vmem_shared>> -> memref<640x128xf32, #tpu.memory_space<vmem_shared>>
      tpu.wait_dma2 semaphore(%run_scoped3A : memref<!tpu.dma_semaphore, #tpu.memory_space<semaphore_mem>>) src(%arg4 : memref<640x128xf32, #tpu.memory_space<hbm>>) dst(%dma_wait3A_25 : memref<640x128xf32, #tpu.memory_space<vmem_shared>>)
      tpu.yield
    }) : () -> ()
    %barrier3A = arith.constant 0 : index
    tpu.barrier barrier_id(%barrier3A)
    "tpu.region"() ({
      %run_scoped3A = tpu.sem_alloc : memref<!tpu.dma_semaphore, #tpu.memory_space<semaphore_mem>>
      %dma_start3A_23 = arith.constant 0 : i32
      %dma_start3A_24 = tpu.memref_slice %arg3[%mul3A_2, %dma_start3A_23] : memref<1280x128xi32, #tpu.memory_space<hbm>> -> memref<1x128xi32, #tpu.memory_space<hbm>>
      %dma_start3A_25 = tpu.memref_squeeze %dma_start3A_24 : memref<1x128xi32, #tpu.memory_space<hbm>> -> memref<128xi32, #tpu.memory_space<hbm>>
      %dma_start3A_26 = arith.constant 0 : i32
      %dma_start3A_27 = tpu.memref_slice %arg3[%mul3A_2, %dma_start3A_26] : memref<1280x128xi32, #tpu.memory_space<hbm>> -> memref<1x128xi32, #tpu.memory_space<hbm>>
      %dma_start3A_28 = tpu.memref_squeeze %dma_start3A_27 : memref<1x128xi32, #tpu.memory_space<hbm>> -> memref<128xi32, #tpu.memory_space<hbm>>
      tpu.enqueue_dma source(%dma_start3A_28 : memref<128xi32, #tpu.memory_space<hbm>>) target(%arg6 : memref<128xi32, #tpu.memory_space<vmem>>) target_semaphore(%run_scoped3A : memref<!tpu.dma_semaphore, #tpu.memory_space<semaphore_mem>>)
      %dma_wait3A = arith.constant 0 : i32
      %dma_wait3A_29 = tpu.memref_slice %arg3[%mul3A_2, %dma_wait3A] : memref<1280x128xi32, #tpu.memory_space<hbm>> -> memref<1x128xi32, #tpu.memory_space<hbm>>
      %dma_wait3A_30 = tpu.memref_squeeze %dma_wait3A_29 : memref<1x128xi32, #tpu.memory_space<hbm>> -> memref<128xi32, #tpu.memory_space<hbm>>
      %dma_wait3A_31 = arith.constant 0 : i32
      %dma_wait3A_32 = tpu.memref_slice %arg3[%mul3A_2, %dma_wait3A_31] : memref<1280x128xi32, #tpu.memory_space<hbm>> -> memref<1x128xi32, #tpu.memory_space<hbm>>
      %dma_wait3A_33 = tpu.memref_squeeze %dma_wait3A_32 : memref<1x128xi32, #tpu.memory_space<hbm>> -> memref<128xi32, #tpu.memory_space<hbm>>
      tpu.wait_dma2 semaphore(%run_scoped3A : memref<!tpu.dma_semaphore, #tpu.memory_space<semaphore_mem>>) src(%dma_wait3A_33 : memref<128xi32, #tpu.memory_space<hbm>>) dst(%arg6 : memref<128xi32, #tpu.memory_space<vmem>>)
      tpu.yield
    }) : () -> ()
    %mul3A_5 = arith.constant 128 : i32
    %mul3A_6 = arith.muli %mul3A_2, %mul3A_5 : i32
    %dma_start3A = arith.constant 0 : i32
    %dma_start3A_7 = tpu.memref_slice %arg2[%mul3A_6, %dma_start3A] : memref<163840x128xf32, #tpu.memory_space<hbm>> -> memref<128x128xf32, #tpu.memory_space<hbm>>
    %dma_start3A_8 = arith.constant 0 : i32
    %dma_start3A_9 = tpu.memref_slice %arg2[%mul3A_6, %dma_start3A_8] : memref<163840x128xf32, #tpu.memory_space<hbm>> -> memref<128x128xf32, #tpu.memory_space<hbm>>
    tpu.enqueue_dma source(%dma_start3A_9 : memref<128x128xf32, #tpu.memory_space<hbm>>) target(%arg8 : memref<128x128xf32, #tpu.memory_space<vmem>>) target_semaphore(%arg10 : memref<!tpu.dma_semaphore, #tpu.memory_space<semaphore_mem>>)
    %scan3A = arith.constant 0 : i32
    %scan3A_10 = arith.constant 0 : i32
    %scan3A_11 = arith.constant 20 : i32
    %scan3A_12 = arith.addi %scan3A_10, %scan3A_11 : i32
    %scan3A_13 = arith.constant 1 : i32
    scf.for %scan3A_23 = %scan3A_10 to %scan3A_12 step %scan3A_13  : i32 {
      %mul3A_24 = arith.constant 2 : i32
      %mul3A_25 = arith.muli %scan3A_23, %mul3A_24 : i32
      %add3A_26 = arith.constant 0 : i32
      %add3A_27 = arith.addi %mul3A_25, %add3A_26 : i32
      %add3A_28 = arith.addi %mul3A_2, %add3A_27 : i32
      %mul3A_29 = arith.constant 128 : i32
      %mul3A_30 = arith.muli %add3A_28, %mul3A_29 : i32
      %dma_wait3A = arith.constant 0 : i32
      %dma_wait3A_31 = tpu.memref_slice %arg2[%mul3A_30, %dma_wait3A] : memref<163840x128xf32, #tpu.memory_space<hbm>> -> memref<128x128xf32, #tpu.memory_space<hbm>>
      %dma_wait3A_32 = arith.constant 0 : i32
      %dma_wait3A_33 = tpu.memref_slice %arg2[%mul3A_30, %dma_wait3A_32] : memref<163840x128xf32, #tpu.memory_space<hbm>> -> memref<128x128xf32, #tpu.memory_space<hbm>>
      tpu.wait_dma2 semaphore(%arg10 : memref<!tpu.dma_semaphore, #tpu.memory_space<semaphore_mem>>) src(%dma_wait3A_33 : memref<128x128xf32, #tpu.memory_space<hbm>>) dst(%arg8 : memref<128x128xf32, #tpu.memory_space<vmem>>)
      %add3A_34 = arith.constant 1 : i32
      %add3A_35 = arith.addi %add3A_27, %add3A_34 : i32
      %lt3A = arith.constant 40 : i32
      %lt3A_36 = arith.cmpi slt, %add3A_35, %lt3A : i32
      %convert_element_type3A = arith.extui %lt3A_36 : i1 to i32
      %cond3A = arith.constant 0 : i32
      %cond3A_37 = arith.cmpi ne, %convert_element_type3A, %cond3A : i32
      scf.if %cond3A_37 {
        %add3A_56 = arith.constant 1 : i32
        %add3A_57 = arith.addi %add3A_28, %add3A_56 : i32
        "tpu.region"() ({
          %run_scoped3A = tpu.sem_alloc : memref<!tpu.dma_semaphore, #tpu.memory_space<semaphore_mem>>
          %dma_start3A_66 = arith.constant 0 : i32
          %dma_start3A_67 = tpu.memref_slice %arg3[%add3A_57, %dma_start3A_66] : memref<1280x128xi32, #tpu.memory_space<hbm>> -> memref<1x128xi32, #tpu.memory_space<hbm>>
          %dma_start3A_68 = tpu.memref_squeeze %dma_start3A_67 : memref<1x128xi32, #tpu.memory_space<hbm>> -> memref<128xi32, #tpu.memory_space<hbm>>
          %dma_start3A_69 = arith.constant 0 : i32
          %dma_start3A_70 = tpu.memref_slice %arg3[%add3A_57, %dma_start3A_69] : memref<1280x128xi32, #tpu.memory_space<hbm>> -> memref<1x128xi32, #tpu.memory_space<hbm>>
          %dma_start3A_71 = tpu.memref_squeeze %dma_start3A_70 : memref<1x128xi32, #tpu.memory_space<hbm>> -> memref<128xi32, #tpu.memory_space<hbm>>
          tpu.enqueue_dma source(%dma_start3A_71 : memref<128xi32, #tpu.memory_space<hbm>>) target(%arg7 : memref<128xi32, #tpu.memory_space<vmem>>) target_semaphore(%run_scoped3A : memref<!tpu.dma_semaphore, #tpu.memory_space<semaphore_mem>>)
          %dma_wait3A_72 = arith.constant 0 : i32
          %dma_wait3A_73 = tpu.memref_slice %arg3[%add3A_57, %dma_wait3A_72] : memref<1280x128xi32, #tpu.memory_space<hbm>> -> memref<1x128xi32, #tpu.memory_space<hbm>>
          %dma_wait3A_74 = tpu.memref_squeeze %dma_wait3A_73 : memref<1x128xi32, #tpu.memory_space<hbm>> -> memref<128xi32, #tpu.memory_space<hbm>>
          %dma_wait3A_75 = arith.constant 0 : i32
          %dma_wait3A_76 = tpu.memref_slice %arg3[%add3A_57, %dma_wait3A_75] : memref<1280x128xi32, #tpu.memory_space<hbm>> -> memref<1x128xi32, #tpu.memory_space<hbm>>
          %dma_wait3A_77 = tpu.memref_squeeze %dma_wait3A_76 : memref<1x128xi32, #tpu.memory_space<hbm>> -> memref<128xi32, #tpu.memory_space<hbm>>
          tpu.wait_dma2 semaphore(%run_scoped3A : memref<!tpu.dma_semaphore, #tpu.memory_space<semaphore_mem>>) src(%dma_wait3A_77 : memref<128xi32, #tpu.memory_space<hbm>>) dst(%arg7 : memref<128xi32, #tpu.memory_space<vmem>>)
          tpu.yield
        }) : () -> ()
        %add3A_58 = arith.constant 1 : i32
        %add3A_59 = arith.addi %add3A_28, %add3A_58 : i32
        %mul3A_60 = arith.constant 128 : i32
        %mul3A_61 = arith.muli %add3A_59, %mul3A_60 : i32
        %dma_start3A_62 = arith.constant 0 : i32
        %dma_start3A_63 = tpu.memref_slice %arg2[%mul3A_61, %dma_start3A_62] : memref<163840x128xf32, #tpu.memory_space<hbm>> -> memref<128x128xf32, #tpu.memory_space<hbm>>
        %dma_start3A_64 = arith.constant 0 : i32
        %dma_start3A_65 = tpu.memref_slice %arg2[%mul3A_61, %dma_start3A_64] : memref<163840x128xf32, #tpu.memory_space<hbm>> -> memref<128x128xf32, #tpu.memory_space<hbm>>
        tpu.enqueue_dma source(%dma_start3A_65 : memref<128x128xf32, #tpu.memory_space<hbm>>) target(%arg9 : memref<128x128xf32, #tpu.memory_space<vmem>>) target_semaphore(%arg11 : memref<!tpu.dma_semaphore, #tpu.memory_space<semaphore_mem>>)
      } else {
      }
      "tpu.region"() ({
        %run_scoped3A = tpu.sem_alloc : memref<!tpu.dma_semaphore, #tpu.memory_space<semaphore_mem>>
        %dma_start3A_56 = arith.constant 0 : i32
        %dma_start3A_57 = arith.constant 0 : i32
        %dma_start3A_58 = tpu.memref_slice %arg12[%dma_start3A_56, %dma_start3A_57] : memref<10240x128xf32, #tpu.memory_space<vmem_shared>> -> memref<10240x128xf32, #tpu.memory_space<vmem_shared>>
        tpu.enqueue_indirect_dma source(%arg8 : memref<128x128xf32, #tpu.memory_space<vmem>>) target(%dma_start3A_58 : memref<10240x128xf32, #tpu.memory_space<vmem_shared>>) offsets(%arg6 : memref<128xi32, #tpu.memory_space<vmem>>) semaphore(%run_scoped3A : memref<!tpu.dma_semaphore, #tpu.memory_space<semaphore_mem>>) {add = true}
        %dma_wait3A_59 = arith.constant 0 : i32
        %dma_wait3A_60 = arith.constant 0 : i32
        %dma_wait3A_61 = tpu.memref_slice %arg12[%dma_wait3A_59, %dma_wait3A_60] : memref<10240x128xf32, #tpu.memory_space<vmem_shared>> -> memref<10240x128xf32, #tpu.memory_space<vmem_shared>>
        tpu.wait_indirect_dma semaphore(%run_scoped3A : memref<!tpu.dma_semaphore, #tpu.memory_space<semaphore_mem>>) src(%arg8 : memref<128x128xf32, #tpu.memory_space<vmem>>) dst(%dma_wait3A_61 : memref<10240x128xf32, #tpu.memory_space<vmem_shared>>)
        tpu.yield
      }) : () -> ()
      %mul3A_38 = arith.constant 2 : i32
      %mul3A_39 = arith.muli %scan3A_23, %mul3A_38 : i32
      %add3A_40 = arith.constant 1 : i32
      %add3A_41 = arith.addi %mul3A_39, %add3A_40 : i32
      %add3A_42 = arith.addi %mul3A_2, %add3A_41 : i32
      %mul3A_43 = arith.constant 128 : i32
      %mul3A_44 = arith.muli %add3A_42, %mul3A_43 : i32
      %dma_wait3A_45 = arith.constant 0 : i32
      %dma_wait3A_46 = tpu.memref_slice %arg2[%mul3A_44, %dma_wait3A_45] : memref<163840x128xf32, #tpu.memory_space<hbm>> -> memref<128x128xf32, #tpu.memory_space<hbm>>
      %dma_wait3A_47 = arith.constant 0 : i32
      %dma_wait3A_48 = tpu.memref_slice %arg2[%mul3A_44, %dma_wait3A_47] : memref<163840x128xf32, #tpu.memory_space<hbm>> -> memref<128x128xf32, #tpu.memory_space<hbm>>
      tpu.wait_dma2 semaphore(%arg11 : memref<!tpu.dma_semaphore, #tpu.memory_space<semaphore_mem>>) src(%dma_wait3A_48 : memref<128x128xf32, #tpu.memory_space<hbm>>) dst(%arg9 : memref<128x128xf32, #tpu.memory_space<vmem>>)
      %add3A_49 = arith.constant 1 : i32
      %add3A_50 = arith.addi %add3A_41, %add3A_49 : i32
      %lt3A_51 = arith.constant 40 : i32
      %lt3A_52 = arith.cmpi slt, %add3A_50, %lt3A_51 : i32
      %convert_element_type3A_53 = arith.extui %lt3A_52 : i1 to i32
      %cond3A_54 = arith.constant 0 : i32
      %cond3A_55 = arith.cmpi ne, %convert_element_type3A_53, %cond3A_54 : i32
      scf.if %cond3A_55 {
        %add3A_56 = arith.constant 1 : i32
        %add3A_57 = arith.addi %add3A_42, %add3A_56 : i32
        "tpu.region"() ({
          %run_scoped3A = tpu.sem_alloc : memref<!tpu.dma_semaphore, #tpu.memory_space<semaphore_mem>>
          %dma_start3A_66 = arith.constant 0 : i32
          %dma_start3A_67 = tpu.memref_slice %arg3[%add3A_57, %dma_start3A_66] : memref<1280x128xi32, #tpu.memory_space<hbm>> -> memref<1x128xi32, #tpu.memory_space<hbm>>
          %dma_start3A_68 = tpu.memref_squeeze %dma_start3A_67 : memref<1x128xi32, #tpu.memory_space<hbm>> -> memref<128xi32, #tpu.memory_space<hbm>>
          %dma_start3A_69 = arith.constant 0 : i32
          %dma_start3A_70 = tpu.memref_slice %arg3[%add3A_57, %dma_start3A_69] : memref<1280x128xi32, #tpu.memory_space<hbm>> -> memref<1x128xi32, #tpu.memory_space<hbm>>
          %dma_start3A_71 = tpu.memref_squeeze %dma_start3A_70 : memref<1x128xi32, #tpu.memory_space<hbm>> -> memref<128xi32, #tpu.memory_space<hbm>>
          tpu.enqueue_dma source(%dma_start3A_71 : memref<128xi32, #tpu.memory_space<hbm>>) target(%arg6 : memref<128xi32, #tpu.memory_space<vmem>>) target_semaphore(%run_scoped3A : memref<!tpu.dma_semaphore, #tpu.memory_space<semaphore_mem>>)
          %dma_wait3A_72 = arith.constant 0 : i32
          %dma_wait3A_73 = tpu.memref_slice %arg3[%add3A_57, %dma_wait3A_72] : memref<1280x128xi32, #tpu.memory_space<hbm>> -> memref<1x128xi32, #tpu.memory_space<hbm>>
          %dma_wait3A_74 = tpu.memref_squeeze %dma_wait3A_73 : memref<1x128xi32, #tpu.memory_space<hbm>> -> memref<128xi32, #tpu.memory_space<hbm>>
          %dma_wait3A_75 = arith.constant 0 : i32
          %dma_wait3A_76 = tpu.memref_slice %arg3[%add3A_57, %dma_wait3A_75] : memref<1280x128xi32, #tpu.memory_space<hbm>> -> memref<1x128xi32, #tpu.memory_space<hbm>>
          %dma_wait3A_77 = tpu.memref_squeeze %dma_wait3A_76 : memref<1x128xi32, #tpu.memory_space<hbm>> -> memref<128xi32, #tpu.memory_space<hbm>>
          tpu.wait_dma2 semaphore(%run_scoped3A : memref<!tpu.dma_semaphore, #tpu.memory_space<semaphore_mem>>) src(%dma_wait3A_77 : memref<128xi32, #tpu.memory_space<hbm>>) dst(%arg6 : memref<128xi32, #tpu.memory_space<vmem>>)
          tpu.yield
        }) : () -> ()
        %add3A_58 = arith.constant 1 : i32
        %add3A_59 = arith.addi %add3A_42, %add3A_58 : i32
        %mul3A_60 = arith.constant 128 : i32
        %mul3A_61 = arith.muli %add3A_59, %mul3A_60 : i32
        %dma_start3A_62 = arith.constant 0 : i32
        %dma_start3A_63 = tpu.memref_slice %arg2[%mul3A_61, %dma_start3A_62] : memref<163840x128xf32, #tpu.memory_space<hbm>> -> memref<128x128xf32, #tpu.memory_space<hbm>>
        %dma_start3A_64 = arith.constant 0 : i32
        %dma_start3A_65 = tpu.memref_slice %arg2[%mul3A_61, %dma_start3A_64] : memref<163840x128xf32, #tpu.memory_space<hbm>> -> memref<128x128xf32, #tpu.memory_space<hbm>>
        tpu.enqueue_dma source(%dma_start3A_65 : memref<128x128xf32, #tpu.memory_space<hbm>>) target(%arg8 : memref<128x128xf32, #tpu.memory_space<vmem>>) target_semaphore(%arg10 : memref<!tpu.dma_semaphore, #tpu.memory_space<semaphore_mem>>)
      } else {
      }
      "tpu.region"() ({
        %run_scoped3A = tpu.sem_alloc : memref<!tpu.dma_semaphore, #tpu.memory_space<semaphore_mem>>
        %dma_start3A_56 = arith.constant 0 : i32
        %dma_start3A_57 = arith.constant 0 : i32
        %dma_start3A_58 = tpu.memref_slice %arg12[%dma_start3A_56, %dma_start3A_57] : memref<10240x128xf32, #tpu.memory_space<vmem_shared>> -> memref<10240x128xf32, #tpu.memory_space<vmem_shared>>
        tpu.enqueue_indirect_dma source(%arg9 : memref<128x128xf32, #tpu.memory_space<vmem>>) target(%dma_start3A_58 : memref<10240x128xf32, #tpu.memory_space<vmem_shared>>) offsets(%arg7 : memref<128xi32, #tpu.memory_space<vmem>>) semaphore(%run_scoped3A : memref<!tpu.dma_semaphore, #tpu.memory_space<semaphore_mem>>) {add = true}
        %dma_wait3A_59 = arith.constant 0 : i32
        %dma_wait3A_60 = arith.constant 0 : i32
        %dma_wait3A_61 = tpu.memref_slice %arg12[%dma_wait3A_59, %dma_wait3A_60] : memref<10240x128xf32, #tpu.memory_space<vmem_shared>> -> memref<10240x128xf32, #tpu.memory_space<vmem_shared>>
        tpu.wait_indirect_dma semaphore(%run_scoped3A : memref<!tpu.dma_semaphore, #tpu.memory_space<semaphore_mem>>) src(%arg9 : memref<128x128xf32, #tpu.memory_space<vmem>>) dst(%dma_wait3A_61 : memref<10240x128xf32, #tpu.memory_space<vmem_shared>>)
        tpu.yield
      }) : () -> ()
    }
    %scan3A_14 = arith.constant 20 : i32
    %barrier3A_15 = arith.constant 0 : index
    tpu.barrier barrier_id(%barrier3A_15)
    %mul3A_16 = arith.constant 640 : i32
    %mul3A_17 = arith.muli %arg1, %mul3A_16 : i32
    %mul3A_18 = arith.constant 10240 : i32
    %mul3A_19 = arith.muli %arg0, %mul3A_18 : i32
    %mul3A_20 = arith.constant 640 : i32
    %mul3A_21 = arith.muli %arg1, %mul3A_20 : i32
    %add3A_22 = arith.addi %mul3A_19, %mul3A_21 : i32
    "tpu.region"() ({
      %run_scoped3A = tpu.sem_alloc : memref<!tpu.dma_semaphore, #tpu.memory_space<semaphore_mem>>
      %dma_start3A_23 = arith.constant 0 : i32
      %dma_start3A_24 = tpu.memref_slice %arg5[%add3A_22, %dma_start3A_23] : memref<20480x128xf32, #tpu.memory_space<hbm>> -> memref<640x128xf32, #tpu.memory_space<hbm>>
      %dma_start3A_25 = arith.constant 0 : i32
      %dma_start3A_26 = tpu.memref_slice %arg12[%mul3A_17, %dma_start3A_25] : memref<10240x128xf32, #tpu.memory_space<vmem_shared>> -> memref<640x128xf32, #tpu.memory_space<vmem_shared>>
      tpu.enqueue_dma source(%dma_start3A_26 : memref<640x128xf32, #tpu.memory_space<vmem_shared>>) target(%dma_start3A_24 : memref<640x128xf32, #tpu.memory_space<hbm>>) target_semaphore(%run_scoped3A : memref<!tpu.dma_semaphore, #tpu.memory_space<semaphore_mem>>)
      %dma_wait3A = arith.constant 0 : i32
      %dma_wait3A_27 = tpu.memref_slice %arg5[%add3A_22, %dma_wait3A] : memref<20480x128xf32, #tpu.memory_space<hbm>> -> memref<640x128xf32, #tpu.memory_space<hbm>>
      %dma_wait3A_28 = arith.constant 0 : i32
      %dma_wait3A_29 = tpu.memref_slice %arg12[%mul3A_17, %dma_wait3A_28] : memref<10240x128xf32, #tpu.memory_space<vmem_shared>> -> memref<640x128xf32, #tpu.memory_space<vmem_shared>>
      tpu.wait_dma2 semaphore(%run_scoped3A : memref<!tpu.dma_semaphore, #tpu.memory_space<semaphore_mem>>) src(%dma_wait3A_29 : memref<640x128xf32, #tpu.memory_space<vmem_shared>>) dst(%dma_wait3A_27 : memref<640x128xf32, #tpu.memory_space<hbm>>)
      tpu.yield
    }) : () -> ()
    return
  }
}

#map = affine_map<(d0, d1) -> (0, 0)>
module attributes {stable_mosaic.version = 14 : i64} {
  func.func @_sc_gather(%arg0: i32, %arg1: i32, %arg2: memref<10000x128xf32, #tpu.memory_space<hbm>>, %arg3: memref<1280x128xi32, #tpu.memory_space<hbm>>, %arg4: memref<163840x128xf32, #tpu.memory_space<hbm>>, %arg5: memref<4x128xi32, #tpu.memory_space<vmem>>, %arg6: memref<512x128xf32, #tpu.memory_space<vmem>>, %arg7: memref<!tpu.dma_semaphore, #tpu.memory_space<semaphore_mem>>) attributes {dimension_semantics = [#tpu.dimension_semantics<core_parallel>, #tpu.dimension_semantics<subcore_parallel>], iteration_bounds = array<i64: 2, 16>, scalar_prefetch = 0 : i64, scratch_operands = 3 : i64, tpu.core_type = #tpu.core_type<sc_vector_subcore>, window_params = [{transform_indices = #map}, {transform_indices = #map}, {transform_indices = #map}]} {
    %mul3A = arith.constant 2 : i32
    %mul3A_0 = arith.muli %arg1, %mul3A : i32
    %add3A = arith.addi %mul3A_0, %arg0 : i32
    %mul3A_1 = arith.constant 40 : i32
    %mul3A_2 = arith.muli %add3A, %mul3A_1 : i32
    %scan3A = arith.constant 0 : i32
    %scan3A_3 = arith.constant 0 : i32
    %scan3A_4 = arith.constant 10 : i32
    %scan3A_5 = arith.addi %scan3A_3, %scan3A_4 : i32
    %scan3A_6 = arith.constant 1 : i32
    scf.for %scan3A_8 = %scan3A_3 to %scan3A_5 step %scan3A_6  : i32 {
      %mul3A_9 = arith.constant 4 : i32
      %mul3A_10 = arith.muli %scan3A_8, %mul3A_9 : i32
      %add3A_11 = arith.addi %mul3A_2, %mul3A_10 : i32
      "tpu.region"() ({
        %run_scoped3A = tpu.sem_alloc : memref<!tpu.dma_semaphore, #tpu.memory_space<semaphore_mem>>
        %dma_start3A_92 = arith.constant 0 : i32
        %dma_start3A_93 = tpu.memref_slice %arg3[%add3A_11, %dma_start3A_92] : memref<1280x128xi32, #tpu.memory_space<hbm>> -> memref<4x128xi32, #tpu.memory_space<hbm>>
        %dma_start3A_94 = arith.constant 0 : i32
        %dma_start3A_95 = tpu.memref_slice %arg3[%add3A_11, %dma_start3A_94] : memref<1280x128xi32, #tpu.memory_space<hbm>> -> memref<4x128xi32, #tpu.memory_space<hbm>>
        tpu.enqueue_dma source(%dma_start3A_95 : memref<4x128xi32, #tpu.memory_space<hbm>>) target(%arg5 : memref<4x128xi32, #tpu.memory_space<vmem>>) target_semaphore(%run_scoped3A : memref<!tpu.dma_semaphore, #tpu.memory_space<semaphore_mem>>)
        %dma_wait3A_96 = arith.constant 0 : i32
        %dma_wait3A_97 = tpu.memref_slice %arg3[%add3A_11, %dma_wait3A_96] : memref<1280x128xi32, #tpu.memory_space<hbm>> -> memref<4x128xi32, #tpu.memory_space<hbm>>
        %dma_wait3A_98 = arith.constant 0 : i32
        %dma_wait3A_99 = tpu.memref_slice %arg3[%add3A_11, %dma_wait3A_98] : memref<1280x128xi32, #tpu.memory_space<hbm>> -> memref<4x128xi32, #tpu.memory_space<hbm>>
        tpu.wait_dma2 semaphore(%run_scoped3A : memref<!tpu.dma_semaphore, #tpu.memory_space<semaphore_mem>>) src(%dma_wait3A_99 : memref<4x128xi32, #tpu.memory_space<hbm>>) dst(%arg5 : memref<4x128xi32, #tpu.memory_space<vmem>>)
        tpu.yield
      }) : () -> ()
      %dma_start3A = arith.constant 0 : i32
      %dma_start3A_12 = arith.constant 0 : i32
      %dma_start3A_13 = arith.constant 0 : i32
      %dma_start3A_14 = tpu.memref_slice %arg6[%dma_start3A_12, %dma_start3A_13] : memref<512x128xf32, #tpu.memory_space<vmem>> -> memref<128x128xf32, #tpu.memory_space<vmem>>
      %dma_start3A_15 = arith.constant 0 : i32
      %dma_start3A_16 = tpu.memref_slice %arg5[%dma_start3A, %dma_start3A_15] : memref<4x128xi32, #tpu.memory_space<vmem>> -> memref<1x128xi32, #tpu.memory_space<vmem>>
      %dma_start3A_17 = tpu.memref_squeeze %dma_start3A_16 : memref<1x128xi32, #tpu.memory_space<vmem>> -> memref<128xi32, #tpu.memory_space<vmem>>
      %dma_start3A_18 = arith.constant 0 : i32
      %dma_start3A_19 = arith.constant 0 : i32
      %dma_start3A_20 = tpu.memref_slice %arg2[%dma_start3A_18, %dma_start3A_19] : memref<10000x128xf32, #tpu.memory_space<hbm>> -> memref<10000x128xf32, #tpu.memory_space<hbm>>
      tpu.enqueue_indirect_dma source(%dma_start3A_20 : memref<10000x128xf32, #tpu.memory_space<hbm>>) target(%dma_start3A_14 : memref<128x128xf32, #tpu.memory_space<vmem>>) offsets(%dma_start3A_17 : memref<128xi32, #tpu.memory_space<vmem>>) semaphore(%arg7 : memref<!tpu.dma_semaphore, #tpu.memory_space<semaphore_mem>>)
      %dma_start3A_21 = arith.constant 1 : i32
      %dma_start3A_22 = arith.constant 128 : i32
      %dma_start3A_23 = arith.constant 0 : i32
      %dma_start3A_24 = tpu.memref_slice %arg6[%dma_start3A_22, %dma_start3A_23] : memref<512x128xf32, #tpu.memory_space<vmem>> -> memref<128x128xf32, #tpu.memory_space<vmem>>
      %dma_start3A_25 = arith.constant 0 : i32
      %dma_start3A_26 = tpu.memref_slice %arg5[%dma_start3A_21, %dma_start3A_25] : memref<4x128xi32, #tpu.memory_space<vmem>> -> memref<1x128xi32, #tpu.memory_space<vmem>>
      %dma_start3A_27 = tpu.memref_squeeze %dma_start3A_26 : memref<1x128xi32, #tpu.memory_space<vmem>> -> memref<128xi32, #tpu.memory_space<vmem>>
      %dma_start3A_28 = arith.constant 0 : i32
      %dma_start3A_29 = arith.constant 0 : i32
      %dma_start3A_30 = tpu.memref_slice %arg2[%dma_start3A_28, %dma_start3A_29] : memref<10000x128xf32, #tpu.memory_space<hbm>> -> memref<10000x128xf32, #tpu.memory_space<hbm>>
      tpu.enqueue_indirect_dma source(%dma_start3A_30 : memref<10000x128xf32, #tpu.memory_space<hbm>>) target(%dma_start3A_24 : memref<128x128xf32, #tpu.memory_space<vmem>>) offsets(%dma_start3A_27 : memref<128xi32, #tpu.memory_space<vmem>>) semaphore(%arg7 : memref<!tpu.dma_semaphore, #tpu.memory_space<semaphore_mem>>)
      %dma_start3A_31 = arith.constant 2 : i32
      %dma_start3A_32 = arith.constant 256 : i32
      %dma_start3A_33 = arith.constant 0 : i32
      %dma_start3A_34 = tpu.memref_slice %arg6[%dma_start3A_32, %dma_start3A_33] : memref<512x128xf32, #tpu.memory_space<vmem>> -> memref<128x128xf32, #tpu.memory_space<vmem>>
      %dma_start3A_35 = arith.constant 0 : i32
      %dma_start3A_36 = tpu.memref_slice %arg5[%dma_start3A_31, %dma_start3A_35] : memref<4x128xi32, #tpu.memory_space<vmem>> -> memref<1x128xi32, #tpu.memory_space<vmem>>
      %dma_start3A_37 = tpu.memref_squeeze %dma_start3A_36 : memref<1x128xi32, #tpu.memory_space<vmem>> -> memref<128xi32, #tpu.memory_space<vmem>>
      %dma_start3A_38 = arith.constant 0 : i32
      %dma_start3A_39 = arith.constant 0 : i32
      %dma_start3A_40 = tpu.memref_slice %arg2[%dma_start3A_38, %dma_start3A_39] : memref<10000x128xf32, #tpu.memory_space<hbm>> -> memref<10000x128xf32, #tpu.memory_space<hbm>>
      tpu.enqueue_indirect_dma source(%dma_start3A_40 : memref<10000x128xf32, #tpu.memory_space<hbm>>) target(%dma_start3A_34 : memref<128x128xf32, #tpu.memory_space<vmem>>) offsets(%dma_start3A_37 : memref<128xi32, #tpu.memory_space<vmem>>) semaphore(%arg7 : memref<!tpu.dma_semaphore, #tpu.memory_space<semaphore_mem>>)
      %dma_start3A_41 = arith.constant 3 : i32
      %dma_start3A_42 = arith.constant 384 : i32
      %dma_start3A_43 = arith.constant 0 : i32
      %dma_start3A_44 = tpu.memref_slice %arg6[%dma_start3A_42, %dma_start3A_43] : memref<512x128xf32, #tpu.memory_space<vmem>> -> memref<128x128xf32, #tpu.memory_space<vmem>>
      %dma_start3A_45 = arith.constant 0 : i32
      %dma_start3A_46 = tpu.memref_slice %arg5[%dma_start3A_41, %dma_start3A_45] : memref<4x128xi32, #tpu.memory_space<vmem>> -> memref<1x128xi32, #tpu.memory_space<vmem>>
      %dma_start3A_47 = tpu.memref_squeeze %dma_start3A_46 : memref<1x128xi32, #tpu.memory_space<vmem>> -> memref<128xi32, #tpu.memory_space<vmem>>
      %dma_start3A_48 = arith.constant 0 : i32
      %dma_start3A_49 = arith.constant 0 : i32
      %dma_start3A_50 = tpu.memref_slice %arg2[%dma_start3A_48, %dma_start3A_49] : memref<10000x128xf32, #tpu.memory_space<hbm>> -> memref<10000x128xf32, #tpu.memory_space<hbm>>
      tpu.enqueue_indirect_dma source(%dma_start3A_50 : memref<10000x128xf32, #tpu.memory_space<hbm>>) target(%dma_start3A_44 : memref<128x128xf32, #tpu.memory_space<vmem>>) offsets(%dma_start3A_47 : memref<128xi32, #tpu.memory_space<vmem>>) semaphore(%arg7 : memref<!tpu.dma_semaphore, #tpu.memory_space<semaphore_mem>>)
      %dma_wait3A = arith.constant 0 : i32
      %dma_wait3A_51 = arith.constant 0 : i32
      %dma_wait3A_52 = arith.constant 0 : i32
      %dma_wait3A_53 = tpu.memref_slice %arg6[%dma_wait3A_51, %dma_wait3A_52] : memref<512x128xf32, #tpu.memory_space<vmem>> -> memref<128x128xf32, #tpu.memory_space<vmem>>
      %dma_wait3A_54 = arith.constant 0 : i32
      %dma_wait3A_55 = tpu.memref_slice %arg5[%dma_wait3A, %dma_wait3A_54] : memref<4x128xi32, #tpu.memory_space<vmem>> -> memref<1x128xi32, #tpu.memory_space<vmem>>
      %dma_wait3A_56 = tpu.memref_squeeze %dma_wait3A_55 : memref<1x128xi32, #tpu.memory_space<vmem>> -> memref<128xi32, #tpu.memory_space<vmem>>
      %dma_wait3A_57 = arith.constant 0 : i32
      %dma_wait3A_58 = arith.constant 0 : i32
      %dma_wait3A_59 = tpu.memref_slice %arg2[%dma_wait3A_57, %dma_wait3A_58] : memref<10000x128xf32, #tpu.memory_space<hbm>> -> memref<10000x128xf32, #tpu.memory_space<hbm>>
      tpu.wait_indirect_dma semaphore(%arg7 : memref<!tpu.dma_semaphore, #tpu.memory_space<semaphore_mem>>) src(%dma_wait3A_59 : memref<10000x128xf32, #tpu.memory_space<hbm>>) dst(%dma_wait3A_53 : memref<128x128xf32, #tpu.memory_space<vmem>>)
      %dma_wait3A_60 = arith.constant 1 : i32
      %dma_wait3A_61 = arith.constant 128 : i32
      %dma_wait3A_62 = arith.constant 0 : i32
      %dma_wait3A_63 = tpu.memref_slice %arg6[%dma_wait3A_61, %dma_wait3A_62] : memref<512x128xf32, #tpu.memory_space<vmem>> -> memref<128x128xf32, #tpu.memory_space<vmem>>
      %dma_wait3A_64 = arith.constant 0 : i32
      %dma_wait3A_65 = tpu.memref_slice %arg5[%dma_wait3A_60, %dma_wait3A_64] : memref<4x128xi32, #tpu.memory_space<vmem>> -> memref<1x128xi32, #tpu.memory_space<vmem>>
      %dma_wait3A_66 = tpu.memref_squeeze %dma_wait3A_65 : memref<1x128xi32, #tpu.memory_space<vmem>> -> memref<128xi32, #tpu.memory_space<vmem>>
      %dma_wait3A_67 = arith.constant 0 : i32
      %dma_wait3A_68 = arith.constant 0 : i32
      %dma_wait3A_69 = tpu.memref_slice %arg2[%dma_wait3A_67, %dma_wait3A_68] : memref<10000x128xf32, #tpu.memory_space<hbm>> -> memref<10000x128xf32, #tpu.memory_space<hbm>>
      tpu.wait_indirect_dma semaphore(%arg7 : memref<!tpu.dma_semaphore, #tpu.memory_space<semaphore_mem>>) src(%dma_wait3A_69 : memref<10000x128xf32, #tpu.memory_space<hbm>>) dst(%dma_wait3A_63 : memref<128x128xf32, #tpu.memory_space<vmem>>)
      %dma_wait3A_70 = arith.constant 2 : i32
      %dma_wait3A_71 = arith.constant 256 : i32
      %dma_wait3A_72 = arith.constant 0 : i32
      %dma_wait3A_73 = tpu.memref_slice %arg6[%dma_wait3A_71, %dma_wait3A_72] : memref<512x128xf32, #tpu.memory_space<vmem>> -> memref<128x128xf32, #tpu.memory_space<vmem>>
      %dma_wait3A_74 = arith.constant 0 : i32
      %dma_wait3A_75 = tpu.memref_slice %arg5[%dma_wait3A_70, %dma_wait3A_74] : memref<4x128xi32, #tpu.memory_space<vmem>> -> memref<1x128xi32, #tpu.memory_space<vmem>>
      %dma_wait3A_76 = tpu.memref_squeeze %dma_wait3A_75 : memref<1x128xi32, #tpu.memory_space<vmem>> -> memref<128xi32, #tpu.memory_space<vmem>>
      %dma_wait3A_77 = arith.constant 0 : i32
      %dma_wait3A_78 = arith.constant 0 : i32
      %dma_wait3A_79 = tpu.memref_slice %arg2[%dma_wait3A_77, %dma_wait3A_78] : memref<10000x128xf32, #tpu.memory_space<hbm>> -> memref<10000x128xf32, #tpu.memory_space<hbm>>
      tpu.wait_indirect_dma semaphore(%arg7 : memref<!tpu.dma_semaphore, #tpu.memory_space<semaphore_mem>>) src(%dma_wait3A_79 : memref<10000x128xf32, #tpu.memory_space<hbm>>) dst(%dma_wait3A_73 : memref<128x128xf32, #tpu.memory_space<vmem>>)
      %dma_wait3A_80 = arith.constant 3 : i32
      %dma_wait3A_81 = arith.constant 384 : i32
      %dma_wait3A_82 = arith.constant 0 : i32
      %dma_wait3A_83 = tpu.memref_slice %arg6[%dma_wait3A_81, %dma_wait3A_82] : memref<512x128xf32, #tpu.memory_space<vmem>> -> memref<128x128xf32, #tpu.memory_space<vmem>>
      %dma_wait3A_84 = arith.constant 0 : i32
      %dma_wait3A_85 = tpu.memref_slice %arg5[%dma_wait3A_80, %dma_wait3A_84] : memref<4x128xi32, #tpu.memory_space<vmem>> -> memref<1x128xi32, #tpu.memory_space<vmem>>
      %dma_wait3A_86 = tpu.memref_squeeze %dma_wait3A_85 : memref<1x128xi32, #tpu.memory_space<vmem>> -> memref<128xi32, #tpu.memory_space<vmem>>
      %dma_wait3A_87 = arith.constant 0 : i32
      %dma_wait3A_88 = arith.constant 0 : i32
      %dma_wait3A_89 = tpu.memref_slice %arg2[%dma_wait3A_87, %dma_wait3A_88] : memref<10000x128xf32, #tpu.memory_space<hbm>> -> memref<10000x128xf32, #tpu.memory_space<hbm>>
      tpu.wait_indirect_dma semaphore(%arg7 : memref<!tpu.dma_semaphore, #tpu.memory_space<semaphore_mem>>) src(%dma_wait3A_89 : memref<10000x128xf32, #tpu.memory_space<hbm>>) dst(%dma_wait3A_83 : memref<128x128xf32, #tpu.memory_space<vmem>>)
      %mul3A_90 = arith.constant 128 : i32
      %mul3A_91 = arith.muli %add3A_11, %mul3A_90 : i32
      "tpu.region"() ({
        %run_scoped3A = tpu.sem_alloc : memref<!tpu.dma_semaphore, #tpu.memory_space<semaphore_mem>>
        %dma_start3A_92 = arith.constant 0 : i32
        %dma_start3A_93 = tpu.memref_slice %arg4[%mul3A_91, %dma_start3A_92] : memref<163840x128xf32, #tpu.memory_space<hbm>> -> memref<512x128xf32, #tpu.memory_space<hbm>>
        %dma_start3A_94 = arith.constant 0 : i32
        %dma_start3A_95 = tpu.memref_slice %arg4[%mul3A_91, %dma_start3A_94] : memref<163840x128xf32, #tpu.memory_space<hbm>> -> memref<512x128xf32, #tpu.memory_space<hbm>>
        tpu.enqueue_dma source(%arg6 : memref<512x128xf32, #tpu.memory_space<vmem>>) target(%dma_start3A_95 : memref<512x128xf32, #tpu.memory_space<hbm>>) target_semaphore(%run_scoped3A : memref<!tpu.dma_semaphore, #tpu.memory_space<semaphore_mem>>)
        %dma_wait3A_96 = arith.constant 0 : i32
        %dma_wait3A_97 = tpu.memref_slice %arg4[%mul3A_91, %dma_wait3A_96] : memref<163840x128xf32, #tpu.memory_space<hbm>> -> memref<512x128xf32, #tpu.memory_space<hbm>>
        %dma_wait3A_98 = arith.constant 0 : i32
        %dma_wait3A_99 = tpu.memref_slice %arg4[%mul3A_91, %dma_wait3A_98] : memref<163840x128xf32, #tpu.memory_space<hbm>> -> memref<512x128xf32, #tpu.memory_space<hbm>>
        tpu.wait_dma2 semaphore(%run_scoped3A : memref<!tpu.dma_semaphore, #tpu.memory_space<semaphore_mem>>) src(%arg6 : memref<512x128xf32, #tpu.memory_space<vmem>>) dst(%dma_wait3A_99 : memref<512x128xf32, #tpu.memory_space<hbm>>)
        tpu.yield
      }) : () -> ()
    }
    %scan3A_7 = arith.constant 10 : i32
    return
  }
}

#map = affine_map<(d0, d1) -> (0, 0)>
module attributes {stable_mosaic.version = 14 : i64} {
  func.func @_sc_scatter(%arg0: i32, %arg1: i32, %arg2: memref<163840x128xf32, #tpu.memory_space<hbm>>, %arg3: memref<1280x128xi32, #tpu.memory_space<hbm>>, %arg4: memref<640x128xf32, #tpu.memory_space<hbm>>, %arg5: memref<20480x128xf32, #tpu.memory_space<hbm>>, %arg6: memref<128xi32, #tpu.memory_space<vmem>>, %arg7: memref<128xi32, #tpu.memory_space<vmem>>, %arg8: memref<128x128xf32, #tpu.memory_space<vmem>>, %arg9: memref<128x128xf32, #tpu.memory_space<vmem>>, %arg10: memref<!tpu.dma_semaphore, #tpu.memory_space<semaphore_mem>>, %arg11: memref<!tpu.dma_semaphore, #tpu.memory_space<semaphore_mem>>, %arg12: memref<10240x128xf32, #tpu.memory_space<vmem_shared>>) attributes {dimension_semantics = [#tpu.dimension_semantics<core_parallel>, #tpu.dimension_semantics<subcore_parallel>], iteration_bounds = array<i64: 2, 16>, scalar_prefetch = 0 : i64, scratch_operands = 7 : i64, tpu.core_type = #tpu.core_type<sc_vector_subcore>, window_params = [{transform_indices = #map}, {transform_indices = #map}, {transform_indices = #map}, {transform_indices = #map}]} {
    %mul3A = arith.constant 2 : i32
    %mul3A_0 = arith.muli %arg1, %mul3A : i32
    %add3A = arith.addi %mul3A_0, %arg0 : i32
    %mul3A_1 = arith.constant 40 : i32
    %mul3A_2 = arith.muli %add3A, %mul3A_1 : i32
    %mul3A_3 = arith.constant 640 : i32
    %mul3A_4 = arith.muli %arg1, %mul3A_3 : i32
    "tpu.region"() ({
      %run_scoped3A = tpu.sem_alloc : memref<!tpu.dma_semaphore, #tpu.memory_space<semaphore_mem>>
      %dma_start3A_23 = arith.constant 0 : i32
      %dma_start3A_24 = tpu.memref_slice %arg12[%mul3A_4, %dma_start3A_23] : memref<10240x128xf32, #tpu.memory_space<vmem_shared>> -> memref<640x128xf32, #tpu.memory_space<vmem_shared>>
      tpu.enqueue_dma source(%arg4 : memref<640x128xf32, #tpu.memory_space<hbm>>) target(%dma_start3A_24 : memref<640x128xf32, #tpu.memory_space<vmem_shared>>) target_semaphore(%run_scoped3A : memref<!tpu.dma_semaphore, #tpu.memory_space<semaphore_mem>>)
      %dma_wait3A = arith.constant 0 : i32
      %dma_wait3A_25 = tpu.memref_slice %arg12[%mul3A_4, %dma_wait3A] : memref<10240x128xf32, #tpu.memory_space<vmem_shared>> -> memref<640x128xf32, #tpu.memory_space<vmem_shared>>
      tpu.wait_dma2 semaphore(%run_scoped3A : memref<!tpu.dma_semaphore, #tpu.memory_space<semaphore_mem>>) src(%arg4 : memref<640x128xf32, #tpu.memory_space<hbm>>) dst(%dma_wait3A_25 : memref<640x128xf32, #tpu.memory_space<vmem_shared>>)
      tpu.yield
    }) : () -> ()
    %barrier3A = arith.constant 0 : index
    tpu.barrier barrier_id(%barrier3A)
    "tpu.region"() ({
      %run_scoped3A = tpu.sem_alloc : memref<!tpu.dma_semaphore, #tpu.memory_space<semaphore_mem>>
      %dma_start3A_23 = arith.constant 0 : i32
      %dma_start3A_24 = tpu.memref_slice %arg3[%mul3A_2, %dma_start3A_23] : memref<1280x128xi32, #tpu.memory_space<hbm>> -> memref<1x128xi32, #tpu.memory_space<hbm>>
      %dma_start3A_25 = tpu.memref_squeeze %dma_start3A_24 : memref<1x128xi32, #tpu.memory_space<hbm>> -> memref<128xi32, #tpu.memory_space<hbm>>
      %dma_start3A_26 = arith.constant 0 : i32
      %dma_start3A_27 = tpu.memref_slice %arg3[%mul3A_2, %dma_start3A_26] : memref<1280x128xi32, #tpu.memory_space<hbm>> -> memref<1x128xi32, #tpu.memory_space<hbm>>
      %dma_start3A_28 = tpu.memref_squeeze %dma_start3A_27 : memref<1x128xi32, #tpu.memory_space<hbm>> -> memref<128xi32, #tpu.memory_space<hbm>>
      tpu.enqueue_dma source(%dma_start3A_28 : memref<128xi32, #tpu.memory_space<hbm>>) target(%arg6 : memref<128xi32, #tpu.memory_space<vmem>>) target_semaphore(%run_scoped3A : memref<!tpu.dma_semaphore, #tpu.memory_space<semaphore_mem>>)
      %dma_wait3A = arith.constant 0 : i32
      %dma_wait3A_29 = tpu.memref_slice %arg3[%mul3A_2, %dma_wait3A] : memref<1280x128xi32, #tpu.memory_space<hbm>> -> memref<1x128xi32, #tpu.memory_space<hbm>>
      %dma_wait3A_30 = tpu.memref_squeeze %dma_wait3A_29 : memref<1x128xi32, #tpu.memory_space<hbm>> -> memref<128xi32, #tpu.memory_space<hbm>>
      %dma_wait3A_31 = arith.constant 0 : i32
      %dma_wait3A_32 = tpu.memref_slice %arg3[%mul3A_2, %dma_wait3A_31] : memref<1280x128xi32, #tpu.memory_space<hbm>> -> memref<1x128xi32, #tpu.memory_space<hbm>>
      %dma_wait3A_33 = tpu.memref_squeeze %dma_wait3A_32 : memref<1x128xi32, #tpu.memory_space<hbm>> -> memref<128xi32, #tpu.memory_space<hbm>>
      tpu.wait_dma2 semaphore(%run_scoped3A : memref<!tpu.dma_semaphore, #tpu.memory_space<semaphore_mem>>) src(%dma_wait3A_33 : memref<128xi32, #tpu.memory_space<hbm>>) dst(%arg6 : memref<128xi32, #tpu.memory_space<vmem>>)
      tpu.yield
    }) : () -> ()
    %mul3A_5 = arith.constant 128 : i32
    %mul3A_6 = arith.muli %mul3A_2, %mul3A_5 : i32
    %dma_start3A = arith.constant 0 : i32
    %dma_start3A_7 = tpu.memref_slice %arg2[%mul3A_6, %dma_start3A] : memref<163840x128xf32, #tpu.memory_space<hbm>> -> memref<128x128xf32, #tpu.memory_space<hbm>>
    %dma_start3A_8 = arith.constant 0 : i32
    %dma_start3A_9 = tpu.memref_slice %arg2[%mul3A_6, %dma_start3A_8] : memref<163840x128xf32, #tpu.memory_space<hbm>> -> memref<128x128xf32, #tpu.memory_space<hbm>>
    tpu.enqueue_dma source(%dma_start3A_9 : memref<128x128xf32, #tpu.memory_space<hbm>>) target(%arg8 : memref<128x128xf32, #tpu.memory_space<vmem>>) target_semaphore(%arg10 : memref<!tpu.dma_semaphore, #tpu.memory_space<semaphore_mem>>)
    %scan3A = arith.constant 0 : i32
    %scan3A_10 = arith.constant 0 : i32
    %scan3A_11 = arith.constant 20 : i32
    %scan3A_12 = arith.addi %scan3A_10, %scan3A_11 : i32
    %scan3A_13 = arith.constant 1 : i32
    scf.for %scan3A_23 = %scan3A_10 to %scan3A_12 step %scan3A_13  : i32 {
      %mul3A_24 = arith.constant 2 : i32
      %mul3A_25 = arith.muli %scan3A_23, %mul3A_24 : i32
      %add3A_26 = arith.constant 0 : i32
      %add3A_27 = arith.addi %mul3A_25, %add3A_26 : i32
      %add3A_28 = arith.addi %mul3A_2, %add3A_27 : i32
      %mul3A_29 = arith.constant 128 : i32
      %mul3A_30 = arith.muli %add3A_28, %mul3A_29 : i32
      %dma_wait3A = arith.constant 0 : i32
      %dma_wait3A_31 = tpu.memref_slice %arg2[%mul3A_30, %dma_wait3A] : memref<163840x128xf32, #tpu.memory_space<hbm>> -> memref<128x128xf32, #tpu.memory_space<hbm>>
      %dma_wait3A_32 = arith.constant 0 : i32
      %dma_wait3A_33 = tpu.memref_slice %arg2[%mul3A_30, %dma_wait3A_32] : memref<163840x128xf32, #tpu.memory_space<hbm>> -> memref<128x128xf32, #tpu.memory_space<hbm>>
      tpu.wait_dma2 semaphore(%arg10 : memref<!tpu.dma_semaphore, #tpu.memory_space<semaphore_mem>>) src(%dma_wait3A_33 : memref<128x128xf32, #tpu.memory_space<hbm>>) dst(%arg8 : memref<128x128xf32, #tpu.memory_space<vmem>>)
      %add3A_34 = arith.constant 1 : i32
      %add3A_35 = arith.addi %add3A_27, %add3A_34 : i32
      %lt3A = arith.constant 40 : i32
      %lt3A_36 = arith.cmpi slt, %add3A_35, %lt3A : i32
      %convert_element_type3A = arith.extui %lt3A_36 : i1 to i32
      %cond3A = arith.constant 0 : i32
      %cond3A_37 = arith.cmpi ne, %convert_element_type3A, %cond3A : i32
      scf.if %cond3A_37 {
        %add3A_56 = arith.constant 1 : i32
        %add3A_57 = arith.addi %add3A_28, %add3A_56 : i32
        "tpu.region"() ({
          %run_scoped3A = tpu.sem_alloc : memref<!tpu.dma_semaphore, #tpu.memory_space<semaphore_mem>>
          %dma_start3A_66 = arith.constant 0 : i32
          %dma_start3A_67 = tpu.memref_slice %arg3[%add3A_57, %dma_start3A_66] : memref<1280x128xi32, #tpu.memory_space<hbm>> -> memref<1x128xi32, #tpu.memory_space<hbm>>
          %dma_start3A_68 = tpu.memref_squeeze %dma_start3A_67 : memref<1x128xi32, #tpu.memory_space<hbm>> -> memref<128xi32, #tpu.memory_space<hbm>>
          %dma_start3A_69 = arith.constant 0 : i32
          %dma_start3A_70 = tpu.memref_slice %arg3[%add3A_57, %dma_start3A_69] : memref<1280x128xi32, #tpu.memory_space<hbm>> -> memref<1x128xi32, #tpu.memory_space<hbm>>
          %dma_start3A_71 = tpu.memref_squeeze %dma_start3A_70 : memref<1x128xi32, #tpu.memory_space<hbm>> -> memref<128xi32, #tpu.memory_space<hbm>>
          tpu.enqueue_dma source(%dma_start3A_71 : memref<128xi32, #tpu.memory_space<hbm>>) target(%arg7 : memref<128xi32, #tpu.memory_space<vmem>>) target_semaphore(%run_scoped3A : memref<!tpu.dma_semaphore, #tpu.memory_space<semaphore_mem>>)
          %dma_wait3A_72 = arith.constant 0 : i32
          %dma_wait3A_73 = tpu.memref_slice %arg3[%add3A_57, %dma_wait3A_72] : memref<1280x128xi32, #tpu.memory_space<hbm>> -> memref<1x128xi32, #tpu.memory_space<hbm>>
          %dma_wait3A_74 = tpu.memref_squeeze %dma_wait3A_73 : memref<1x128xi32, #tpu.memory_space<hbm>> -> memref<128xi32, #tpu.memory_space<hbm>>
          %dma_wait3A_75 = arith.constant 0 : i32
          %dma_wait3A_76 = tpu.memref_slice %arg3[%add3A_57, %dma_wait3A_75] : memref<1280x128xi32, #tpu.memory_space<hbm>> -> memref<1x128xi32, #tpu.memory_space<hbm>>
          %dma_wait3A_77 = tpu.memref_squeeze %dma_wait3A_76 : memref<1x128xi32, #tpu.memory_space<hbm>> -> memref<128xi32, #tpu.memory_space<hbm>>
          tpu.wait_dma2 semaphore(%run_scoped3A : memref<!tpu.dma_semaphore, #tpu.memory_space<semaphore_mem>>) src(%dma_wait3A_77 : memref<128xi32, #tpu.memory_space<hbm>>) dst(%arg7 : memref<128xi32, #tpu.memory_space<vmem>>)
          tpu.yield
        }) : () -> ()
        %add3A_58 = arith.constant 1 : i32
        %add3A_59 = arith.addi %add3A_28, %add3A_58 : i32
        %mul3A_60 = arith.constant 128 : i32
        %mul3A_61 = arith.muli %add3A_59, %mul3A_60 : i32
        %dma_start3A_62 = arith.constant 0 : i32
        %dma_start3A_63 = tpu.memref_slice %arg2[%mul3A_61, %dma_start3A_62] : memref<163840x128xf32, #tpu.memory_space<hbm>> -> memref<128x128xf32, #tpu.memory_space<hbm>>
        %dma_start3A_64 = arith.constant 0 : i32
        %dma_start3A_65 = tpu.memref_slice %arg2[%mul3A_61, %dma_start3A_64] : memref<163840x128xf32, #tpu.memory_space<hbm>> -> memref<128x128xf32, #tpu.memory_space<hbm>>
        tpu.enqueue_dma source(%dma_start3A_65 : memref<128x128xf32, #tpu.memory_space<hbm>>) target(%arg9 : memref<128x128xf32, #tpu.memory_space<vmem>>) target_semaphore(%arg11 : memref<!tpu.dma_semaphore, #tpu.memory_space<semaphore_mem>>)
      } else {
      }
      "tpu.region"() ({
        %run_scoped3A = tpu.sem_alloc : memref<!tpu.dma_semaphore, #tpu.memory_space<semaphore_mem>>
        %dma_start3A_56 = arith.constant 0 : i32
        %dma_start3A_57 = arith.constant 0 : i32
        %dma_start3A_58 = tpu.memref_slice %arg12[%dma_start3A_56, %dma_start3A_57] : memref<10240x128xf32, #tpu.memory_space<vmem_shared>> -> memref<10240x128xf32, #tpu.memory_space<vmem_shared>>
        tpu.enqueue_indirect_dma source(%arg8 : memref<128x128xf32, #tpu.memory_space<vmem>>) target(%dma_start3A_58 : memref<10240x128xf32, #tpu.memory_space<vmem_shared>>) offsets(%arg6 : memref<128xi32, #tpu.memory_space<vmem>>) semaphore(%run_scoped3A : memref<!tpu.dma_semaphore, #tpu.memory_space<semaphore_mem>>) {add = true}
        %dma_wait3A_59 = arith.constant 0 : i32
        %dma_wait3A_60 = arith.constant 0 : i32
        %dma_wait3A_61 = tpu.memref_slice %arg12[%dma_wait3A_59, %dma_wait3A_60] : memref<10240x128xf32, #tpu.memory_space<vmem_shared>> -> memref<10240x128xf32, #tpu.memory_space<vmem_shared>>
        tpu.wait_indirect_dma semaphore(%run_scoped3A : memref<!tpu.dma_semaphore, #tpu.memory_space<semaphore_mem>>) src(%arg8 : memref<128x128xf32, #tpu.memory_space<vmem>>) dst(%dma_wait3A_61 : memref<10240x128xf32, #tpu.memory_space<vmem_shared>>)
        tpu.yield
      }) : () -> ()
      %mul3A_38 = arith.constant 2 : i32
      %mul3A_39 = arith.muli %scan3A_23, %mul3A_38 : i32
      %add3A_40 = arith.constant 1 : i32
      %add3A_41 = arith.addi %mul3A_39, %add3A_40 : i32
      %add3A_42 = arith.addi %mul3A_2, %add3A_41 : i32
      %mul3A_43 = arith.constant 128 : i32
      %mul3A_44 = arith.muli %add3A_42, %mul3A_43 : i32
      %dma_wait3A_45 = arith.constant 0 : i32
      %dma_wait3A_46 = tpu.memref_slice %arg2[%mul3A_44, %dma_wait3A_45] : memref<163840x128xf32, #tpu.memory_space<hbm>> -> memref<128x128xf32, #tpu.memory_space<hbm>>
      %dma_wait3A_47 = arith.constant 0 : i32
      %dma_wait3A_48 = tpu.memref_slice %arg2[%mul3A_44, %dma_wait3A_47] : memref<163840x128xf32, #tpu.memory_space<hbm>> -> memref<128x128xf32, #tpu.memory_space<hbm>>
      tpu.wait_dma2 semaphore(%arg11 : memref<!tpu.dma_semaphore, #tpu.memory_space<semaphore_mem>>) src(%dma_wait3A_48 : memref<128x128xf32, #tpu.memory_space<hbm>>) dst(%arg9 : memref<128x128xf32, #tpu.memory_space<vmem>>)
      %add3A_49 = arith.constant 1 : i32
      %add3A_50 = arith.addi %add3A_41, %add3A_49 : i32
      %lt3A_51 = arith.constant 40 : i32
      %lt3A_52 = arith.cmpi slt, %add3A_50, %lt3A_51 : i32
      %convert_element_type3A_53 = arith.extui %lt3A_52 : i1 to i32
      %cond3A_54 = arith.constant 0 : i32
      %cond3A_55 = arith.cmpi ne, %convert_element_type3A_53, %cond3A_54 : i32
      scf.if %cond3A_55 {
        %add3A_56 = arith.constant 1 : i32
        %add3A_57 = arith.addi %add3A_42, %add3A_56 : i32
        "tpu.region"() ({
          %run_scoped3A = tpu.sem_alloc : memref<!tpu.dma_semaphore, #tpu.memory_space<semaphore_mem>>
          %dma_start3A_66 = arith.constant 0 : i32
          %dma_start3A_67 = tpu.memref_slice %arg3[%add3A_57, %dma_start3A_66] : memref<1280x128xi32, #tpu.memory_space<hbm>> -> memref<1x128xi32, #tpu.memory_space<hbm>>
          %dma_start3A_68 = tpu.memref_squeeze %dma_start3A_67 : memref<1x128xi32, #tpu.memory_space<hbm>> -> memref<128xi32, #tpu.memory_space<hbm>>
          %dma_start3A_69 = arith.constant 0 : i32
          %dma_start3A_70 = tpu.memref_slice %arg3[%add3A_57, %dma_start3A_69] : memref<1280x128xi32, #tpu.memory_space<hbm>> -> memref<1x128xi32, #tpu.memory_space<hbm>>
          %dma_start3A_71 = tpu.memref_squeeze %dma_start3A_70 : memref<1x128xi32, #tpu.memory_space<hbm>> -> memref<128xi32, #tpu.memory_space<hbm>>
          tpu.enqueue_dma source(%dma_start3A_71 : memref<128xi32, #tpu.memory_space<hbm>>) target(%arg6 : memref<128xi32, #tpu.memory_space<vmem>>) target_semaphore(%run_scoped3A : memref<!tpu.dma_semaphore, #tpu.memory_space<semaphore_mem>>)
          %dma_wait3A_72 = arith.constant 0 : i32
          %dma_wait3A_73 = tpu.memref_slice %arg3[%add3A_57, %dma_wait3A_72] : memref<1280x128xi32, #tpu.memory_space<hbm>> -> memref<1x128xi32, #tpu.memory_space<hbm>>
          %dma_wait3A_74 = tpu.memref_squeeze %dma_wait3A_73 : memref<1x128xi32, #tpu.memory_space<hbm>> -> memref<128xi32, #tpu.memory_space<hbm>>
          %dma_wait3A_75 = arith.constant 0 : i32
          %dma_wait3A_76 = tpu.memref_slice %arg3[%add3A_57, %dma_wait3A_75] : memref<1280x128xi32, #tpu.memory_space<hbm>> -> memref<1x128xi32, #tpu.memory_space<hbm>>
          %dma_wait3A_77 = tpu.memref_squeeze %dma_wait3A_76 : memref<1x128xi32, #tpu.memory_space<hbm>> -> memref<128xi32, #tpu.memory_space<hbm>>
          tpu.wait_dma2 semaphore(%run_scoped3A : memref<!tpu.dma_semaphore, #tpu.memory_space<semaphore_mem>>) src(%dma_wait3A_77 : memref<128xi32, #tpu.memory_space<hbm>>) dst(%arg6 : memref<128xi32, #tpu.memory_space<vmem>>)
          tpu.yield
        }) : () -> ()
        %add3A_58 = arith.constant 1 : i32
        %add3A_59 = arith.addi %add3A_42, %add3A_58 : i32
        %mul3A_60 = arith.constant 128 : i32
        %mul3A_61 = arith.muli %add3A_59, %mul3A_60 : i32
        %dma_start3A_62 = arith.constant 0 : i32
        %dma_start3A_63 = tpu.memref_slice %arg2[%mul3A_61, %dma_start3A_62] : memref<163840x128xf32, #tpu.memory_space<hbm>> -> memref<128x128xf32, #tpu.memory_space<hbm>>
        %dma_start3A_64 = arith.constant 0 : i32
        %dma_start3A_65 = tpu.memref_slice %arg2[%mul3A_61, %dma_start3A_64] : memref<163840x128xf32, #tpu.memory_space<hbm>> -> memref<128x128xf32, #tpu.memory_space<hbm>>
        tpu.enqueue_dma source(%dma_start3A_65 : memref<128x128xf32, #tpu.memory_space<hbm>>) target(%arg8 : memref<128x128xf32, #tpu.memory_space<vmem>>) target_semaphore(%arg10 : memref<!tpu.dma_semaphore, #tpu.memory_space<semaphore_mem>>)
      } else {
      }
      "tpu.region"() ({
        %run_scoped3A = tpu.sem_alloc : memref<!tpu.dma_semaphore, #tpu.memory_space<semaphore_mem>>
        %dma_start3A_56 = arith.constant 0 : i32
        %dma_start3A_57 = arith.constant 0 : i32
        %dma_start3A_58 = tpu.memref_slice %arg12[%dma_start3A_56, %dma_start3A_57] : memref<10240x128xf32, #tpu.memory_space<vmem_shared>> -> memref<10240x128xf32, #tpu.memory_space<vmem_shared>>
        tpu.enqueue_indirect_dma source(%arg9 : memref<128x128xf32, #tpu.memory_space<vmem>>) target(%dma_start3A_58 : memref<10240x128xf32, #tpu.memory_space<vmem_shared>>) offsets(%arg7 : memref<128xi32, #tpu.memory_space<vmem>>) semaphore(%run_scoped3A : memref<!tpu.dma_semaphore, #tpu.memory_space<semaphore_mem>>) {add = true}
        %dma_wait3A_59 = arith.constant 0 : i32
        %dma_wait3A_60 = arith.constant 0 : i32
        %dma_wait3A_61 = tpu.memref_slice %arg12[%dma_wait3A_59, %dma_wait3A_60] : memref<10240x128xf32, #tpu.memory_space<vmem_shared>> -> memref<10240x128xf32, #tpu.memory_space<vmem_shared>>
        tpu.wait_indirect_dma semaphore(%run_scoped3A : memref<!tpu.dma_semaphore, #tpu.memory_space<semaphore_mem>>) src(%arg9 : memref<128x128xf32, #tpu.memory_space<vmem>>) dst(%dma_wait3A_61 : memref<10240x128xf32, #tpu.memory_space<vmem_shared>>)
        tpu.yield
      }) : () -> ()
    }
    %scan3A_14 = arith.constant 20 : i32
    %barrier3A_15 = arith.constant 0 : index
    tpu.barrier barrier_id(%barrier3A_15)
    %mul3A_16 = arith.constant 640 : i32
    %mul3A_17 = arith.muli %arg1, %mul3A_16 : i32
    %mul3A_18 = arith.constant 10240 : i32
    %mul3A_19 = arith.muli %arg0, %mul3A_18 : i32
    %mul3A_20 = arith.constant 640 : i32
    %mul3A_21 = arith.muli %arg1, %mul3A_20 : i32
    %add3A_22 = arith.addi %mul3A_19, %mul3A_21 : i32
    "tpu.region"() ({
      %run_scoped3A = tpu.sem_alloc : memref<!tpu.dma_semaphore, #tpu.memory_space<semaphore_mem>>
      %dma_start3A_23 = arith.constant 0 : i32
      %dma_start3A_24 = tpu.memref_slice %arg5[%add3A_22, %dma_start3A_23] : memref<20480x128xf32, #tpu.memory_space<hbm>> -> memref<640x128xf32, #tpu.memory_space<hbm>>
      %dma_start3A_25 = arith.constant 0 : i32
      %dma_start3A_26 = tpu.memref_slice %arg12[%mul3A_17, %dma_start3A_25] : memref<10240x128xf32, #tpu.memory_space<vmem_shared>> -> memref<640x128xf32, #tpu.memory_space<vmem_shared>>
      tpu.enqueue_dma source(%dma_start3A_26 : memref<640x128xf32, #tpu.memory_space<vmem_shared>>) target(%dma_start3A_24 : memref<640x128xf32, #tpu.memory_space<hbm>>) target_semaphore(%run_scoped3A : memref<!tpu.dma_semaphore, #tpu.memory_space<semaphore_mem>>)
      %dma_wait3A = arith.constant 0 : i32
      %dma_wait3A_27 = tpu.memref_slice %arg5[%add3A_22, %dma_wait3A] : memref<20480x128xf32, #tpu.memory_space<hbm>> -> memref<640x128xf32, #tpu.memory_space<hbm>>
      %dma_wait3A_28 = arith.constant 0 : i32
      %dma_wait3A_29 = tpu.memref_slice %arg12[%mul3A_17, %dma_wait3A_28] : memref<10240x128xf32, #tpu.memory_space<vmem_shared>> -> memref<640x128xf32, #tpu.memory_space<vmem_shared>>
      tpu.wait_dma2 semaphore(%run_scoped3A : memref<!tpu.dma_semaphore, #tpu.memory_space<semaphore_mem>>) src(%dma_wait3A_29 : memref<640x128xf32, #tpu.memory_space<vmem_shared>>) dst(%dma_wait3A_27 : memref<640x128xf32, #tpu.memory_space<hbm>>)
      tpu.yield
    }) : () -> ()
    return
  }
}

#map = affine_map<(d0, d1) -> (0, 0)>
module attributes {stable_mosaic.version = 14 : i64} {
  func.func @_sc_gather(%arg0: i32, %arg1: i32, %arg2: memref<10000x128xf32, #tpu.memory_space<hbm>>, %arg3: memref<1280x128xi32, #tpu.memory_space<hbm>>, %arg4: memref<163840x128xf32, #tpu.memory_space<hbm>>, %arg5: memref<4x128xi32, #tpu.memory_space<vmem>>, %arg6: memref<512x128xf32, #tpu.memory_space<vmem>>, %arg7: memref<!tpu.dma_semaphore, #tpu.memory_space<semaphore_mem>>) attributes {dimension_semantics = [#tpu.dimension_semantics<core_parallel>, #tpu.dimension_semantics<subcore_parallel>], iteration_bounds = array<i64: 2, 16>, scalar_prefetch = 0 : i64, scratch_operands = 3 : i64, tpu.core_type = #tpu.core_type<sc_vector_subcore>, window_params = [{transform_indices = #map}, {transform_indices = #map}, {transform_indices = #map}]} {
    %mul3A = arith.constant 2 : i32
    %mul3A_0 = arith.muli %arg1, %mul3A : i32
    %add3A = arith.addi %mul3A_0, %arg0 : i32
    %mul3A_1 = arith.constant 40 : i32
    %mul3A_2 = arith.muli %add3A, %mul3A_1 : i32
    %scan3A = arith.constant 0 : i32
    %scan3A_3 = arith.constant 0 : i32
    %scan3A_4 = arith.constant 10 : i32
    %scan3A_5 = arith.addi %scan3A_3, %scan3A_4 : i32
    %scan3A_6 = arith.constant 1 : i32
    scf.for %scan3A_8 = %scan3A_3 to %scan3A_5 step %scan3A_6  : i32 {
      %mul3A_9 = arith.constant 4 : i32
      %mul3A_10 = arith.muli %scan3A_8, %mul3A_9 : i32
      %add3A_11 = arith.addi %mul3A_2, %mul3A_10 : i32
      "tpu.region"() ({
        %run_scoped3A = tpu.sem_alloc : memref<!tpu.dma_semaphore, #tpu.memory_space<semaphore_mem>>
        %dma_start3A_92 = arith.constant 0 : i32
        %dma_start3A_93 = tpu.memref_slice %arg3[%add3A_11, %dma_start3A_92] : memref<1280x128xi32, #tpu.memory_space<hbm>> -> memref<4x128xi32, #tpu.memory_space<hbm>>
        %dma_start3A_94 = arith.constant 0 : i32
        %dma_start3A_95 = tpu.memref_slice %arg3[%add3A_11, %dma_start3A_94] : memref<1280x128xi32, #tpu.memory_space<hbm>> -> memref<4x128xi32, #tpu.memory_space<hbm>>
        tpu.enqueue_dma source(%dma_start3A_95 : memref<4x128xi32, #tpu.memory_space<hbm>>) target(%arg5 : memref<4x128xi32, #tpu.memory_space<vmem>>) target_semaphore(%run_scoped3A : memref<!tpu.dma_semaphore, #tpu.memory_space<semaphore_mem>>)
        %dma_wait3A_96 = arith.constant 0 : i32
        %dma_wait3A_97 = tpu.memref_slice %arg3[%add3A_11, %dma_wait3A_96] : memref<1280x128xi32, #tpu.memory_space<hbm>> -> memref<4x128xi32, #tpu.memory_space<hbm>>
        %dma_wait3A_98 = arith.constant 0 : i32
        %dma_wait3A_99 = tpu.memref_slice %arg3[%add3A_11, %dma_wait3A_98] : memref<1280x128xi32, #tpu.memory_space<hbm>> -> memref<4x128xi32, #tpu.memory_space<hbm>>
        tpu.wait_dma2 semaphore(%run_scoped3A : memref<!tpu.dma_semaphore, #tpu.memory_space<semaphore_mem>>) src(%dma_wait3A_99 : memref<4x128xi32, #tpu.memory_space<hbm>>) dst(%arg5 : memref<4x128xi32, #tpu.memory_space<vmem>>)
        tpu.yield
      }) : () -> ()
      %dma_start3A = arith.constant 0 : i32
      %dma_start3A_12 = arith.constant 0 : i32
      %dma_start3A_13 = arith.constant 0 : i32
      %dma_start3A_14 = tpu.memref_slice %arg6[%dma_start3A_12, %dma_start3A_13] : memref<512x128xf32, #tpu.memory_space<vmem>> -> memref<128x128xf32, #tpu.memory_space<vmem>>
      %dma_start3A_15 = arith.constant 0 : i32
      %dma_start3A_16 = tpu.memref_slice %arg5[%dma_start3A, %dma_start3A_15] : memref<4x128xi32, #tpu.memory_space<vmem>> -> memref<1x128xi32, #tpu.memory_space<vmem>>
      %dma_start3A_17 = tpu.memref_squeeze %dma_start3A_16 : memref<1x128xi32, #tpu.memory_space<vmem>> -> memref<128xi32, #tpu.memory_space<vmem>>
      %dma_start3A_18 = arith.constant 0 : i32
      %dma_start3A_19 = arith.constant 0 : i32
      %dma_start3A_20 = tpu.memref_slice %arg2[%dma_start3A_18, %dma_start3A_19] : memref<10000x128xf32, #tpu.memory_space<hbm>> -> memref<10000x128xf32, #tpu.memory_space<hbm>>
      tpu.enqueue_indirect_dma source(%dma_start3A_20 : memref<10000x128xf32, #tpu.memory_space<hbm>>) target(%dma_start3A_14 : memref<128x128xf32, #tpu.memory_space<vmem>>) offsets(%dma_start3A_17 : memref<128xi32, #tpu.memory_space<vmem>>) semaphore(%arg7 : memref<!tpu.dma_semaphore, #tpu.memory_space<semaphore_mem>>)
      %dma_start3A_21 = arith.constant 1 : i32
      %dma_start3A_22 = arith.constant 128 : i32
      %dma_start3A_23 = arith.constant 0 : i32
      %dma_start3A_24 = tpu.memref_slice %arg6[%dma_start3A_22, %dma_start3A_23] : memref<512x128xf32, #tpu.memory_space<vmem>> -> memref<128x128xf32, #tpu.memory_space<vmem>>
      %dma_start3A_25 = arith.constant 0 : i32
      %dma_start3A_26 = tpu.memref_slice %arg5[%dma_start3A_21, %dma_start3A_25] : memref<4x128xi32, #tpu.memory_space<vmem>> -> memref<1x128xi32, #tpu.memory_space<vmem>>
      %dma_start3A_27 = tpu.memref_squeeze %dma_start3A_26 : memref<1x128xi32, #tpu.memory_space<vmem>> -> memref<128xi32, #tpu.memory_space<vmem>>
      %dma_start3A_28 = arith.constant 0 : i32
      %dma_start3A_29 = arith.constant 0 : i32
      %dma_start3A_30 = tpu.memref_slice %arg2[%dma_start3A_28, %dma_start3A_29] : memref<10000x128xf32, #tpu.memory_space<hbm>> -> memref<10000x128xf32, #tpu.memory_space<hbm>>
      tpu.enqueue_indirect_dma source(%dma_start3A_30 : memref<10000x128xf32, #tpu.memory_space<hbm>>) target(%dma_start3A_24 : memref<128x128xf32, #tpu.memory_space<vmem>>) offsets(%dma_start3A_27 : memref<128xi32, #tpu.memory_space<vmem>>) semaphore(%arg7 : memref<!tpu.dma_semaphore, #tpu.memory_space<semaphore_mem>>)
      %dma_start3A_31 = arith.constant 2 : i32
      %dma_start3A_32 = arith.constant 256 : i32
      %dma_start3A_33 = arith.constant 0 : i32
      %dma_start3A_34 = tpu.memref_slice %arg6[%dma_start3A_32, %dma_start3A_33] : memref<512x128xf32, #tpu.memory_space<vmem>> -> memref<128x128xf32, #tpu.memory_space<vmem>>
      %dma_start3A_35 = arith.constant 0 : i32
      %dma_start3A_36 = tpu.memref_slice %arg5[%dma_start3A_31, %dma_start3A_35] : memref<4x128xi32, #tpu.memory_space<vmem>> -> memref<1x128xi32, #tpu.memory_space<vmem>>
      %dma_start3A_37 = tpu.memref_squeeze %dma_start3A_36 : memref<1x128xi32, #tpu.memory_space<vmem>> -> memref<128xi32, #tpu.memory_space<vmem>>
      %dma_start3A_38 = arith.constant 0 : i32
      %dma_start3A_39 = arith.constant 0 : i32
      %dma_start3A_40 = tpu.memref_slice %arg2[%dma_start3A_38, %dma_start3A_39] : memref<10000x128xf32, #tpu.memory_space<hbm>> -> memref<10000x128xf32, #tpu.memory_space<hbm>>
      tpu.enqueue_indirect_dma source(%dma_start3A_40 : memref<10000x128xf32, #tpu.memory_space<hbm>>) target(%dma_start3A_34 : memref<128x128xf32, #tpu.memory_space<vmem>>) offsets(%dma_start3A_37 : memref<128xi32, #tpu.memory_space<vmem>>) semaphore(%arg7 : memref<!tpu.dma_semaphore, #tpu.memory_space<semaphore_mem>>)
      %dma_start3A_41 = arith.constant 3 : i32
      %dma_start3A_42 = arith.constant 384 : i32
      %dma_start3A_43 = arith.constant 0 : i32
      %dma_start3A_44 = tpu.memref_slice %arg6[%dma_start3A_42, %dma_start3A_43] : memref<512x128xf32, #tpu.memory_space<vmem>> -> memref<128x128xf32, #tpu.memory_space<vmem>>
      %dma_start3A_45 = arith.constant 0 : i32
      %dma_start3A_46 = tpu.memref_slice %arg5[%dma_start3A_41, %dma_start3A_45] : memref<4x128xi32, #tpu.memory_space<vmem>> -> memref<1x128xi32, #tpu.memory_space<vmem>>
      %dma_start3A_47 = tpu.memref_squeeze %dma_start3A_46 : memref<1x128xi32, #tpu.memory_space<vmem>> -> memref<128xi32, #tpu.memory_space<vmem>>
      %dma_start3A_48 = arith.constant 0 : i32
      %dma_start3A_49 = arith.constant 0 : i32
      %dma_start3A_50 = tpu.memref_slice %arg2[%dma_start3A_48, %dma_start3A_49] : memref<10000x128xf32, #tpu.memory_space<hbm>> -> memref<10000x128xf32, #tpu.memory_space<hbm>>
      tpu.enqueue_indirect_dma source(%dma_start3A_50 : memref<10000x128xf32, #tpu.memory_space<hbm>>) target(%dma_start3A_44 : memref<128x128xf32, #tpu.memory_space<vmem>>) offsets(%dma_start3A_47 : memref<128xi32, #tpu.memory_space<vmem>>) semaphore(%arg7 : memref<!tpu.dma_semaphore, #tpu.memory_space<semaphore_mem>>)
      %dma_wait3A = arith.constant 0 : i32
      %dma_wait3A_51 = arith.constant 0 : i32
      %dma_wait3A_52 = arith.constant 0 : i32
      %dma_wait3A_53 = tpu.memref_slice %arg6[%dma_wait3A_51, %dma_wait3A_52] : memref<512x128xf32, #tpu.memory_space<vmem>> -> memref<128x128xf32, #tpu.memory_space<vmem>>
      %dma_wait3A_54 = arith.constant 0 : i32
      %dma_wait3A_55 = tpu.memref_slice %arg5[%dma_wait3A, %dma_wait3A_54] : memref<4x128xi32, #tpu.memory_space<vmem>> -> memref<1x128xi32, #tpu.memory_space<vmem>>
      %dma_wait3A_56 = tpu.memref_squeeze %dma_wait3A_55 : memref<1x128xi32, #tpu.memory_space<vmem>> -> memref<128xi32, #tpu.memory_space<vmem>>
      %dma_wait3A_57 = arith.constant 0 : i32
      %dma_wait3A_58 = arith.constant 0 : i32
      %dma_wait3A_59 = tpu.memref_slice %arg2[%dma_wait3A_57, %dma_wait3A_58] : memref<10000x128xf32, #tpu.memory_space<hbm>> -> memref<10000x128xf32, #tpu.memory_space<hbm>>
      tpu.wait_indirect_dma semaphore(%arg7 : memref<!tpu.dma_semaphore, #tpu.memory_space<semaphore_mem>>) src(%dma_wait3A_59 : memref<10000x128xf32, #tpu.memory_space<hbm>>) dst(%dma_wait3A_53 : memref<128x128xf32, #tpu.memory_space<vmem>>)
      %dma_wait3A_60 = arith.constant 1 : i32
      %dma_wait3A_61 = arith.constant 128 : i32
      %dma_wait3A_62 = arith.constant 0 : i32
      %dma_wait3A_63 = tpu.memref_slice %arg6[%dma_wait3A_61, %dma_wait3A_62] : memref<512x128xf32, #tpu.memory_space<vmem>> -> memref<128x128xf32, #tpu.memory_space<vmem>>
      %dma_wait3A_64 = arith.constant 0 : i32
      %dma_wait3A_65 = tpu.memref_slice %arg5[%dma_wait3A_60, %dma_wait3A_64] : memref<4x128xi32, #tpu.memory_space<vmem>> -> memref<1x128xi32, #tpu.memory_space<vmem>>
      %dma_wait3A_66 = tpu.memref_squeeze %dma_wait3A_65 : memref<1x128xi32, #tpu.memory_space<vmem>> -> memref<128xi32, #tpu.memory_space<vmem>>
      %dma_wait3A_67 = arith.constant 0 : i32
      %dma_wait3A_68 = arith.constant 0 : i32
      %dma_wait3A_69 = tpu.memref_slice %arg2[%dma_wait3A_67, %dma_wait3A_68] : memref<10000x128xf32, #tpu.memory_space<hbm>> -> memref<10000x128xf32, #tpu.memory_space<hbm>>
      tpu.wait_indirect_dma semaphore(%arg7 : memref<!tpu.dma_semaphore, #tpu.memory_space<semaphore_mem>>) src(%dma_wait3A_69 : memref<10000x128xf32, #tpu.memory_space<hbm>>) dst(%dma_wait3A_63 : memref<128x128xf32, #tpu.memory_space<vmem>>)
      %dma_wait3A_70 = arith.constant 2 : i32
      %dma_wait3A_71 = arith.constant 256 : i32
      %dma_wait3A_72 = arith.constant 0 : i32
      %dma_wait3A_73 = tpu.memref_slice %arg6[%dma_wait3A_71, %dma_wait3A_72] : memref<512x128xf32, #tpu.memory_space<vmem>> -> memref<128x128xf32, #tpu.memory_space<vmem>>
      %dma_wait3A_74 = arith.constant 0 : i32
      %dma_wait3A_75 = tpu.memref_slice %arg5[%dma_wait3A_70, %dma_wait3A_74] : memref<4x128xi32, #tpu.memory_space<vmem>> -> memref<1x128xi32, #tpu.memory_space<vmem>>
      %dma_wait3A_76 = tpu.memref_squeeze %dma_wait3A_75 : memref<1x128xi32, #tpu.memory_space<vmem>> -> memref<128xi32, #tpu.memory_space<vmem>>
      %dma_wait3A_77 = arith.constant 0 : i32
      %dma_wait3A_78 = arith.constant 0 : i32
      %dma_wait3A_79 = tpu.memref_slice %arg2[%dma_wait3A_77, %dma_wait3A_78] : memref<10000x128xf32, #tpu.memory_space<hbm>> -> memref<10000x128xf32, #tpu.memory_space<hbm>>
      tpu.wait_indirect_dma semaphore(%arg7 : memref<!tpu.dma_semaphore, #tpu.memory_space<semaphore_mem>>) src(%dma_wait3A_79 : memref<10000x128xf32, #tpu.memory_space<hbm>>) dst(%dma_wait3A_73 : memref<128x128xf32, #tpu.memory_space<vmem>>)
      %dma_wait3A_80 = arith.constant 3 : i32
      %dma_wait3A_81 = arith.constant 384 : i32
      %dma_wait3A_82 = arith.constant 0 : i32
      %dma_wait3A_83 = tpu.memref_slice %arg6[%dma_wait3A_81, %dma_wait3A_82] : memref<512x128xf32, #tpu.memory_space<vmem>> -> memref<128x128xf32, #tpu.memory_space<vmem>>
      %dma_wait3A_84 = arith.constant 0 : i32
      %dma_wait3A_85 = tpu.memref_slice %arg5[%dma_wait3A_80, %dma_wait3A_84] : memref<4x128xi32, #tpu.memory_space<vmem>> -> memref<1x128xi32, #tpu.memory_space<vmem>>
      %dma_wait3A_86 = tpu.memref_squeeze %dma_wait3A_85 : memref<1x128xi32, #tpu.memory_space<vmem>> -> memref<128xi32, #tpu.memory_space<vmem>>
      %dma_wait3A_87 = arith.constant 0 : i32
      %dma_wait3A_88 = arith.constant 0 : i32
      %dma_wait3A_89 = tpu.memref_slice %arg2[%dma_wait3A_87, %dma_wait3A_88] : memref<10000x128xf32, #tpu.memory_space<hbm>> -> memref<10000x128xf32, #tpu.memory_space<hbm>>
      tpu.wait_indirect_dma semaphore(%arg7 : memref<!tpu.dma_semaphore, #tpu.memory_space<semaphore_mem>>) src(%dma_wait3A_89 : memref<10000x128xf32, #tpu.memory_space<hbm>>) dst(%dma_wait3A_83 : memref<128x128xf32, #tpu.memory_space<vmem>>)
      %mul3A_90 = arith.constant 128 : i32
      %mul3A_91 = arith.muli %add3A_11, %mul3A_90 : i32
      "tpu.region"() ({
        %run_scoped3A = tpu.sem_alloc : memref<!tpu.dma_semaphore, #tpu.memory_space<semaphore_mem>>
        %dma_start3A_92 = arith.constant 0 : i32
        %dma_start3A_93 = tpu.memref_slice %arg4[%mul3A_91, %dma_start3A_92] : memref<163840x128xf32, #tpu.memory_space<hbm>> -> memref<512x128xf32, #tpu.memory_space<hbm>>
        %dma_start3A_94 = arith.constant 0 : i32
        %dma_start3A_95 = tpu.memref_slice %arg4[%mul3A_91, %dma_start3A_94] : memref<163840x128xf32, #tpu.memory_space<hbm>> -> memref<512x128xf32, #tpu.memory_space<hbm>>
        tpu.enqueue_dma source(%arg6 : memref<512x128xf32, #tpu.memory_space<vmem>>) target(%dma_start3A_95 : memref<512x128xf32, #tpu.memory_space<hbm>>) target_semaphore(%run_scoped3A : memref<!tpu.dma_semaphore, #tpu.memory_space<semaphore_mem>>)
        %dma_wait3A_96 = arith.constant 0 : i32
        %dma_wait3A_97 = tpu.memref_slice %arg4[%mul3A_91, %dma_wait3A_96] : memref<163840x128xf32, #tpu.memory_space<hbm>> -> memref<512x128xf32, #tpu.memory_space<hbm>>
        %dma_wait3A_98 = arith.constant 0 : i32
        %dma_wait3A_99 = tpu.memref_slice %arg4[%mul3A_91, %dma_wait3A_98] : memref<163840x128xf32, #tpu.memory_space<hbm>> -> memref<512x128xf32, #tpu.memory_space<hbm>>
        tpu.wait_dma2 semaphore(%run_scoped3A : memref<!tpu.dma_semaphore, #tpu.memory_space<semaphore_mem>>) src(%arg6 : memref<512x128xf32, #tpu.memory_space<vmem>>) dst(%dma_wait3A_99 : memref<512x128xf32, #tpu.memory_space<hbm>>)
        tpu.yield
      }) : () -> ()
    }
    %scan3A_7 = arith.constant 10 : i32
    return
  }
}

#map = affine_map<(d0, d1) -> (0, 0)>
module attributes {stable_mosaic.version = 14 : i64} {
  func.func @_sc_scatter(%arg0: i32, %arg1: i32, %arg2: memref<163840x128xf32, #tpu.memory_space<hbm>>, %arg3: memref<1280x128xi32, #tpu.memory_space<hbm>>, %arg4: memref<640x128xf32, #tpu.memory_space<hbm>>, %arg5: memref<20480x128xf32, #tpu.memory_space<hbm>>, %arg6: memref<128xi32, #tpu.memory_space<vmem>>, %arg7: memref<128xi32, #tpu.memory_space<vmem>>, %arg8: memref<128x128xf32, #tpu.memory_space<vmem>>, %arg9: memref<128x128xf32, #tpu.memory_space<vmem>>, %arg10: memref<!tpu.dma_semaphore, #tpu.memory_space<semaphore_mem>>, %arg11: memref<!tpu.dma_semaphore, #tpu.memory_space<semaphore_mem>>, %arg12: memref<10240x128xf32, #tpu.memory_space<vmem_shared>>) attributes {dimension_semantics = [#tpu.dimension_semantics<core_parallel>, #tpu.dimension_semantics<subcore_parallel>], iteration_bounds = array<i64: 2, 16>, scalar_prefetch = 0 : i64, scratch_operands = 7 : i64, tpu.core_type = #tpu.core_type<sc_vector_subcore>, window_params = [{transform_indices = #map}, {transform_indices = #map}, {transform_indices = #map}, {transform_indices = #map}]} {
    %mul3A = arith.constant 2 : i32
    %mul3A_0 = arith.muli %arg1, %mul3A : i32
    %add3A = arith.addi %mul3A_0, %arg0 : i32
    %mul3A_1 = arith.constant 40 : i32
    %mul3A_2 = arith.muli %add3A, %mul3A_1 : i32
    %mul3A_3 = arith.constant 640 : i32
    %mul3A_4 = arith.muli %arg1, %mul3A_3 : i32
    "tpu.region"() ({
      %run_scoped3A = tpu.sem_alloc : memref<!tpu.dma_semaphore, #tpu.memory_space<semaphore_mem>>
      %dma_start3A_23 = arith.constant 0 : i32
      %dma_start3A_24 = tpu.memref_slice %arg12[%mul3A_4, %dma_start3A_23] : memref<10240x128xf32, #tpu.memory_space<vmem_shared>> -> memref<640x128xf32, #tpu.memory_space<vmem_shared>>
      tpu.enqueue_dma source(%arg4 : memref<640x128xf32, #tpu.memory_space<hbm>>) target(%dma_start3A_24 : memref<640x128xf32, #tpu.memory_space<vmem_shared>>) target_semaphore(%run_scoped3A : memref<!tpu.dma_semaphore, #tpu.memory_space<semaphore_mem>>)
      %dma_wait3A = arith.constant 0 : i32
      %dma_wait3A_25 = tpu.memref_slice %arg12[%mul3A_4, %dma_wait3A] : memref<10240x128xf32, #tpu.memory_space<vmem_shared>> -> memref<640x128xf32, #tpu.memory_space<vmem_shared>>
      tpu.wait_dma2 semaphore(%run_scoped3A : memref<!tpu.dma_semaphore, #tpu.memory_space<semaphore_mem>>) src(%arg4 : memref<640x128xf32, #tpu.memory_space<hbm>>) dst(%dma_wait3A_25 : memref<640x128xf32, #tpu.memory_space<vmem_shared>>)
      tpu.yield
    }) : () -> ()
    %barrier3A = arith.constant 0 : index
    tpu.barrier barrier_id(%barrier3A)
    "tpu.region"() ({
      %run_scoped3A = tpu.sem_alloc : memref<!tpu.dma_semaphore, #tpu.memory_space<semaphore_mem>>
      %dma_start3A_23 = arith.constant 0 : i32
      %dma_start3A_24 = tpu.memref_slice %arg3[%mul3A_2, %dma_start3A_23] : memref<1280x128xi32, #tpu.memory_space<hbm>> -> memref<1x128xi32, #tpu.memory_space<hbm>>
      %dma_start3A_25 = tpu.memref_squeeze %dma_start3A_24 : memref<1x128xi32, #tpu.memory_space<hbm>> -> memref<128xi32, #tpu.memory_space<hbm>>
      %dma_start3A_26 = arith.constant 0 : i32
      %dma_start3A_27 = tpu.memref_slice %arg3[%mul3A_2, %dma_start3A_26] : memref<1280x128xi32, #tpu.memory_space<hbm>> -> memref<1x128xi32, #tpu.memory_space<hbm>>
      %dma_start3A_28 = tpu.memref_squeeze %dma_start3A_27 : memref<1x128xi32, #tpu.memory_space<hbm>> -> memref<128xi32, #tpu.memory_space<hbm>>
      tpu.enqueue_dma source(%dma_start3A_28 : memref<128xi32, #tpu.memory_space<hbm>>) target(%arg6 : memref<128xi32, #tpu.memory_space<vmem>>) target_semaphore(%run_scoped3A : memref<!tpu.dma_semaphore, #tpu.memory_space<semaphore_mem>>)
      %dma_wait3A = arith.constant 0 : i32
      %dma_wait3A_29 = tpu.memref_slice %arg3[%mul3A_2, %dma_wait3A] : memref<1280x128xi32, #tpu.memory_space<hbm>> -> memref<1x128xi32, #tpu.memory_space<hbm>>
      %dma_wait3A_30 = tpu.memref_squeeze %dma_wait3A_29 : memref<1x128xi32, #tpu.memory_space<hbm>> -> memref<128xi32, #tpu.memory_space<hbm>>
      %dma_wait3A_31 = arith.constant 0 : i32
      %dma_wait3A_32 = tpu.memref_slice %arg3[%mul3A_2, %dma_wait3A_31] : memref<1280x128xi32, #tpu.memory_space<hbm>> -> memref<1x128xi32, #tpu.memory_space<hbm>>
      %dma_wait3A_33 = tpu.memref_squeeze %dma_wait3A_32 : memref<1x128xi32, #tpu.memory_space<hbm>> -> memref<128xi32, #tpu.memory_space<hbm>>
      tpu.wait_dma2 semaphore(%run_scoped3A : memref<!tpu.dma_semaphore, #tpu.memory_space<semaphore_mem>>) src(%dma_wait3A_33 : memref<128xi32, #tpu.memory_space<hbm>>) dst(%arg6 : memref<128xi32, #tpu.memory_space<vmem>>)
      tpu.yield
    }) : () -> ()
    %mul3A_5 = arith.constant 128 : i32
    %mul3A_6 = arith.muli %mul3A_2, %mul3A_5 : i32
    %dma_start3A = arith.constant 0 : i32
    %dma_start3A_7 = tpu.memref_slice %arg2[%mul3A_6, %dma_start3A] : memref<163840x128xf32, #tpu.memory_space<hbm>> -> memref<128x128xf32, #tpu.memory_space<hbm>>
    %dma_start3A_8 = arith.constant 0 : i32
    %dma_start3A_9 = tpu.memref_slice %arg2[%mul3A_6, %dma_start3A_8] : memref<163840x128xf32, #tpu.memory_space<hbm>> -> memref<128x128xf32, #tpu.memory_space<hbm>>
    tpu.enqueue_dma source(%dma_start3A_9 : memref<128x128xf32, #tpu.memory_space<hbm>>) target(%arg8 : memref<128x128xf32, #tpu.memory_space<vmem>>) target_semaphore(%arg10 : memref<!tpu.dma_semaphore, #tpu.memory_space<semaphore_mem>>)
    %scan3A = arith.constant 0 : i32
    %scan3A_10 = arith.constant 0 : i32
    %scan3A_11 = arith.constant 20 : i32
    %scan3A_12 = arith.addi %scan3A_10, %scan3A_11 : i32
    %scan3A_13 = arith.constant 1 : i32
    scf.for %scan3A_23 = %scan3A_10 to %scan3A_12 step %scan3A_13  : i32 {
      %mul3A_24 = arith.constant 2 : i32
      %mul3A_25 = arith.muli %scan3A_23, %mul3A_24 : i32
      %add3A_26 = arith.constant 0 : i32
      %add3A_27 = arith.addi %mul3A_25, %add3A_26 : i32
      %add3A_28 = arith.addi %mul3A_2, %add3A_27 : i32
      %mul3A_29 = arith.constant 128 : i32
      %mul3A_30 = arith.muli %add3A_28, %mul3A_29 : i32
      %dma_wait3A = arith.constant 0 : i32
      %dma_wait3A_31 = tpu.memref_slice %arg2[%mul3A_30, %dma_wait3A] : memref<163840x128xf32, #tpu.memory_space<hbm>> -> memref<128x128xf32, #tpu.memory_space<hbm>>
      %dma_wait3A_32 = arith.constant 0 : i32
      %dma_wait3A_33 = tpu.memref_slice %arg2[%mul3A_30, %dma_wait3A_32] : memref<163840x128xf32, #tpu.memory_space<hbm>> -> memref<128x128xf32, #tpu.memory_space<hbm>>
      tpu.wait_dma2 semaphore(%arg10 : memref<!tpu.dma_semaphore, #tpu.memory_space<semaphore_mem>>) src(%dma_wait3A_33 : memref<128x128xf32, #tpu.memory_space<hbm>>) dst(%arg8 : memref<128x128xf32, #tpu.memory_space<vmem>>)
      %add3A_34 = arith.constant 1 : i32
      %add3A_35 = arith.addi %add3A_27, %add3A_34 : i32
      %lt3A = arith.constant 40 : i32
      %lt3A_36 = arith.cmpi slt, %add3A_35, %lt3A : i32
      %convert_element_type3A = arith.extui %lt3A_36 : i1 to i32
      %cond3A = arith.constant 0 : i32
      %cond3A_37 = arith.cmpi ne, %convert_element_type3A, %cond3A : i32
      scf.if %cond3A_37 {
        %add3A_56 = arith.constant 1 : i32
        %add3A_57 = arith.addi %add3A_28, %add3A_56 : i32
        "tpu.region"() ({
          %run_scoped3A = tpu.sem_alloc : memref<!tpu.dma_semaphore, #tpu.memory_space<semaphore_mem>>
          %dma_start3A_66 = arith.constant 0 : i32
          %dma_start3A_67 = tpu.memref_slice %arg3[%add3A_57, %dma_start3A_66] : memref<1280x128xi32, #tpu.memory_space<hbm>> -> memref<1x128xi32, #tpu.memory_space<hbm>>
          %dma_start3A_68 = tpu.memref_squeeze %dma_start3A_67 : memref<1x128xi32, #tpu.memory_space<hbm>> -> memref<128xi32, #tpu.memory_space<hbm>>
          %dma_start3A_69 = arith.constant 0 : i32
          %dma_start3A_70 = tpu.memref_slice %arg3[%add3A_57, %dma_start3A_69] : memref<1280x128xi32, #tpu.memory_space<hbm>> -> memref<1x128xi32, #tpu.memory_space<hbm>>
          %dma_start3A_71 = tpu.memref_squeeze %dma_start3A_70 : memref<1x128xi32, #tpu.memory_space<hbm>> -> memref<128xi32, #tpu.memory_space<hbm>>
          tpu.enqueue_dma source(%dma_start3A_71 : memref<128xi32, #tpu.memory_space<hbm>>) target(%arg7 : memref<128xi32, #tpu.memory_space<vmem>>) target_semaphore(%run_scoped3A : memref<!tpu.dma_semaphore, #tpu.memory_space<semaphore_mem>>)
          %dma_wait3A_72 = arith.constant 0 : i32
          %dma_wait3A_73 = tpu.memref_slice %arg3[%add3A_57, %dma_wait3A_72] : memref<1280x128xi32, #tpu.memory_space<hbm>> -> memref<1x128xi32, #tpu.memory_space<hbm>>
          %dma_wait3A_74 = tpu.memref_squeeze %dma_wait3A_73 : memref<1x128xi32, #tpu.memory_space<hbm>> -> memref<128xi32, #tpu.memory_space<hbm>>
          %dma_wait3A_75 = arith.constant 0 : i32
          %dma_wait3A_76 = tpu.memref_slice %arg3[%add3A_57, %dma_wait3A_75] : memref<1280x128xi32, #tpu.memory_space<hbm>> -> memref<1x128xi32, #tpu.memory_space<hbm>>
          %dma_wait3A_77 = tpu.memref_squeeze %dma_wait3A_76 : memref<1x128xi32, #tpu.memory_space<hbm>> -> memref<128xi32, #tpu.memory_space<hbm>>
          tpu.wait_dma2 semaphore(%run_scoped3A : memref<!tpu.dma_semaphore, #tpu.memory_space<semaphore_mem>>) src(%dma_wait3A_77 : memref<128xi32, #tpu.memory_space<hbm>>) dst(%arg7 : memref<128xi32, #tpu.memory_space<vmem>>)
          tpu.yield
        }) : () -> ()
        %add3A_58 = arith.constant 1 : i32
        %add3A_59 = arith.addi %add3A_28, %add3A_58 : i32
        %mul3A_60 = arith.constant 128 : i32
        %mul3A_61 = arith.muli %add3A_59, %mul3A_60 : i32
        %dma_start3A_62 = arith.constant 0 : i32
        %dma_start3A_63 = tpu.memref_slice %arg2[%mul3A_61, %dma_start3A_62] : memref<163840x128xf32, #tpu.memory_space<hbm>> -> memref<128x128xf32, #tpu.memory_space<hbm>>
        %dma_start3A_64 = arith.constant 0 : i32
        %dma_start3A_65 = tpu.memref_slice %arg2[%mul3A_61, %dma_start3A_64] : memref<163840x128xf32, #tpu.memory_space<hbm>> -> memref<128x128xf32, #tpu.memory_space<hbm>>
        tpu.enqueue_dma source(%dma_start3A_65 : memref<128x128xf32, #tpu.memory_space<hbm>>) target(%arg9 : memref<128x128xf32, #tpu.memory_space<vmem>>) target_semaphore(%arg11 : memref<!tpu.dma_semaphore, #tpu.memory_space<semaphore_mem>>)
      } else {
      }
      "tpu.region"() ({
        %run_scoped3A = tpu.sem_alloc : memref<!tpu.dma_semaphore, #tpu.memory_space<semaphore_mem>>
        %dma_start3A_56 = arith.constant 0 : i32
        %dma_start3A_57 = arith.constant 0 : i32
        %dma_start3A_58 = tpu.memref_slice %arg12[%dma_start3A_56, %dma_start3A_57] : memref<10240x128xf32, #tpu.memory_space<vmem_shared>> -> memref<10240x128xf32, #tpu.memory_space<vmem_shared>>
        tpu.enqueue_indirect_dma source(%arg8 : memref<128x128xf32, #tpu.memory_space<vmem>>) target(%dma_start3A_58 : memref<10240x128xf32, #tpu.memory_space<vmem_shared>>) offsets(%arg6 : memref<128xi32, #tpu.memory_space<vmem>>) semaphore(%run_scoped3A : memref<!tpu.dma_semaphore, #tpu.memory_space<semaphore_mem>>) {add = true}
        %dma_wait3A_59 = arith.constant 0 : i32
        %dma_wait3A_60 = arith.constant 0 : i32
        %dma_wait3A_61 = tpu.memref_slice %arg12[%dma_wait3A_59, %dma_wait3A_60] : memref<10240x128xf32, #tpu.memory_space<vmem_shared>> -> memref<10240x128xf32, #tpu.memory_space<vmem_shared>>
        tpu.wait_indirect_dma semaphore(%run_scoped3A : memref<!tpu.dma_semaphore, #tpu.memory_space<semaphore_mem>>) src(%arg8 : memref<128x128xf32, #tpu.memory_space<vmem>>) dst(%dma_wait3A_61 : memref<10240x128xf32, #tpu.memory_space<vmem_shared>>)
        tpu.yield
      }) : () -> ()
      %mul3A_38 = arith.constant 2 : i32
      %mul3A_39 = arith.muli %scan3A_23, %mul3A_38 : i32
      %add3A_40 = arith.constant 1 : i32
      %add3A_41 = arith.addi %mul3A_39, %add3A_40 : i32
      %add3A_42 = arith.addi %mul3A_2, %add3A_41 : i32
      %mul3A_43 = arith.constant 128 : i32
      %mul3A_44 = arith.muli %add3A_42, %mul3A_43 : i32
      %dma_wait3A_45 = arith.constant 0 : i32
      %dma_wait3A_46 = tpu.memref_slice %arg2[%mul3A_44, %dma_wait3A_45] : memref<163840x128xf32, #tpu.memory_space<hbm>> -> memref<128x128xf32, #tpu.memory_space<hbm>>
      %dma_wait3A_47 = arith.constant 0 : i32
      %dma_wait3A_48 = tpu.memref_slice %arg2[%mul3A_44, %dma_wait3A_47] : memref<163840x128xf32, #tpu.memory_space<hbm>> -> memref<128x128xf32, #tpu.memory_space<hbm>>
      tpu.wait_dma2 semaphore(%arg11 : memref<!tpu.dma_semaphore, #tpu.memory_space<semaphore_mem>>) src(%dma_wait3A_48 : memref<128x128xf32, #tpu.memory_space<hbm>>) dst(%arg9 : memref<128x128xf32, #tpu.memory_space<vmem>>)
      %add3A_49 = arith.constant 1 : i32
      %add3A_50 = arith.addi %add3A_41, %add3A_49 : i32
      %lt3A_51 = arith.constant 40 : i32
      %lt3A_52 = arith.cmpi slt, %add3A_50, %lt3A_51 : i32
      %convert_element_type3A_53 = arith.extui %lt3A_52 : i1 to i32
      %cond3A_54 = arith.constant 0 : i32
      %cond3A_55 = arith.cmpi ne, %convert_element_type3A_53, %cond3A_54 : i32
      scf.if %cond3A_55 {
        %add3A_56 = arith.constant 1 : i32
        %add3A_57 = arith.addi %add3A_42, %add3A_56 : i32
        "tpu.region"() ({
          %run_scoped3A = tpu.sem_alloc : memref<!tpu.dma_semaphore, #tpu.memory_space<semaphore_mem>>
          %dma_start3A_66 = arith.constant 0 : i32
          %dma_start3A_67 = tpu.memref_slice %arg3[%add3A_57, %dma_start3A_66] : memref<1280x128xi32, #tpu.memory_space<hbm>> -> memref<1x128xi32, #tpu.memory_space<hbm>>
          %dma_start3A_68 = tpu.memref_squeeze %dma_start3A_67 : memref<1x128xi32, #tpu.memory_space<hbm>> -> memref<128xi32, #tpu.memory_space<hbm>>
          %dma_start3A_69 = arith.constant 0 : i32
          %dma_start3A_70 = tpu.memref_slice %arg3[%add3A_57, %dma_start3A_69] : memref<1280x128xi32, #tpu.memory_space<hbm>> -> memref<1x128xi32, #tpu.memory_space<hbm>>
          %dma_start3A_71 = tpu.memref_squeeze %dma_start3A_70 : memref<1x128xi32, #tpu.memory_space<hbm>> -> memref<128xi32, #tpu.memory_space<hbm>>
          tpu.enqueue_dma source(%dma_start3A_71 : memref<128xi32, #tpu.memory_space<hbm>>) target(%arg6 : memref<128xi32, #tpu.memory_space<vmem>>) target_semaphore(%run_scoped3A : memref<!tpu.dma_semaphore, #tpu.memory_space<semaphore_mem>>)
          %dma_wait3A_72 = arith.constant 0 : i32
          %dma_wait3A_73 = tpu.memref_slice %arg3[%add3A_57, %dma_wait3A_72] : memref<1280x128xi32, #tpu.memory_space<hbm>> -> memref<1x128xi32, #tpu.memory_space<hbm>>
          %dma_wait3A_74 = tpu.memref_squeeze %dma_wait3A_73 : memref<1x128xi32, #tpu.memory_space<hbm>> -> memref<128xi32, #tpu.memory_space<hbm>>
          %dma_wait3A_75 = arith.constant 0 : i32
          %dma_wait3A_76 = tpu.memref_slice %arg3[%add3A_57, %dma_wait3A_75] : memref<1280x128xi32, #tpu.memory_space<hbm>> -> memref<1x128xi32, #tpu.memory_space<hbm>>
          %dma_wait3A_77 = tpu.memref_squeeze %dma_wait3A_76 : memref<1x128xi32, #tpu.memory_space<hbm>> -> memref<128xi32, #tpu.memory_space<hbm>>
          tpu.wait_dma2 semaphore(%run_scoped3A : memref<!tpu.dma_semaphore, #tpu.memory_space<semaphore_mem>>) src(%dma_wait3A_77 : memref<128xi32, #tpu.memory_space<hbm>>) dst(%arg6 : memref<128xi32, #tpu.memory_space<vmem>>)
          tpu.yield
        }) : () -> ()
        %add3A_58 = arith.constant 1 : i32
        %add3A_59 = arith.addi %add3A_42, %add3A_58 : i32
        %mul3A_60 = arith.constant 128 : i32
        %mul3A_61 = arith.muli %add3A_59, %mul3A_60 : i32
        %dma_start3A_62 = arith.constant 0 : i32
        %dma_start3A_63 = tpu.memref_slice %arg2[%mul3A_61, %dma_start3A_62] : memref<163840x128xf32, #tpu.memory_space<hbm>> -> memref<128x128xf32, #tpu.memory_space<hbm>>
        %dma_start3A_64 = arith.constant 0 : i32
        %dma_start3A_65 = tpu.memref_slice %arg2[%mul3A_61, %dma_start3A_64] : memref<163840x128xf32, #tpu.memory_space<hbm>> -> memref<128x128xf32, #tpu.memory_space<hbm>>
        tpu.enqueue_dma source(%dma_start3A_65 : memref<128x128xf32, #tpu.memory_space<hbm>>) target(%arg8 : memref<128x128xf32, #tpu.memory_space<vmem>>) target_semaphore(%arg10 : memref<!tpu.dma_semaphore, #tpu.memory_space<semaphore_mem>>)
      } else {
      }
      "tpu.region"() ({
        %run_scoped3A = tpu.sem_alloc : memref<!tpu.dma_semaphore, #tpu.memory_space<semaphore_mem>>
        %dma_start3A_56 = arith.constant 0 : i32
        %dma_start3A_57 = arith.constant 0 : i32
        %dma_start3A_58 = tpu.memref_slice %arg12[%dma_start3A_56, %dma_start3A_57] : memref<10240x128xf32, #tpu.memory_space<vmem_shared>> -> memref<10240x128xf32, #tpu.memory_space<vmem_shared>>
        tpu.enqueue_indirect_dma source(%arg9 : memref<128x128xf32, #tpu.memory_space<vmem>>) target(%dma_start3A_58 : memref<10240x128xf32, #tpu.memory_space<vmem_shared>>) offsets(%arg7 : memref<128xi32, #tpu.memory_space<vmem>>) semaphore(%run_scoped3A : memref<!tpu.dma_semaphore, #tpu.memory_space<semaphore_mem>>) {add = true}
        %dma_wait3A_59 = arith.constant 0 : i32
        %dma_wait3A_60 = arith.constant 0 : i32
        %dma_wait3A_61 = tpu.memref_slice %arg12[%dma_wait3A_59, %dma_wait3A_60] : memref<10240x128xf32, #tpu.memory_space<vmem_shared>> -> memref<10240x128xf32, #tpu.memory_space<vmem_shared>>
        tpu.wait_indirect_dma semaphore(%run_scoped3A : memref<!tpu.dma_semaphore, #tpu.memory_space<semaphore_mem>>) src(%arg9 : memref<128x128xf32, #tpu.memory_space<vmem>>) dst(%dma_wait3A_61 : memref<10240x128xf32, #tpu.memory_space<vmem_shared>>)
        tpu.yield
      }) : () -> ()
    }
    %scan3A_14 = arith.constant 20 : i32
    %barrier3A_15 = arith.constant 0 : index
    tpu.barrier barrier_id(%barrier3A_15)
    %mul3A_16 = arith.constant 640 : i32
    %mul3A_17 = arith.muli %arg1, %mul3A_16 : i32
    %mul3A_18 = arith.constant 10240 : i32
    %mul3A_19 = arith.muli %arg0, %mul3A_18 : i32
    %mul3A_20 = arith.constant 640 : i32
    %mul3A_21 = arith.muli %arg1, %mul3A_20 : i32
    %add3A_22 = arith.addi %mul3A_19, %mul3A_21 : i32
    "tpu.region"() ({
      %run_scoped3A = tpu.sem_alloc : memref<!tpu.dma_semaphore, #tpu.memory_space<semaphore_mem>>
      %dma_start3A_23 = arith.constant 0 : i32
      %dma_start3A_24 = tpu.memref_slice %arg5[%add3A_22, %dma_start3A_23] : memref<20480x128xf32, #tpu.memory_space<hbm>> -> memref<640x128xf32, #tpu.memory_space<hbm>>
      %dma_start3A_25 = arith.constant 0 : i32
      %dma_start3A_26 = tpu.memref_slice %arg12[%mul3A_17, %dma_start3A_25] : memref<10240x128xf32, #tpu.memory_space<vmem_shared>> -> memref<640x128xf32, #tpu.memory_space<vmem_shared>>
      tpu.enqueue_dma source(%dma_start3A_26 : memref<640x128xf32, #tpu.memory_space<vmem_shared>>) target(%dma_start3A_24 : memref<640x128xf32, #tpu.memory_space<hbm>>) target_semaphore(%run_scoped3A : memref<!tpu.dma_semaphore, #tpu.memory_space<semaphore_mem>>)
      %dma_wait3A = arith.constant 0 : i32
      %dma_wait3A_27 = tpu.memref_slice %arg5[%add3A_22, %dma_wait3A] : memref<20480x128xf32, #tpu.memory_space<hbm>> -> memref<640x128xf32, #tpu.memory_space<hbm>>
      %dma_wait3A_28 = arith.constant 0 : i32
      %dma_wait3A_29 = tpu.memref_slice %arg12[%mul3A_17, %dma_wait3A_28] : memref<10240x128xf32, #tpu.memory_space<vmem_shared>> -> memref<640x128xf32, #tpu.memory_space<vmem_shared>>
      tpu.wait_dma2 semaphore(%run_scoped3A : memref<!tpu.dma_semaphore, #tpu.memory_space<semaphore_mem>>) src(%dma_wait3A_29 : memref<640x128xf32, #tpu.memory_space<vmem_shared>>) dst(%dma_wait3A_27 : memref<640x128xf32, #tpu.memory_space<hbm>>)
      tpu.yield
    }) : () -> ()
    return
  }
}

#map = affine_map<(d0, d1) -> (0, 0)>
module attributes {stable_mosaic.version = 14 : i64} {
  func.func @_sc_gather(%arg0: i32, %arg1: i32, %arg2: memref<10000x128xf32, #tpu.memory_space<hbm>>, %arg3: memref<1280x128xi32, #tpu.memory_space<hbm>>, %arg4: memref<163840x128xf32, #tpu.memory_space<hbm>>, %arg5: memref<4x128xi32, #tpu.memory_space<vmem>>, %arg6: memref<512x128xf32, #tpu.memory_space<vmem>>, %arg7: memref<!tpu.dma_semaphore, #tpu.memory_space<semaphore_mem>>) attributes {dimension_semantics = [#tpu.dimension_semantics<core_parallel>, #tpu.dimension_semantics<subcore_parallel>], iteration_bounds = array<i64: 2, 16>, scalar_prefetch = 0 : i64, scratch_operands = 3 : i64, tpu.core_type = #tpu.core_type<sc_vector_subcore>, window_params = [{transform_indices = #map}, {transform_indices = #map}, {transform_indices = #map}]} {
    %mul3A = arith.constant 2 : i32
    %mul3A_0 = arith.muli %arg1, %mul3A : i32
    %add3A = arith.addi %mul3A_0, %arg0 : i32
    %mul3A_1 = arith.constant 40 : i32
    %mul3A_2 = arith.muli %add3A, %mul3A_1 : i32
    %scan3A = arith.constant 0 : i32
    %scan3A_3 = arith.constant 0 : i32
    %scan3A_4 = arith.constant 10 : i32
    %scan3A_5 = arith.addi %scan3A_3, %scan3A_4 : i32
    %scan3A_6 = arith.constant 1 : i32
    scf.for %scan3A_8 = %scan3A_3 to %scan3A_5 step %scan3A_6  : i32 {
      %mul3A_9 = arith.constant 4 : i32
      %mul3A_10 = arith.muli %scan3A_8, %mul3A_9 : i32
      %add3A_11 = arith.addi %mul3A_2, %mul3A_10 : i32
      "tpu.region"() ({
        %run_scoped3A = tpu.sem_alloc : memref<!tpu.dma_semaphore, #tpu.memory_space<semaphore_mem>>
        %dma_start3A_92 = arith.constant 0 : i32
        %dma_start3A_93 = tpu.memref_slice %arg3[%add3A_11, %dma_start3A_92] : memref<1280x128xi32, #tpu.memory_space<hbm>> -> memref<4x128xi32, #tpu.memory_space<hbm>>
        %dma_start3A_94 = arith.constant 0 : i32
        %dma_start3A_95 = tpu.memref_slice %arg3[%add3A_11, %dma_start3A_94] : memref<1280x128xi32, #tpu.memory_space<hbm>> -> memref<4x128xi32, #tpu.memory_space<hbm>>
        tpu.enqueue_dma source(%dma_start3A_95 : memref<4x128xi32, #tpu.memory_space<hbm>>) target(%arg5 : memref<4x128xi32, #tpu.memory_space<vmem>>) target_semaphore(%run_scoped3A : memref<!tpu.dma_semaphore, #tpu.memory_space<semaphore_mem>>)
        %dma_wait3A_96 = arith.constant 0 : i32
        %dma_wait3A_97 = tpu.memref_slice %arg3[%add3A_11, %dma_wait3A_96] : memref<1280x128xi32, #tpu.memory_space<hbm>> -> memref<4x128xi32, #tpu.memory_space<hbm>>
        %dma_wait3A_98 = arith.constant 0 : i32
        %dma_wait3A_99 = tpu.memref_slice %arg3[%add3A_11, %dma_wait3A_98] : memref<1280x128xi32, #tpu.memory_space<hbm>> -> memref<4x128xi32, #tpu.memory_space<hbm>>
        tpu.wait_dma2 semaphore(%run_scoped3A : memref<!tpu.dma_semaphore, #tpu.memory_space<semaphore_mem>>) src(%dma_wait3A_99 : memref<4x128xi32, #tpu.memory_space<hbm>>) dst(%arg5 : memref<4x128xi32, #tpu.memory_space<vmem>>)
        tpu.yield
      }) : () -> ()
      %dma_start3A = arith.constant 0 : i32
      %dma_start3A_12 = arith.constant 0 : i32
      %dma_start3A_13 = arith.constant 0 : i32
      %dma_start3A_14 = tpu.memref_slice %arg6[%dma_start3A_12, %dma_start3A_13] : memref<512x128xf32, #tpu.memory_space<vmem>> -> memref<128x128xf32, #tpu.memory_space<vmem>>
      %dma_start3A_15 = arith.constant 0 : i32
      %dma_start3A_16 = tpu.memref_slice %arg5[%dma_start3A, %dma_start3A_15] : memref<4x128xi32, #tpu.memory_space<vmem>> -> memref<1x128xi32, #tpu.memory_space<vmem>>
      %dma_start3A_17 = tpu.memref_squeeze %dma_start3A_16 : memref<1x128xi32, #tpu.memory_space<vmem>> -> memref<128xi32, #tpu.memory_space<vmem>>
      %dma_start3A_18 = arith.constant 0 : i32
      %dma_start3A_19 = arith.constant 0 : i32
      %dma_start3A_20 = tpu.memref_slice %arg2[%dma_start3A_18, %dma_start3A_19] : memref<10000x128xf32, #tpu.memory_space<hbm>> -> memref<10000x128xf32, #tpu.memory_space<hbm>>
      tpu.enqueue_indirect_dma source(%dma_start3A_20 : memref<10000x128xf32, #tpu.memory_space<hbm>>) target(%dma_start3A_14 : memref<128x128xf32, #tpu.memory_space<vmem>>) offsets(%dma_start3A_17 : memref<128xi32, #tpu.memory_space<vmem>>) semaphore(%arg7 : memref<!tpu.dma_semaphore, #tpu.memory_space<semaphore_mem>>)
      %dma_start3A_21 = arith.constant 1 : i32
      %dma_start3A_22 = arith.constant 128 : i32
      %dma_start3A_23 = arith.constant 0 : i32
      %dma_start3A_24 = tpu.memref_slice %arg6[%dma_start3A_22, %dma_start3A_23] : memref<512x128xf32, #tpu.memory_space<vmem>> -> memref<128x128xf32, #tpu.memory_space<vmem>>
      %dma_start3A_25 = arith.constant 0 : i32
      %dma_start3A_26 = tpu.memref_slice %arg5[%dma_start3A_21, %dma_start3A_25] : memref<4x128xi32, #tpu.memory_space<vmem>> -> memref<1x128xi32, #tpu.memory_space<vmem>>
      %dma_start3A_27 = tpu.memref_squeeze %dma_start3A_26 : memref<1x128xi32, #tpu.memory_space<vmem>> -> memref<128xi32, #tpu.memory_space<vmem>>
      %dma_start3A_28 = arith.constant 0 : i32
      %dma_start3A_29 = arith.constant 0 : i32
      %dma_start3A_30 = tpu.memref_slice %arg2[%dma_start3A_28, %dma_start3A_29] : memref<10000x128xf32, #tpu.memory_space<hbm>> -> memref<10000x128xf32, #tpu.memory_space<hbm>>
      tpu.enqueue_indirect_dma source(%dma_start3A_30 : memref<10000x128xf32, #tpu.memory_space<hbm>>) target(%dma_start3A_24 : memref<128x128xf32, #tpu.memory_space<vmem>>) offsets(%dma_start3A_27 : memref<128xi32, #tpu.memory_space<vmem>>) semaphore(%arg7 : memref<!tpu.dma_semaphore, #tpu.memory_space<semaphore_mem>>)
      %dma_start3A_31 = arith.constant 2 : i32
      %dma_start3A_32 = arith.constant 256 : i32
      %dma_start3A_33 = arith.constant 0 : i32
      %dma_start3A_34 = tpu.memref_slice %arg6[%dma_start3A_32, %dma_start3A_33] : memref<512x128xf32, #tpu.memory_space<vmem>> -> memref<128x128xf32, #tpu.memory_space<vmem>>
      %dma_start3A_35 = arith.constant 0 : i32
      %dma_start3A_36 = tpu.memref_slice %arg5[%dma_start3A_31, %dma_start3A_35] : memref<4x128xi32, #tpu.memory_space<vmem>> -> memref<1x128xi32, #tpu.memory_space<vmem>>
      %dma_start3A_37 = tpu.memref_squeeze %dma_start3A_36 : memref<1x128xi32, #tpu.memory_space<vmem>> -> memref<128xi32, #tpu.memory_space<vmem>>
      %dma_start3A_38 = arith.constant 0 : i32
      %dma_start3A_39 = arith.constant 0 : i32
      %dma_start3A_40 = tpu.memref_slice %arg2[%dma_start3A_38, %dma_start3A_39] : memref<10000x128xf32, #tpu.memory_space<hbm>> -> memref<10000x128xf32, #tpu.memory_space<hbm>>
      tpu.enqueue_indirect_dma source(%dma_start3A_40 : memref<10000x128xf32, #tpu.memory_space<hbm>>) target(%dma_start3A_34 : memref<128x128xf32, #tpu.memory_space<vmem>>) offsets(%dma_start3A_37 : memref<128xi32, #tpu.memory_space<vmem>>) semaphore(%arg7 : memref<!tpu.dma_semaphore, #tpu.memory_space<semaphore_mem>>)
      %dma_start3A_41 = arith.constant 3 : i32
      %dma_start3A_42 = arith.constant 384 : i32
      %dma_start3A_43 = arith.constant 0 : i32
      %dma_start3A_44 = tpu.memref_slice %arg6[%dma_start3A_42, %dma_start3A_43] : memref<512x128xf32, #tpu.memory_space<vmem>> -> memref<128x128xf32, #tpu.memory_space<vmem>>
      %dma_start3A_45 = arith.constant 0 : i32
      %dma_start3A_46 = tpu.memref_slice %arg5[%dma_start3A_41, %dma_start3A_45] : memref<4x128xi32, #tpu.memory_space<vmem>> -> memref<1x128xi32, #tpu.memory_space<vmem>>
      %dma_start3A_47 = tpu.memref_squeeze %dma_start3A_46 : memref<1x128xi32, #tpu.memory_space<vmem>> -> memref<128xi32, #tpu.memory_space<vmem>>
      %dma_start3A_48 = arith.constant 0 : i32
      %dma_start3A_49 = arith.constant 0 : i32
      %dma_start3A_50 = tpu.memref_slice %arg2[%dma_start3A_48, %dma_start3A_49] : memref<10000x128xf32, #tpu.memory_space<hbm>> -> memref<10000x128xf32, #tpu.memory_space<hbm>>
      tpu.enqueue_indirect_dma source(%dma_start3A_50 : memref<10000x128xf32, #tpu.memory_space<hbm>>) target(%dma_start3A_44 : memref<128x128xf32, #tpu.memory_space<vmem>>) offsets(%dma_start3A_47 : memref<128xi32, #tpu.memory_space<vmem>>) semaphore(%arg7 : memref<!tpu.dma_semaphore, #tpu.memory_space<semaphore_mem>>)
      %dma_wait3A = arith.constant 0 : i32
      %dma_wait3A_51 = arith.constant 0 : i32
      %dma_wait3A_52 = arith.constant 0 : i32
      %dma_wait3A_53 = tpu.memref_slice %arg6[%dma_wait3A_51, %dma_wait3A_52] : memref<512x128xf32, #tpu.memory_space<vmem>> -> memref<128x128xf32, #tpu.memory_space<vmem>>
      %dma_wait3A_54 = arith.constant 0 : i32
      %dma_wait3A_55 = tpu.memref_slice %arg5[%dma_wait3A, %dma_wait3A_54] : memref<4x128xi32, #tpu.memory_space<vmem>> -> memref<1x128xi32, #tpu.memory_space<vmem>>
      %dma_wait3A_56 = tpu.memref_squeeze %dma_wait3A_55 : memref<1x128xi32, #tpu.memory_space<vmem>> -> memref<128xi32, #tpu.memory_space<vmem>>
      %dma_wait3A_57 = arith.constant 0 : i32
      %dma_wait3A_58 = arith.constant 0 : i32
      %dma_wait3A_59 = tpu.memref_slice %arg2[%dma_wait3A_57, %dma_wait3A_58] : memref<10000x128xf32, #tpu.memory_space<hbm>> -> memref<10000x128xf32, #tpu.memory_space<hbm>>
      tpu.wait_indirect_dma semaphore(%arg7 : memref<!tpu.dma_semaphore, #tpu.memory_space<semaphore_mem>>) src(%dma_wait3A_59 : memref<10000x128xf32, #tpu.memory_space<hbm>>) dst(%dma_wait3A_53 : memref<128x128xf32, #tpu.memory_space<vmem>>)
      %dma_wait3A_60 = arith.constant 1 : i32
      %dma_wait3A_61 = arith.constant 128 : i32
      %dma_wait3A_62 = arith.constant 0 : i32
      %dma_wait3A_63 = tpu.memref_slice %arg6[%dma_wait3A_61, %dma_wait3A_62] : memref<512x128xf32, #tpu.memory_space<vmem>> -> memref<128x128xf32, #tpu.memory_space<vmem>>
      %dma_wait3A_64 = arith.constant 0 : i32
      %dma_wait3A_65 = tpu.memref_slice %arg5[%dma_wait3A_60, %dma_wait3A_64] : memref<4x128xi32, #tpu.memory_space<vmem>> -> memref<1x128xi32, #tpu.memory_space<vmem>>
      %dma_wait3A_66 = tpu.memref_squeeze %dma_wait3A_65 : memref<1x128xi32, #tpu.memory_space<vmem>> -> memref<128xi32, #tpu.memory_space<vmem>>
      %dma_wait3A_67 = arith.constant 0 : i32
      %dma_wait3A_68 = arith.constant 0 : i32
      %dma_wait3A_69 = tpu.memref_slice %arg2[%dma_wait3A_67, %dma_wait3A_68] : memref<10000x128xf32, #tpu.memory_space<hbm>> -> memref<10000x128xf32, #tpu.memory_space<hbm>>
      tpu.wait_indirect_dma semaphore(%arg7 : memref<!tpu.dma_semaphore, #tpu.memory_space<semaphore_mem>>) src(%dma_wait3A_69 : memref<10000x128xf32, #tpu.memory_space<hbm>>) dst(%dma_wait3A_63 : memref<128x128xf32, #tpu.memory_space<vmem>>)
      %dma_wait3A_70 = arith.constant 2 : i32
      %dma_wait3A_71 = arith.constant 256 : i32
      %dma_wait3A_72 = arith.constant 0 : i32
      %dma_wait3A_73 = tpu.memref_slice %arg6[%dma_wait3A_71, %dma_wait3A_72] : memref<512x128xf32, #tpu.memory_space<vmem>> -> memref<128x128xf32, #tpu.memory_space<vmem>>
      %dma_wait3A_74 = arith.constant 0 : i32
      %dma_wait3A_75 = tpu.memref_slice %arg5[%dma_wait3A_70, %dma_wait3A_74] : memref<4x128xi32, #tpu.memory_space<vmem>> -> memref<1x128xi32, #tpu.memory_space<vmem>>
      %dma_wait3A_76 = tpu.memref_squeeze %dma_wait3A_75 : memref<1x128xi32, #tpu.memory_space<vmem>> -> memref<128xi32, #tpu.memory_space<vmem>>
      %dma_wait3A_77 = arith.constant 0 : i32
      %dma_wait3A_78 = arith.constant 0 : i32
      %dma_wait3A_79 = tpu.memref_slice %arg2[%dma_wait3A_77, %dma_wait3A_78] : memref<10000x128xf32, #tpu.memory_space<hbm>> -> memref<10000x128xf32, #tpu.memory_space<hbm>>
      tpu.wait_indirect_dma semaphore(%arg7 : memref<!tpu.dma_semaphore, #tpu.memory_space<semaphore_mem>>) src(%dma_wait3A_79 : memref<10000x128xf32, #tpu.memory_space<hbm>>) dst(%dma_wait3A_73 : memref<128x128xf32, #tpu.memory_space<vmem>>)
      %dma_wait3A_80 = arith.constant 3 : i32
      %dma_wait3A_81 = arith.constant 384 : i32
      %dma_wait3A_82 = arith.constant 0 : i32
      %dma_wait3A_83 = tpu.memref_slice %arg6[%dma_wait3A_81, %dma_wait3A_82] : memref<512x128xf32, #tpu.memory_space<vmem>> -> memref<128x128xf32, #tpu.memory_space<vmem>>
      %dma_wait3A_84 = arith.constant 0 : i32
      %dma_wait3A_85 = tpu.memref_slice %arg5[%dma_wait3A_80, %dma_wait3A_84] : memref<4x128xi32, #tpu.memory_space<vmem>> -> memref<1x128xi32, #tpu.memory_space<vmem>>
      %dma_wait3A_86 = tpu.memref_squeeze %dma_wait3A_85 : memref<1x128xi32, #tpu.memory_space<vmem>> -> memref<128xi32, #tpu.memory_space<vmem>>
      %dma_wait3A_87 = arith.constant 0 : i32
      %dma_wait3A_88 = arith.constant 0 : i32
      %dma_wait3A_89 = tpu.memref_slice %arg2[%dma_wait3A_87, %dma_wait3A_88] : memref<10000x128xf32, #tpu.memory_space<hbm>> -> memref<10000x128xf32, #tpu.memory_space<hbm>>
      tpu.wait_indirect_dma semaphore(%arg7 : memref<!tpu.dma_semaphore, #tpu.memory_space<semaphore_mem>>) src(%dma_wait3A_89 : memref<10000x128xf32, #tpu.memory_space<hbm>>) dst(%dma_wait3A_83 : memref<128x128xf32, #tpu.memory_space<vmem>>)
      %mul3A_90 = arith.constant 128 : i32
      %mul3A_91 = arith.muli %add3A_11, %mul3A_90 : i32
      "tpu.region"() ({
        %run_scoped3A = tpu.sem_alloc : memref<!tpu.dma_semaphore, #tpu.memory_space<semaphore_mem>>
        %dma_start3A_92 = arith.constant 0 : i32
        %dma_start3A_93 = tpu.memref_slice %arg4[%mul3A_91, %dma_start3A_92] : memref<163840x128xf32, #tpu.memory_space<hbm>> -> memref<512x128xf32, #tpu.memory_space<hbm>>
        %dma_start3A_94 = arith.constant 0 : i32
        %dma_start3A_95 = tpu.memref_slice %arg4[%mul3A_91, %dma_start3A_94] : memref<163840x128xf32, #tpu.memory_space<hbm>> -> memref<512x128xf32, #tpu.memory_space<hbm>>
        tpu.enqueue_dma source(%arg6 : memref<512x128xf32, #tpu.memory_space<vmem>>) target(%dma_start3A_95 : memref<512x128xf32, #tpu.memory_space<hbm>>) target_semaphore(%run_scoped3A : memref<!tpu.dma_semaphore, #tpu.memory_space<semaphore_mem>>)
        %dma_wait3A_96 = arith.constant 0 : i32
        %dma_wait3A_97 = tpu.memref_slice %arg4[%mul3A_91, %dma_wait3A_96] : memref<163840x128xf32, #tpu.memory_space<hbm>> -> memref<512x128xf32, #tpu.memory_space<hbm>>
        %dma_wait3A_98 = arith.constant 0 : i32
        %dma_wait3A_99 = tpu.memref_slice %arg4[%mul3A_91, %dma_wait3A_98] : memref<163840x128xf32, #tpu.memory_space<hbm>> -> memref<512x128xf32, #tpu.memory_space<hbm>>
        tpu.wait_dma2 semaphore(%run_scoped3A : memref<!tpu.dma_semaphore, #tpu.memory_space<semaphore_mem>>) src(%arg6 : memref<512x128xf32, #tpu.memory_space<vmem>>) dst(%dma_wait3A_99 : memref<512x128xf32, #tpu.memory_space<hbm>>)
        tpu.yield
      }) : () -> ()
    }
    %scan3A_7 = arith.constant 10 : i32
    return
  }
}

#map = affine_map<(d0, d1) -> (0, 0)>
module attributes {stable_mosaic.version = 14 : i64} {
  func.func @_sc_scatter(%arg0: i32, %arg1: i32, %arg2: memref<163840x128xf32, #tpu.memory_space<hbm>>, %arg3: memref<1280x128xi32, #tpu.memory_space<hbm>>, %arg4: memref<640x128xf32, #tpu.memory_space<hbm>>, %arg5: memref<20480x128xf32, #tpu.memory_space<hbm>>, %arg6: memref<128xi32, #tpu.memory_space<vmem>>, %arg7: memref<128xi32, #tpu.memory_space<vmem>>, %arg8: memref<128x128xf32, #tpu.memory_space<vmem>>, %arg9: memref<128x128xf32, #tpu.memory_space<vmem>>, %arg10: memref<!tpu.dma_semaphore, #tpu.memory_space<semaphore_mem>>, %arg11: memref<!tpu.dma_semaphore, #tpu.memory_space<semaphore_mem>>, %arg12: memref<10240x128xf32, #tpu.memory_space<vmem_shared>>) attributes {dimension_semantics = [#tpu.dimension_semantics<core_parallel>, #tpu.dimension_semantics<subcore_parallel>], iteration_bounds = array<i64: 2, 16>, scalar_prefetch = 0 : i64, scratch_operands = 7 : i64, tpu.core_type = #tpu.core_type<sc_vector_subcore>, window_params = [{transform_indices = #map}, {transform_indices = #map}, {transform_indices = #map}, {transform_indices = #map}]} {
    %mul3A = arith.constant 2 : i32
    %mul3A_0 = arith.muli %arg1, %mul3A : i32
    %add3A = arith.addi %mul3A_0, %arg0 : i32
    %mul3A_1 = arith.constant 40 : i32
    %mul3A_2 = arith.muli %add3A, %mul3A_1 : i32
    %mul3A_3 = arith.constant 640 : i32
    %mul3A_4 = arith.muli %arg1, %mul3A_3 : i32
    "tpu.region"() ({
      %run_scoped3A = tpu.sem_alloc : memref<!tpu.dma_semaphore, #tpu.memory_space<semaphore_mem>>
      %dma_start3A_23 = arith.constant 0 : i32
      %dma_start3A_24 = tpu.memref_slice %arg12[%mul3A_4, %dma_start3A_23] : memref<10240x128xf32, #tpu.memory_space<vmem_shared>> -> memref<640x128xf32, #tpu.memory_space<vmem_shared>>
      tpu.enqueue_dma source(%arg4 : memref<640x128xf32, #tpu.memory_space<hbm>>) target(%dma_start3A_24 : memref<640x128xf32, #tpu.memory_space<vmem_shared>>) target_semaphore(%run_scoped3A : memref<!tpu.dma_semaphore, #tpu.memory_space<semaphore_mem>>)
      %dma_wait3A = arith.constant 0 : i32
      %dma_wait3A_25 = tpu.memref_slice %arg12[%mul3A_4, %dma_wait3A] : memref<10240x128xf32, #tpu.memory_space<vmem_shared>> -> memref<640x128xf32, #tpu.memory_space<vmem_shared>>
      tpu.wait_dma2 semaphore(%run_scoped3A : memref<!tpu.dma_semaphore, #tpu.memory_space<semaphore_mem>>) src(%arg4 : memref<640x128xf32, #tpu.memory_space<hbm>>) dst(%dma_wait3A_25 : memref<640x128xf32, #tpu.memory_space<vmem_shared>>)
      tpu.yield
    }) : () -> ()
    %barrier3A = arith.constant 0 : index
    tpu.barrier barrier_id(%barrier3A)
    "tpu.region"() ({
      %run_scoped3A = tpu.sem_alloc : memref<!tpu.dma_semaphore, #tpu.memory_space<semaphore_mem>>
      %dma_start3A_23 = arith.constant 0 : i32
      %dma_start3A_24 = tpu.memref_slice %arg3[%mul3A_2, %dma_start3A_23] : memref<1280x128xi32, #tpu.memory_space<hbm>> -> memref<1x128xi32, #tpu.memory_space<hbm>>
      %dma_start3A_25 = tpu.memref_squeeze %dma_start3A_24 : memref<1x128xi32, #tpu.memory_space<hbm>> -> memref<128xi32, #tpu.memory_space<hbm>>
      %dma_start3A_26 = arith.constant 0 : i32
      %dma_start3A_27 = tpu.memref_slice %arg3[%mul3A_2, %dma_start3A_26] : memref<1280x128xi32, #tpu.memory_space<hbm>> -> memref<1x128xi32, #tpu.memory_space<hbm>>
      %dma_start3A_28 = tpu.memref_squeeze %dma_start3A_27 : memref<1x128xi32, #tpu.memory_space<hbm>> -> memref<128xi32, #tpu.memory_space<hbm>>
      tpu.enqueue_dma source(%dma_start3A_28 : memref<128xi32, #tpu.memory_space<hbm>>) target(%arg6 : memref<128xi32, #tpu.memory_space<vmem>>) target_semaphore(%run_scoped3A : memref<!tpu.dma_semaphore, #tpu.memory_space<semaphore_mem>>)
      %dma_wait3A = arith.constant 0 : i32
      %dma_wait3A_29 = tpu.memref_slice %arg3[%mul3A_2, %dma_wait3A] : memref<1280x128xi32, #tpu.memory_space<hbm>> -> memref<1x128xi32, #tpu.memory_space<hbm>>
      %dma_wait3A_30 = tpu.memref_squeeze %dma_wait3A_29 : memref<1x128xi32, #tpu.memory_space<hbm>> -> memref<128xi32, #tpu.memory_space<hbm>>
      %dma_wait3A_31 = arith.constant 0 : i32
      %dma_wait3A_32 = tpu.memref_slice %arg3[%mul3A_2, %dma_wait3A_31] : memref<1280x128xi32, #tpu.memory_space<hbm>> -> memref<1x128xi32, #tpu.memory_space<hbm>>
      %dma_wait3A_33 = tpu.memref_squeeze %dma_wait3A_32 : memref<1x128xi32, #tpu.memory_space<hbm>> -> memref<128xi32, #tpu.memory_space<hbm>>
      tpu.wait_dma2 semaphore(%run_scoped3A : memref<!tpu.dma_semaphore, #tpu.memory_space<semaphore_mem>>) src(%dma_wait3A_33 : memref<128xi32, #tpu.memory_space<hbm>>) dst(%arg6 : memref<128xi32, #tpu.memory_space<vmem>>)
      tpu.yield
    }) : () -> ()
    %mul3A_5 = arith.constant 128 : i32
    %mul3A_6 = arith.muli %mul3A_2, %mul3A_5 : i32
    %dma_start3A = arith.constant 0 : i32
    %dma_start3A_7 = tpu.memref_slice %arg2[%mul3A_6, %dma_start3A] : memref<163840x128xf32, #tpu.memory_space<hbm>> -> memref<128x128xf32, #tpu.memory_space<hbm>>
    %dma_start3A_8 = arith.constant 0 : i32
    %dma_start3A_9 = tpu.memref_slice %arg2[%mul3A_6, %dma_start3A_8] : memref<163840x128xf32, #tpu.memory_space<hbm>> -> memref<128x128xf32, #tpu.memory_space<hbm>>
    tpu.enqueue_dma source(%dma_start3A_9 : memref<128x128xf32, #tpu.memory_space<hbm>>) target(%arg8 : memref<128x128xf32, #tpu.memory_space<vmem>>) target_semaphore(%arg10 : memref<!tpu.dma_semaphore, #tpu.memory_space<semaphore_mem>>)
    %scan3A = arith.constant 0 : i32
    %scan3A_10 = arith.constant 0 : i32
    %scan3A_11 = arith.constant 20 : i32
    %scan3A_12 = arith.addi %scan3A_10, %scan3A_11 : i32
    %scan3A_13 = arith.constant 1 : i32
    scf.for %scan3A_23 = %scan3A_10 to %scan3A_12 step %scan3A_13  : i32 {
      %mul3A_24 = arith.constant 2 : i32
      %mul3A_25 = arith.muli %scan3A_23, %mul3A_24 : i32
      %add3A_26 = arith.constant 0 : i32
      %add3A_27 = arith.addi %mul3A_25, %add3A_26 : i32
      %add3A_28 = arith.addi %mul3A_2, %add3A_27 : i32
      %mul3A_29 = arith.constant 128 : i32
      %mul3A_30 = arith.muli %add3A_28, %mul3A_29 : i32
      %dma_wait3A = arith.constant 0 : i32
      %dma_wait3A_31 = tpu.memref_slice %arg2[%mul3A_30, %dma_wait3A] : memref<163840x128xf32, #tpu.memory_space<hbm>> -> memref<128x128xf32, #tpu.memory_space<hbm>>
      %dma_wait3A_32 = arith.constant 0 : i32
      %dma_wait3A_33 = tpu.memref_slice %arg2[%mul3A_30, %dma_wait3A_32] : memref<163840x128xf32, #tpu.memory_space<hbm>> -> memref<128x128xf32, #tpu.memory_space<hbm>>
      tpu.wait_dma2 semaphore(%arg10 : memref<!tpu.dma_semaphore, #tpu.memory_space<semaphore_mem>>) src(%dma_wait3A_33 : memref<128x128xf32, #tpu.memory_space<hbm>>) dst(%arg8 : memref<128x128xf32, #tpu.memory_space<vmem>>)
      %add3A_34 = arith.constant 1 : i32
      %add3A_35 = arith.addi %add3A_27, %add3A_34 : i32
      %lt3A = arith.constant 40 : i32
      %lt3A_36 = arith.cmpi slt, %add3A_35, %lt3A : i32
      %convert_element_type3A = arith.extui %lt3A_36 : i1 to i32
      %cond3A = arith.constant 0 : i32
      %cond3A_37 = arith.cmpi ne, %convert_element_type3A, %cond3A : i32
      scf.if %cond3A_37 {
        %add3A_56 = arith.constant 1 : i32
        %add3A_57 = arith.addi %add3A_28, %add3A_56 : i32
        "tpu.region"() ({
          %run_scoped3A = tpu.sem_alloc : memref<!tpu.dma_semaphore, #tpu.memory_space<semaphore_mem>>
          %dma_start3A_66 = arith.constant 0 : i32
          %dma_start3A_67 = tpu.memref_slice %arg3[%add3A_57, %dma_start3A_66] : memref<1280x128xi32, #tpu.memory_space<hbm>> -> memref<1x128xi32, #tpu.memory_space<hbm>>
          %dma_start3A_68 = tpu.memref_squeeze %dma_start3A_67 : memref<1x128xi32, #tpu.memory_space<hbm>> -> memref<128xi32, #tpu.memory_space<hbm>>
          %dma_start3A_69 = arith.constant 0 : i32
          %dma_start3A_70 = tpu.memref_slice %arg3[%add3A_57, %dma_start3A_69] : memref<1280x128xi32, #tpu.memory_space<hbm>> -> memref<1x128xi32, #tpu.memory_space<hbm>>
          %dma_start3A_71 = tpu.memref_squeeze %dma_start3A_70 : memref<1x128xi32, #tpu.memory_space<hbm>> -> memref<128xi32, #tpu.memory_space<hbm>>
          tpu.enqueue_dma source(%dma_start3A_71 : memref<128xi32, #tpu.memory_space<hbm>>) target(%arg7 : memref<128xi32, #tpu.memory_space<vmem>>) target_semaphore(%run_scoped3A : memref<!tpu.dma_semaphore, #tpu.memory_space<semaphore_mem>>)
          %dma_wait3A_72 = arith.constant 0 : i32
          %dma_wait3A_73 = tpu.memref_slice %arg3[%add3A_57, %dma_wait3A_72] : memref<1280x128xi32, #tpu.memory_space<hbm>> -> memref<1x128xi32, #tpu.memory_space<hbm>>
          %dma_wait3A_74 = tpu.memref_squeeze %dma_wait3A_73 : memref<1x128xi32, #tpu.memory_space<hbm>> -> memref<128xi32, #tpu.memory_space<hbm>>
          %dma_wait3A_75 = arith.constant 0 : i32
          %dma_wait3A_76 = tpu.memref_slice %arg3[%add3A_57, %dma_wait3A_75] : memref<1280x128xi32, #tpu.memory_space<hbm>> -> memref<1x128xi32, #tpu.memory_space<hbm>>
          %dma_wait3A_77 = tpu.memref_squeeze %dma_wait3A_76 : memref<1x128xi32, #tpu.memory_space<hbm>> -> memref<128xi32, #tpu.memory_space<hbm>>
          tpu.wait_dma2 semaphore(%run_scoped3A : memref<!tpu.dma_semaphore, #tpu.memory_space<semaphore_mem>>) src(%dma_wait3A_77 : memref<128xi32, #tpu.memory_space<hbm>>) dst(%arg7 : memref<128xi32, #tpu.memory_space<vmem>>)
          tpu.yield
        }) : () -> ()
        %add3A_58 = arith.constant 1 : i32
        %add3A_59 = arith.addi %add3A_28, %add3A_58 : i32
        %mul3A_60 = arith.constant 128 : i32
        %mul3A_61 = arith.muli %add3A_59, %mul3A_60 : i32
        %dma_start3A_62 = arith.constant 0 : i32
        %dma_start3A_63 = tpu.memref_slice %arg2[%mul3A_61, %dma_start3A_62] : memref<163840x128xf32, #tpu.memory_space<hbm>> -> memref<128x128xf32, #tpu.memory_space<hbm>>
        %dma_start3A_64 = arith.constant 0 : i32
        %dma_start3A_65 = tpu.memref_slice %arg2[%mul3A_61, %dma_start3A_64] : memref<163840x128xf32, #tpu.memory_space<hbm>> -> memref<128x128xf32, #tpu.memory_space<hbm>>
        tpu.enqueue_dma source(%dma_start3A_65 : memref<128x128xf32, #tpu.memory_space<hbm>>) target(%arg9 : memref<128x128xf32, #tpu.memory_space<vmem>>) target_semaphore(%arg11 : memref<!tpu.dma_semaphore, #tpu.memory_space<semaphore_mem>>)
      } else {
      }
      "tpu.region"() ({
        %run_scoped3A = tpu.sem_alloc : memref<!tpu.dma_semaphore, #tpu.memory_space<semaphore_mem>>
        %dma_start3A_56 = arith.constant 0 : i32
        %dma_start3A_57 = arith.constant 0 : i32
        %dma_start3A_58 = tpu.memref_slice %arg12[%dma_start3A_56, %dma_start3A_57] : memref<10240x128xf32, #tpu.memory_space<vmem_shared>> -> memref<10240x128xf32, #tpu.memory_space<vmem_shared>>
        tpu.enqueue_indirect_dma source(%arg8 : memref<128x128xf32, #tpu.memory_space<vmem>>) target(%dma_start3A_58 : memref<10240x128xf32, #tpu.memory_space<vmem_shared>>) offsets(%arg6 : memref<128xi32, #tpu.memory_space<vmem>>) semaphore(%run_scoped3A : memref<!tpu.dma_semaphore, #tpu.memory_space<semaphore_mem>>) {add = true}
        %dma_wait3A_59 = arith.constant 0 : i32
        %dma_wait3A_60 = arith.constant 0 : i32
        %dma_wait3A_61 = tpu.memref_slice %arg12[%dma_wait3A_59, %dma_wait3A_60] : memref<10240x128xf32, #tpu.memory_space<vmem_shared>> -> memref<10240x128xf32, #tpu.memory_space<vmem_shared>>
        tpu.wait_indirect_dma semaphore(%run_scoped3A : memref<!tpu.dma_semaphore, #tpu.memory_space<semaphore_mem>>) src(%arg8 : memref<128x128xf32, #tpu.memory_space<vmem>>) dst(%dma_wait3A_61 : memref<10240x128xf32, #tpu.memory_space<vmem_shared>>)
        tpu.yield
      }) : () -> ()
      %mul3A_38 = arith.constant 2 : i32
      %mul3A_39 = arith.muli %scan3A_23, %mul3A_38 : i32
      %add3A_40 = arith.constant 1 : i32
      %add3A_41 = arith.addi %mul3A_39, %add3A_40 : i32
      %add3A_42 = arith.addi %mul3A_2, %add3A_41 : i32
      %mul3A_43 = arith.constant 128 : i32
      %mul3A_44 = arith.muli %add3A_42, %mul3A_43 : i32
      %dma_wait3A_45 = arith.constant 0 : i32
      %dma_wait3A_46 = tpu.memref_slice %arg2[%mul3A_44, %dma_wait3A_45] : memref<163840x128xf32, #tpu.memory_space<hbm>> -> memref<128x128xf32, #tpu.memory_space<hbm>>
      %dma_wait3A_47 = arith.constant 0 : i32
      %dma_wait3A_48 = tpu.memref_slice %arg2[%mul3A_44, %dma_wait3A_47] : memref<163840x128xf32, #tpu.memory_space<hbm>> -> memref<128x128xf32, #tpu.memory_space<hbm>>
      tpu.wait_dma2 semaphore(%arg11 : memref<!tpu.dma_semaphore, #tpu.memory_space<semaphore_mem>>) src(%dma_wait3A_48 : memref<128x128xf32, #tpu.memory_space<hbm>>) dst(%arg9 : memref<128x128xf32, #tpu.memory_space<vmem>>)
      %add3A_49 = arith.constant 1 : i32
      %add3A_50 = arith.addi %add3A_41, %add3A_49 : i32
      %lt3A_51 = arith.constant 40 : i32
      %lt3A_52 = arith.cmpi slt, %add3A_50, %lt3A_51 : i32
      %convert_element_type3A_53 = arith.extui %lt3A_52 : i1 to i32
      %cond3A_54 = arith.constant 0 : i32
      %cond3A_55 = arith.cmpi ne, %convert_element_type3A_53, %cond3A_54 : i32
      scf.if %cond3A_55 {
        %add3A_56 = arith.constant 1 : i32
        %add3A_57 = arith.addi %add3A_42, %add3A_56 : i32
        "tpu.region"() ({
          %run_scoped3A = tpu.sem_alloc : memref<!tpu.dma_semaphore, #tpu.memory_space<semaphore_mem>>
          %dma_start3A_66 = arith.constant 0 : i32
          %dma_start3A_67 = tpu.memref_slice %arg3[%add3A_57, %dma_start3A_66] : memref<1280x128xi32, #tpu.memory_space<hbm>> -> memref<1x128xi32, #tpu.memory_space<hbm>>
          %dma_start3A_68 = tpu.memref_squeeze %dma_start3A_67 : memref<1x128xi32, #tpu.memory_space<hbm>> -> memref<128xi32, #tpu.memory_space<hbm>>
          %dma_start3A_69 = arith.constant 0 : i32
          %dma_start3A_70 = tpu.memref_slice %arg3[%add3A_57, %dma_start3A_69] : memref<1280x128xi32, #tpu.memory_space<hbm>> -> memref<1x128xi32, #tpu.memory_space<hbm>>
          %dma_start3A_71 = tpu.memref_squeeze %dma_start3A_70 : memref<1x128xi32, #tpu.memory_space<hbm>> -> memref<128xi32, #tpu.memory_space<hbm>>
          tpu.enqueue_dma source(%dma_start3A_71 : memref<128xi32, #tpu.memory_space<hbm>>) target(%arg6 : memref<128xi32, #tpu.memory_space<vmem>>) target_semaphore(%run_scoped3A : memref<!tpu.dma_semaphore, #tpu.memory_space<semaphore_mem>>)
          %dma_wait3A_72 = arith.constant 0 : i32
          %dma_wait3A_73 = tpu.memref_slice %arg3[%add3A_57, %dma_wait3A_72] : memref<1280x128xi32, #tpu.memory_space<hbm>> -> memref<1x128xi32, #tpu.memory_space<hbm>>
          %dma_wait3A_74 = tpu.memref_squeeze %dma_wait3A_73 : memref<1x128xi32, #tpu.memory_space<hbm>> -> memref<128xi32, #tpu.memory_space<hbm>>
          %dma_wait3A_75 = arith.constant 0 : i32
          %dma_wait3A_76 = tpu.memref_slice %arg3[%add3A_57, %dma_wait3A_75] : memref<1280x128xi32, #tpu.memory_space<hbm>> -> memref<1x128xi32, #tpu.memory_space<hbm>>
          %dma_wait3A_77 = tpu.memref_squeeze %dma_wait3A_76 : memref<1x128xi32, #tpu.memory_space<hbm>> -> memref<128xi32, #tpu.memory_space<hbm>>
          tpu.wait_dma2 semaphore(%run_scoped3A : memref<!tpu.dma_semaphore, #tpu.memory_space<semaphore_mem>>) src(%dma_wait3A_77 : memref<128xi32, #tpu.memory_space<hbm>>) dst(%arg6 : memref<128xi32, #tpu.memory_space<vmem>>)
          tpu.yield
        }) : () -> ()
        %add3A_58 = arith.constant 1 : i32
        %add3A_59 = arith.addi %add3A_42, %add3A_58 : i32
        %mul3A_60 = arith.constant 128 : i32
        %mul3A_61 = arith.muli %add3A_59, %mul3A_60 : i32
        %dma_start3A_62 = arith.constant 0 : i32
        %dma_start3A_63 = tpu.memref_slice %arg2[%mul3A_61, %dma_start3A_62] : memref<163840x128xf32, #tpu.memory_space<hbm>> -> memref<128x128xf32, #tpu.memory_space<hbm>>
        %dma_start3A_64 = arith.constant 0 : i32
        %dma_start3A_65 = tpu.memref_slice %arg2[%mul3A_61, %dma_start3A_64] : memref<163840x128xf32, #tpu.memory_space<hbm>> -> memref<128x128xf32, #tpu.memory_space<hbm>>
        tpu.enqueue_dma source(%dma_start3A_65 : memref<128x128xf32, #tpu.memory_space<hbm>>) target(%arg8 : memref<128x128xf32, #tpu.memory_space<vmem>>) target_semaphore(%arg10 : memref<!tpu.dma_semaphore, #tpu.memory_space<semaphore_mem>>)
      } else {
      }
      "tpu.region"() ({
        %run_scoped3A = tpu.sem_alloc : memref<!tpu.dma_semaphore, #tpu.memory_space<semaphore_mem>>
        %dma_start3A_56 = arith.constant 0 : i32
        %dma_start3A_57 = arith.constant 0 : i32
        %dma_start3A_58 = tpu.memref_slice %arg12[%dma_start3A_56, %dma_start3A_57] : memref<10240x128xf32, #tpu.memory_space<vmem_shared>> -> memref<10240x128xf32, #tpu.memory_space<vmem_shared>>
        tpu.enqueue_indirect_dma source(%arg9 : memref<128x128xf32, #tpu.memory_space<vmem>>) target(%dma_start3A_58 : memref<10240x128xf32, #tpu.memory_space<vmem_shared>>) offsets(%arg7 : memref<128xi32, #tpu.memory_space<vmem>>) semaphore(%run_scoped3A : memref<!tpu.dma_semaphore, #tpu.memory_space<semaphore_mem>>) {add = true}
        %dma_wait3A_59 = arith.constant 0 : i32
        %dma_wait3A_60 = arith.constant 0 : i32
        %dma_wait3A_61 = tpu.memref_slice %arg12[%dma_wait3A_59, %dma_wait3A_60] : memref<10240x128xf32, #tpu.memory_space<vmem_shared>> -> memref<10240x128xf32, #tpu.memory_space<vmem_shared>>
        tpu.wait_indirect_dma semaphore(%run_scoped3A : memref<!tpu.dma_semaphore, #tpu.memory_space<semaphore_mem>>) src(%arg9 : memref<128x128xf32, #tpu.memory_space<vmem>>) dst(%dma_wait3A_61 : memref<10240x128xf32, #tpu.memory_space<vmem_shared>>)
        tpu.yield
      }) : () -> ()
    }
    %scan3A_14 = arith.constant 20 : i32
    %barrier3A_15 = arith.constant 0 : index
    tpu.barrier barrier_id(%barrier3A_15)
    %mul3A_16 = arith.constant 640 : i32
    %mul3A_17 = arith.muli %arg1, %mul3A_16 : i32
    %mul3A_18 = arith.constant 10240 : i32
    %mul3A_19 = arith.muli %arg0, %mul3A_18 : i32
    %mul3A_20 = arith.constant 640 : i32
    %mul3A_21 = arith.muli %arg1, %mul3A_20 : i32
    %add3A_22 = arith.addi %mul3A_19, %mul3A_21 : i32
    "tpu.region"() ({
      %run_scoped3A = tpu.sem_alloc : memref<!tpu.dma_semaphore, #tpu.memory_space<semaphore_mem>>
      %dma_start3A_23 = arith.constant 0 : i32
      %dma_start3A_24 = tpu.memref_slice %arg5[%add3A_22, %dma_start3A_23] : memref<20480x128xf32, #tpu.memory_space<hbm>> -> memref<640x128xf32, #tpu.memory_space<hbm>>
      %dma_start3A_25 = arith.constant 0 : i32
      %dma_start3A_26 = tpu.memref_slice %arg12[%mul3A_17, %dma_start3A_25] : memref<10240x128xf32, #tpu.memory_space<vmem_shared>> -> memref<640x128xf32, #tpu.memory_space<vmem_shared>>
      tpu.enqueue_dma source(%dma_start3A_26 : memref<640x128xf32, #tpu.memory_space<vmem_shared>>) target(%dma_start3A_24 : memref<640x128xf32, #tpu.memory_space<hbm>>) target_semaphore(%run_scoped3A : memref<!tpu.dma_semaphore, #tpu.memory_space<semaphore_mem>>)
      %dma_wait3A = arith.constant 0 : i32
      %dma_wait3A_27 = tpu.memref_slice %arg5[%add3A_22, %dma_wait3A] : memref<20480x128xf32, #tpu.memory_space<hbm>> -> memref<640x128xf32, #tpu.memory_space<hbm>>
      %dma_wait3A_28 = arith.constant 0 : i32
      %dma_wait3A_29 = tpu.memref_slice %arg12[%mul3A_17, %dma_wait3A_28] : memref<10240x128xf32, #tpu.memory_space<vmem_shared>> -> memref<640x128xf32, #tpu.memory_space<vmem_shared>>
      tpu.wait_dma2 semaphore(%run_scoped3A : memref<!tpu.dma_semaphore, #tpu.memory_space<semaphore_mem>>) src(%dma_wait3A_29 : memref<640x128xf32, #tpu.memory_space<vmem_shared>>) dst(%dma_wait3A_27 : memref<640x128xf32, #tpu.memory_space<hbm>>)
      tpu.yield
    }) : () -> ()
    return
  }
}

module attributes {stable_mosaic.version = 14 : i64} {
  func.func @_prologue_body(%arg0: memref<10000x1xf32, #tpu.memory_space<vmem>>, %arg1: memref<1x32xf32, #tpu.memory_space<vmem>>, %arg2: memref<1x32xf32, #tpu.memory_space<vmem>>, %arg3: memref<20480x128xf32, #tpu.memory_space<vmem>>, %arg4: memref<10000x128xf32, #tpu.memory_space<vmem>>, %arg5: memref<10000x32xf32, #tpu.memory_space<vmem>>) attributes {dimension_semantics = [], scalar_prefetch = 0 : i64, scratch_operands = 0 : i64, tpu.core_type = #tpu.core_type<tc>} {
    %get3A = arith.constant 0 : index
    %get3A_0 = arith.constant 0 : index
    %get3A_1 = vector.load %arg0[%get3A, %get3A_0] : memref<10000x1xf32, #tpu.memory_space<vmem>>, vector<10000x1xf32>
    %get3A_2 = arith.constant 0 : index
    %get3A_3 = arith.constant 0 : index
    %get3A_4 = vector.load %arg1[%get3A_2, %get3A_3] : memref<1x32xf32, #tpu.memory_space<vmem>>, vector<1x32xf32>
    %mul3A = vector.broadcast %get3A_1 : vector<10000x1xf32> to vector<10000x32xf32>
    %mul3A_5 = vector.broadcast %get3A_4 : vector<1x32xf32> to vector<10000x32xf32>
    %mul3A_6 = arith.mulf %mul3A, %mul3A_5 : vector<10000x32xf32>
    %get3A_7 = arith.constant 0 : index
    %get3A_8 = arith.constant 0 : index
    %get3A_9 = vector.load %arg2[%get3A_7, %get3A_8] : memref<1x32xf32, #tpu.memory_space<vmem>>, vector<1x32xf32>
    %add3A = vector.broadcast %get3A_9 : vector<1x32xf32> to vector<10000x32xf32>
    %add3A_10 = arith.addf %mul3A_6, %add3A : vector<10000x32xf32>
    %broadcast_in_dim3A = arith.constant 0.000000e+00 : f32
    %broadcast_in_dim3A_11 = vector.broadcast %broadcast_in_dim3A : f32 to vector<10000x96xf32>
    %concatenate3A = tpu.concatenate %add3A_10, %broadcast_in_dim3A_11 in 1 : vector<10000x32xf32>, vector<10000x96xf32> -> vector<10000x128xf32>
    %swap3A = arith.constant 0 : index
    %swap3A_12 = arith.constant 0 : index
    %swap3A_13 = vector.load %arg4[%swap3A, %swap3A_12] : memref<10000x128xf32, #tpu.memory_space<vmem>>, vector<10000x128xf32>
    tpu.vector_store %arg4[%swap3A, %swap3A_12], %concatenate3A {strides = array<i32>} : memref<10000x128xf32, #tpu.memory_space<vmem>>, vector<10000x128xf32>,
    %get3A_14 = arith.constant 0 : index
    %get3A_15 = arith.constant 0 : index
    %get3A_16 = vector.load %arg3[%get3A_14, %get3A_15] : memref<20480x128xf32, #tpu.memory_space<vmem>>, vector<20480x128xf32>
    %slice3A = vector.extract_strided_slice %get3A_16 {offsets = [0, 0], sizes = [10000, 1], strides = [1, 1]} : vector<20480x128xf32> to vector<10000x1xf32>
    %slice3A_17 = vector.extract_strided_slice %get3A_16 {offsets = [10240, 0], sizes = [10000, 1], strides = [1, 1]} : vector<20480x128xf32> to vector<10000x1xf32>
    %add3A_18 = arith.addf %slice3A, %slice3A_17 : vector<10000x1xf32>
    %max3A = arith.constant 1.000000e+00 : f32
    %max3A_19 = vector.broadcast %max3A : f32 to vector<10000x1xf32>
    %max3A_20 = arith.maximumf %add3A_18, %max3A_19 : vector<10000x1xf32>
    %div3A = arith.constant 1.000000e+00 : f32
    %div3A_21 = vector.broadcast %div3A : f32 to vector<10000x1xf32>
    %div3A_22 = arith.divf %div3A_21, %max3A_20 : vector<10000x1xf32>
    %broadcast_in_dim3A_23 = vector.shape_cast %div3A_22 : vector<10000x1xf32> to vector<10000x1xf32>
    %broadcast_in_dim3A_24 = vector.broadcast %broadcast_in_dim3A_23 : vector<10000x1xf32> to vector<10000x32xf32>
    %swap3A_25 = arith.constant 0 : index
    %swap3A_26 = arith.constant 0 : index
    %swap3A_27 = vector.load %arg5[%swap3A_25, %swap3A_26] : memref<10000x32xf32, #tpu.memory_space<vmem>>, vector<10000x32xf32>
    tpu.vector_store %arg5[%swap3A_25, %swap3A_26], %broadcast_in_dim3A_24 {strides = array<i32>} : memref<10000x32xf32, #tpu.memory_space<vmem>>, vector<10000x32xf32>,
    return
  }
}

module attributes {stable_mosaic.version = 14 : i64} {
  func.func @_mlp_body(%arg0: i32, %arg1: memref<2048x4xf32, #tpu.memory_space<vmem>>, %arg2: memref<4x256xf32, #tpu.memory_space<vmem>>, %arg3: memref<1x256xf32, #tpu.memory_space<vmem>>, %arg4: memref<256x256xf32, #tpu.memory_space<vmem>>, %arg5: memref<1x256xf32, #tpu.memory_space<vmem>>, %arg6: memref<256x1024xf32, #tpu.memory_space<vmem>>, %arg7: memref<1x1024xf32, #tpu.memory_space<vmem>>, %arg8: memref<2048x1024xf32, #tpu.memory_space<vmem>>) attributes {dimension_semantics = [#tpu.dimension_semantics<arbitrary>], iteration_bounds = array<i64: 80>, scalar_prefetch = 0 : i64, scratch_operands = 0 : i64, tpu.core_type = #tpu.core_type<tc>, window_params = [{transform_indices = @transform_0, window_bounds = array<i64: 2048, 4>}, {pipeline_mode = #tpu.pipeline_mode<synchronous>, transform_indices = @transform_1, window_bounds = array<i64: 4, 256>}, {pipeline_mode = #tpu.pipeline_mode<synchronous>, transform_indices = @transform_2, window_bounds = array<i64: 1, 256>}, {pipeline_mode = #tpu.pipeline_mode<synchronous>, transform_indices = @transform_3, window_bounds = array<i64: 256, 256>}, {pipeline_mode = #tpu.pipeline_mode<synchronous>, transform_indices = @transform_4, window_bounds = array<i64: 1, 256>}, {pipeline_mode = #tpu.pipeline_mode<synchronous>, transform_indices = @transform_5, window_bounds = array<i64: 256, 1024>}, {pipeline_mode = #tpu.pipeline_mode<synchronous>, transform_indices = @transform_6, window_bounds = array<i64: 1, 1024>}, {transform_indices = @transform_7, window_bounds = array<i64: 2048, 1024>}]} {
    %get3A = arith.constant 0 : index
    %get3A_0 = arith.constant 0 : index
    %get3A_1 = vector.load %arg1[%get3A, %get3A_0] : memref<2048x4xf32, #tpu.memory_space<vmem>>, vector<2048x4xf32>
    %get3A_2 = arith.constant 0 : index
    %get3A_3 = arith.constant 0 : index
    %get3A_4 = vector.load %arg2[%get3A_2, %get3A_3] : memref<4x256xf32, #tpu.memory_space<vmem>>, vector<4x256xf32>
    %dot_general3A = arith.constant dense<0.000000e+00> : vector<2048x256xf32>
    %dot_general3A_5 = tpu.matmul %get3A_1, %get3A_4, %dot_general3A {dimension_numbers = #tpu.dot_dimension_numbers<[1], [0], [0], [1], [0, 0, 1, 1], [], []>, transpose_lhs_hint = false} : vector<2048x4xf32>, vector<4x256xf32>, vector<2048x256xf32> -> vector<2048x256xf32>
    %get3A_6 = arith.constant 0 : index
    %get3A_7 = arith.constant 0 : index
    %get3A_8 = vector.load %arg3[%get3A_6, %get3A_7] : memref<1x256xf32, #tpu.memory_space<vmem>>, vector<1x256xf32>
    %add3A = vector.broadcast %get3A_8 : vector<1x256xf32> to vector<2048x256xf32>
    %add3A_9 = arith.addf %dot_general3A_5, %add3A : vector<2048x256xf32>
    %max3A = arith.constant 0.000000e+00 : f32
    %max3A_10 = vector.broadcast %max3A : f32 to vector<2048x256xf32>
    %max3A_11 = arith.maximumf %add3A_9, %max3A_10 : vector<2048x256xf32>
    %get3A_12 = arith.constant 0 : index
    %get3A_13 = arith.constant 0 : index
    %get3A_14 = vector.load %arg4[%get3A_12, %get3A_13] : memref<256x256xf32, #tpu.memory_space<vmem>>, vector<256x256xf32>
    %dot_general3A_15 = arith.constant dense<0.000000e+00> : vector<2048x256xf32>
    %dot_general3A_16 = tpu.matmul %max3A_11, %get3A_14, %dot_general3A_15 {dimension_numbers = #tpu.dot_dimension_numbers<[1], [0], [0], [1], [0, 0, 1, 1], [], []>, transpose_lhs_hint = false} : vector<2048x256xf32>, vector<256x256xf32>, vector<2048x256xf32> -> vector<2048x256xf32>
    %get3A_17 = arith.constant 0 : index
    %get3A_18 = arith.constant 0 : index
    %get3A_19 = vector.load %arg5[%get3A_17, %get3A_18] : memref<1x256xf32, #tpu.memory_space<vmem>>, vector<1x256xf32>
    %add3A_20 = vector.broadcast %get3A_19 : vector<1x256xf32> to vector<2048x256xf32>
    %add3A_21 = arith.addf %dot_general3A_16, %add3A_20 : vector<2048x256xf32>
    %max3A_22 = arith.constant 0.000000e+00 : f32
    %max3A_23 = vector.broadcast %max3A_22 : f32 to vector<2048x256xf32>
    %max3A_24 = arith.maximumf %add3A_21, %max3A_23 : vector<2048x256xf32>
    %get3A_25 = arith.constant 0 : index
    %get3A_26 = arith.constant 0 : index
    %get3A_27 = vector.load %arg6[%get3A_25, %get3A_26] : memref<256x1024xf32, #tpu.memory_space<vmem>>, vector<256x1024xf32>
    %dot_general3A_28 = arith.constant dense<0.000000e+00> : vector<2048x1024xf32>
    %dot_general3A_29 = tpu.matmul %max3A_24, %get3A_27, %dot_general3A_28 {dimension_numbers = #tpu.dot_dimension_numbers<[1], [0], [0], [1], [0, 0, 1, 1], [], []>, transpose_lhs_hint = false} : vector<2048x256xf32>, vector<256x1024xf32>, vector<2048x1024xf32> -> vector<2048x1024xf32>
    %get3A_30 = arith.constant 0 : index
    %get3A_31 = arith.constant 0 : index
    %get3A_32 = vector.load %arg7[%get3A_30, %get3A_31] : memref<1x1024xf32, #tpu.memory_space<vmem>>, vector<1x1024xf32>
    %add3A_33 = vector.broadcast %get3A_32 : vector<1x1024xf32> to vector<2048x1024xf32>
    %add3A_34 = arith.addf %dot_general3A_29, %add3A_33 : vector<2048x1024xf32>
    %swap3A = arith.constant 0 : index
    %swap3A_35 = arith.constant 0 : index
    %swap3A_36 = vector.load %arg8[%swap3A, %swap3A_35] : memref<2048x1024xf32, #tpu.memory_space<vmem>>, vector<2048x1024xf32>
    tpu.vector_store %arg8[%swap3A, %swap3A_35], %add3A_34 {strides = array<i32>} : memref<2048x1024xf32, #tpu.memory_space<vmem>>, vector<2048x1024xf32>,
    return
  }
  func.func @transform_0(%arg0: i32) -> (i32, i32) {
    %c0_i32 = arith.constant 0 : i32
    %c0_i32_0 = arith.constant 0 : i32
    return %arg0, %c0_i32 : i32, i32
  }
  func.func @transform_1(%arg0: i32) -> (i32, i32) {
    %c0_i32 = arith.constant 0 : i32
    %c0_i32_0 = arith.constant 0 : i32
    %c0_i32_1 = arith.constant 0 : i32
    return %c0_i32, %c0_i32_0 : i32, i32
  }
  func.func @transform_2(%arg0: i32) -> (i32, i32) {
    %c0_i32 = arith.constant 0 : i32
    %c0_i32_0 = arith.constant 0 : i32
    %c0_i32_1 = arith.constant 0 : i32
    return %c0_i32, %c0_i32_0 : i32, i32
  }
  func.func @transform_3(%arg0: i32) -> (i32, i32) {
    %c0_i32 = arith.constant 0 : i32
    %c0_i32_0 = arith.constant 0 : i32
    %c0_i32_1 = arith.constant 0 : i32
    return %c0_i32, %c0_i32_0 : i32, i32
  }
  func.func @transform_4(%arg0: i32) -> (i32, i32) {
    %c0_i32 = arith.constant 0 : i32
    %c0_i32_0 = arith.constant 0 : i32
    %c0_i32_1 = arith.constant 0 : i32
    return %c0_i32, %c0_i32_0 : i32, i32
  }
  func.func @transform_5(%arg0: i32) -> (i32, i32) {
    %c0_i32 = arith.constant 0 : i32
    %c0_i32_0 = arith.constant 0 : i32
    %c0_i32_1 = arith.constant 0 : i32
    return %c0_i32, %c0_i32_0 : i32, i32
  }
  func.func @transform_6(%arg0: i32) -> (i32, i32) {
    %c0_i32 = arith.constant 0 : i32
    %c0_i32_0 = arith.constant 0 : i32
    %c0_i32_1 = arith.constant 0 : i32
    return %c0_i32, %c0_i32_0 : i32, i32
  }
  func.func @transform_7(%arg0: i32) -> (i32, i32) {
    %c0_i32 = arith.constant 0 : i32
    %c0_i32_0 = arith.constant 0 : i32
    return %arg0, %c0_i32 : i32, i32
  }
}

module attributes {stable_mosaic.version = 14 : i64} {
  func.func @_matvec_body(%arg0: i32, %arg1: memref<2048x128xf32, #tpu.memory_space<vmem>>, %arg2: memref<2048x1024xf32, #tpu.memory_space<vmem>>, %arg3: memref<32x1024xf32, #tpu.memory_space<vmem>>, %arg4: memref<2048x128xf32, #tpu.memory_space<vmem>>) attributes {dimension_semantics = [#tpu.dimension_semantics<arbitrary>], iteration_bounds = array<i64: 80>, scalar_prefetch = 0 : i64, scratch_operands = 0 : i64, tpu.core_type = #tpu.core_type<tc>, window_params = [{transform_indices = @transform_0, window_bounds = array<i64: 2048, 128>}, {transform_indices = @transform_1, window_bounds = array<i64: 2048, 1024>}, {pipeline_mode = #tpu.pipeline_mode<synchronous>, transform_indices = @transform_2, window_bounds = array<i64: 32, 1024>}, {transform_indices = @transform_3, window_bounds = array<i64: 2048, 128>}]} {
    %get3A = arith.constant 0 : index
    %get3A_0 = arith.constant 0 : index
    %get3A_1 = vector.load %arg1[%get3A, %get3A_0] : memref<2048x128xf32, #tpu.memory_space<vmem>>, vector<2048x128xf32>
    %slice3A = vector.extract_strided_slice %get3A_1 {offsets = [0, 0], sizes = [2048, 32], strides = [1, 1]} : vector<2048x128xf32> to vector<2048x32xf32>
    %get3A_2 = arith.constant 0 : index
    %get3A_3 = arith.constant 0 : index
    %get3A_4 = vector.load %arg3[%get3A_2, %get3A_3] : memref<32x1024xf32, #tpu.memory_space<vmem>>, vector<32x1024xf32>
    %convert_element_type3A = arith.truncf %slice3A : vector<2048x32xf32> to vector<2048x32xbf16>
    %convert_element_type3A_5 = arith.extf %convert_element_type3A : vector<2048x32xbf16> to vector<2048x32xf32>
    %sub3A = arith.subf %slice3A, %convert_element_type3A_5 : vector<2048x32xf32>
    %convert_element_type3A_6 = arith.truncf %sub3A : vector<2048x32xf32> to vector<2048x32xbf16>
    %convert_element_type3A_7 = arith.extf %convert_element_type3A_6 : vector<2048x32xbf16> to vector<2048x32xf32>
    %sub3A_8 = arith.subf %sub3A, %convert_element_type3A_7 : vector<2048x32xf32>
    %dot_general3A = arith.constant dense<0.000000e+00> : vector<2048x1024xf32>
    %dot_general3A_9 = tpu.matmul %convert_element_type3A_5, %get3A_4, %dot_general3A {dimension_numbers = #tpu.dot_dimension_numbers<[1], [0], [0], [1], [0, 0, 1, 1], [], []>, transpose_lhs_hint = false} : vector<2048x32xf32>, vector<32x1024xf32>, vector<2048x1024xf32> -> vector<2048x1024xf32>
    %dot_general3A_10 = arith.constant dense<0.000000e+00> : vector<2048x1024xf32>
    %dot_general3A_11 = tpu.matmul %convert_element_type3A_7, %get3A_4, %dot_general3A_10 {dimension_numbers = #tpu.dot_dimension_numbers<[1], [0], [0], [1], [0, 0, 1, 1], [], []>, transpose_lhs_hint = false} : vector<2048x32xf32>, vector<32x1024xf32>, vector<2048x1024xf32> -> vector<2048x1024xf32>
    %add3A = arith.addf %dot_general3A_9, %dot_general3A_11 : vector<2048x1024xf32>
    %dot_general3A_12 = arith.constant dense<0.000000e+00> : vector<2048x1024xf32>
    %dot_general3A_13 = tpu.matmul %sub3A_8, %get3A_4, %dot_general3A_12 {dimension_numbers = #tpu.dot_dimension_numbers<[1], [0], [0], [1], [0, 0, 1, 1], [], []>, transpose_lhs_hint = false} : vector<2048x32xf32>, vector<32x1024xf32>, vector<2048x1024xf32> -> vector<2048x1024xf32>
    %add3A_14 = arith.addf %add3A, %dot_general3A_13 : vector<2048x1024xf32>
    %get3A_15 = arith.constant 0 : index
    %get3A_16 = arith.constant 0 : index
    %get3A_17 = vector.load %arg2[%get3A_15, %get3A_16] : memref<2048x1024xf32, #tpu.memory_space<vmem>>, vector<2048x1024xf32>
    %slice3A_18 = vector.extract_strided_slice %get3A_17 {offsets = [0, 0], sizes = [2048, 128], strides = [1, 1]} : vector<2048x1024xf32> to vector<2048x128xf32>
    %slice3A_19 = vector.extract_strided_slice %add3A_14 {offsets = [0, 0], sizes = [2048, 128], strides = [1, 1]} : vector<2048x1024xf32> to vector<2048x128xf32>
    %mul3A = arith.mulf %slice3A_18, %slice3A_19 : vector<2048x128xf32>
    %slice3A_20 = vector.extract_strided_slice %get3A_17 {offsets = [0, 128], sizes = [2048, 128], strides = [1, 1]} : vector<2048x1024xf32> to vector<2048x128xf32>
    %slice3A_21 = vector.extract_strided_slice %add3A_14 {offsets = [0, 128], sizes = [2048, 128], strides = [1, 1]} : vector<2048x1024xf32> to vector<2048x128xf32>
    %mul3A_22 = arith.mulf %slice3A_20, %slice3A_21 : vector<2048x128xf32>
    %add3A_23 = arith.addf %mul3A, %mul3A_22 : vector<2048x128xf32>
    %slice3A_24 = vector.extract_strided_slice %get3A_17 {offsets = [0, 256], sizes = [2048, 128], strides = [1, 1]} : vector<2048x1024xf32> to vector<2048x128xf32>
    %slice3A_25 = vector.extract_strided_slice %add3A_14 {offsets = [0, 256], sizes = [2048, 128], strides = [1, 1]} : vector<2048x1024xf32> to vector<2048x128xf32>
    %mul3A_26 = arith.mulf %slice3A_24, %slice3A_25 : vector<2048x128xf32>
    %add3A_27 = arith.addf %add3A_23, %mul3A_26 : vector<2048x128xf32>
    %slice3A_28 = vector.extract_strided_slice %get3A_17 {offsets = [0, 384], sizes = [2048, 128], strides = [1, 1]} : vector<2048x1024xf32> to vector<2048x128xf32>
    %slice3A_29 = vector.extract_strided_slice %add3A_14 {offsets = [0, 384], sizes = [2048, 128], strides = [1, 1]} : vector<2048x1024xf32> to vector<2048x128xf32>
    %mul3A_30 = arith.mulf %slice3A_28, %slice3A_29 : vector<2048x128xf32>
    %add3A_31 = arith.addf %add3A_27, %mul3A_30 : vector<2048x128xf32>
    %slice3A_32 = vector.extract_strided_slice %get3A_17 {offsets = [0, 512], sizes = [2048, 128], strides = [1, 1]} : vector<2048x1024xf32> to vector<2048x128xf32>
    %slice3A_33 = vector.extract_strided_slice %add3A_14 {offsets = [0, 512], sizes = [2048, 128], strides = [1, 1]} : vector<2048x1024xf32> to vector<2048x128xf32>
    %mul3A_34 = arith.mulf %slice3A_32, %slice3A_33 : vector<2048x128xf32>
    %add3A_35 = arith.addf %add3A_31, %mul3A_34 : vector<2048x128xf32>
    %slice3A_36 = vector.extract_strided_slice %get3A_17 {offsets = [0, 640], sizes = [2048, 128], strides = [1, 1]} : vector<2048x1024xf32> to vector<2048x128xf32>
    %slice3A_37 = vector.extract_strided_slice %add3A_14 {offsets = [0, 640], sizes = [2048, 128], strides = [1, 1]} : vector<2048x1024xf32> to vector<2048x128xf32>
    %mul3A_38 = arith.mulf %slice3A_36, %slice3A_37 : vector<2048x128xf32>
    %add3A_39 = arith.addf %add3A_35, %mul3A_38 : vector<2048x128xf32>
    %slice3A_40 = vector.extract_strided_slice %get3A_17 {offsets = [0, 768], sizes = [2048, 128], strides = [1, 1]} : vector<2048x1024xf32> to vector<2048x128xf32>
    %slice3A_41 = vector.extract_strided_slice %add3A_14 {offsets = [0, 768], sizes = [2048, 128], strides = [1, 1]} : vector<2048x1024xf32> to vector<2048x128xf32>
    %mul3A_42 = arith.mulf %slice3A_40, %slice3A_41 : vector<2048x128xf32>
    %add3A_43 = arith.addf %add3A_39, %mul3A_42 : vector<2048x128xf32>
    %slice3A_44 = vector.extract_strided_slice %get3A_17 {offsets = [0, 896], sizes = [2048, 128], strides = [1, 1]} : vector<2048x1024xf32> to vector<2048x128xf32>
    %slice3A_45 = vector.extract_strided_slice %add3A_14 {offsets = [0, 896], sizes = [2048, 128], strides = [1, 1]} : vector<2048x1024xf32> to vector<2048x128xf32>
    %mul3A_46 = arith.mulf %slice3A_44, %slice3A_45 : vector<2048x128xf32>
    %add3A_47 = arith.addf %add3A_43, %mul3A_46 : vector<2048x128xf32>
    %slice3A_48 = vector.extract_strided_slice %add3A_47 {offsets = [0, 0], sizes = [2048, 32], strides = [1, 1]} : vector<2048x128xf32> to vector<2048x32xf32>
    %slice3A_49 = vector.extract_strided_slice %add3A_47 {offsets = [0, 32], sizes = [2048, 32], strides = [1, 1]} : vector<2048x128xf32> to vector<2048x32xf32>
    %add3A_50 = arith.addf %slice3A_48, %slice3A_49 : vector<2048x32xf32>
    %slice3A_51 = vector.extract_strided_slice %add3A_47 {offsets = [0, 64], sizes = [2048, 32], strides = [1, 1]} : vector<2048x128xf32> to vector<2048x32xf32>
    %add3A_52 = arith.addf %add3A_50, %slice3A_51 : vector<2048x32xf32>
    %slice3A_53 = vector.extract_strided_slice %add3A_47 {offsets = [0, 96], sizes = [2048, 32], strides = [1, 1]} : vector<2048x128xf32> to vector<2048x32xf32>
    %add3A_54 = arith.addf %add3A_52, %slice3A_53 : vector<2048x32xf32>
    %broadcast_in_dim3A = arith.constant 0.000000e+00 : f32
    %broadcast_in_dim3A_55 = vector.broadcast %broadcast_in_dim3A : f32 to vector<2048x96xf32>
    %concatenate3A = tpu.concatenate %add3A_54, %broadcast_in_dim3A_55 in 1 : vector<2048x32xf32>, vector<2048x96xf32> -> vector<2048x128xf32>
    %swap3A = arith.constant 0 : index
    %swap3A_56 = arith.constant 0 : index
    %swap3A_57 = vector.load %arg4[%swap3A, %swap3A_56] : memref<2048x128xf32, #tpu.memory_space<vmem>>, vector<2048x128xf32>
    tpu.vector_store %arg4[%swap3A, %swap3A_56], %concatenate3A {strides = array<i32>} : memref<2048x128xf32, #tpu.memory_space<vmem>>, vector<2048x128xf32>,
    return
  }
  func.func @transform_0(%arg0: i32) -> (i32, i32) {
    %c0_i32 = arith.constant 0 : i32
    %c0_i32_0 = arith.constant 0 : i32
    return %arg0, %c0_i32 : i32, i32
  }
  func.func @transform_1(%arg0: i32) -> (i32, i32) {
    %c0_i32 = arith.constant 0 : i32
    %c0_i32_0 = arith.constant 0 : i32
    return %arg0, %c0_i32 : i32, i32
  }
  func.func @transform_2(%arg0: i32) -> (i32, i32) {
    %c0_i32 = arith.constant 0 : i32
    %c0_i32_0 = arith.constant 0 : i32
    %c0_i32_1 = arith.constant 0 : i32
    return %c0_i32, %c0_i32_0 : i32, i32
  }
  func.func @transform_3(%arg0: i32) -> (i32, i32) {
    %c0_i32 = arith.constant 0 : i32
    %c0_i32_0 = arith.constant 0 : i32
    return %arg0, %c0_i32 : i32, i32
  }
}

module attributes {stable_mosaic.version = 14 : i64} {
  func.func @_update_body(%arg0: memref<20480x128xf32, #tpu.memory_space<vmem>>, %arg1: memref<10000x32xf32, #tpu.memory_space<vmem>>, %arg2: memref<10000x128xf32, #tpu.memory_space<vmem>>, %arg3: memref<32x32xf32, #tpu.memory_space<vmem>>, %arg4: memref<1x32xf32, #tpu.memory_space<vmem>>, %arg5: memref<10000x128xf32, #tpu.memory_space<vmem>>) attributes {dimension_semantics = [], scalar_prefetch = 0 : i64, scratch_operands = 0 : i64, tpu.core_type = #tpu.core_type<tc>} {
    %get3A = arith.constant 0 : index
    %get3A_0 = arith.constant 0 : index
    %get3A_1 = vector.load %arg0[%get3A, %get3A_0] : memref<20480x128xf32, #tpu.memory_space<vmem>>, vector<20480x128xf32>
    %slice3A = vector.extract_strided_slice %get3A_1 {offsets = [0, 0], sizes = [10000, 32], strides = [1, 1]} : vector<20480x128xf32> to vector<10000x32xf32>
    %slice3A_2 = vector.extract_strided_slice %get3A_1 {offsets = [10240, 0], sizes = [10000, 32], strides = [1, 1]} : vector<20480x128xf32> to vector<10000x32xf32>
    %add3A = arith.addf %slice3A, %slice3A_2 : vector<10000x32xf32>
    %get3A_3 = arith.constant 0 : index
    %get3A_4 = arith.constant 0 : index
    %get3A_5 = vector.load %arg1[%get3A_3, %get3A_4] : memref<10000x32xf32, #tpu.memory_space<vmem>>, vector<10000x32xf32>
    %mul3A = arith.mulf %add3A, %get3A_5 : vector<10000x32xf32>
    %get3A_6 = arith.constant 0 : index
    %get3A_7 = arith.constant 0 : index
    %get3A_8 = vector.load %arg2[%get3A_6, %get3A_7] : memref<10000x128xf32, #tpu.memory_space<vmem>>, vector<10000x128xf32>
    %slice3A_9 = vector.extract_strided_slice %get3A_8 {offsets = [0, 0], sizes = [10000, 32], strides = [1, 1]} : vector<10000x128xf32> to vector<10000x32xf32>
    %get3A_10 = arith.constant 0 : index
    %get3A_11 = arith.constant 0 : index
    %get3A_12 = vector.load %arg3[%get3A_10, %get3A_11] : memref<32x32xf32, #tpu.memory_space<vmem>>, vector<32x32xf32>
    %dot_general3A = arith.constant dense<0.000000e+00> : vector<10000x32xf32>
    %dot_general3A_13 = tpu.matmul %slice3A_9, %get3A_12, %dot_general3A {dimension_numbers = #tpu.dot_dimension_numbers<[1], [0], [0], [1], [0, 0, 1, 1], [], []>, transpose_lhs_hint = false} : vector<10000x32xf32>, vector<32x32xf32>, vector<10000x32xf32> -> vector<10000x32xf32>
    %add3A_14 = arith.addf %mul3A, %dot_general3A_13 : vector<10000x32xf32>
    %get3A_15 = arith.constant 0 : index
    %get3A_16 = arith.constant 0 : index
    %get3A_17 = vector.load %arg4[%get3A_15, %get3A_16] : memref<1x32xf32, #tpu.memory_space<vmem>>, vector<1x32xf32>
    %add3A_18 = vector.broadcast %get3A_17 : vector<1x32xf32> to vector<10000x32xf32>
    %add3A_19 = arith.addf %add3A_14, %add3A_18 : vector<10000x32xf32>
    %max3A = arith.constant 0.000000e+00 : f32
    %max3A_20 = vector.broadcast %max3A : f32 to vector<10000x32xf32>
    %max3A_21 = arith.maximumf %add3A_19, %max3A_20 : vector<10000x32xf32>
    %broadcast_in_dim3A = arith.constant 0.000000e+00 : f32
    %broadcast_in_dim3A_22 = vector.broadcast %broadcast_in_dim3A : f32 to vector<10000x96xf32>
    %concatenate3A = tpu.concatenate %max3A_21, %broadcast_in_dim3A_22 in 1 : vector<10000x32xf32>, vector<10000x96xf32> -> vector<10000x128xf32>
    %swap3A = arith.constant 0 : index
    %swap3A_23 = arith.constant 0 : index
    %swap3A_24 = vector.load %arg5[%swap3A, %swap3A_23] : memref<10000x128xf32, #tpu.memory_space<vmem>>, vector<10000x128xf32>
    tpu.vector_store %arg5[%swap3A, %swap3A_23], %concatenate3A {strides = array<i32>} : memref<10000x128xf32, #tpu.memory_space<vmem>>, vector<10000x128xf32>,
    return
  }
}

module attributes {stable_mosaic.version = 14 : i64} {
  func.func @_epilogue_body(%arg0: memref<10000x128xf32, #tpu.memory_space<vmem>>, %arg1: memref<32x1xf32, #tpu.memory_space<vmem>>, %arg2: memref<1x1xf32, #tpu.memory_space<vmem>>, %arg3: memref<10000x1xf32, #tpu.memory_space<vmem>>) attributes {dimension_semantics = [], scalar_prefetch = 0 : i64, scratch_operands = 0 : i64, tpu.core_type = #tpu.core_type<tc>} {
    %get3A = arith.constant 0 : index
    %get3A_0 = arith.constant 0 : index
    %get3A_1 = vector.load %arg0[%get3A, %get3A_0] : memref<10000x128xf32, #tpu.memory_space<vmem>>, vector<10000x128xf32>
    %slice3A = vector.extract_strided_slice %get3A_1 {offsets = [0, 0], sizes = [10000, 32], strides = [1, 1]} : vector<10000x128xf32> to vector<10000x32xf32>
    %get3A_2 = arith.constant 0 : index
    %get3A_3 = arith.constant 0 : index
    %get3A_4 = vector.load %arg1[%get3A_2, %get3A_3] : memref<32x1xf32, #tpu.memory_space<vmem>>, vector<32x1xf32>
    %dot_general3A = arith.constant dense<0.000000e+00> : vector<10000x1xf32>
    %dot_general3A_5 = tpu.matmul %slice3A, %get3A_4, %dot_general3A {dimension_numbers = #tpu.dot_dimension_numbers<[1], [0], [0], [1], [0, 0, 1, 1], [], []>, transpose_lhs_hint = false} : vector<10000x32xf32>, vector<32x1xf32>, vector<10000x1xf32> -> vector<10000x1xf32>
    %get3A_6 = arith.constant 0 : index
    %get3A_7 = arith.constant 0 : index
    %get3A_8 = vector.load %arg2[%get3A_6, %get3A_7] : memref<1x1xf32, #tpu.memory_space<vmem>>, vector<1x1xf32>
    %add3A = vector.broadcast %get3A_8 : vector<1x1xf32> to vector<10000x1xf32>
    %add3A_9 = arith.addf %dot_general3A_5, %add3A : vector<10000x1xf32>
    %swap3A = arith.constant 0 : index
    %swap3A_10 = arith.constant 0 : index
    %swap3A_11 = vector.load %arg3[%swap3A, %swap3A_10] : memref<10000x1xf32, #tpu.memory_space<vmem>>, vector<10000x1xf32>
    tpu.vector_store %arg3[%swap3A, %swap3A_10], %add3A_9 {strides = array<i32>} : memref<10000x1xf32, #tpu.memory_space<vmem>>, vector<10000x1xf32>,
    return
  }
}

</mosaic_0001>

<sc_bundles>
// kernel: kernel.30.cloned.1.call-start
scs
__scs_entry_jumppad:
0x0: {  	(pc) =	sbr.rel $0x88, $3  }
0x1: {  	(tag) =	ssettag $0x0;
	lr =	simm.s32 $0x1  }
0x2: {  	[smem:$0x3F92] =	sst lr;
	_ =	strace $0xD0000000  }
0x3: {  	_ = 	snop  }
0x4: {  	_ = 	snop  }
0x5: {  	_ = 	snop  }
0x6: {  	_ = 	snop  }
0x7: {  	_ = 	snop  }
__scs_overlays_trampoline_lowered:
0x8: {  	[smem:$0x3FA1] =	sst s0  }
0x9: {  	[smem:$0x3FA2] =	sst s1  }
0xa: {  	[smem:$0x3FA3] =	sst s2  }
0xb: {  	[smem:$0x3FA4] =	sst s3  }
0xc: {  	[smem:$0x3FA5] =	sst s4  }
0xd: {  	[smem:$0x3FA6] =	sst s5  }
0xe: {  	[smem:$0x3FA7] =	sst s6  }
0xf: {  	[smem:$0x3FA8] =	sst s7  }
0x10: {  	[smem:$0x3FA9] =	sst s8  }
0x11: {  	[smem:$0x3FAA] =	sst s9;
	s0 =	simm.s32 @!p0 $0x0  }
0x12: {  	s1 =	sld [smem:$0x3F90];
	s0 =	simm.s32 @p0 $0x1  }
0x13: {  	[smem:$0x3FAB] =	sst s0;
	s0 =	simm.s32 @!p1 $0x0  }
0x14: {  	s2 =	sld [smem:$0x3F8F];
	s0 =	simm.s32 @p1 $0x1  }
0x15: {  	[smem:$0x3FAC] =	sst s0;
	s0 =	simm.s32 @!p2 $0x0  }
0x16: {  	s3 =	sld [smem:$0x3FDB];
	s0 =	simm.s32 @p2 $0x1  }
0x17: {  	s4 =	simm.s32 $0x1BF5;
	[smem:$0x3FAE] =	sst s0  }
0x18: {  	s0 =	sld [smem:$0x3F91];
	_ =	swait.ge [sflag:s4], $0x0  }
0x19: {  	s7 =	sld [smem:$0x3F92]  }
0x1a: {  	s8 =	sadd.s32 $0xFFFFE003, lr  }
0x1b: {  	s9 =	sadd.s32 $0xFFFFFEF7, lr;
	s5 =	simm.s32 $0xFFFFFFFF;
	p2 =	slt.u32 s8, $0xFFFFF086  }
0x1c: {  	p1 =	slt.u32 s9, $0xF7A;
	s5 =	simm.s32 @!p2 $0x0  }
0x1d: {  	s5 =	simm.s32 @p1 $0x1;
	p0 =	seq.s32 s7, s2  }
0x1e: {  	s7 =	smul.u32 @!p0 $0xF7A, s2;
	p2 =	seq.s32 @!p0 s5, $0x0  }
0x1f: {  	s9 =	smul.u32 $0xF7A, s1;
	s8 =	simm.s32 @!p0 $0x1BF5;
	p2 =	por !p2, p0  }
0x20: {  	[sflag:s8] =	ssyncset.s32 @!p0 $0xFFFFF086;
	s6 =	sadd.s32 @!p0 s3, s7;
	s7 =	simm.s32 @!p0 $0x108  }
0x21: {  	s3 =	sadd.s32 s3, s9;
	s6 =	sadd.s32 @!p0 $0x88, s6;
	s7 =	simm.s32 @p2 $0x1082  }
0x22: {  	[simem:s7], [sflag:s8] =	dma.local @!p0 [hbm:s6], $0xF7A  }
0x23: {  	s9 =	sor.u32 $0xD0000000, s2;
	s6 =	simm.s32 $0x108;
	_ =	swait.ge @!p0 [sflag:s8], $0x0  }
0x24: {  	s3 =	sadd.s32 $0x88, s3;
	s6 =	simm.s32 @!p1 $0x1082;
	[sflag:s4] =	ssyncset.s32 $0xFFFFF086  }
0x25: {  	[simem:s6], [sflag:s4] =	dma.local [hbm:s3], $0xF7A  }
0x26: {  	[smem:$0x3F92] =	sst s1;
	(tag) =	ssettag s2;
	_ =	strace s9  }
0x27: {  	s1 =	sld [smem:$0x3FA2]  }
0x28: {  	s2 =	sld [smem:$0x3FA3]  }
0x29: {  	s4 =	sld [smem:$0x3FA5]  }
0x2a: {  	p0 =	seq.s32 s5, $0x0;
	s5 =	sld [smem:$0x3FA6]  }
0x2b: {  	s6 =	sld [smem:$0x3FA7]  }
0x2c: {  	s7 =	sld [smem:$0x3FA8]  }
0x2d: {  	s3 =	simm.s32 $0x108;
	s8 =	sld [smem:$0x3FA9]  }
0x2e: {  	s3 =	simm.s32 @!p0 $0x1082;
	s9 =	sld [smem:$0x3FAA]  }
0x2f: {  	lr =	sadd.s32 s0, s3;
	s0 =	sld [smem:$0x3FA1]  }
0x30: {  	s3 =	sld [smem:$0x3FA4]  }
0x31: {  	[smem:$0x3FAD] =	sst s10  }
0x32: {  	s10 =	sld [smem:$0x3FAB];
	_ =	sdelay $0x3  }
0x33: {  	p0 =	seq.s32 s10, $0x1;
	s10 =	sld [smem:$0x3FAD];
	_ =	sdelay $0x3  }
0x34: {  	[smem:$0x3FAD] =	sst s10  }
0x35: {  	s10 =	sld [smem:$0x3FAC];
	_ =	sdelay $0x3  }
0x36: {  	p1 =	seq.s32 s10, $0x1;
	s10 =	sld [smem:$0x3FAD];
	_ =	sdelay $0x3  }
0x37: {  	[smem:$0x3FAD] =	sst s10  }
0x38: {  	s10 =	sld [smem:$0x3FAE]  }
0x39: {  	_ = 	snop;
	(pc) =	sbr.ind lr, $3  }
0x3a: {  	_ = 	snop  }
0x3b: {  	_ = 	snop  }
0x3c: {  	p2 =	seq.s32 s10, $0x1;
	s10 =	sld [smem:$0x3FAD]  }
0x3d: {  	_ =	shalt  }
0x3e: {  	_ =	shalt  }
0x3f: {  	_ =	shalt  }
0x40: {  	_ =	shalt  }
0x41: {  	_ =	shalt  }
0x42: {  	_ =	shalt  }
0x43: {  	_ =	shalt  }
0x44: {  	_ =	shalt  }
0x45: {  	_ =	shalt  }
0x46: {  	_ =	shalt  }
0x47: {  	_ =	shalt  }
0x48: {  	_ =	shalt  }
0x49: {  	_ =	shalt  }
0x4a: {  	_ =	shalt  }
0x4b: {  	_ =	shalt  }
0x4c: {  	_ =	shalt  }
0x4d: {  	_ =	shalt  }
0x4e: {  	_ =	shalt  }
0x4f: {  	_ =	shalt  }
0x50: {  	_ =	shalt  }
0x51: {  	_ =	shalt  }
0x52: {  	_ =	shalt  }
0x53: {  	_ =	shalt  }
0x54: {  	_ =	shalt  }
0x55: {  	_ =	shalt  }
0x56: {  	_ =	shalt  }
0x57: {  	_ =	shalt  }
0x58: {  	_ =	shalt  }
0x59: {  	_ =	shalt  }
0x5a: {  	_ =	shalt  }
0x5b: {  	_ =	shalt  }
0x5c: {  	_ =	shalt  }
0x5d: {  	_ =	shalt  }
0x5e: {  	_ =	shalt  }
0x5f: {  	_ =	shalt  }
0x60: {  	_ =	shalt  }
0x61: {  	_ =	shalt  }
0x62: {  	_ =	shalt  }
0x63: {  	_ =	shalt  }
0x64: {  	_ =	shalt  }
0x65: {  	_ =	shalt  }
0x66: {  	_ =	shalt  }
0x67: {  	_ =	shalt  }
0x68: {  	_ =	shalt  }
0x69: {  	_ =	shalt  }
0x6a: {  	_ =	shalt  }
0x6b: {  	_ =	shalt  }
0x6c: {  	_ =	shalt  }
0x6d: {  	_ =	shalt  }
0x6e: {  	_ =	shalt  }
0x6f: {  	_ =	shalt  }
0x70: {  	_ =	shalt  }
0x71: {  	_ =	shalt  }
0x72: {  	_ =	shalt  }
0x73: {  	_ =	shalt  }
0x74: {  	_ =	shalt  }
0x75: {  	_ =	shalt  }
0x76: {  	_ =	shalt  }
0x77: {  	_ =	shalt  }
0x78: {  	_ =	shalt  }
0x79: {  	_ =	shalt  }
0x7a: {  	_ =	shalt  }
0x7b: {  	_ =	shalt  }
0x7c: {  	_ =	shalt  }
0x7d: {  	_ =	shalt  }
0x7e: {  	_ =	shalt  }
0x7f: {  	_ =	shalt  }
0x80: {  	_ =	shalt  }
0x81: {  	_ =	shalt  }
0x82: {  	_ =	shalt  }
0x83: {  	_ =	shalt  }
0x84: {  	_ =	shalt  }
0x85: {  	_ =	shalt  }
0x86: {  	_ =	shalt  }
0x87: {  	_ =	shalt  }
.Lfunc_end0:
.L_simem_size_0:
called_computation_lowered:
.L_overlay_start_0:
0x88: {  	s2 =	sld [smem:$0x3FD9]  }
0x89: {  	s3 =	sld [smem:$0x3FFE];
	_ =	sdelay $0x1  }
0x8a: {  	s1 =	srdreg.scid  }
0x8b: {  	s0 =	sand.u32 $0x1, s1  }
0x8c: {  	s16 =	sshll.u32 s0, $0xA;
	s2 =	sadd.s32 s3, s2  }
0x8d: {  	s2 =	sadd.s32 s2, s16  }
0x8e: {  	[smem:$0x3FB9] =	sst s2  }
0x8f: {  	_ = 	snop  }
0x90: {  	(tm) =	ssettm $0x1  }
0x91: {  	s17 =	sld [smem:$0x3FFB];
	_ =	sdelay $0x3  }
0x92: {  	_ =	strace s17  }
0x93: {  	s2 =	sld [smem:$0x3FFC];
	_ =	sdelay $0x3  }
0x94: {  	_ =	strace s2  }
0x95: {  	s2 =	sld [smem:$0x3FFD];
	_ =	sdelay $0x3  }
0x96: {  	_ =	strace s2  }
0x97: {  	_ =	strace $0x8FFFFFFF  }
0x98: {  	s18 =	sld [smem:$0x3FDB];
	_ =	sdelay $0x1  }
0x99: {  	s19 =	simm.s32 $_scs_section_size  }
0x9a: {  	s4 =	simm.s32 $_size__tile_overlayer_lowered;
	s5 =	simm.s32 $_tile_overlayer_lowered  }
0x9b: {  	s22 =	simm.s32 $0x1BFF;
	s21 =	sshll.u32 s5, $0x1;
	s2 =	sadd.s32 s19, s18  }
0x9c: {  	s6 =	simm.s32 $0x0;
	s20 =	sshll.u32 s4, $0x1;
	s4 =	sadd.s32 s21, s2  }
0x9d: {  	[timem:s6], [sflag:s22] =	dma.local [hbm:s4], s20  }
0x9e: {  	_ =	swait.ge [sflag:s22], s20  }
0x9f: {  	s3 =	ssub.s32 $0x0, s20;
	[sflag:s22] =	ssyncset.done $0x0  }
0xa0: {  	[sflag:s22] =	ssyncadd.s32 s3;
	_ =	sdelay $0x1  }
0xa1: {  	s23 =	simm.s32 $0x1B8B  }
0xa2: {  	_ =	swait.ge [sflag:s23], $0x1  }
0xa3: {  	[sflag:s23] =	ssyncset.done $0x0  }
0xa4: {  	s25 =	simm.s32 $0x1B8E;
	s24 =	sld [smem:$0x3FFE];
	[sflag:s23] =	ssyncadd.s32 $0xFFFFFFFF  }
0xa5: {  	s26 =	simm.s32 $execute0_lowered;
	[smem:$0x3FD2] =	sst s25  }
0xa6: {  	s4 =	sshll.u32 s26, $0x1;
	_ =	strace $0x80000046;
	[dreg:$0x1] =	wrdreg $0xFFFFFFFF  }
0xa7: {  	s28 =	simm.s32 $_size_execute0_lowered;
	s2 =	sadd.s32 s2, s4;
	[dreg:$0x0] =	wrdreg $0x0  }
0xa8: {  	s4 =	sshll.u32 s28, $0x1;
	[dreg:$0x2] =	wrdreg s2  }
0xa9: {  	[dreg:$0x3] =	wrdreg s4  }
0xaa: {  	[dreg:$0x4] =	wrdreg $0xC0  }
0xab: {  	_ =	task [dreg:s6], $0x5FFFF  }
0xac: {  	[dreg:$0x1] =	wrdreg $0xFFFFFFFF  }
0xad: {  	[dreg:$0x0] =	wrdreg $0x60  }
0xae: {  	[dreg:$0x2] =	wrdreg s24  }
0xaf: {  	[dreg:$0x3] =	wrdreg $0x40800  }
0xb0: {  	[dreg:$0x4] =	wrdreg $0x9  }
0xb1: {  	_ =	task.clear_ibuf [dreg:s6], $0x5FFFF;
	_ =	strace $0x90000046  }
0xb2: {  	s29 =	simm.s32 $0x9;
	_ =	strace $0x80000048  }
0xb3: {  	_ =	swait.ge [sflag:s29], $0x1  }
0xb4: {  	[sflag:s29] =	ssyncadd.s32 $0xFFFFFFFF  }
0xb5: {  	_ =	strace $0x90000048  }
0xb6: {  	_ =	sfence  }
0xb7: {  	s30 =	sld [smem:$0x0];
	_ =	sdelay $0x2  }
0xb8: {  	s31 =	sshll.u32 s1, $0xD;
	s1 =	sshrl.u32 s1, $0x2  }
0xb9: {  	s3 =	sand.u32 $0x4000, s31;
	s1 =	sadd.s32 s1, s30  }
0xba: {  	s0 =	sor.u32 s3, s0;
	s1 =	sshll.u32 s1, $0x11  }
0xbb: {  	s0 =	sor.u32 s1, s0  }
0xbc: {  	s0 =	sadd.s32 $0x8F2B, s0  }
0xbd: {  	[sflag:s0] =	ssyncadd.remote.s32 $0x1  }
0xbe: {  	_ =	sfence.sel $0xFFFF  }
0xbf: {  	[dreg:$0x0] =	wrdreg $0xFFFFFFFF;
	(pc) =	sbr.abs _section_cstart, $3  }
0xc0: {  	[dreg:$0x1] =	wrdreg $0xFFFFFFFF  }
0xc1: {  	_ =	task.clear_ibuf [dreg:s6], $0x2FFFF;
	_ =	strace $0x9FFFFFFF  }
0xc2: {  	(tm) =	ssettm $0x7FFFFFFF  }
0xc3: {  	_ =	shalt  }
tec
execute0_lowered:
.L_overlay_start_1:
0x0: {  	(tag) =	ssettag $0x1  }
0x1: {  	s7 =	rddreg [dreg:$0x0]  }
0x2: {  	s2 =	rddreg [dreg:$0x1]  }
0x3: {  	s0 =	rddreg [dreg:$0x2]  }
0x4: {  	s3 =	simm.s32 $0x0;
	s4 =	srdreg.scid;
	s1 =	stileid.u32  }
0x5: {  	[smem:$0x7FF] =	sst s3;
	s8 =	sand.u32 $0x1, s4;
	s9 =	smul.u32 $0x2800, s1  }
0x6: {  	s4 =	sadd.s32 $0xE000, s7;
	s5 =	sadd.s32 $0x15800, s7;
	s12 =	smul.u32 $0x50000, s1  }
0x7: {  	s6 =	sadd.s32 $0x13000, s7;
	s29 =	smul.u32 $0x500, s1;
	s31 =	sshll.u32 s1, $0x6  }
0x8: {  	_ =	strace $0x80000047;
	s10 =	smul.u32 $0x28000, s8;
	s11 =	ssub.s32 $0x2, s8  }
0x9: {  	s13 =	smul.u32 $0x280, s8;
	s28 =	sshrl.u32 s11, $0x1;
	s30 =	sshrl.u32 s12, $0x2  }
0xa: {  	s12 =	simm.s32 $0x1;
	s9 =	sadd.s32 s9, s10;
	s10 =	ssub.s32 s11, s28  }
0xb: {  	s14 =	sadd.s32 s30, s2;
	s9 =	sadd.s32 s9, s7;
	s7 =	sor.u32 $0x1C01, s31  }
0xc: {  	s11 =	sshrl.u32 s14, $0x3;
	s14 =	simm.s32 $0x0;
	s8 =	sadd.s32 $0x16000, s9  }
0xd: {  	s9 =	smax.u32 s10, $0x1;
	s10 =	sadd.s32 s13, s29;
	s13 =	simm.s32 $0x80  }
.LBB2_1:
0xe: {  	[spmem:s11], [sflag:s7] =	dma.local [hbm:s6], $0x2800  }
0xf: {  	_ =	swait.ge [sflag:s12], $0x2800  }
0x10: {  	[sflag:s12] =	ssyncset.done $0x0  }
0x11: {  	[sflag:s12] =	ssyncadd.s32 $0xFFFFD800  }
0x12: {  	[tilespmem:s13], [sflag:$0x1] =	stream.linear.gather [hbm4b:s5+s3], $0x4000, $0x38;
	[tilespmem:$0x18080] =	vst v63  }
0x13: {  	_ =	swait.ge [sflag:s12], $0x4000  }
0x14: {  	s15 =	sadd.s32 $0x0, s10;
	s16 =	sand.u32 $0x70, s3;
	[sflag:s12] =	ssyncset.done $0x0  }
0x15: {  	s15 =	sand.u32 $0xFFFFF80, s15;
	s16 =	sadd.s32 s4, s16;
	[sflag:s12] =	ssyncadd.s32 $0xFFFFC000  }
0x16: {  	s15 =	sadd.s32 s15, s16;
	[bflag:$0x0] =	sbarrier.arrive $0xFFFF  }
0x17: {  	[tilespmem:s3], [sflag:$0x1] =	stream.linear.gather [hbm4b:s15+s3], $0x80, $0x38;
	[tilespmem:$0x18080] =	vst v63  }
0x18: {  	_ =	swait.ge [sflag:s12], $0x80  }
0x19: {  	[sflag:s12] =	ssyncset.done $0x0  }
0x1a: {  	s31 =	simm.s32 $0x10;
	s17 =	sadd.s32 $0x10, s10;
	[sflag:s12] =	ssyncadd.s32 $0xFFFFFF80  }
0x1b: {  	[spmem:s2] =	stream.indirect.scatter.add.f32 [tilespmem:s13], [sflag:$0x1], $0x80, s3, s13, $0xb8;
	[tilespmem:$0x18080] =	vst v63  }
0x1c: {  	s18 =	sand.u32 $0x70, s31;
	s16 =	sand.u32 $0xFFFFF80, s17;
	_ =	swait.ge [sflag:s12], $0x4000  }
0x1d: {  	s17 =	sadd.s32 s4, s18;
	s15 =	simm.s32 $0x20;
	[sflag:s12] =	ssyncset.done $0x0  }
.LBB2_2:
0x1e: {  	s16 =	sadd.s32 s16, s17  }
0x1f: {  	[sflag:s12] =	ssyncadd.s32 $0xFFFFC000;
	s17 =	smov.u32 s15;
	s18 =	sadd.s32 $0x10, s15  }
0x20: {  	[tilespmem:s3], [sflag:$0x1] =	stream.linear.gather [hbm4b:s16+s3], $0x80, $0x38;
	[tilespmem:$0x18080] =	vst v63  }
0x21: {  	p0 =	sne.s32 s15, $0x270;
	_ =	swait.ge [sflag:s12], $0x80  }
.Ltmp0:
0x22: {  	[sflag:s12] =	ssyncset.done $0x0;
	(pc) =	sbr.rel @p0 .LBB2_2-.Ltmp0, $4  }
0x23: {  	s15 =	sadd.s32 s17, s10;
	[sflag:s12] =	ssyncadd.s32 $0xFFFFFF80  }
0x24: {  	[spmem:s2] =	stream.indirect.scatter.add.f32 [tilespmem:s13], [sflag:$0x1], $0x80, s3, s13, $0xb8;
	[tilespmem:$0x18080] =	vst v63  }
0x25: {  	s17 =	sand.u32 $0x70, s17;
	s16 =	sand.u32 $0xFFFFF80, s15;
	_ =	swait.ge [sflag:s12], $0x4000  }
0x26: {  	s17 =	sadd.s32 s4, s17;
	s15 =	smov.u32 s18;
	[sflag:s12] =	ssyncset.done $0x0  }
0x27: {  	s15 =	sadd.s32 s16, s17;
	[sflag:s12] =	ssyncadd.s32 $0xFFFFC000  }
0x28: {  	[tilespmem:s3], [sflag:$0x1] =	stream.linear.gather [hbm4b:s15+s3], $0x80, $0x38;
	[tilespmem:$0x18080] =	vst v63  }
0x29: {  	_ =	swait.ge [sflag:s12], $0x80  }
0x2a: {  	[sflag:s12] =	ssyncset.done $0x0  }
0x2b: {  	[sflag:s12] =	ssyncadd.s32 $0xFFFFFF80  }
0x2c: {  	[spmem:s2] =	stream.indirect.scatter.add.f32 [tilespmem:s13], [sflag:$0x1], $0x80, s3, s13, $0xb8;
	[tilespmem:$0x18080] =	vst v63  }
0x2d: {  	_ =	swait.ge [sflag:s12], $0x4000  }
0x2e: {  	s14 =	sadd.s32 $0x1, s14;
	[sflag:s12] =	ssyncset.done $0x0  }
0x2f: {  	p0 =	sne.s32 s14, s9;
	[sflag:s12] =	ssyncadd.s32 $0xFFFFC000  }
.Ltmp1:
0x30: {  	[bflag:$0x0] =	sbarrier.arrive $0xFFFF;
	(pc) =	sbr.rel @p0 .LBB2_1-.Ltmp1, $4  }
0x31: {  	[hbm:s8], [sflag:s7] =	dma.local [spmem:s11], $0x2800  }
0x32: {  	_ =	swait.ge [sflag:s12], $0x2800  }
0x33: {  	[sflag:s12] =	ssyncset.done $0x0  }
0x34: {  	[sflag:s12] =	ssyncadd.s32 $0xFFFFD800  }
0x35: {  	_ =	sfence.sel $0x180000  }
0x36: {  	[bflag:$0x0] =	sbarrier.arrive $0xFFFF  }
0x37: {  	p0 =	sne.s32 s1, $0x0;
	_ =	strace $0x90000047  }
0x38: {  	s0 =	sadd.s32 @!p0 $0x100000, s0;
	[bflag:$0x2] =	sbarrier.arrive $0xFFFF  }
0x39: {  	[sflag:s0] =	ssyncadd.tile.s32 @!p0 $0x1;
	_ =	shalt  }
.Lfunc_end2:
_tile_overlayer_lowered:
.L_overlay_start_2:
0x3a: {  	(tag) =	ssettag $0x2  }
0x3b: {  	s0 =	rddreg [dreg:$0x0];
	s2 =	stileid.u32  }
0x3c: {  	s1 =	rddreg [dreg:$0x1];
	p0 =	sne.s32 s2, $0x0  }
0x3d: {  	s3 =	rddreg [dreg:$0x2];
	[bflag:$0x3] =	sbarrier.arrive $0xFFFF;
	s2 =	simm.s32 @!p0 $0x1C01  }
0x3e: {  	[timem:s3], [sflag:s2] =	dma.local @!p0 [hbm:s0], s1  }
0x3f: {  	s0 =	simm.s32 @!p0 $0x1  }
0x40: {  	_ =	swait.ge @!p0 [sflag:s0], s1  }
0x41: {  	s1 =	ssub.s32 @!p0 $0x0, s1;
	[sflag:s0] =	ssyncset.done @!p0 $0x0  }
0x42: {  	[sflag:s0] =	ssyncadd.s32 @!p0 s1  }
0x43: {  	[bflag:$0x3] =	sbarrier.arrive $0xFFFF  }
0x44: {  	_ =	shalt  }

// kernel: kernel.33.cloned.1.call-start
scs
__scs_entry_jumppad:
0x0: {  	(pc) =	sbr.rel $0x88, $3  }
0x1: {  	(tag) =	ssettag $0x0;
	lr =	simm.s32 $0x1  }
0x2: {  	[smem:$0x3F92] =	sst lr;
	_ =	strace $0xD0000000  }
0x3: {  	_ = 	snop  }
0x4: {  	_ = 	snop  }
0x5: {  	_ = 	snop  }
0x6: {  	_ = 	snop  }
0x7: {  	_ = 	snop  }
__scs_overlays_trampoline_lowered:
0x8: {  	[smem:$0x3FA1] =	sst s0  }
0x9: {  	[smem:$0x3FA2] =	sst s1  }
0xa: {  	[smem:$0x3FA3] =	sst s2  }
0xb: {  	[smem:$0x3FA4] =	sst s3  }
0xc: {  	[smem:$0x3FA5] =	sst s4  }
0xd: {  	[smem:$0x3FA6] =	sst s5  }
0xe: {  	[smem:$0x3FA7] =	sst s6  }
0xf: {  	[smem:$0x3FA8] =	sst s7  }
0x10: {  	[smem:$0x3FA9] =	sst s8  }
0x11: {  	[smem:$0x3FAA] =	sst s9;
	s0 =	simm.s32 @!p0 $0x0  }
0x12: {  	s1 =	sld [smem:$0x3F90];
	s0 =	simm.s32 @p0 $0x1  }
0x13: {  	[smem:$0x3FAB] =	sst s0;
	s0 =	simm.s32 @!p1 $0x0  }
0x14: {  	s2 =	sld [smem:$0x3F8F];
	s0 =	simm.s32 @p1 $0x1  }
0x15: {  	[smem:$0x3FAC] =	sst s0;
	s0 =	simm.s32 @!p2 $0x0  }
0x16: {  	s3 =	sld [smem:$0x3FDB];
	s0 =	simm.s32 @p2 $0x1  }
0x17: {  	s4 =	simm.s32 $0x1BF5;
	[smem:$0x3FAE] =	sst s0  }
0x18: {  	s0 =	sld [smem:$0x3F91];
	_ =	swait.ge [sflag:s4], $0x0  }
0x19: {  	s7 =	sld [smem:$0x3F92]  }
0x1a: {  	s8 =	sadd.s32 $0xFFFFE003, lr  }
0x1b: {  	s9 =	sadd.s32 $0xFFFFFEF7, lr;
	s5 =	simm.s32 $0xFFFFFFFF;
	p2 =	slt.u32 s8, $0xFFFFF086  }
0x1c: {  	p1 =	slt.u32 s9, $0xF7A;
	s5 =	simm.s32 @!p2 $0x0  }
0x1d: {  	s5 =	simm.s32 @p1 $0x1;
	p0 =	seq.s32 s7, s2  }
0x1e: {  	s7 =	smul.u32 @!p0 $0xF7A, s2;
	p2 =	seq.s32 @!p0 s5, $0x0  }
0x1f: {  	s9 =	smul.u32 $0xF7A, s1;
	s8 =	simm.s32 @!p0 $0x1BF5;
	p2 =	por !p2, p0  }
0x20: {  	[sflag:s8] =	ssyncset.s32 @!p0 $0xFFFFF086;
	s6 =	sadd.s32 @!p0 s3, s7;
	s7 =	simm.s32 @!p0 $0x108  }
0x21: {  	s3 =	sadd.s32 s3, s9;
	s6 =	sadd.s32 @!p0 $0x88, s6;
	s7 =	simm.s32 @p2 $0x1082  }
0x22: {  	[simem:s7], [sflag:s8] =	dma.local @!p0 [hbm:s6], $0xF7A  }
0x23: {  	s9 =	sor.u32 $0xD0000000, s2;
	s6 =	simm.s32 $0x108;
	_ =	swait.ge @!p0 [sflag:s8], $0x0  }
0x24: {  	s3 =	sadd.s32 $0x88, s3;
	s6 =	simm.s32 @!p1 $0x1082;
	[sflag:s4] =	ssyncset.s32 $0xFFFFF086  }
0x25: {  	[simem:s6], [sflag:s4] =	dma.local [hbm:s3], $0xF7A  }
0x26: {  	[smem:$0x3F92] =	sst s1;
	(tag) =	ssettag s2;
	_ =	strace s9  }
0x27: {  	s1 =	sld [smem:$0x3FA2]  }
0x28: {  	s2 =	sld [smem:$0x3FA3]  }
0x29: {  	s4 =	sld [smem:$0x3FA5]  }
0x2a: {  	p0 =	seq.s32 s5, $0x0;
	s5 =	sld [smem:$0x3FA6]  }
0x2b: {  	s6 =	sld [smem:$0x3FA7]  }
0x2c: {  	s7 =	sld [smem:$0x3FA8]  }
0x2d: {  	s3 =	simm.s32 $0x108;
	s8 =	sld [smem:$0x3FA9]  }
0x2e: {  	s3 =	simm.s32 @!p0 $0x1082;
	s9 =	sld [smem:$0x3FAA]  }
0x2f: {  	lr =	sadd.s32 s0, s3;
	s0 =	sld [smem:$0x3FA1]  }
0x30: {  	s3 =	sld [smem:$0x3FA4]  }
0x31: {  	[smem:$0x3FAD] =	sst s10  }
0x32: {  	s10 =	sld [smem:$0x3FAB];
	_ =	sdelay $0x3  }
0x33: {  	p0 =	seq.s32 s10, $0x1;
	s10 =	sld [smem:$0x3FAD];
	_ =	sdelay $0x3  }
0x34: {  	[smem:$0x3FAD] =	sst s10  }
0x35: {  	s10 =	sld [smem:$0x3FAC];
	_ =	sdelay $0x3  }
0x36: {  	p1 =	seq.s32 s10, $0x1;
	s10 =	sld [smem:$0x3FAD];
	_ =	sdelay $0x3  }
0x37: {  	[smem:$0x3FAD] =	sst s10  }
0x38: {  	s10 =	sld [smem:$0x3FAE]  }
0x39: {  	_ = 	snop;
	(pc) =	sbr.ind lr, $3  }
0x3a: {  	_ = 	snop  }
0x3b: {  	_ = 	snop  }
0x3c: {  	p2 =	seq.s32 s10, $0x1;
	s10 =	sld [smem:$0x3FAD]  }
0x3d: {  	_ =	shalt  }
0x3e: {  	_ =	shalt  }
0x3f: {  	_ =	shalt  }
0x40: {  	_ =	shalt  }
0x41: {  	_ =	shalt  }
0x42: {  	_ =	shalt  }
0x43: {  	_ =	shalt  }
0x44: {  	_ =	shalt  }
0x45: {  	_ =	shalt  }
0x46: {  	_ =	shalt  }
0x47: {  	_ =	shalt  }
0x48: {  	_ =	shalt  }
0x49: {  	_ =	shalt  }
0x4a: {  	_ =	shalt  }
0x4b: {  	_ =	shalt  }
0x4c: {  	_ =	shalt  }
0x4d: {  	_ =	shalt  }
0x4e: {  	_ =	shalt  }
0x4f: {  	_ =	shalt  }
0x50: {  	_ =	shalt  }
0x51: {  	_ =	shalt  }
0x52: {  	_ =	shalt  }
0x53: {  	_ =	shalt  }
0x54: {  	_ =	shalt  }
0x55: {  	_ =	shalt  }
0x56: {  	_ =	shalt  }
0x57: {  	_ =	shalt  }
0x58: {  	_ =	shalt  }
0x59: {  	_ =	shalt  }
0x5a: {  	_ =	shalt  }
0x5b: {  	_ =	shalt  }
0x5c: {  	_ =	shalt  }
0x5d: {  	_ =	shalt  }
0x5e: {  	_ =	shalt  }
0x5f: {  	_ =	shalt  }
0x60: {  	_ =	shalt  }
0x61: {  	_ =	shalt  }
0x62: {  	_ =	shalt  }
0x63: {  	_ =	shalt  }
0x64: {  	_ =	shalt  }
0x65: {  	_ =	shalt  }
0x66: {  	_ =	shalt  }
0x67: {  	_ =	shalt  }
0x68: {  	_ =	shalt  }
0x69: {  	_ =	shalt  }
0x6a: {  	_ =	shalt  }
0x6b: {  	_ =	shalt  }
0x6c: {  	_ =	shalt  }
0x6d: {  	_ =	shalt  }
0x6e: {  	_ =	shalt  }
0x6f: {  	_ =	shalt  }
0x70: {  	_ =	shalt  }
0x71: {  	_ =	shalt  }
0x72: {  	_ =	shalt  }
0x73: {  	_ =	shalt  }
0x74: {  	_ =	shalt  }
0x75: {  	_ =	shalt  }
0x76: {  	_ =	shalt  }
0x77: {  	_ =	shalt  }
0x78: {  	_ =	shalt  }
0x79: {  	_ =	shalt  }
0x7a: {  	_ =	shalt  }
0x7b: {  	_ =	shalt  }
0x7c: {  	_ =	shalt  }
0x7d: {  	_ =	shalt  }
0x7e: {  	_ =	shalt  }
0x7f: {  	_ =	shalt  }
0x80: {  	_ =	shalt  }
0x81: {  	_ =	shalt  }
0x82: {  	_ =	shalt  }
0x83: {  	_ =	shalt  }
0x84: {  	_ =	shalt  }
0x85: {  	_ =	shalt  }
0x86: {  	_ =	shalt  }
0x87: {  	_ =	shalt  }
.Lfunc_end0:
.L_simem_size_0:
called_computation.1_lowered:
.L_overlay_start_0:
0x88: {  	s2 =	sld [smem:$0x3FD9]  }
0x89: {  	s3 =	sld [smem:$0x3FFE];
	_ =	sdelay $0x1  }
0x8a: {  	s1 =	srdreg.scid  }
0x8b: {  	s0 =	sand.u32 $0x1, s1  }
0x8c: {  	s16 =	sshll.u32 s0, $0xA;
	s2 =	sadd.s32 s3, s2  }
0x8d: {  	s2 =	sadd.s32 s2, s16  }
0x8e: {  	[smem:$0x3FB9] =	sst s2  }
0x8f: {  	_ = 	snop  }
0x90: {  	(tm) =	ssettm $0x1  }
0x91: {  	s17 =	sld [smem:$0x3FFB];
	_ =	sdelay $0x3  }
0x92: {  	_ =	strace s17  }
0x93: {  	s2 =	sld [smem:$0x3FFC];
	_ =	sdelay $0x3  }
0x94: {  	_ =	strace s2  }
0x95: {  	s2 =	sld [smem:$0x3FFD];
	_ =	sdelay $0x3  }
0x96: {  	_ =	strace s2  }
0x97: {  	_ =	strace $0x8FFFFFFF  }
0x98: {  	s18 =	sld [smem:$0x3FDB];
	_ =	sdelay $0x1  }
0x99: {  	s19 =	simm.s32 $_scs_section_size  }
0x9a: {  	s4 =	simm.s32 $_size__tile_overlayer_lowered;
	s5 =	simm.s32 $_tile_overlayer_lowered  }
0x9b: {  	s22 =	simm.s32 $0x1BFF;
	s21 =	sshll.u32 s5, $0x1;
	s2 =	sadd.s32 s19, s18  }
0x9c: {  	s6 =	simm.s32 $0x0;
	s20 =	sshll.u32 s4, $0x1;
	s4 =	sadd.s32 s21, s2  }
0x9d: {  	[timem:s6], [sflag:s22] =	dma.local [hbm:s4], s20  }
0x9e: {  	_ =	swait.ge [sflag:s22], s20  }
0x9f: {  	s3 =	ssub.s32 $0x0, s20;
	[sflag:s22] =	ssyncset.done $0x0  }
0xa0: {  	[sflag:s22] =	ssyncadd.s32 s3;
	_ =	sdelay $0x1  }
0xa1: {  	s23 =	simm.s32 $0x1B8B  }
0xa2: {  	_ =	swait.ge [sflag:s23], $0x1  }
0xa3: {  	[sflag:s23] =	ssyncset.done $0x0  }
0xa4: {  	s25 =	simm.s32 $0x1B8E;
	s24 =	sld [smem:$0x3FFE];
	[sflag:s23] =	ssyncadd.s32 $0xFFFFFFFF  }
0xa5: {  	s26 =	simm.s32 $execute0_lowered;
	[smem:$0x3FD2] =	sst s25  }
0xa6: {  	s4 =	sshll.u32 s26, $0x1;
	_ =	strace $0x80000049;
	[dreg:$0x1] =	wrdreg $0xFFFFFFFF  }
0xa7: {  	s28 =	simm.s32 $_size_execute0_lowered;
	s2 =	sadd.s32 s2, s4;
	[dreg:$0x0] =	wrdreg $0x0  }
0xa8: {  	s4 =	sshll.u32 s28, $0x1;
	[dreg:$0x2] =	wrdreg s2  }
0xa9: {  	[dreg:$0x3] =	wrdreg s4  }
0xaa: {  	[dreg:$0x4] =	wrdreg $0xC0  }
0xab: {  	_ =	task [dreg:s6], $0x5FFFF  }
0xac: {  	[dreg:$0x1] =	wrdreg $0xFFFFFFFF  }
0xad: {  	[dreg:$0x0] =	wrdreg $0x60  }
0xae: {  	[dreg:$0x2] =	wrdreg s24  }
0xaf: {  	[dreg:$0x3] =	wrdreg $0x9  }
0xb0: {  	_ =	task.clear_ibuf [dreg:s6], $0x4FFFF;
	_ =	strace $0x90000049  }
0xb1: {  	s29 =	simm.s32 $0x9;
	_ =	strace $0x8000004B  }
0xb2: {  	_ =	swait.ge [sflag:s29], $0x1  }
0xb3: {  	[sflag:s29] =	ssyncadd.s32 $0xFFFFFFFF  }
0xb4: {  	_ =	strace $0x9000004B  }
0xb5: {  	_ =	sfence  }
0xb6: {  	s30 =	sld [smem:$0x0];
	_ =	sdelay $0x2  }
0xb7: {  	s31 =	sshll.u32 s1, $0xD;
	s1 =	sshrl.u32 s1, $0x2  }
0xb8: {  	s3 =	sand.u32 $0x4000, s31;
	s1 =	sadd.s32 s1, s30  }
0xb9: {  	s0 =	sor.u32 s3, s0;
	s1 =	sshll.u32 s1, $0x11  }
0xba: {  	s0 =	sor.u32 s1, s0  }
0xbb: {  	s0 =	sadd.s32 $0x8F2B, s0  }
0xbc: {  	[sflag:s0] =	ssyncadd.remote.s32 $0x1  }
0xbd: {  	_ =	sfence.sel $0xFFFF  }
0xbe: {  	[dreg:$0x0] =	wrdreg $0xFFFFFFFF;
	(pc) =	sbr.abs _section_cstart, $3  }
0xbf: {  	[dreg:$0x1] =	wrdreg $0xFFFFFFFF  }
0xc0: {  	_ =	task.clear_ibuf [dreg:s6], $0x2FFFF;
	_ =	strace $0x9FFFFFFF  }
0xc1: {  	(tm) =	ssettm $0x7FFFFFFF  }
tec
execute0_lowered:
.L_overlay_start_1:
0x0: {  	(tag) =	ssettag $0x1  }
0x1: {  	s4 =	rddreg [dreg:$0x0]  }
0x2: {  	s0 =	rddreg [dreg:$0x1]  }
0x3: {  	s2 =	simm.s32 $0x0;
	s1 =	stileid.u32;
	s3 =	srdreg.scid  }
0x4: {  	s12 =	simm.s32 $0x100;
	s13 =	simm.s32 $0x8200;
	s14 =	simm.s32 $0x180  }
0x5: {  	s15 =	simm.s32 $0xC200;
	s16 =	simm.s32 $0x1;
	s5 =	smul.u32 $0x28000, s1  }
0x6: {  	s17 =	simm.s32 $0x0;
	s6 =	sand.u32 $0x1, s3;
	s10 =	smul.u32 $0x500, s1  }
0x7: {  	[smem:$0x7FF] =	sst s2;
	s3 =	sadd.s32 $0x15800, s4;
	s8 =	smul.u32 $0x14000, s6  }
0x8: {  	_ =	strace $0x8000004A;
	s7 =	ssub.s32 $0x2, s6;
	s30 =	smul.u32 $0x280, s6  }
0x9: {  	s9 =	sshrl.u32 s7, $0x1;
	s11 =	sadd.s32 s5, s4;
	s4 =	sadd.s32 $0x9000, s4  }
0xa: {  	s29 =	ssub.s32 s7, s9;
	s31 =	sadd.s32 s8, s11;
	s7 =	sadd.s32 s30, s10  }
0xb: {  	s8 =	simm.s32 $0x2;
	s9 =	simm.s32 $0x80;
	s10 =	simm.s32 $0x200  }
0xc: {  	s11 =	simm.s32 $0x4200;
	s5 =	smax.u32 s29, $0x1;
	s6 =	sadd.s32 $0x63C00, s31  }
.LBB2_1:
0xd: {  	s18 =	sadd.s32 $0x0, s7;
	s19 =	sand.u32 $0x40, s2  }
0xe: {  	s18 =	sand.u32 $0xFFFFF80, s18;
	s19 =	sadd.s32 s4, s19  }
0xf: {  	s18 =	sadd.s32 s18, s19  }
0x10: {  	[tilespmem:s2], [sflag:$0x2] =	stream.linear.gather [hbm4b:s18+s2], $0x200, $0x38;
	[tilespmem:$0x10200] =	vst v63  }
0x11: {  	_ =	swait.ge [sflag:s8], $0x200  }
0x12: {  	[sflag:s8] =	ssyncset.done $0x0  }
0x13: {  	[sflag:s8] =	ssyncadd.s32 $0xFFFFFE00  }
0x14: {  	[tilespmem:s10], [sflag:$0x1] =	stream.indirect.gather [hbm4b:s3+s9], $0x80, s2, s9, $0xb8;
	[tilespmem:$0x10200] =	vst v63  }
0x15: {  	_ = 	snop  }
0x16: {  	[tilespmem:s11], [sflag:$0x1] =	stream.indirect.gather [hbm4b:s3+s9], $0x80, s9, s9, $0xb8;
	[tilespmem:$0x10200] =	vst v63  }
0x17: {  	_ = 	snop  }
0x18: {  	[tilespmem:s13], [sflag:$0x1] =	stream.indirect.gather [hbm4b:s3+s9], $0x80, s12, s9, $0xb8;
	[tilespmem:$0x10200] =	vst v63  }
0x19: {  	_ = 	snop  }
0x1a: {  	[tilespmem:s15], [sflag:$0x1] =	stream.indirect.gather [hbm4b:s3+s9], $0x80, s14, s9, $0xb8;
	[tilespmem:$0x10200] =	vst v63  }
0x1b: {  	_ =	swait.ge [sflag:s16], $0x4000  }
0x1c: {  	[sflag:s16] =	ssyncset.done $0x0  }
0x1d: {  	[sflag:s16] =	ssyncadd.s32 $0xFFFFC000  }
0x1e: {  	_ =	swait.ge [sflag:s16], $0x4000  }
0x1f: {  	[sflag:s16] =	ssyncset.done $0x0  }
0x20: {  	[sflag:s16] =	ssyncadd.s32 $0xFFFFC000  }
0x21: {  	_ =	swait.ge [sflag:s16], $0x4000  }
0x22: {  	[sflag:s16] =	ssyncset.done $0x0  }
0x23: {  	[sflag:s16] =	ssyncadd.s32 $0xFFFFC000  }
0x24: {  	_ =	swait.ge [sflag:s16], $0x4000  }
0x25: {  	s20 =	simm.s32 $0x40;
	[sflag:s16] =	ssyncset.done $0x0  }
0x26: {  	s21 =	sadd.s32 $0x40, s7;
	s22 =	sand.u32 $0x40, s20;
	[sflag:s16] =	ssyncadd.s32 $0xFFFFC000  }
0x27: {  	[hbm4b:s6+s2] =	stream.linear.scatter [tilespmem:s10], [sflag:$0x2], $0x10000, $0x38;
	[tilespmem:$0x10200] =	vst v63  }
0x28: {  	s20 =	sand.u32 $0xFFFFF80, s21;
	s19 =	simm.s32 $0x80;
	_ =	swait.ge [sflag:s8], $0x10000  }
0x29: {  	s21 =	sadd.s32 s4, s22;
	s18 =	sadd.s32 $0x2000, s6;
	[sflag:s8] =	ssyncset.done $0x0  }
.LBB2_2:
0x2a: {  	s20 =	sadd.s32 s20, s21;
	[sflag:s8] =	ssyncadd.s32 $0xFFFF0000  }
0x2b: {  	s21 =	smov.u32 s19;
	s22 =	sadd.s32 $0x40, s19;
	s23 =	smov.u32 s18  }
0x2c: {  	[tilespmem:s2], [sflag:$0x2] =	stream.linear.gather [hbm4b:s20+s2], $0x200, $0x38;
	[tilespmem:$0x10200] =	vst v63  }
0x2d: {  	p0 =	sne.s32 s19, $0x240;
	_ =	swait.ge [sflag:s8], $0x200  }
0x2e: {  	[sflag:s8] =	ssyncset.done $0x0  }
0x2f: {  	[sflag:s8] =	ssyncadd.s32 $0xFFFFFE00  }
0x30: {  	[tilespmem:s10], [sflag:$0x1] =	stream.indirect.gather [hbm4b:s3+s9], $0x80, s2, s9, $0xb8;
	[tilespmem:$0x10200] =	vst v63  }
0x31: {  	_ = 	snop  }
0x32: {  	[tilespmem:s11], [sflag:$0x1] =	stream.indirect.gather [hbm4b:s3+s9], $0x80, s9, s9, $0xb8;
	[tilespmem:$0x10200] =	vst v63  }
0x33: {  	_ = 	snop  }
0x34: {  	[tilespmem:s13], [sflag:$0x1] =	stream.indirect.gather [hbm4b:s3+s9], $0x80, s12, s9, $0xb8;
	[tilespmem:$0x10200] =	vst v63  }
0x35: {  	_ = 	snop  }
0x36: {  	[tilespmem:s15], [sflag:$0x1] =	stream.indirect.gather [hbm4b:s3+s9], $0x80, s14, s9, $0xb8;
	[tilespmem:$0x10200] =	vst v63  }
0x37: {  	_ =	swait.ge [sflag:s16], $0x4000  }
0x38: {  	[sflag:s16] =	ssyncset.done $0x0  }
0x39: {  	[sflag:s16] =	ssyncadd.s32 $0xFFFFC000  }
0x3a: {  	_ =	swait.ge [sflag:s16], $0x4000  }
0x3b: {  	[sflag:s16] =	ssyncset.done $0x0  }
0x3c: {  	[sflag:s16] =	ssyncadd.s32 $0xFFFFC000  }
0x3d: {  	_ =	swait.ge [sflag:s16], $0x4000  }
0x3e: {  	[sflag:s16] =	ssyncset.done $0x0  }
0x3f: {  	[sflag:s16] =	ssyncadd.s32 $0xFFFFC000  }
0x40: {  	_ =	swait.ge [sflag:s16], $0x4000  }
.Ltmp0:
0x41: {  	[sflag:s16] =	ssyncset.done $0x0;
	(pc) =	sbr.rel @p0 .LBB2_2-.Ltmp0, $4  }
0x42: {  	s18 =	sadd.s32 $0x2000, s18;
	s19 =	sadd.s32 s21, s7;
	[sflag:s16] =	ssyncadd.s32 $0xFFFFC000  }
0x43: {  	[hbm4b:s23+s2] =	stream.linear.scatter [tilespmem:s10], [sflag:$0x2], $0x10000, $0x38;
	[tilespmem:$0x10200] =	vst v63  }
0x44: {  	s21 =	sand.u32 $0x40, s21;
	s20 =	sand.u32 $0xFFFFF80, s19;
	_ =	swait.ge [sflag:s8], $0x10000  }
0x45: {  	s21 =	sadd.s32 s4, s21;
	s19 =	smov.u32 s22;
	[sflag:s8] =	ssyncset.done $0x0  }
0x46: {  	s19 =	sadd.s32 s20, s21;
	[sflag:s8] =	ssyncadd.s32 $0xFFFF0000  }
0x47: {  	[tilespmem:s2], [sflag:$0x2] =	stream.linear.gather [hbm4b:s19+s2], $0x200, $0x38;
	[tilespmem:$0x10200] =	vst v63  }
0x48: {  	_ =	swait.ge [sflag:s8], $0x200  }
0x49: {  	[sflag:s8] =	ssyncset.done $0x0  }
0x4a: {  	[sflag:s8] =	ssyncadd.s32 $0xFFFFFE00  }
0x4b: {  	[tilespmem:s10], [sflag:$0x1] =	stream.indirect.gather [hbm4b:s3+s9], $0x80, s2, s9, $0xb8;
	[tilespmem:$0x10200] =	vst v63  }
0x4c: {  	_ = 	snop  }
0x4d: {  	[tilespmem:s11], [sflag:$0x1] =	stream.indirect.gather [hbm4b:s3+s9], $0x80, s9, s9, $0xb8;
	[tilespmem:$0x10200] =	vst v63  }
0x4e: {  	_ = 	snop  }
0x4f: {  	[tilespmem:s13], [sflag:$0x1] =	stream.indirect.gather [hbm4b:s3+s9], $0x80, s12, s9, $0xb8;
	[tilespmem:$0x10200] =	vst v63  }
0x50: {  	_ = 	snop  }
0x51: {  	[tilespmem:s15], [sflag:$0x1] =	stream.indirect.gather [hbm4b:s3+s9], $0x80, s14, s9, $0xb8;
	[tilespmem:$0x10200] =	vst v63  }
0x52: {  	_ =	swait.ge [sflag:s16], $0x4000  }
0x53: {  	[sflag:s16] =	ssyncset.done $0x0  }
0x54: {  	[sflag:s16] =	ssyncadd.s32 $0xFFFFC000  }
0x55: {  	_ =	swait.ge [sflag:s16], $0x4000  }
0x56: {  	[sflag:s16] =	ssyncset.done $0x0  }
0x57: {  	[sflag:s16] =	ssyncadd.s32 $0xFFFFC000  }
0x58: {  	_ =	swait.ge [sflag:s16], $0x4000  }
0x59: {  	[sflag:s16] =	ssyncset.done $0x0  }
0x5a: {  	[sflag:s16] =	ssyncadd.s32 $0xFFFFC000  }
0x5b: {  	s17 =	sadd.s32 $0x1, s17;
	_ =	swait.ge [sflag:s16], $0x4000  }
0x5c: {  	p0 =	sne.s32 s17, s5;
	[sflag:s16] =	ssyncset.done $0x0  }
.Ltmp1:
0x5d: {  	[sflag:s16] =	ssyncadd.s32 $0xFFFFC000;
	(pc) =	sbr.rel @p0 .LBB2_1-.Ltmp1, $4  }
0x5e: {  	[hbm4b:s18+s2] =	stream.linear.scatter [tilespmem:s10], [sflag:$0x2], $0x10000, $0x38;
	[tilespmem:$0x10200] =	vst v63  }
0x5f: {  	_ =	swait.ge [sflag:s8], $0x10000  }
0x60: {  	[sflag:s8] =	ssyncset.done $0x0  }
0x61: {  	[sflag:s8] =	ssyncadd.s32 $0xFFFF0000  }
0x62: {  	_ =	sfence.sel $0x180000  }
0x63: {  	[bflag:$0x0] =	sbarrier.arrive $0xFFFF  }
0x64: {  	p0 =	sne.s32 s1, $0x0;
	_ =	strace $0x9000004A  }
0x65: {  	s0 =	sadd.s32 @!p0 $0x100000, s0;
	[bflag:$0x2] =	sbarrier.arrive $0xFFFF  }
0x66: {  	[sflag:s0] =	ssyncadd.tile.s32 @!p0 $0x1;
	_ =	shalt  }
.Lfunc_end2:
_tile_overlayer_lowered:
.L_overlay_start_2:
0x67: {  	(tag) =	ssettag $0x2  }
0x68: {  	s0 =	rddreg [dreg:$0x0];
	s2 =	stileid.u32  }
0x69: {  	s1 =	rddreg [dreg:$0x1];
	p0 =	sne.s32 s2, $0x0  }
0x6a: {  	s3 =	rddreg [dreg:$0x2];
	[bflag:$0x3] =	sbarrier.arrive $0xFFFF;
	s2 =	simm.s32 @!p0 $0x1C02  }
0x6b: {  	[timem:s3], [sflag:s2] =	dma.local @!p0 [hbm:s0], s1  }
0x6c: {  	s0 =	simm.s32 @!p0 $0x2  }
0x6d: {  	_ =	swait.ge @!p0 [sflag:s0], s1  }
0x6e: {  	s1 =	ssub.s32 @!p0 $0x0, s1;
	[sflag:s0] =	ssyncset.done @!p0 $0x0  }
0x6f: {  	[sflag:s0] =	ssyncadd.s32 @!p0 s1  }
0x70: {  	[bflag:$0x3] =	sbarrier.arrive $0xFFFF  }
0x71: {  	_ =	shalt  }

// kernel: kernel.36.cloned.1.call-start
scs
__scs_entry_jumppad:
0x0: {  	(pc) =	sbr.rel $0x88, $3  }
0x1: {  	(tag) =	ssettag $0x0;
	lr =	simm.s32 $0x1  }
0x2: {  	[smem:$0x3F92] =	sst lr;
	_ =	strace $0xD0000000  }
0x3: {  	_ = 	snop  }
0x4: {  	_ = 	snop  }
0x5: {  	_ = 	snop  }
0x6: {  	_ = 	snop  }
0x7: {  	_ = 	snop  }
__scs_overlays_trampoline_lowered:
0x8: {  	[smem:$0x3FA1] =	sst s0  }
0x9: {  	[smem:$0x3FA2] =	sst s1  }
0xa: {  	[smem:$0x3FA3] =	sst s2  }
0xb: {  	[smem:$0x3FA4] =	sst s3  }
0xc: {  	[smem:$0x3FA5] =	sst s4  }
0xd: {  	[smem:$0x3FA6] =	sst s5  }
0xe: {  	[smem:$0x3FA7] =	sst s6  }
0xf: {  	[smem:$0x3FA8] =	sst s7  }
0x10: {  	[smem:$0x3FA9] =	sst s8  }
0x11: {  	[smem:$0x3FAA] =	sst s9;
	s0 =	simm.s32 @!p0 $0x0  }
0x12: {  	s1 =	sld [smem:$0x3F90];
	s0 =	simm.s32 @p0 $0x1  }
0x13: {  	[smem:$0x3FAB] =	sst s0;
	s0 =	simm.s32 @!p1 $0x0  }
0x14: {  	s2 =	sld [smem:$0x3F8F];
	s0 =	simm.s32 @p1 $0x1  }
0x15: {  	[smem:$0x3FAC] =	sst s0;
	s0 =	simm.s32 @!p2 $0x0  }
0x16: {  	s3 =	sld [smem:$0x3FDB];
	s0 =	simm.s32 @p2 $0x1  }
0x17: {  	s4 =	simm.s32 $0x1BF5;
	[smem:$0x3FAE] =	sst s0  }
0x18: {  	s0 =	sld [smem:$0x3F91];
	_ =	swait.ge [sflag:s4], $0x0  }
0x19: {  	s7 =	sld [smem:$0x3F92]  }
0x1a: {  	s8 =	sadd.s32 $0xFFFFE003, lr  }
0x1b: {  	s9 =	sadd.s32 $0xFFFFFEF7, lr;
	s5 =	simm.s32 $0xFFFFFFFF;
	p2 =	slt.u32 s8, $0xFFFFF086  }
0x1c: {  	p1 =	slt.u32 s9, $0xF7A;
	s5 =	simm.s32 @!p2 $0x0  }
0x1d: {  	s5 =	simm.s32 @p1 $0x1;
	p0 =	seq.s32 s7, s2  }
0x1e: {  	s7 =	smul.u32 @!p0 $0xF7A, s2;
	p2 =	seq.s32 @!p0 s5, $0x0  }
0x1f: {  	s9 =	smul.u32 $0xF7A, s1;
	s8 =	simm.s32 @!p0 $0x1BF5;
	p2 =	por !p2, p0  }
0x20: {  	[sflag:s8] =	ssyncset.s32 @!p0 $0xFFFFF086;
	s6 =	sadd.s32 @!p0 s3, s7;
	s7 =	simm.s32 @!p0 $0x108  }
0x21: {  	s3 =	sadd.s32 s3, s9;
	s6 =	sadd.s32 @!p0 $0x88, s6;
	s7 =	simm.s32 @p2 $0x1082  }
0x22: {  	[simem:s7], [sflag:s8] =	dma.local @!p0 [hbm:s6], $0xF7A  }
0x23: {  	s9 =	sor.u32 $0xD0000000, s2;
	s6 =	simm.s32 $0x108;
	_ =	swait.ge @!p0 [sflag:s8], $0x0  }
0x24: {  	s3 =	sadd.s32 $0x88, s3;
	s6 =	simm.s32 @!p1 $0x1082;
	[sflag:s4] =	ssyncset.s32 $0xFFFFF086  }
0x25: {  	[simem:s6], [sflag:s4] =	dma.local [hbm:s3], $0xF7A  }
0x26: {  	[smem:$0x3F92] =	sst s1;
	(tag) =	ssettag s2;
	_ =	strace s9  }
0x27: {  	s1 =	sld [smem:$0x3FA2]  }
0x28: {  	s2 =	sld [smem:$0x3FA3]  }
0x29: {  	s4 =	sld [smem:$0x3FA5]  }
0x2a: {  	p0 =	seq.s32 s5, $0x0;
	s5 =	sld [smem:$0x3FA6]  }
0x2b: {  	s6 =	sld [smem:$0x3FA7]  }
0x2c: {  	s7 =	sld [smem:$0x3FA8]  }
0x2d: {  	s3 =	simm.s32 $0x108;
	s8 =	sld [smem:$0x3FA9]  }
0x2e: {  	s3 =	simm.s32 @!p0 $0x1082;
	s9 =	sld [smem:$0x3FAA]  }
0x2f: {  	lr =	sadd.s32 s0, s3;
	s0 =	sld [smem:$0x3FA1]  }
0x30: {  	s3 =	sld [smem:$0x3FA4]  }
0x31: {  	[smem:$0x3FAD] =	sst s10  }
0x32: {  	s10 =	sld [smem:$0x3FAB];
	_ =	sdelay $0x3  }
0x33: {  	p0 =	seq.s32 s10, $0x1;
	s10 =	sld [smem:$0x3FAD];
	_ =	sdelay $0x3  }
0x34: {  	[smem:$0x3FAD] =	sst s10  }
0x35: {  	s10 =	sld [smem:$0x3FAC];
	_ =	sdelay $0x3  }
0x36: {  	p1 =	seq.s32 s10, $0x1;
	s10 =	sld [smem:$0x3FAD];
	_ =	sdelay $0x3  }
0x37: {  	[smem:$0x3FAD] =	sst s10  }
0x38: {  	s10 =	sld [smem:$0x3FAE]  }
0x39: {  	_ = 	snop;
	(pc) =	sbr.ind lr, $3  }
0x3a: {  	_ = 	snop  }
0x3b: {  	_ = 	snop  }
0x3c: {  	p2 =	seq.s32 s10, $0x1;
	s10 =	sld [smem:$0x3FAD]  }
0x3d: {  	_ =	shalt  }
0x3e: {  	_ =	shalt  }
0x3f: {  	_ =	shalt  }
0x40: {  	_ =	shalt  }
0x41: {  	_ =	shalt  }
0x42: {  	_ =	shalt  }
0x43: {  	_ =	shalt  }
0x44: {  	_ =	shalt  }
0x45: {  	_ =	shalt  }
0x46: {  	_ =	shalt  }
0x47: {  	_ =	shalt  }
0x48: {  	_ =	shalt  }
0x49: {  	_ =	shalt  }
0x4a: {  	_ =	shalt  }
0x4b: {  	_ =	shalt  }
0x4c: {  	_ =	shalt  }
0x4d: {  	_ =	shalt  }
0x4e: {  	_ =	shalt  }
0x4f: {  	_ =	shalt  }
0x50: {  	_ =	shalt  }
0x51: {  	_ =	shalt  }
0x52: {  	_ =	shalt  }
0x53: {  	_ =	shalt  }
0x54: {  	_ =	shalt  }
0x55: {  	_ =	shalt  }
0x56: {  	_ =	shalt  }
0x57: {  	_ =	shalt  }
0x58: {  	_ =	shalt  }
0x59: {  	_ =	shalt  }
0x5a: {  	_ =	shalt  }
0x5b: {  	_ =	shalt  }
0x5c: {  	_ =	shalt  }
0x5d: {  	_ =	shalt  }
0x5e: {  	_ =	shalt  }
0x5f: {  	_ =	shalt  }
0x60: {  	_ =	shalt  }
0x61: {  	_ =	shalt  }
0x62: {  	_ =	shalt  }
0x63: {  	_ =	shalt  }
0x64: {  	_ =	shalt  }
0x65: {  	_ =	shalt  }
0x66: {  	_ =	shalt  }
0x67: {  	_ =	shalt  }
0x68: {  	_ =	shalt  }
0x69: {  	_ =	shalt  }
0x6a: {  	_ =	shalt  }
0x6b: {  	_ =	shalt  }
0x6c: {  	_ =	shalt  }
0x6d: {  	_ =	shalt  }
0x6e: {  	_ =	shalt  }
0x6f: {  	_ =	shalt  }
0x70: {  	_ =	shalt  }
0x71: {  	_ =	shalt  }
0x72: {  	_ =	shalt  }
0x73: {  	_ =	shalt  }
0x74: {  	_ =	shalt  }
0x75: {  	_ =	shalt  }
0x76: {  	_ =	shalt  }
0x77: {  	_ =	shalt  }
0x78: {  	_ =	shalt  }
0x79: {  	_ =	shalt  }
0x7a: {  	_ =	shalt  }
0x7b: {  	_ =	shalt  }
0x7c: {  	_ =	shalt  }
0x7d: {  	_ =	shalt  }
0x7e: {  	_ =	shalt  }
0x7f: {  	_ =	shalt  }
0x80: {  	_ =	shalt  }
0x81: {  	_ =	shalt  }
0x82: {  	_ =	shalt  }
0x83: {  	_ =	shalt  }
0x84: {  	_ =	shalt  }
0x85: {  	_ =	shalt  }
0x86: {  	_ =	shalt  }
0x87: {  	_ =	shalt  }
.Lfunc_end0:
.L_simem_size_0:
called_computation.2_lowered:
.L_overlay_start_0:
0x88: {  	s2 =	sld [smem:$0x3FD9]  }
0x89: {  	s3 =	sld [smem:$0x3FFE];
	_ =	sdelay $0x1  }
0x8a: {  	s1 =	srdreg.scid  }
0x8b: {  	s0 =	sand.u32 $0x1, s1  }
0x8c: {  	s16 =	sshll.u32 s0, $0xA;
	s2 =	sadd.s32 s3, s2  }
0x8d: {  	s2 =	sadd.s32 s2, s16  }
0x8e: {  	[smem:$0x3FB9] =	sst s2  }
0x8f: {  	_ = 	snop  }
0x90: {  	(tm) =	ssettm $0x1  }
0x91: {  	s17 =	sld [smem:$0x3FFB];
	_ =	sdelay $0x3  }
0x92: {  	_ =	strace s17  }
0x93: {  	s2 =	sld [smem:$0x3FFC];
	_ =	sdelay $0x3  }
0x94: {  	_ =	strace s2  }
0x95: {  	s2 =	sld [smem:$0x3FFD];
	_ =	sdelay $0x3  }
0x96: {  	_ =	strace s2  }
0x97: {  	_ =	strace $0x8FFFFFFF  }
0x98: {  	s18 =	sld [smem:$0x3FDB];
	_ =	sdelay $0x1  }
0x99: {  	s19 =	simm.s32 $_scs_section_size  }
0x9a: {  	s4 =	simm.s32 $_size__tile_overlayer_lowered;
	s5 =	simm.s32 $_tile_overlayer_lowered  }
0x9b: {  	s22 =	simm.s32 $0x1BFF;
	s21 =	sshll.u32 s5, $0x1;
	s2 =	sadd.s32 s19, s18  }
0x9c: {  	s6 =	simm.s32 $0x0;
	s20 =	sshll.u32 s4, $0x1;
	s4 =	sadd.s32 s21, s2  }
0x9d: {  	[timem:s6], [sflag:s22] =	dma.local [hbm:s4], s20  }
0x9e: {  	_ =	swait.ge [sflag:s22], s20  }
0x9f: {  	s3 =	ssub.s32 $0x0, s20;
	[sflag:s22] =	ssyncset.done $0x0  }
0xa0: {  	[sflag:s22] =	ssyncadd.s32 s3;
	_ =	sdelay $0x1  }
0xa1: {  	s23 =	simm.s32 $0x1B8B  }
0xa2: {  	_ =	swait.ge [sflag:s23], $0x1  }
0xa3: {  	[sflag:s23] =	ssyncset.done $0x0  }
0xa4: {  	s25 =	simm.s32 $0x1B8E;
	s24 =	sld [smem:$0x3FFE];
	[sflag:s23] =	ssyncadd.s32 $0xFFFFFFFF  }
0xa5: {  	s26 =	simm.s32 $execute0_lowered;
	[smem:$0x3FD2] =	sst s25  }
0xa6: {  	s4 =	sshll.u32 s26, $0x1;
	_ =	strace $0x8000004C;
	[dreg:$0x1] =	wrdreg $0xFFFFFFFF  }
0xa7: {  	s28 =	simm.s32 $_size_execute0_lowered;
	s2 =	sadd.s32 s2, s4;
	[dreg:$0x0] =	wrdreg $0x0  }
0xa8: {  	s4 =	sshll.u32 s28, $0x1;
	[dreg:$0x2] =	wrdreg s2  }
0xa9: {  	[dreg:$0x3] =	wrdreg s4  }
0xaa: {  	[dreg:$0x4] =	wrdreg $0xC0  }
0xab: {  	_ =	task [dreg:s6], $0x5FFFF  }
0xac: {  	[dreg:$0x1] =	wrdreg $0xFFFFFFFF  }
0xad: {  	[dreg:$0x0] =	wrdreg $0x60  }
0xae: {  	[dreg:$0x2] =	wrdreg s24  }
0xaf: {  	[dreg:$0x3] =	wrdreg $0x81000  }
0xb0: {  	[dreg:$0x4] =	wrdreg $0x9  }
0xb1: {  	_ =	task.clear_ibuf [dreg:s6], $0x5FFFF;
	_ =	strace $0x9000004C  }
0xb2: {  	s29 =	simm.s32 $0x9;
	_ =	strace $0x8000004E  }
0xb3: {  	_ =	swait.ge [sflag:s29], $0x1  }
0xb4: {  	[sflag:s29] =	ssyncadd.s32 $0xFFFFFFFF  }
0xb5: {  	_ =	strace $0x9000004E  }
0xb6: {  	_ =	sfence  }
0xb7: {  	s30 =	sld [smem:$0x0];
	_ =	sdelay $0x2  }
0xb8: {  	s31 =	sshll.u32 s1, $0xD;
	s1 =	sshrl.u32 s1, $0x2  }
0xb9: {  	s3 =	sand.u32 $0x4000, s31;
	s1 =	sadd.s32 s1, s30  }
0xba: {  	s0 =	sor.u32 s3, s0;
	s1 =	sshll.u32 s1, $0x11  }
0xbb: {  	s0 =	sor.u32 s1, s0  }
0xbc: {  	s0 =	sadd.s32 $0x8F2B, s0  }
0xbd: {  	[sflag:s0] =	ssyncadd.remote.s32 $0x1  }
0xbe: {  	_ =	sfence.sel $0xFFFF  }
0xbf: {  	[dreg:$0x0] =	wrdreg $0xFFFFFFFF;
	(pc) =	sbr.abs _section_cstart, $3  }
0xc0: {  	[dreg:$0x1] =	wrdreg $0xFFFFFFFF  }
0xc1: {  	_ =	task.clear_ibuf [dreg:s6], $0x2FFFF;
	_ =	strace $0x9FFFFFFF  }
0xc2: {  	(tm) =	ssettm $0x7FFFFFFF  }
0xc3: {  	_ =	shalt  }
tec
execute0_lowered:
.L_overlay_start_1:
0x0: {  	(tag) =	ssettag $0x1  }
0x1: {  	s6 =	rddreg [dreg:$0x0]  }
0x2: {  	s2 =	rddreg [dreg:$0x1]  }
0x3: {  	s0 =	rddreg [dreg:$0x2];
	s1 =	stileid.u32  }
0x4: {  	s3 =	simm.s32 $0x0;
	s4 =	srdreg.scid;
	s7 =	smul.u32 $0x2800, s1  }
0x5: {  	[smem:$0x7FF] =	sst s3;
	s13 =	sand.u32 $0x1, s4;
	s10 =	smul.u32 $0x50000, s1  }
0x6: {  	s16 =	sadd.s32 $0x2E4C00, s6;
	s4 =	sadd.s32 $0xE000, s6;
	s15 =	smul.u32 $0x50, s1  }
0x7: {  	s5 =	sadd.s32 $0x13000, s6;
	s19 =	sshll.u32 s1, $0x1;
	s30 =	smul.u32 $0x500, s1  }
0x8: {  	s24 =	sshll.u32 s1, $0x6;
	s8 =	smul.u32 $0x28000, s13;
	s9 =	ssub.s32 $0x2, s13  }
0x9: {  	_ =	strace $0x8000004D;
	s18 =	smul.u32 $0x28, s13;
	s20 =	sshrl.u32 s9, $0x1  }
0xa: {  	s22 =	sshrl.u32 s10, $0x2;
	s7 =	sadd.s32 s7, s8;
	s8 =	sor.u32 s13, s19  }
0xb: {  	s12 =	ssub.s32 s9, s20;
	s17 =	sadd.s32 s22, s2;
	s20 =	smul.u32 $0x280, s13  }
0xc: {  	s15 =	sadd.s32 s18, s15;
	s18 =	simm.s32 $0x3;
	s21 =	smul.u32 $0x28, s8  }
0xd: {  	s22 =	simm.s32 $0x4100;
	s11 =	sadd.s32 s7, s6;
	s23 =	smul.u32 $0x280, s8  }
0xe: {  	s8 =	smul.u32 $0x14000, s8;
	s6 =	sor.u32 $0x1C03, s24;
	s10 =	smax.u32 s12, $0x1  }
0xf: {  	s29 =	sor.u32 $0x2, s15;
	s31 =	sshll.u32 s15, $0xB;
	s17 =	sshrl.u32 s17, $0x3  }
0x10: {  	s24 =	simm.s32 $0x0;
	s9 =	sadd.s32 $0x564C00, s11;
	s15 =	sadd.s32 s20, s30  }
0x11: {  	s20 =	simm.s32 $0x1;
	s14 =	sadd.s32 $0x26, s21;
	s7 =	sadd.s32 s4, s23  }
0x12: {  	s8 =	sadd.s32 s16, s8;
	s21 =	simm.s32 $0x80;
	s23 =	simm.s32 $0x2  }
0x13: {  	s25 =	sshll.u32 s14, $0x4;
	s28 =	sshll.u32 s14, $0xB;
	s14 =	sshrl.u32 s29, $0x1  }
0x14: {  	s26 =	sand.u32 $0xFF80, s25;
	s12 =	sadd.s32 s28, s16;
	s19 =	sshll.u32 s14, $0xC  }
0x15: {  	s14 =	sshll.u32 s14, $0x5;
	s11 =	sadd.s32 s4, s26;
	s12 =	sadd.s32 $0x800, s12  }
0x16: {  	s13 =	sadd.s32 s19, s16;
	s14 =	sadd.s32 s14, s4;
	s16 =	sadd.s32 s31, s16  }
0x17: {  	s19 =	simm.s32 $0x100;
	s11 =	sadd.s32 $0x70, s11;
	s16 =	sadd.s32 $0x800, s16  }
.LBB2_1:
0x18: {  	[spmem:s17], [sflag:s6] =	dma.local [hbm:s5], $0x2800  }
0x19: {  	_ =	swait.ge [sflag:s18], $0x2800  }
0x1a: {  	[sflag:s18] =	ssyncset.done $0x0  }
0x1b: {  	[sflag:s18] =	ssyncadd.s32 $0xFFFFD800  }
0x1c: {  	[bflag:$0x0] =	sbarrier.arrive $0xFFFF  }
0x1d: {  	[tilespmem:s3], [sflag:$0x3] =	stream.linear.gather [hbm4b:s7+s3], $0x80, $0x38;
	[tilespmem:$0x1C100] =	vst v63  }
0x1e: {  	_ =	swait.ge [sflag:s18], $0x80  }
0x1f: {  	[sflag:s18] =	ssyncset.done $0x0  }
0x20: {  	[sflag:s18] =	ssyncadd.s32 $0xFFFFFF80  }
0x21: {  	[tilespmem:s19], [sflag:$0x1] =	stream.linear.gather [hbm4b:s8+s3], $0x4000, $0x38;
	[tilespmem:$0x1C100] =	vst v63  }
0x22: {  	s25 =	sand.u32 $0xFFFFF80, s15;
	s26 =	sadd.s32 $0x10, s15;
	_ =	swait.ge [sflag:s20], $0x4000  }
0x23: {  	s26 =	sand.u32 $0x70, s26;
	s25 =	sadd.s32 s4, s25;
	[sflag:s20] =	ssyncset.done $0x0  }
0x24: {  	s25 =	sadd.s32 s26, s25;
	[sflag:s20] =	ssyncadd.s32 $0xFFFFC000  }
0x25: {  	[tilespmem:s21], [sflag:$0x3] =	stream.linear.gather [hbm4b:s25+s3], $0x80, $0x38;
	[tilespmem:$0x1C100] =	vst v63  }
0x26: {  	_ =	swait.ge [sflag:s18], $0x80  }
0x27: {  	[sflag:s18] =	ssyncset.done $0x0  }
0x28: {  	s30 =	sadd.s32 $0x0, s16;
	[sflag:s18] =	ssyncadd.s32 $0xFFFFFF80  }
0x29: {  	[tilespmem:s22], [sflag:$0x2] =	stream.linear.gather [hbm4b:s30+s3], $0x4000, $0x38;
	[tilespmem:$0x1C100] =	vst v63  }
0x2a: {  	_ = 	snop  }
0x2b: {  	[spmem:s2] =	stream.indirect.scatter.add.f32 [tilespmem:s19], [sflag:$0x3], $0x80, s3, s21, $0xb8;
	[tilespmem:$0x1C100] =	vst v63  }
0x2c: {  	_ =	swait.ge [sflag:s18], $0x4000  }
0x2d: {  	[sflag:s18] =	ssyncset.done $0x0  }
0x2e: {  	[sflag:s18] =	ssyncadd.s32 $0xFFFFC000  }
0x2f: {  	_ =	swait.ge [sflag:s23], $0x4000  }
0x30: {  	[sflag:s23] =	ssyncset.done $0x0  }
0x31: {  	[sflag:s23] =	ssyncadd.s32 $0xFFFFC000  }
0x32: {  	[tilespmem:s3], [sflag:$0x3] =	stream.linear.gather [hbm4b:s14+s3], $0x80, $0x38;
	[tilespmem:$0x1C100] =	vst v63  }
0x33: {  	_ =	swait.ge [sflag:s18], $0x80  }
0x34: {  	[sflag:s18] =	ssyncset.done $0x0  }
0x35: {  	s31 =	sadd.s32 $0x0, s13;
	[sflag:s18] =	ssyncadd.s32 $0xFFFFFF80  }
0x36: {  	[tilespmem:s19], [sflag:$0x1] =	stream.linear.gather [hbm4b:s31+s3], $0x4000, $0x38;
	[tilespmem:$0x1C100] =	vst v63  }
0x37: {  	_ = 	snop  }
0x38: {  	[spmem:s2] =	stream.indirect.scatter.add.f32 [tilespmem:s22], [sflag:$0x3], $0x80, s21, s21, $0xb8;
	[tilespmem:$0x1C100] =	vst v63  }
0x39: {  	s28 =	smov.u32 s15;
	_ =	swait.ge [sflag:s18], $0x4000  }
0x3a: {  	s26 =	smov.u32 s14;
	s25 =	simm.s32 $0x1000;
	[sflag:s18] =	ssyncset.done $0x0  }
.LBB2_2:
0x3b: {  	[sflag:s18] =	ssyncadd.s32 $0xFFFFC000  }
0x3c: {  	s26 =	sadd.s32 $0x20, s26;
	s28 =	sadd.s32 $0x20, s28;
	s29 =	smov.u32 s25  }
0x3d: {  	p0 =	sne.s32 s25, $0x12000;
	s25 =	sadd.s32 $0x1000, s25;
	_ =	swait.ge [sflag:s20], $0x4000  }
0x3e: {  	s30 =	sand.u32 $0xFFFFF80, s28;
	s31 =	sadd.s32 $0x10, s28;
	[sflag:s20] =	ssyncset.done $0x0  }
0x3f: {  	s31 =	sand.u32 $0x70, s31;
	s30 =	sadd.s32 s4, s30;
	[sflag:s20] =	ssyncadd.s32 $0xFFFFC000  }
0x40: {  	s30 =	sadd.s32 s31, s30  }
0x41: {  	[tilespmem:s21], [sflag:$0x3] =	stream.linear.gather [hbm4b:s30+s3], $0x80, $0x38;
	[tilespmem:$0x1C100] =	vst v63  }
0x42: {  	_ =	swait.ge [sflag:s18], $0x80  }
0x43: {  	[sflag:s18] =	ssyncset.done $0x0  }
0x44: {  	s30 =	sadd.s32 s29, s16;
	[sflag:s18] =	ssyncadd.s32 $0xFFFFFF80  }
0x45: {  	[tilespmem:s22], [sflag:$0x2] =	stream.linear.gather [hbm4b:s30+s3], $0x4000, $0x38;
	[tilespmem:$0x1C100] =	vst v63  }
0x46: {  	_ = 	snop  }
0x47: {  	[spmem:s2] =	stream.indirect.scatter.add.f32 [tilespmem:s19], [sflag:$0x3], $0x80, s3, s21, $0xb8;
	[tilespmem:$0x1C100] =	vst v63  }
0x48: {  	_ =	swait.ge [sflag:s18], $0x4000  }
0x49: {  	[sflag:s18] =	ssyncset.done $0x0  }
0x4a: {  	[sflag:s18] =	ssyncadd.s32 $0xFFFFC000  }
0x4b: {  	_ =	swait.ge [sflag:s23], $0x4000  }
0x4c: {  	[sflag:s23] =	ssyncset.done $0x0  }
0x4d: {  	[sflag:s23] =	ssyncadd.s32 $0xFFFFC000  }
0x4e: {  	[tilespmem:s3], [sflag:$0x3] =	stream.linear.gather [hbm4b:s26+s3], $0x80, $0x38;
	[tilespmem:$0x1C100] =	vst v63  }
0x4f: {  	_ =	swait.ge [sflag:s18], $0x80  }
0x50: {  	[sflag:s18] =	ssyncset.done $0x0  }
0x51: {  	s29 =	sadd.s32 s29, s13;
	[sflag:s18] =	ssyncadd.s32 $0xFFFFFF80  }
0x52: {  	[tilespmem:s19], [sflag:$0x1] =	stream.linear.gather [hbm4b:s29+s3], $0x4000, $0x38;
	[tilespmem:$0x1C100] =	vst v63  }
.Ltmp0:
0x53: {  	_ = 	snop;
	(pc) =	sbr.rel @p0 .LBB2_2-.Ltmp0, $4  }
0x54: {  	_ = 	snop  }
0x55: {  	[spmem:s2] =	stream.indirect.scatter.add.f32 [tilespmem:s22], [sflag:$0x3], $0x80, s21, s21, $0xb8;
	[tilespmem:$0x1C100] =	vst v63  }
0x56: {  	_ =	swait.ge [sflag:s18], $0x4000  }
0x57: {  	[sflag:s18] =	ssyncset.done $0x0  }
0x58: {  	[sflag:s18] =	ssyncadd.s32 $0xFFFFC000  }
0x59: {  	_ =	swait.ge [sflag:s20], $0x4000  }
0x5a: {  	[sflag:s20] =	ssyncset.done $0x0  }
0x5b: {  	[sflag:s20] =	ssyncadd.s32 $0xFFFFC000  }
0x5c: {  	[tilespmem:s21], [sflag:$0x3] =	stream.linear.gather [hbm4b:s11+s3], $0x80, $0x38;
	[tilespmem:$0x1C100] =	vst v63  }
0x5d: {  	_ =	swait.ge [sflag:s18], $0x80  }
0x5e: {  	[sflag:s18] =	ssyncset.done $0x0  }
0x5f: {  	[sflag:s18] =	ssyncadd.s32 $0xFFFFFF80  }
0x60: {  	[tilespmem:s22], [sflag:$0x2] =	stream.linear.gather [hbm4b:s12+s3], $0x4000, $0x38;
	[tilespmem:$0x1C100] =	vst v63  }
0x61: {  	_ = 	snop  }
0x62: {  	[spmem:s2] =	stream.indirect.scatter.add.f32 [tilespmem:s19], [sflag:$0x3], $0x80, s3, s21, $0xb8;
	[tilespmem:$0x1C100] =	vst v63  }
0x63: {  	_ =	swait.ge [sflag:s18], $0x4000  }
0x64: {  	[sflag:s18] =	ssyncset.done $0x0  }
0x65: {  	[sflag:s18] =	ssyncadd.s32 $0xFFFFC000  }
0x66: {  	_ =	swait.ge [sflag:s23], $0x4000  }
0x67: {  	[sflag:s23] =	ssyncset.done $0x0  }
0x68: {  	[sflag:s23] =	ssyncadd.s32 $0xFFFFC000  }
0x69: {  	[spmem:s2] =	stream.indirect.scatter.add.f32 [tilespmem:s22], [sflag:$0x3], $0x80, s21, s21, $0xb8;
	[tilespmem:$0x1C100] =	vst v63  }
0x6a: {  	_ =	swait.ge [sflag:s18], $0x4000  }
0x6b: {  	s24 =	sadd.s32 $0x1, s24;
	[sflag:s18] =	ssyncset.done $0x0  }
0x6c: {  	p0 =	sne.s32 s24, s10;
	[sflag:s18] =	ssyncadd.s32 $0xFFFFC000  }
.Ltmp1:
0x6d: {  	[bflag:$0x0] =	sbarrier.arrive $0xFFFF;
	(pc) =	sbr.rel @p0 .LBB2_1-.Ltmp1, $4  }
0x6e: {  	[hbm:s9], [sflag:s6] =	dma.local [spmem:s17], $0x2800  }
0x6f: {  	_ =	swait.ge [sflag:s18], $0x2800  }
0x70: {  	[sflag:s18] =	ssyncset.done $0x0  }
0x71: {  	[sflag:s18] =	ssyncadd.s32 $0xFFFFD800  }
0x72: {  	_ =	sfence.sel $0x180000  }
0x73: {  	[bflag:$0x0] =	sbarrier.arrive $0xFFFF  }
0x74: {  	p0 =	sne.s32 s1, $0x0;
	_ =	strace $0x9000004D  }
0x75: {  	s0 =	sadd.s32 @!p0 $0x100000, s0;
	[bflag:$0x2] =	sbarrier.arrive $0xFFFF  }
0x76: {  	[sflag:s0] =	ssyncadd.tile.s32 @!p0 $0x1;
	_ =	shalt  }
.Lfunc_end2:
_tile_overlayer_lowered:
.L_overlay_start_2:
0x77: {  	(tag) =	ssettag $0x2  }
0x78: {  	s0 =	rddreg [dreg:$0x0];
	s2 =	stileid.u32  }
0x79: {  	s1 =	rddreg [dreg:$0x1];
	p0 =	sne.s32 s2, $0x0  }
0x7a: {  	s3 =	rddreg [dreg:$0x2];
	[bflag:$0x3] =	sbarrier.arrive $0xFFFF;
	s2 =	simm.s32 @!p0 $0x1C03  }
0x7b: {  	[timem:s3], [sflag:s2] =	dma.local @!p0 [hbm:s0], s1  }
0x7c: {  	s0 =	simm.s32 @!p0 $0x3  }
0x7d: {  	_ =	swait.ge @!p0 [sflag:s0], s1  }
0x7e: {  	s1 =	ssub.s32 @!p0 $0x0, s1;
	[sflag:s0] =	ssyncset.done @!p0 $0x0  }
0x7f: {  	[sflag:s0] =	ssyncadd.s32 @!p0 s1  }
0x80: {  	[bflag:$0x3] =	sbarrier.arrive $0xFFFF  }
0x81: {  	_ =	shalt  }

// kernel: kernel.39.cloned.1.call-start
scs
__scs_entry_jumppad:
0x0: {  	(pc) =	sbr.rel $0x88, $3  }
0x1: {  	(tag) =	ssettag $0x0;
	lr =	simm.s32 $0x1  }
0x2: {  	[smem:$0x3F92] =	sst lr;
	_ =	strace $0xD0000000  }
0x3: {  	_ = 	snop  }
0x4: {  	_ = 	snop  }
0x5: {  	_ = 	snop  }
0x6: {  	_ = 	snop  }
0x7: {  	_ = 	snop  }
__scs_overlays_trampoline_lowered:
0x8: {  	[smem:$0x3FA1] =	sst s0  }
0x9: {  	[smem:$0x3FA2] =	sst s1  }
0xa: {  	[smem:$0x3FA3] =	sst s2  }
0xb: {  	[smem:$0x3FA4] =	sst s3  }
0xc: {  	[smem:$0x3FA5] =	sst s4  }
0xd: {  	[smem:$0x3FA6] =	sst s5  }
0xe: {  	[smem:$0x3FA7] =	sst s6  }
0xf: {  	[smem:$0x3FA8] =	sst s7  }
0x10: {  	[smem:$0x3FA9] =	sst s8  }
0x11: {  	[smem:$0x3FAA] =	sst s9;
	s0 =	simm.s32 @!p0 $0x0  }
0x12: {  	s1 =	sld [smem:$0x3F90];
	s0 =	simm.s32 @p0 $0x1  }
0x13: {  	[smem:$0x3FAB] =	sst s0;
	s0 =	simm.s32 @!p1 $0x0  }
0x14: {  	s2 =	sld [smem:$0x3F8F];
	s0 =	simm.s32 @p1 $0x1  }
0x15: {  	[smem:$0x3FAC] =	sst s0;
	s0 =	simm.s32 @!p2 $0x0  }
0x16: {  	s3 =	sld [smem:$0x3FDB];
	s0 =	simm.s32 @p2 $0x1  }
0x17: {  	s4 =	simm.s32 $0x1BF5;
	[smem:$0x3FAE] =	sst s0  }
0x18: {  	s0 =	sld [smem:$0x3F91];
	_ =	swait.ge [sflag:s4], $0x0  }
0x19: {  	s7 =	sld [smem:$0x3F92]  }
0x1a: {  	s8 =	sadd.s32 $0xFFFFE003, lr  }
0x1b: {  	s9 =	sadd.s32 $0xFFFFFEF7, lr;
	s5 =	simm.s32 $0xFFFFFFFF;
	p2 =	slt.u32 s8, $0xFFFFF086  }
0x1c: {  	p1 =	slt.u32 s9, $0xF7A;
	s5 =	simm.s32 @!p2 $0x0  }
0x1d: {  	s5 =	simm.s32 @p1 $0x1;
	p0 =	seq.s32 s7, s2  }
0x1e: {  	s7 =	smul.u32 @!p0 $0xF7A, s2;
	p2 =	seq.s32 @!p0 s5, $0x0  }
0x1f: {  	s9 =	smul.u32 $0xF7A, s1;
	s8 =	simm.s32 @!p0 $0x1BF5;
	p2 =	por !p2, p0  }
0x20: {  	[sflag:s8] =	ssyncset.s32 @!p0 $0xFFFFF086;
	s6 =	sadd.s32 @!p0 s3, s7;
	s7 =	simm.s32 @!p0 $0x108  }
0x21: {  	s3 =	sadd.s32 s3, s9;
	s6 =	sadd.s32 @!p0 $0x88, s6;
	s7 =	simm.s32 @p2 $0x1082  }
0x22: {  	[simem:s7], [sflag:s8] =	dma.local @!p0 [hbm:s6], $0xF7A  }
0x23: {  	s9 =	sor.u32 $0xD0000000, s2;
	s6 =	simm.s32 $0x108;
	_ =	swait.ge @!p0 [sflag:s8], $0x0  }
0x24: {  	s3 =	sadd.s32 $0x88, s3;
	s6 =	simm.s32 @!p1 $0x1082;
	[sflag:s4] =	ssyncset.s32 $0xFFFFF086  }
0x25: {  	[simem:s6], [sflag:s4] =	dma.local [hbm:s3], $0xF7A  }
0x26: {  	[smem:$0x3F92] =	sst s1;
	(tag) =	ssettag s2;
	_ =	strace s9  }
0x27: {  	s1 =	sld [smem:$0x3FA2]  }
0x28: {  	s2 =	sld [smem:$0x3FA3]  }
0x29: {  	s4 =	sld [smem:$0x3FA5]  }
0x2a: {  	p0 =	seq.s32 s5, $0x0;
	s5 =	sld [smem:$0x3FA6]  }
0x2b: {  	s6 =	sld [smem:$0x3FA7]  }
0x2c: {  	s7 =	sld [smem:$0x3FA8]  }
0x2d: {  	s3 =	simm.s32 $0x108;
	s8 =	sld [smem:$0x3FA9]  }
0x2e: {  	s3 =	simm.s32 @!p0 $0x1082;
	s9 =	sld [smem:$0x3FAA]  }
0x2f: {  	lr =	sadd.s32 s0, s3;
	s0 =	sld [smem:$0x3FA1]  }
0x30: {  	s3 =	sld [smem:$0x3FA4]  }
0x31: {  	[smem:$0x3FAD] =	sst s10  }
0x32: {  	s10 =	sld [smem:$0x3FAB];
	_ =	sdelay $0x3  }
0x33: {  	p0 =	seq.s32 s10, $0x1;
	s10 =	sld [smem:$0x3FAD];
	_ =	sdelay $0x3  }
0x34: {  	[smem:$0x3FAD] =	sst s10  }
0x35: {  	s10 =	sld [smem:$0x3FAC];
	_ =	sdelay $0x3  }
0x36: {  	p1 =	seq.s32 s10, $0x1;
	s10 =	sld [smem:$0x3FAD];
	_ =	sdelay $0x3  }
0x37: {  	[smem:$0x3FAD] =	sst s10  }
0x38: {  	s10 =	sld [smem:$0x3FAE]  }
0x39: {  	_ = 	snop;
	(pc) =	sbr.ind lr, $3  }
0x3a: {  	_ = 	snop  }
0x3b: {  	_ = 	snop  }
0x3c: {  	p2 =	seq.s32 s10, $0x1;
	s10 =	sld [smem:$0x3FAD]  }
0x3d: {  	_ =	shalt  }
0x3e: {  	_ =	shalt  }
0x3f: {  	_ =	shalt  }
0x40: {  	_ =	shalt  }
0x41: {  	_ =	shalt  }
0x42: {  	_ =	shalt  }
0x43: {  	_ =	shalt  }
0x44: {  	_ =	shalt  }
0x45: {  	_ =	shalt  }
0x46: {  	_ =	shalt  }
0x47: {  	_ =	shalt  }
0x48: {  	_ =	shalt  }
0x49: {  	_ =	shalt  }
0x4a: {  	_ =	shalt  }
0x4b: {  	_ =	shalt  }
0x4c: {  	_ =	shalt  }
0x4d: {  	_ =	shalt  }
0x4e: {  	_ =	shalt  }
0x4f: {  	_ =	shalt  }
0x50: {  	_ =	shalt  }
0x51: {  	_ =	shalt  }
0x52: {  	_ =	shalt  }
0x53: {  	_ =	shalt  }
0x54: {  	_ =	shalt  }
0x55: {  	_ =	shalt  }
0x56: {  	_ =	shalt  }
0x57: {  	_ =	shalt  }
0x58: {  	_ =	shalt  }
0x59: {  	_ =	shalt  }
0x5a: {  	_ =	shalt  }
0x5b: {  	_ =	shalt  }
0x5c: {  	_ =	shalt  }
0x5d: {  	_ =	shalt  }
0x5e: {  	_ =	shalt  }
0x5f: {  	_ =	shalt  }
0x60: {  	_ =	shalt  }
0x61: {  	_ =	shalt  }
0x62: {  	_ =	shalt  }
0x63: {  	_ =	shalt  }
0x64: {  	_ =	shalt  }
0x65: {  	_ =	shalt  }
0x66: {  	_ =	shalt  }
0x67: {  	_ =	shalt  }
0x68: {  	_ =	shalt  }
0x69: {  	_ =	shalt  }
0x6a: {  	_ =	shalt  }
0x6b: {  	_ =	shalt  }
0x6c: {  	_ =	shalt  }
0x6d: {  	_ =	shalt  }
0x6e: {  	_ =	shalt  }
0x6f: {  	_ =	shalt  }
0x70: {  	_ =	shalt  }
0x71: {  	_ =	shalt  }
0x72: {  	_ =	shalt  }
0x73: {  	_ =	shalt  }
0x74: {  	_ =	shalt  }
0x75: {  	_ =	shalt  }
0x76: {  	_ =	shalt  }
0x77: {  	_ =	shalt  }
0x78: {  	_ =	shalt  }
0x79: {  	_ =	shalt  }
0x7a: {  	_ =	shalt  }
0x7b: {  	_ =	shalt  }
0x7c: {  	_ =	shalt  }
0x7d: {  	_ =	shalt  }
0x7e: {  	_ =	shalt  }
0x7f: {  	_ =	shalt  }
0x80: {  	_ =	shalt  }
0x81: {  	_ =	shalt  }
0x82: {  	_ =	shalt  }
0x83: {  	_ =	shalt  }
0x84: {  	_ =	shalt  }
0x85: {  	_ =	shalt  }
0x86: {  	_ =	shalt  }
0x87: {  	_ =	shalt  }
.Lfunc_end0:
.L_simem_size_0:
called_computation.3_lowered:
.L_overlay_start_0:
0x88: {  	s2 =	sld [smem:$0x3FD9]  }
0x89: {  	s3 =	sld [smem:$0x3FFE];
	_ =	sdelay $0x1  }
0x8a: {  	s1 =	srdreg.scid  }
0x8b: {  	s0 =	sand.u32 $0x1, s1  }
0x8c: {  	s16 =	sshll.u32 s0, $0xA;
	s2 =	sadd.s32 s3, s2  }
0x8d: {  	s2 =	sadd.s32 s2, s16  }
0x8e: {  	[smem:$0x3FB9] =	sst s2  }
0x8f: {  	_ = 	snop  }
0x90: {  	(tm) =	ssettm $0x1  }
0x91: {  	s17 =	sld [smem:$0x3FFB];
	_ =	sdelay $0x3  }
0x92: {  	_ =	strace s17  }
0x93: {  	s2 =	sld [smem:$0x3FFC];
	_ =	sdelay $0x3  }
0x94: {  	_ =	strace s2  }
0x95: {  	s2 =	sld [smem:$0x3FFD];
	_ =	sdelay $0x3  }
0x96: {  	_ =	strace s2  }
0x97: {  	_ =	strace $0x8FFFFFFF  }
0x98: {  	s18 =	sld [smem:$0x3FDB];
	_ =	sdelay $0x1  }
0x99: {  	s19 =	simm.s32 $_scs_section_size  }
0x9a: {  	s4 =	simm.s32 $_size__tile_overlayer_lowered;
	s5 =	simm.s32 $_tile_overlayer_lowered  }
0x9b: {  	s22 =	simm.s32 $0x1BFF;
	s21 =	sshll.u32 s5, $0x1;
	s2 =	sadd.s32 s19, s18  }
0x9c: {  	s6 =	simm.s32 $0x0;
	s20 =	sshll.u32 s4, $0x1;
	s4 =	sadd.s32 s21, s2  }
0x9d: {  	[timem:s6], [sflag:s22] =	dma.local [hbm:s4], s20  }
0x9e: {  	_ =	swait.ge [sflag:s22], s20  }
0x9f: {  	s3 =	ssub.s32 $0x0, s20;
	[sflag:s22] =	ssyncset.done $0x0  }
0xa0: {  	[sflag:s22] =	ssyncadd.s32 s3;
	_ =	sdelay $0x1  }
0xa1: {  	s23 =	simm.s32 $0x1B8B  }
0xa2: {  	_ =	swait.ge [sflag:s23], $0x1  }
0xa3: {  	[sflag:s23] =	ssyncset.done $0x0  }
0xa4: {  	s25 =	simm.s32 $0x1B8E;
	s24 =	sld [smem:$0x3FFE];
	[sflag:s23] =	ssyncadd.s32 $0xFFFFFFFF  }
0xa5: {  	s26 =	simm.s32 $execute0_lowered;
	[smem:$0x3FD2] =	sst s25  }
0xa6: {  	s4 =	sshll.u32 s26, $0x1;
	_ =	strace $0x8000004F;
	[dreg:$0x1] =	wrdreg $0xFFFFFFFF  }
0xa7: {  	s28 =	simm.s32 $_size_execute0_lowered;
	s2 =	sadd.s32 s2, s4;
	[dreg:$0x0] =	wrdreg $0x0  }
0xa8: {  	s4 =	sshll.u32 s28, $0x1;
	[dreg:$0x2] =	wrdreg s2  }
0xa9: {  	[dreg:$0x3] =	wrdreg s4  }
0xaa: {  	[dreg:$0x4] =	wrdreg $0xC0  }
0xab: {  	_ =	task [dreg:s6], $0x5FFFF  }
0xac: {  	[dreg:$0x1] =	wrdreg $0xFFFFFFFF  }
0xad: {  	[dreg:$0x0] =	wrdreg $0x60  }
0xae: {  	[dreg:$0x2] =	wrdreg s24  }
0xaf: {  	[dreg:$0x3] =	wrdreg $0x9  }
0xb0: {  	_ =	task.clear_ibuf [dreg:s6], $0x4FFFF;
	_ =	strace $0x9000004F  }
0xb1: {  	s29 =	simm.s32 $0x9;
	_ =	strace $0x80000051  }
0xb2: {  	_ =	swait.ge [sflag:s29], $0x1  }
0xb3: {  	[sflag:s29] =	ssyncadd.s32 $0xFFFFFFFF  }
0xb4: {  	_ =	strace $0x90000051  }
0xb5: {  	_ =	sfence  }
0xb6: {  	s30 =	sld [smem:$0x0];
	_ =	sdelay $0x2  }
0xb7: {  	s31 =	sshll.u32 s1, $0xD;
	s1 =	sshrl.u32 s1, $0x2  }
0xb8: {  	s3 =	sand.u32 $0x4000, s31;
	s1 =	sadd.s32 s1, s30  }
0xb9: {  	s0 =	sor.u32 s3, s0;
	s1 =	sshll.u32 s1, $0x11  }
0xba: {  	s0 =	sor.u32 s1, s0  }
0xbb: {  	s0 =	sadd.s32 $0x8F2B, s0  }
0xbc: {  	[sflag:s0] =	ssyncadd.remote.s32 $0x1  }
0xbd: {  	_ =	sfence.sel $0xFFFF  }
0xbe: {  	[dreg:$0x0] =	wrdreg $0xFFFFFFFF;
	(pc) =	sbr.abs _section_cstart, $3  }
0xbf: {  	[dreg:$0x1] =	wrdreg $0xFFFFFFFF  }
0xc0: {  	_ =	task.clear_ibuf [dreg:s6], $0x2FFFF;
	_ =	strace $0x9FFFFFFF  }
0xc1: {  	(tm) =	ssettm $0x7FFFFFFF  }
tec
execute0_lowered:
.L_overlay_start_1:
0x0: {  	(tag) =	ssettag $0x1  }
0x1: {  	s4 =	rddreg [dreg:$0x0]  }
0x2: {  	s0 =	rddreg [dreg:$0x1]  }
0x3: {  	s2 =	simm.s32 $0x0;
	s1 =	stileid.u32;
	s3 =	srdreg.scid  }
0x4: {  	s12 =	simm.s32 $0x100;
	s13 =	simm.s32 $0x8200;
	s14 =	simm.s32 $0x180  }
0x5: {  	s15 =	simm.s32 $0xC200;
	s16 =	simm.s32 $0x1;
	s5 =	smul.u32 $0x28000, s1  }
0x6: {  	s17 =	simm.s32 $0x0;
	s6 =	sand.u32 $0x1, s3;
	s10 =	smul.u32 $0x500, s1  }
0x7: {  	[smem:$0x7FF] =	sst s2;
	s3 =	sadd.s32 $0x15800, s4;
	s8 =	smul.u32 $0x14000, s6  }
0x8: {  	_ =	strace $0x80000050;
	s7 =	ssub.s32 $0x2, s6;
	s30 =	smul.u32 $0x280, s6  }
0x9: {  	s9 =	sshrl.u32 s7, $0x1;
	s11 =	sadd.s32 s5, s4;
	s4 =	sadd.s32 $0x9000, s4  }
0xa: {  	s29 =	ssub.s32 s7, s9;
	s31 =	sadd.s32 s8, s11;
	s7 =	sadd.s32 s30, s10  }
0xb: {  	s8 =	simm.s32 $0x2;
	s9 =	simm.s32 $0x80;
	s10 =	simm.s32 $0x200  }
0xc: {  	s11 =	simm.s32 $0x4200;
	s5 =	smax.u32 s29, $0x1;
	s6 =	sadd.s32 $0x63C00, s31  }
.LBB2_1:
0xd: {  	s18 =	sadd.s32 $0x0, s7;
	s19 =	sand.u32 $0x40, s2  }
0xe: {  	s18 =	sand.u32 $0xFFFFF80, s18;
	s19 =	sadd.s32 s4, s19  }
0xf: {  	s18 =	sadd.s32 s18, s19  }
0x10: {  	[tilespmem:s2], [sflag:$0x2] =	stream.linear.gather [hbm4b:s18+s2], $0x200, $0x38;
	[tilespmem:$0x10200] =	vst v63  }
0x11: {  	_ =	swait.ge [sflag:s8], $0x200  }
0x12: {  	[sflag:s8] =	ssyncset.done $0x0  }
0x13: {  	[sflag:s8] =	ssyncadd.s32 $0xFFFFFE00  }
0x14: {  	[tilespmem:s10], [sflag:$0x1] =	stream.indirect.gather [hbm4b:s3+s9], $0x80, s2, s9, $0xb8;
	[tilespmem:$0x10200] =	vst v63  }
0x15: {  	_ = 	snop  }
0x16: {  	[tilespmem:s11], [sflag:$0x1] =	stream.indirect.gather [hbm4b:s3+s9], $0x80, s9, s9, $0xb8;
	[tilespmem:$0x10200] =	vst v63  }
0x17: {  	_ = 	snop  }
0x18: {  	[tilespmem:s13], [sflag:$0x1] =	stream.indirect.gather [hbm4b:s3+s9], $0x80, s12, s9, $0xb8;
	[tilespmem:$0x10200] =	vst v63  }
0x19: {  	_ = 	snop  }
0x1a: {  	[tilespmem:s15], [sflag:$0x1] =	stream.indirect.gather [hbm4b:s3+s9], $0x80, s14, s9, $0xb8;
	[tilespmem:$0x10200] =	vst v63  }
0x1b: {  	_ =	swait.ge [sflag:s16], $0x4000  }
0x1c: {  	[sflag:s16] =	ssyncset.done $0x0  }
0x1d: {  	[sflag:s16] =	ssyncadd.s32 $0xFFFFC000  }
0x1e: {  	_ =	swait.ge [sflag:s16], $0x4000  }
0x1f: {  	[sflag:s16] =	ssyncset.done $0x0  }
0x20: {  	[sflag:s16] =	ssyncadd.s32 $0xFFFFC000  }
0x21: {  	_ =	swait.ge [sflag:s16], $0x4000  }
0x22: {  	[sflag:s16] =	ssyncset.done $0x0  }
0x23: {  	[sflag:s16] =	ssyncadd.s32 $0xFFFFC000  }
0x24: {  	_ =	swait.ge [sflag:s16], $0x4000  }
0x25: {  	s20 =	simm.s32 $0x40;
	[sflag:s16] =	ssyncset.done $0x0  }
0x26: {  	s21 =	sadd.s32 $0x40, s7;
	s22 =	sand.u32 $0x40, s20;
	[sflag:s16] =	ssyncadd.s32 $0xFFFFC000  }
0x27: {  	[hbm4b:s6+s2] =	stream.linear.scatter [tilespmem:s10], [sflag:$0x2], $0x10000, $0x38;
	[tilespmem:$0x10200] =	vst v63  }
0x28: {  	s20 =	sand.u32 $0xFFFFF80, s21;
	s19 =	simm.s32 $0x80;
	_ =	swait.ge [sflag:s8], $0x10000  }
0x29: {  	s21 =	sadd.s32 s4, s22;
	s18 =	sadd.s32 $0x2000, s6;
	[sflag:s8] =	ssyncset.done $0x0  }
.LBB2_2:
0x2a: {  	s20 =	sadd.s32 s20, s21;
	[sflag:s8] =	ssyncadd.s32 $0xFFFF0000  }
0x2b: {  	s21 =	smov.u32 s19;
	s22 =	sadd.s32 $0x40, s19;
	s23 =	smov.u32 s18  }
0x2c: {  	[tilespmem:s2], [sflag:$0x2] =	stream.linear.gather [hbm4b:s20+s2], $0x200, $0x38;
	[tilespmem:$0x10200] =	vst v63  }
0x2d: {  	p0 =	sne.s32 s19, $0x240;
	_ =	swait.ge [sflag:s8], $0x200  }
0x2e: {  	[sflag:s8] =	ssyncset.done $0x0  }
0x2f: {  	[sflag:s8] =	ssyncadd.s32 $0xFFFFFE00  }
0x30: {  	[tilespmem:s10], [sflag:$0x1] =	stream.indirect.gather [hbm4b:s3+s9], $0x80, s2, s9, $0xb8;
	[tilespmem:$0x10200] =	vst v63  }
0x31: {  	_ = 	snop  }
0x32: {  	[tilespmem:s11], [sflag:$0x1] =	stream.indirect.gather [hbm4b:s3+s9], $0x80, s9, s9, $0xb8;
	[tilespmem:$0x10200] =	vst v63  }
0x33: {  	_ = 	snop  }
0x34: {  	[tilespmem:s13], [sflag:$0x1] =	stream.indirect.gather [hbm4b:s3+s9], $0x80, s12, s9, $0xb8;
	[tilespmem:$0x10200] =	vst v63  }
0x35: {  	_ = 	snop  }
0x36: {  	[tilespmem:s15], [sflag:$0x1] =	stream.indirect.gather [hbm4b:s3+s9], $0x80, s14, s9, $0xb8;
	[tilespmem:$0x10200] =	vst v63  }
0x37: {  	_ =	swait.ge [sflag:s16], $0x4000  }
0x38: {  	[sflag:s16] =	ssyncset.done $0x0  }
0x39: {  	[sflag:s16] =	ssyncadd.s32 $0xFFFFC000  }
0x3a: {  	_ =	swait.ge [sflag:s16], $0x4000  }
0x3b: {  	[sflag:s16] =	ssyncset.done $0x0  }
0x3c: {  	[sflag:s16] =	ssyncadd.s32 $0xFFFFC000  }
0x3d: {  	_ =	swait.ge [sflag:s16], $0x4000  }
0x3e: {  	[sflag:s16] =	ssyncset.done $0x0  }
0x3f: {  	[sflag:s16] =	ssyncadd.s32 $0xFFFFC000  }
0x40: {  	_ =	swait.ge [sflag:s16], $0x4000  }
.Ltmp0:
0x41: {  	[sflag:s16] =	ssyncset.done $0x0;
	(pc) =	sbr.rel @p0 .LBB2_2-.Ltmp0, $4  }
0x42: {  	s18 =	sadd.s32 $0x2000, s18;
	s19 =	sadd.s32 s21, s7;
	[sflag:s16] =	ssyncadd.s32 $0xFFFFC000  }
0x43: {  	[hbm4b:s23+s2] =	stream.linear.scatter [tilespmem:s10], [sflag:$0x2], $0x10000, $0x38;
	[tilespmem:$0x10200] =	vst v63  }
0x44: {  	s21 =	sand.u32 $0x40, s21;
	s20 =	sand.u32 $0xFFFFF80, s19;
	_ =	swait.ge [sflag:s8], $0x10000  }
0x45: {  	s21 =	sadd.s32 s4, s21;
	s19 =	smov.u32 s22;
	[sflag:s8] =	ssyncset.done $0x0  }
0x46: {  	s19 =	sadd.s32 s20, s21;
	[sflag:s8] =	ssyncadd.s32 $0xFFFF0000  }
0x47: {  	[tilespmem:s2], [sflag:$0x2] =	stream.linear.gather [hbm4b:s19+s2], $0x200, $0x38;
	[tilespmem:$0x10200] =	vst v63  }
0x48: {  	_ =	swait.ge [sflag:s8], $0x200  }
0x49: {  	[sflag:s8] =	ssyncset.done $0x0  }
0x4a: {  	[sflag:s8] =	ssyncadd.s32 $0xFFFFFE00  }
0x4b: {  	[tilespmem:s10], [sflag:$0x1] =	stream.indirect.gather [hbm4b:s3+s9], $0x80, s2, s9, $0xb8;
	[tilespmem:$0x10200] =	vst v63  }
0x4c: {  	_ = 	snop  }
0x4d: {  	[tilespmem:s11], [sflag:$0x1] =	stream.indirect.gather [hbm4b:s3+s9], $0x80, s9, s9, $0xb8;
	[tilespmem:$0x10200] =	vst v63  }
0x4e: {  	_ = 	snop  }
0x4f: {  	[tilespmem:s13], [sflag:$0x1] =	stream.indirect.gather [hbm4b:s3+s9], $0x80, s12, s9, $0xb8;
	[tilespmem:$0x10200] =	vst v63  }
0x50: {  	_ = 	snop  }
0x51: {  	[tilespmem:s15], [sflag:$0x1] =	stream.indirect.gather [hbm4b:s3+s9], $0x80, s14, s9, $0xb8;
	[tilespmem:$0x10200] =	vst v63  }
0x52: {  	_ =	swait.ge [sflag:s16], $0x4000  }
0x53: {  	[sflag:s16] =	ssyncset.done $0x0  }
0x54: {  	[sflag:s16] =	ssyncadd.s32 $0xFFFFC000  }
0x55: {  	_ =	swait.ge [sflag:s16], $0x4000  }
0x56: {  	[sflag:s16] =	ssyncset.done $0x0  }
0x57: {  	[sflag:s16] =	ssyncadd.s32 $0xFFFFC000  }
0x58: {  	_ =	swait.ge [sflag:s16], $0x4000  }
0x59: {  	[sflag:s16] =	ssyncset.done $0x0  }
0x5a: {  	[sflag:s16] =	ssyncadd.s32 $0xFFFFC000  }
0x5b: {  	s17 =	sadd.s32 $0x1, s17;
	_ =	swait.ge [sflag:s16], $0x4000  }
0x5c: {  	p0 =	sne.s32 s17, s5;
	[sflag:s16] =	ssyncset.done $0x0  }
.Ltmp1:
0x5d: {  	[sflag:s16] =	ssyncadd.s32 $0xFFFFC000;
	(pc) =	sbr.rel @p0 .LBB2_1-.Ltmp1, $4  }
0x5e: {  	[hbm4b:s18+s2] =	stream.linear.scatter [tilespmem:s10], [sflag:$0x2], $0x10000, $0x38;
	[tilespmem:$0x10200] =	vst v63  }
0x5f: {  	_ =	swait.ge [sflag:s8], $0x10000  }
0x60: {  	[sflag:s8] =	ssyncset.done $0x0  }
0x61: {  	[sflag:s8] =	ssyncadd.s32 $0xFFFF0000  }
0x62: {  	_ =	sfence.sel $0x180000  }
0x63: {  	[bflag:$0x0] =	sbarrier.arrive $0xFFFF  }
0x64: {  	p0 =	sne.s32 s1, $0x0;
	_ =	strace $0x90000050  }
0x65: {  	s0 =	sadd.s32 @!p0 $0x100000, s0;
	[bflag:$0x2] =	sbarrier.arrive $0xFFFF  }
0x66: {  	[sflag:s0] =	ssyncadd.tile.s32 @!p0 $0x1;
	_ =	shalt  }
.Lfunc_end2:
_tile_overlayer_lowered:
.L_overlay_start_2:
0x67: {  	(tag) =	ssettag $0x2  }
0x68: {  	s0 =	rddreg [dreg:$0x0];
	s2 =	stileid.u32  }
0x69: {  	s1 =	rddreg [dreg:$0x1];
	p0 =	sne.s32 s2, $0x0  }
0x6a: {  	s3 =	rddreg [dreg:$0x2];
	[bflag:$0x3] =	sbarrier.arrive $0xFFFF;
	s2 =	simm.s32 @!p0 $0x1C02  }
0x6b: {  	[timem:s3], [sflag:s2] =	dma.local @!p0 [hbm:s0], s1  }
0x6c: {  	s0 =	simm.s32 @!p0 $0x2  }
0x6d: {  	_ =	swait.ge @!p0 [sflag:s0], s1  }
0x6e: {  	s1 =	ssub.s32 @!p0 $0x0, s1;
	[sflag:s0] =	ssyncset.done @!p0 $0x0  }
0x6f: {  	[sflag:s0] =	ssyncadd.s32 @!p0 s1  }
0x70: {  	[bflag:$0x3] =	sbarrier.arrive $0xFFFF  }
0x71: {  	_ =	shalt  }

// kernel: kernel.42.cloned.1.call-start
scs
__scs_entry_jumppad:
0x0: {  	(pc) =	sbr.rel $0x88, $3  }
0x1: {  	(tag) =	ssettag $0x0;
	lr =	simm.s32 $0x1  }
0x2: {  	[smem:$0x3F92] =	sst lr;
	_ =	strace $0xD0000000  }
0x3: {  	_ = 	snop  }
0x4: {  	_ = 	snop  }
0x5: {  	_ = 	snop  }
0x6: {  	_ = 	snop  }
0x7: {  	_ = 	snop  }
__scs_overlays_trampoline_lowered:
0x8: {  	[smem:$0x3FA1] =	sst s0  }
0x9: {  	[smem:$0x3FA2] =	sst s1  }
0xa: {  	[smem:$0x3FA3] =	sst s2  }
0xb: {  	[smem:$0x3FA4] =	sst s3  }
0xc: {  	[smem:$0x3FA5] =	sst s4  }
0xd: {  	[smem:$0x3FA6] =	sst s5  }
0xe: {  	[smem:$0x3FA7] =	sst s6  }
0xf: {  	[smem:$0x3FA8] =	sst s7  }
0x10: {  	[smem:$0x3FA9] =	sst s8  }
0x11: {  	[smem:$0x3FAA] =	sst s9;
	s0 =	simm.s32 @!p0 $0x0  }
0x12: {  	s1 =	sld [smem:$0x3F90];
	s0 =	simm.s32 @p0 $0x1  }
0x13: {  	[smem:$0x3FAB] =	sst s0;
	s0 =	simm.s32 @!p1 $0x0  }
0x14: {  	s2 =	sld [smem:$0x3F8F];
	s0 =	simm.s32 @p1 $0x1  }
0x15: {  	[smem:$0x3FAC] =	sst s0;
	s0 =	simm.s32 @!p2 $0x0  }
0x16: {  	s3 =	sld [smem:$0x3FDB];
	s0 =	simm.s32 @p2 $0x1  }
0x17: {  	s4 =	simm.s32 $0x1BF5;
	[smem:$0x3FAE] =	sst s0  }
0x18: {  	s0 =	sld [smem:$0x3F91];
	_ =	swait.ge [sflag:s4], $0x0  }
0x19: {  	s7 =	sld [smem:$0x3F92]  }
0x1a: {  	s8 =	sadd.s32 $0xFFFFE003, lr  }
0x1b: {  	s9 =	sadd.s32 $0xFFFFFEF7, lr;
	s5 =	simm.s32 $0xFFFFFFFF;
	p2 =	slt.u32 s8, $0xFFFFF086  }
0x1c: {  	p1 =	slt.u32 s9, $0xF7A;
	s5 =	simm.s32 @!p2 $0x0  }
0x1d: {  	s5 =	simm.s32 @p1 $0x1;
	p0 =	seq.s32 s7, s2  }
0x1e: {  	s7 =	smul.u32 @!p0 $0xF7A, s2;
	p2 =	seq.s32 @!p0 s5, $0x0  }
0x1f: {  	s9 =	smul.u32 $0xF7A, s1;
	s8 =	simm.s32 @!p0 $0x1BF5;
	p2 =	por !p2, p0  }
0x20: {  	[sflag:s8] =	ssyncset.s32 @!p0 $0xFFFFF086;
	s6 =	sadd.s32 @!p0 s3, s7;
	s7 =	simm.s32 @!p0 $0x108  }
0x21: {  	s3 =	sadd.s32 s3, s9;
	s6 =	sadd.s32 @!p0 $0x88, s6;
	s7 =	simm.s32 @p2 $0x1082  }
0x22: {  	[simem:s7], [sflag:s8] =	dma.local @!p0 [hbm:s6], $0xF7A  }
0x23: {  	s9 =	sor.u32 $0xD0000000, s2;
	s6 =	simm.s32 $0x108;
	_ =	swait.ge @!p0 [sflag:s8], $0x0  }
0x24: {  	s3 =	sadd.s32 $0x88, s3;
	s6 =	simm.s32 @!p1 $0x1082;
	[sflag:s4] =	ssyncset.s32 $0xFFFFF086  }
0x25: {  	[simem:s6], [sflag:s4] =	dma.local [hbm:s3], $0xF7A  }
0x26: {  	[smem:$0x3F92] =	sst s1;
	(tag) =	ssettag s2;
	_ =	strace s9  }
0x27: {  	s1 =	sld [smem:$0x3FA2]  }
0x28: {  	s2 =	sld [smem:$0x3FA3]  }
0x29: {  	s4 =	sld [smem:$0x3FA5]  }
0x2a: {  	p0 =	seq.s32 s5, $0x0;
	s5 =	sld [smem:$0x3FA6]  }
0x2b: {  	s6 =	sld [smem:$0x3FA7]  }
0x2c: {  	s7 =	sld [smem:$0x3FA8]  }
0x2d: {  	s3 =	simm.s32 $0x108;
	s8 =	sld [smem:$0x3FA9]  }
0x2e: {  	s3 =	simm.s32 @!p0 $0x1082;
	s9 =	sld [smem:$0x3FAA]  }
0x2f: {  	lr =	sadd.s32 s0, s3;
	s0 =	sld [smem:$0x3FA1]  }
0x30: {  	s3 =	sld [smem:$0x3FA4]  }
0x31: {  	[smem:$0x3FAD] =	sst s10  }
0x32: {  	s10 =	sld [smem:$0x3FAB];
	_ =	sdelay $0x3  }
0x33: {  	p0 =	seq.s32 s10, $0x1;
	s10 =	sld [smem:$0x3FAD];
	_ =	sdelay $0x3  }
0x34: {  	[smem:$0x3FAD] =	sst s10  }
0x35: {  	s10 =	sld [smem:$0x3FAC];
	_ =	sdelay $0x3  }
0x36: {  	p1 =	seq.s32 s10, $0x1;
	s10 =	sld [smem:$0x3FAD];
	_ =	sdelay $0x3  }
0x37: {  	[smem:$0x3FAD] =	sst s10  }
0x38: {  	s10 =	sld [smem:$0x3FAE]  }
0x39: {  	_ = 	snop;
	(pc) =	sbr.ind lr, $3  }
0x3a: {  	_ = 	snop  }
0x3b: {  	_ = 	snop  }
0x3c: {  	p2 =	seq.s32 s10, $0x1;
	s10 =	sld [smem:$0x3FAD]  }
0x3d: {  	_ =	shalt  }
0x3e: {  	_ =	shalt  }
0x3f: {  	_ =	shalt  }
0x40: {  	_ =	shalt  }
0x41: {  	_ =	shalt  }
0x42: {  	_ =	shalt  }
0x43: {  	_ =	shalt  }
0x44: {  	_ =	shalt  }
0x45: {  	_ =	shalt  }
0x46: {  	_ =	shalt  }
0x47: {  	_ =	shalt  }
0x48: {  	_ =	shalt  }
0x49: {  	_ =	shalt  }
0x4a: {  	_ =	shalt  }
0x4b: {  	_ =	shalt  }
0x4c: {  	_ =	shalt  }
0x4d: {  	_ =	shalt  }
0x4e: {  	_ =	shalt  }
0x4f: {  	_ =	shalt  }
0x50: {  	_ =	shalt  }
0x51: {  	_ =	shalt  }
0x52: {  	_ =	shalt  }
0x53: {  	_ =	shalt  }
0x54: {  	_ =	shalt  }
0x55: {  	_ =	shalt  }
0x56: {  	_ =	shalt  }
0x57: {  	_ =	shalt  }
0x58: {  	_ =	shalt  }
0x59: {  	_ =	shalt  }
0x5a: {  	_ =	shalt  }
0x5b: {  	_ =	shalt  }
0x5c: {  	_ =	shalt  }
0x5d: {  	_ =	shalt  }
0x5e: {  	_ =	shalt  }
0x5f: {  	_ =	shalt  }
0x60: {  	_ =	shalt  }
0x61: {  	_ =	shalt  }
0x62: {  	_ =	shalt  }
0x63: {  	_ =	shalt  }
0x64: {  	_ =	shalt  }
0x65: {  	_ =	shalt  }
0x66: {  	_ =	shalt  }
0x67: {  	_ =	shalt  }
0x68: {  	_ =	shalt  }
0x69: {  	_ =	shalt  }
0x6a: {  	_ =	shalt  }
0x6b: {  	_ =	shalt  }
0x6c: {  	_ =	shalt  }
0x6d: {  	_ =	shalt  }
0x6e: {  	_ =	shalt  }
0x6f: {  	_ =	shalt  }
0x70: {  	_ =	shalt  }
0x71: {  	_ =	shalt  }
0x72: {  	_ =	shalt  }
0x73: {  	_ =	shalt  }
0x74: {  	_ =	shalt  }
0x75: {  	_ =	shalt  }
0x76: {  	_ =	shalt  }
0x77: {  	_ =	shalt  }
0x78: {  	_ =	shalt  }
0x79: {  	_ =	shalt  }
0x7a: {  	_ =	shalt  }
0x7b: {  	_ =	shalt  }
0x7c: {  	_ =	shalt  }
0x7d: {  	_ =	shalt  }
0x7e: {  	_ =	shalt  }
0x7f: {  	_ =	shalt  }
0x80: {  	_ =	shalt  }
0x81: {  	_ =	shalt  }
0x82: {  	_ =	shalt  }
0x83: {  	_ =	shalt  }
0x84: {  	_ =	shalt  }
0x85: {  	_ =	shalt  }
0x86: {  	_ =	shalt  }
0x87: {  	_ =	shalt  }
.Lfunc_end0:
.L_simem_size_0:
called_computation.4_lowered:
.L_overlay_start_0:
0x88: {  	s2 =	sld [smem:$0x3FD9]  }
0x89: {  	s3 =	sld [smem:$0x3FFE];
	_ =	sdelay $0x1  }
0x8a: {  	s1 =	srdreg.scid  }
0x8b: {  	s0 =	sand.u32 $0x1, s1  }
0x8c: {  	s16 =	sshll.u32 s0, $0xA;
	s2 =	sadd.s32 s3, s2  }
0x8d: {  	s2 =	sadd.s32 s2, s16  }
0x8e: {  	[smem:$0x3FB9] =	sst s2  }
0x8f: {  	_ = 	snop  }
0x90: {  	(tm) =	ssettm $0x1  }
0x91: {  	s17 =	sld [smem:$0x3FFB];
	_ =	sdelay $0x3  }
0x92: {  	_ =	strace s17  }
0x93: {  	s2 =	sld [smem:$0x3FFC];
	_ =	sdelay $0x3  }
0x94: {  	_ =	strace s2  }
0x95: {  	s2 =	sld [smem:$0x3FFD];
	_ =	sdelay $0x3  }
0x96: {  	_ =	strace s2  }
0x97: {  	_ =	strace $0x8FFFFFFF  }
0x98: {  	s18 =	sld [smem:$0x3FDB];
	_ =	sdelay $0x1  }
0x99: {  	s19 =	simm.s32 $_scs_section_size  }
0x9a: {  	s4 =	simm.s32 $_size__tile_overlayer_lowered;
	s5 =	simm.s32 $_tile_overlayer_lowered  }
0x9b: {  	s22 =	simm.s32 $0x1BFF;
	s21 =	sshll.u32 s5, $0x1;
	s2 =	sadd.s32 s19, s18  }
0x9c: {  	s6 =	simm.s32 $0x0;
	s20 =	sshll.u32 s4, $0x1;
	s4 =	sadd.s32 s21, s2  }
0x9d: {  	[timem:s6], [sflag:s22] =	dma.local [hbm:s4], s20  }
0x9e: {  	_ =	swait.ge [sflag:s22], s20  }
0x9f: {  	s3 =	ssub.s32 $0x0, s20;
	[sflag:s22] =	ssyncset.done $0x0  }
0xa0: {  	[sflag:s22] =	ssyncadd.s32 s3;
	_ =	sdelay $0x1  }
0xa1: {  	s23 =	simm.s32 $0x1B8B  }
0xa2: {  	_ =	swait.ge [sflag:s23], $0x1  }
0xa3: {  	[sflag:s23] =	ssyncset.done $0x0  }
0xa4: {  	s25 =	simm.s32 $0x1B8E;
	s24 =	sld [smem:$0x3FFE];
	[sflag:s23] =	ssyncadd.s32 $0xFFFFFFFF  }
0xa5: {  	s26 =	simm.s32 $execute0_lowered;
	[smem:$0x3FD2] =	sst s25  }
0xa6: {  	s4 =	sshll.u32 s26, $0x1;
	_ =	strace $0x80000052;
	[dreg:$0x1] =	wrdreg $0xFFFFFFFF  }
0xa7: {  	s28 =	simm.s32 $_size_execute0_lowered;
	s2 =	sadd.s32 s2, s4;
	[dreg:$0x0] =	wrdreg $0x0  }
0xa8: {  	s4 =	sshll.u32 s28, $0x1;
	[dreg:$0x2] =	wrdreg s2  }
0xa9: {  	[dreg:$0x3] =	wrdreg s4  }
0xaa: {  	[dreg:$0x4] =	wrdreg $0xC0  }
0xab: {  	_ =	task [dreg:s6], $0x5FFFF  }
0xac: {  	[dreg:$0x1] =	wrdreg $0xFFFFFFFF  }
0xad: {  	[dreg:$0x0] =	wrdreg $0x60  }
0xae: {  	[dreg:$0x2] =	wrdreg s24  }
0xaf: {  	[dreg:$0x3] =	wrdreg $0x81000  }
0xb0: {  	[dreg:$0x4] =	wrdreg $0x9  }
0xb1: {  	_ =	task.clear_ibuf [dreg:s6], $0x5FFFF;
	_ =	strace $0x90000052  }
0xb2: {  	s29 =	simm.s32 $0x9;
	_ =	strace $0x80000054  }
0xb3: {  	_ =	swait.ge [sflag:s29], $0x1  }
0xb4: {  	[sflag:s29] =	ssyncadd.s32 $0xFFFFFFFF  }
0xb5: {  	_ =	strace $0x90000054  }
0xb6: {  	_ =	sfence  }
0xb7: {  	s30 =	sld [smem:$0x0];
	_ =	sdelay $0x2  }
0xb8: {  	s31 =	sshll.u32 s1, $0xD;
	s1 =	sshrl.u32 s1, $0x2  }
0xb9: {  	s3 =	sand.u32 $0x4000, s31;
	s1 =	sadd.s32 s1, s30  }
0xba: {  	s0 =	sor.u32 s3, s0;
	s1 =	sshll.u32 s1, $0x11  }
0xbb: {  	s0 =	sor.u32 s1, s0  }
0xbc: {  	s0 =	sadd.s32 $0x8F2B, s0  }
0xbd: {  	[sflag:s0] =	ssyncadd.remote.s32 $0x1  }
0xbe: {  	_ =	sfence.sel $0xFFFF  }
0xbf: {  	[dreg:$0x0] =	wrdreg $0xFFFFFFFF;
	(pc) =	sbr.abs _section_cstart, $3  }
0xc0: {  	[dreg:$0x1] =	wrdreg $0xFFFFFFFF  }
0xc1: {  	_ =	task.clear_ibuf [dreg:s6], $0x2FFFF;
	_ =	strace $0x9FFFFFFF  }
0xc2: {  	(tm) =	ssettm $0x7FFFFFFF  }
0xc3: {  	_ =	shalt  }
tec
execute0_lowered:
.L_overlay_start_1:
0x0: {  	(tag) =	ssettag $0x1  }
0x1: {  	s6 =	rddreg [dreg:$0x0]  }
0x2: {  	s2 =	rddreg [dreg:$0x1]  }
0x3: {  	s0 =	rddreg [dreg:$0x2];
	s1 =	stileid.u32  }
0x4: {  	s3 =	simm.s32 $0x0;
	s4 =	srdreg.scid;
	s7 =	smul.u32 $0x2800, s1  }
0x5: {  	[smem:$0x7FF] =	sst s3;
	s13 =	sand.u32 $0x1, s4;
	s10 =	smul.u32 $0x50000, s1  }
0x6: {  	s16 =	sadd.s32 $0x2E4C00, s6;
	s4 =	sadd.s32 $0xE000, s6;
	s15 =	smul.u32 $0x50, s1  }
0x7: {  	s5 =	sadd.s32 $0x13000, s6;
	s19 =	sshll.u32 s1, $0x1;
	s30 =	smul.u32 $0x500, s1  }
0x8: {  	s24 =	sshll.u32 s1, $0x6;
	s8 =	smul.u32 $0x28000, s13;
	s9 =	ssub.s32 $0x2, s13  }
0x9: {  	_ =	strace $0x80000053;
	s18 =	smul.u32 $0x28, s13;
	s20 =	sshrl.u32 s9, $0x1  }
0xa: {  	s22 =	sshrl.u32 s10, $0x2;
	s7 =	sadd.s32 s7, s8;
	s8 =	sor.u32 s13, s19  }
0xb: {  	s12 =	ssub.s32 s9, s20;
	s17 =	sadd.s32 s22, s2;
	s20 =	smul.u32 $0x280, s13  }
0xc: {  	s15 =	sadd.s32 s18, s15;
	s18 =	simm.s32 $0x3;
	s21 =	smul.u32 $0x28, s8  }
0xd: {  	s22 =	simm.s32 $0x4100;
	s11 =	sadd.s32 s7, s6;
	s23 =	smul.u32 $0x280, s8  }
0xe: {  	s8 =	smul.u32 $0x14000, s8;
	s6 =	sor.u32 $0x1C03, s24;
	s10 =	smax.u32 s12, $0x1  }
0xf: {  	s29 =	sor.u32 $0x2, s15;
	s31 =	sshll.u32 s15, $0xB;
	s17 =	sshrl.u32 s17, $0x3  }
0x10: {  	s24 =	simm.s32 $0x0;
	s9 =	sadd.s32 $0x564C00, s11;
	s15 =	sadd.s32 s20, s30  }
0x11: {  	s20 =	simm.s32 $0x1;
	s14 =	sadd.s32 $0x26, s21;
	s7 =	sadd.s32 s4, s23  }
0x12: {  	s8 =	sadd.s32 s16, s8;
	s21 =	simm.s32 $0x80;
	s23 =	simm.s32 $0x2  }
0x13: {  	s25 =	sshll.u32 s14, $0x4;
	s28 =	sshll.u32 s14, $0xB;
	s14 =	sshrl.u32 s29, $0x1  }
0x14: {  	s26 =	sand.u32 $0xFF80, s25;
	s12 =	sadd.s32 s28, s16;
	s19 =	sshll.u32 s14, $0xC  }
0x15: {  	s14 =	sshll.u32 s14, $0x5;
	s11 =	sadd.s32 s4, s26;
	s12 =	sadd.s32 $0x800, s12  }
0x16: {  	s13 =	sadd.s32 s19, s16;
	s14 =	sadd.s32 s14, s4;
	s16 =	sadd.s32 s31, s16  }
0x17: {  	s19 =	simm.s32 $0x100;
	s11 =	sadd.s32 $0x70, s11;
	s16 =	sadd.s32 $0x800, s16  }
.LBB2_1:
0x18: {  	[spmem:s17], [sflag:s6] =	dma.local [hbm:s5], $0x2800  }
0x19: {  	_ =	swait.ge [sflag:s18], $0x2800  }
0x1a: {  	[sflag:s18] =	ssyncset.done $0x0  }
0x1b: {  	[sflag:s18] =	ssyncadd.s32 $0xFFFFD800  }
0x1c: {  	[bflag:$0x0] =	sbarrier.arrive $0xFFFF  }
0x1d: {  	[tilespmem:s3], [sflag:$0x3] =	stream.linear.gather [hbm4b:s7+s3], $0x80, $0x38;
	[tilespmem:$0x1C100] =	vst v63  }
0x1e: {  	_ =	swait.ge [sflag:s18], $0x80  }
0x1f: {  	[sflag:s18] =	ssyncset.done $0x0  }
0x20: {  	[sflag:s18] =	ssyncadd.s32 $0xFFFFFF80  }
0x21: {  	[tilespmem:s19], [sflag:$0x1] =	stream.linear.gather [hbm4b:s8+s3], $0x4000, $0x38;
	[tilespmem:$0x1C100] =	vst v63  }
0x22: {  	s25 =	sand.u32 $0xFFFFF80, s15;
	s26 =	sadd.s32 $0x10, s15;
	_ =	swait.ge [sflag:s20], $0x4000  }
0x23: {  	s26 =	sand.u32 $0x70, s26;
	s25 =	sadd.s32 s4, s25;
	[sflag:s20] =	ssyncset.done $0x0  }
0x24: {  	s25 =	sadd.s32 s26, s25;
	[sflag:s20] =	ssyncadd.s32 $0xFFFFC000  }
0x25: {  	[tilespmem:s21], [sflag:$0x3] =	stream.linear.gather [hbm4b:s25+s3], $0x80, $0x38;
	[tilespmem:$0x1C100] =	vst v63  }
0x26: {  	_ =	swait.ge [sflag:s18], $0x80  }
0x27: {  	[sflag:s18] =	ssyncset.done $0x0  }
0x28: {  	s30 =	sadd.s32 $0x0, s16;
	[sflag:s18] =	ssyncadd.s32 $0xFFFFFF80  }
0x29: {  	[tilespmem:s22], [sflag:$0x2] =	stream.linear.gather [hbm4b:s30+s3], $0x4000, $0x38;
	[tilespmem:$0x1C100] =	vst v63  }
0x2a: {  	_ = 	snop  }
0x2b: {  	[spmem:s2] =	stream.indirect.scatter.add.f32 [tilespmem:s19], [sflag:$0x3], $0x80, s3, s21, $0xb8;
	[tilespmem:$0x1C100] =	vst v63  }
0x2c: {  	_ =	swait.ge [sflag:s18], $0x4000  }
0x2d: {  	[sflag:s18] =	ssyncset.done $0x0  }
0x2e: {  	[sflag:s18] =	ssyncadd.s32 $0xFFFFC000  }
0x2f: {  	_ =	swait.ge [sflag:s23], $0x4000  }
0x30: {  	[sflag:s23] =	ssyncset.done $0x0  }
0x31: {  	[sflag:s23] =	ssyncadd.s32 $0xFFFFC000  }
0x32: {  	[tilespmem:s3], [sflag:$0x3] =	stream.linear.gather [hbm4b:s14+s3], $0x80, $0x38;
	[tilespmem:$0x1C100] =	vst v63  }
0x33: {  	_ =	swait.ge [sflag:s18], $0x80  }
0x34: {  	[sflag:s18] =	ssyncset.done $0x0  }
0x35: {  	s31 =	sadd.s32 $0x0, s13;
	[sflag:s18] =	ssyncadd.s32 $0xFFFFFF80  }
0x36: {  	[tilespmem:s19], [sflag:$0x1] =	stream.linear.gather [hbm4b:s31+s3], $0x4000, $0x38;
	[tilespmem:$0x1C100] =	vst v63  }
0x37: {  	_ = 	snop  }
0x38: {  	[spmem:s2] =	stream.indirect.scatter.add.f32 [tilespmem:s22], [sflag:$0x3], $0x80, s21, s21, $0xb8;
	[tilespmem:$0x1C100] =	vst v63  }
0x39: {  	s28 =	smov.u32 s15;
	_ =	swait.ge [sflag:s18], $0x4000  }
0x3a: {  	s26 =	smov.u32 s14;
	s25 =	simm.s32 $0x1000;
	[sflag:s18] =	ssyncset.done $0x0  }
.LBB2_2:
0x3b: {  	[sflag:s18] =	ssyncadd.s32 $0xFFFFC000  }
0x3c: {  	s26 =	sadd.s32 $0x20, s26;
	s28 =	sadd.s32 $0x20, s28;
	s29 =	smov.u32 s25  }
0x3d: {  	p0 =	sne.s32 s25, $0x12000;
	s25 =	sadd.s32 $0x1000, s25;
	_ =	swait.ge [sflag:s20], $0x4000  }
0x3e: {  	s30 =	sand.u32 $0xFFFFF80, s28;
	s31 =	sadd.s32 $0x10, s28;
	[sflag:s20] =	ssyncset.done $0x0  }
0x3f: {  	s31 =	sand.u32 $0x70, s31;
	s30 =	sadd.s32 s4, s30;
	[sflag:s20] =	ssyncadd.s32 $0xFFFFC000  }
0x40: {  	s30 =	sadd.s32 s31, s30  }
0x41: {  	[tilespmem:s21], [sflag:$0x3] =	stream.linear.gather [hbm4b:s30+s3], $0x80, $0x38;
	[tilespmem:$0x1C100] =	vst v63  }
0x42: {  	_ =	swait.ge [sflag:s18], $0x80  }
0x43: {  	[sflag:s18] =	ssyncset.done $0x0  }
0x44: {  	s30 =	sadd.s32 s29, s16;
	[sflag:s18] =	ssyncadd.s32 $0xFFFFFF80  }
0x45: {  	[tilespmem:s22], [sflag:$0x2] =	stream.linear.gather [hbm4b:s30+s3], $0x4000, $0x38;
	[tilespmem:$0x1C100] =	vst v63  }
0x46: {  	_ = 	snop  }
0x47: {  	[spmem:s2] =	stream.indirect.scatter.add.f32 [tilespmem:s19], [sflag:$0x3], $0x80, s3, s21, $0xb8;
	[tilespmem:$0x1C100] =	vst v63  }
0x48: {  	_ =	swait.ge [sflag:s18], $0x4000  }
0x49: {  	[sflag:s18] =	ssyncset.done $0x0  }
0x4a: {  	[sflag:s18] =	ssyncadd.s32 $0xFFFFC000  }
0x4b: {  	_ =	swait.ge [sflag:s23], $0x4000  }
0x4c: {  	[sflag:s23] =	ssyncset.done $0x0  }
0x4d: {  	[sflag:s23] =	ssyncadd.s32 $0xFFFFC000  }
0x4e: {  	[tilespmem:s3], [sflag:$0x3] =	stream.linear.gather [hbm4b:s26+s3], $0x80, $0x38;
	[tilespmem:$0x1C100] =	vst v63  }
0x4f: {  	_ =	swait.ge [sflag:s18], $0x80  }
0x50: {  	[sflag:s18] =	ssyncset.done $0x0  }
0x51: {  	s29 =	sadd.s32 s29, s13;
	[sflag:s18] =	ssyncadd.s32 $0xFFFFFF80  }
0x52: {  	[tilespmem:s19], [sflag:$0x1] =	stream.linear.gather [hbm4b:s29+s3], $0x4000, $0x38;
	[tilespmem:$0x1C100] =	vst v63  }
.Ltmp0:
0x53: {  	_ = 	snop;
	(pc) =	sbr.rel @p0 .LBB2_2-.Ltmp0, $4  }
0x54: {  	_ = 	snop  }
0x55: {  	[spmem:s2] =	stream.indirect.scatter.add.f32 [tilespmem:s22], [sflag:$0x3], $0x80, s21, s21, $0xb8;
	[tilespmem:$0x1C100] =	vst v63  }
0x56: {  	_ =	swait.ge [sflag:s18], $0x4000  }
0x57: {  	[sflag:s18] =	ssyncset.done $0x0  }
0x58: {  	[sflag:s18] =	ssyncadd.s32 $0xFFFFC000  }
0x59: {  	_ =	swait.ge [sflag:s20], $0x4000  }
0x5a: {  	[sflag:s20] =	ssyncset.done $0x0  }
0x5b: {  	[sflag:s20] =	ssyncadd.s32 $0xFFFFC000  }
0x5c: {  	[tilespmem:s21], [sflag:$0x3] =	stream.linear.gather [hbm4b:s11+s3], $0x80, $0x38;
	[tilespmem:$0x1C100] =	vst v63  }
0x5d: {  	_ =	swait.ge [sflag:s18], $0x80  }
0x5e: {  	[sflag:s18] =	ssyncset.done $0x0  }
0x5f: {  	[sflag:s18] =	ssyncadd.s32 $0xFFFFFF80  }
0x60: {  	[tilespmem:s22], [sflag:$0x2] =	stream.linear.gather [hbm4b:s12+s3], $0x4000, $0x38;
	[tilespmem:$0x1C100] =	vst v63  }
0x61: {  	_ = 	snop  }
0x62: {  	[spmem:s2] =	stream.indirect.scatter.add.f32 [tilespmem:s19], [sflag:$0x3], $0x80, s3, s21, $0xb8;
	[tilespmem:$0x1C100] =	vst v63  }
0x63: {  	_ =	swait.ge [sflag:s18], $0x4000  }
0x64: {  	[sflag:s18] =	ssyncset.done $0x0  }
0x65: {  	[sflag:s18] =	ssyncadd.s32 $0xFFFFC000  }
0x66: {  	_ =	swait.ge [sflag:s23], $0x4000  }
0x67: {  	[sflag:s23] =	ssyncset.done $0x0  }
0x68: {  	[sflag:s23] =	ssyncadd.s32 $0xFFFFC000  }
0x69: {  	[spmem:s2] =	stream.indirect.scatter.add.f32 [tilespmem:s22], [sflag:$0x3], $0x80, s21, s21, $0xb8;
	[tilespmem:$0x1C100] =	vst v63  }
0x6a: {  	_ =	swait.ge [sflag:s18], $0x4000  }
0x6b: {  	s24 =	sadd.s32 $0x1, s24;
	[sflag:s18] =	ssyncset.done $0x0  }
0x6c: {  	p0 =	sne.s32 s24, s10;
	[sflag:s18] =	ssyncadd.s32 $0xFFFFC000  }
.Ltmp1:
0x6d: {  	[bflag:$0x0] =	sbarrier.arrive $0xFFFF;
	(pc) =	sbr.rel @p0 .LBB2_1-.Ltmp1, $4  }
0x6e: {  	[hbm:s9], [sflag:s6] =	dma.local [spmem:s17], $0x2800  }
0x6f: {  	_ =	swait.ge [sflag:s18], $0x2800  }
0x70: {  	[sflag:s18] =	ssyncset.done $0x0  }
0x71: {  	[sflag:s18] =	ssyncadd.s32 $0xFFFFD800  }
0x72: {  	_ =	sfence.sel $0x180000  }
0x73: {  	[bflag:$0x0] =	sbarrier.arrive $0xFFFF  }
0x74: {  	p0 =	sne.s32 s1, $0x0;
	_ =	strace $0x90000053  }
0x75: {  	s0 =	sadd.s32 @!p0 $0x100000, s0;
	[bflag:$0x2] =	sbarrier.arrive $0xFFFF  }
0x76: {  	[sflag:s0] =	ssyncadd.tile.s32 @!p0 $0x1;
	_ =	shalt  }
.Lfunc_end2:
_tile_overlayer_lowered:
.L_overlay_start_2:
0x77: {  	(tag) =	ssettag $0x2  }
0x78: {  	s0 =	rddreg [dreg:$0x0];
	s2 =	stileid.u32  }
0x79: {  	s1 =	rddreg [dreg:$0x1];
	p0 =	sne.s32 s2, $0x0  }
0x7a: {  	s3 =	rddreg [dreg:$0x2];
	[bflag:$0x3] =	sbarrier.arrive $0xFFFF;
	s2 =	simm.s32 @!p0 $0x1C03  }
0x7b: {  	[timem:s3], [sflag:s2] =	dma.local @!p0 [hbm:s0], s1  }
0x7c: {  	s0 =	simm.s32 @!p0 $0x3  }
0x7d: {  	_ =	swait.ge @!p0 [sflag:s0], s1  }
0x7e: {  	s1 =	ssub.s32 @!p0 $0x0, s1;
	[sflag:s0] =	ssyncset.done @!p0 $0x0  }
0x7f: {  	[sflag:s0] =	ssyncadd.s32 @!p0 s1  }
0x80: {  	[bflag:$0x3] =	sbarrier.arrive $0xFFFF  }
0x81: {  	_ =	shalt  }

// kernel: kernel.45.cloned.1.call-start
scs
__scs_entry_jumppad:
0x0: {  	(pc) =	sbr.rel $0x88, $3  }
0x1: {  	(tag) =	ssettag $0x0;
	lr =	simm.s32 $0x1  }
0x2: {  	[smem:$0x3F92] =	sst lr;
	_ =	strace $0xD0000000  }
0x3: {  	_ = 	snop  }
0x4: {  	_ = 	snop  }
0x5: {  	_ = 	snop  }
0x6: {  	_ = 	snop  }
0x7: {  	_ = 	snop  }
__scs_overlays_trampoline_lowered:
0x8: {  	[smem:$0x3FA1] =	sst s0  }
0x9: {  	[smem:$0x3FA2] =	sst s1  }
0xa: {  	[smem:$0x3FA3] =	sst s2  }
0xb: {  	[smem:$0x3FA4] =	sst s3  }
0xc: {  	[smem:$0x3FA5] =	sst s4  }
0xd: {  	[smem:$0x3FA6] =	sst s5  }
0xe: {  	[smem:$0x3FA7] =	sst s6  }
0xf: {  	[smem:$0x3FA8] =	sst s7  }
0x10: {  	[smem:$0x3FA9] =	sst s8  }
0x11: {  	[smem:$0x3FAA] =	sst s9;
	s0 =	simm.s32 @!p0 $0x0  }
0x12: {  	s1 =	sld [smem:$0x3F90];
	s0 =	simm.s32 @p0 $0x1  }
0x13: {  	[smem:$0x3FAB] =	sst s0;
	s0 =	simm.s32 @!p1 $0x0  }
0x14: {  	s2 =	sld [smem:$0x3F8F];
	s0 =	simm.s32 @p1 $0x1  }
0x15: {  	[smem:$0x3FAC] =	sst s0;
	s0 =	simm.s32 @!p2 $0x0  }
0x16: {  	s3 =	sld [smem:$0x3FDB];
	s0 =	simm.s32 @p2 $0x1  }
0x17: {  	s4 =	simm.s32 $0x1BF5;
	[smem:$0x3FAE] =	sst s0  }
0x18: {  	s0 =	sld [smem:$0x3F91];
	_ =	swait.ge [sflag:s4], $0x0  }
0x19: {  	s7 =	sld [smem:$0x3F92]  }
0x1a: {  	s8 =	sadd.s32 $0xFFFFE003, lr  }
0x1b: {  	s9 =	sadd.s32 $0xFFFFFEF7, lr;
	s5 =	simm.s32 $0xFFFFFFFF;
	p2 =	slt.u32 s8, $0xFFFFF086  }
0x1c: {  	p1 =	slt.u32 s9, $0xF7A;
	s5 =	simm.s32 @!p2 $0x0  }
0x1d: {  	s5 =	simm.s32 @p1 $0x1;
	p0 =	seq.s32 s7, s2  }
0x1e: {  	s7 =	smul.u32 @!p0 $0xF7A, s2;
	p2 =	seq.s32 @!p0 s5, $0x0  }
0x1f: {  	s9 =	smul.u32 $0xF7A, s1;
	s8 =	simm.s32 @!p0 $0x1BF5;
	p2 =	por !p2, p0  }
0x20: {  	[sflag:s8] =	ssyncset.s32 @!p0 $0xFFFFF086;
	s6 =	sadd.s32 @!p0 s3, s7;
	s7 =	simm.s32 @!p0 $0x108  }
0x21: {  	s3 =	sadd.s32 s3, s9;
	s6 =	sadd.s32 @!p0 $0x88, s6;
	s7 =	simm.s32 @p2 $0x1082  }
0x22: {  	[simem:s7], [sflag:s8] =	dma.local @!p0 [hbm:s6], $0xF7A  }
0x23: {  	s9 =	sor.u32 $0xD0000000, s2;
	s6 =	simm.s32 $0x108;
	_ =	swait.ge @!p0 [sflag:s8], $0x0  }
0x24: {  	s3 =	sadd.s32 $0x88, s3;
	s6 =	simm.s32 @!p1 $0x1082;
	[sflag:s4] =	ssyncset.s32 $0xFFFFF086  }
0x25: {  	[simem:s6], [sflag:s4] =	dma.local [hbm:s3], $0xF7A  }
0x26: {  	[smem:$0x3F92] =	sst s1;
	(tag) =	ssettag s2;
	_ =	strace s9  }
0x27: {  	s1 =	sld [smem:$0x3FA2]  }
0x28: {  	s2 =	sld [smem:$0x3FA3]  }
0x29: {  	s4 =	sld [smem:$0x3FA5]  }
0x2a: {  	p0 =	seq.s32 s5, $0x0;
	s5 =	sld [smem:$0x3FA6]  }
0x2b: {  	s6 =	sld [smem:$0x3FA7]  }
0x2c: {  	s7 =	sld [smem:$0x3FA8]  }
0x2d: {  	s3 =	simm.s32 $0x108;
	s8 =	sld [smem:$0x3FA9]  }
0x2e: {  	s3 =	simm.s32 @!p0 $0x1082;
	s9 =	sld [smem:$0x3FAA]  }
0x2f: {  	lr =	sadd.s32 s0, s3;
	s0 =	sld [smem:$0x3FA1]  }
0x30: {  	s3 =	sld [smem:$0x3FA4]  }
0x31: {  	[smem:$0x3FAD] =	sst s10  }
0x32: {  	s10 =	sld [smem:$0x3FAB];
	_ =	sdelay $0x3  }
0x33: {  	p0 =	seq.s32 s10, $0x1;
	s10 =	sld [smem:$0x3FAD];
	_ =	sdelay $0x3  }
0x34: {  	[smem:$0x3FAD] =	sst s10  }
0x35: {  	s10 =	sld [smem:$0x3FAC];
	_ =	sdelay $0x3  }
0x36: {  	p1 =	seq.s32 s10, $0x1;
	s10 =	sld [smem:$0x3FAD];
	_ =	sdelay $0x3  }
0x37: {  	[smem:$0x3FAD] =	sst s10  }
0x38: {  	s10 =	sld [smem:$0x3FAE]  }
0x39: {  	_ = 	snop;
	(pc) =	sbr.ind lr, $3  }
0x3a: {  	_ = 	snop  }
0x3b: {  	_ = 	snop  }
0x3c: {  	p2 =	seq.s32 s10, $0x1;
	s10 =	sld [smem:$0x3FAD]  }
0x3d: {  	_ =	shalt  }
0x3e: {  	_ =	shalt  }
0x3f: {  	_ =	shalt  }
0x40: {  	_ =	shalt  }
0x41: {  	_ =	shalt  }
0x42: {  	_ =	shalt  }
0x43: {  	_ =	shalt  }
0x44: {  	_ =	shalt  }
0x45: {  	_ =	shalt  }
0x46: {  	_ =	shalt  }
0x47: {  	_ =	shalt  }
0x48: {  	_ =	shalt  }
0x49: {  	_ =	shalt  }
0x4a: {  	_ =	shalt  }
0x4b: {  	_ =	shalt  }
0x4c: {  	_ =	shalt  }
0x4d: {  	_ =	shalt  }
0x4e: {  	_ =	shalt  }
0x4f: {  	_ =	shalt  }
0x50: {  	_ =	shalt  }
0x51: {  	_ =	shalt  }
0x52: {  	_ =	shalt  }
0x53: {  	_ =	shalt  }
0x54: {  	_ =	shalt  }
0x55: {  	_ =	shalt  }
0x56: {  	_ =	shalt  }
0x57: {  	_ =	shalt  }
0x58: {  	_ =	shalt  }
0x59: {  	_ =	shalt  }
0x5a: {  	_ =	shalt  }
0x5b: {  	_ =	shalt  }
0x5c: {  	_ =	shalt  }
0x5d: {  	_ =	shalt  }
0x5e: {  	_ =	shalt  }
0x5f: {  	_ =	shalt  }
0x60: {  	_ =	shalt  }
0x61: {  	_ =	shalt  }
0x62: {  	_ =	shalt  }
0x63: {  	_ =	shalt  }
0x64: {  	_ =	shalt  }
0x65: {  	_ =	shalt  }
0x66: {  	_ =	shalt  }
0x67: {  	_ =	shalt  }
0x68: {  	_ =	shalt  }
0x69: {  	_ =	shalt  }
0x6a: {  	_ =	shalt  }
0x6b: {  	_ =	shalt  }
0x6c: {  	_ =	shalt  }
0x6d: {  	_ =	shalt  }
0x6e: {  	_ =	shalt  }
0x6f: {  	_ =	shalt  }
0x70: {  	_ =	shalt  }
0x71: {  	_ =	shalt  }
0x72: {  	_ =	shalt  }
0x73: {  	_ =	shalt  }
0x74: {  	_ =	shalt  }
0x75: {  	_ =	shalt  }
0x76: {  	_ =	shalt  }
0x77: {  	_ =	shalt  }
0x78: {  	_ =	shalt  }
0x79: {  	_ =	shalt  }
0x7a: {  	_ =	shalt  }
0x7b: {  	_ =	shalt  }
0x7c: {  	_ =	shalt  }
0x7d: {  	_ =	shalt  }
0x7e: {  	_ =	shalt  }
0x7f: {  	_ =	shalt  }
0x80: {  	_ =	shalt  }
0x81: {  	_ =	shalt  }
0x82: {  	_ =	shalt  }
0x83: {  	_ =	shalt  }
0x84: {  	_ =	shalt  }
0x85: {  	_ =	shalt  }
0x86: {  	_ =	shalt  }
0x87: {  	_ =	shalt  }
.Lfunc_end0:
.L_simem_size_0:
called_computation.5_lowered:
.L_overlay_start_0:
0x88: {  	s2 =	sld [smem:$0x3FD9]  }
0x89: {  	s3 =	sld [smem:$0x3FFE];
	_ =	sdelay $0x1  }
0x8a: {  	s1 =	srdreg.scid  }
0x8b: {  	s0 =	sand.u32 $0x1, s1  }
0x8c: {  	s16 =	sshll.u32 s0, $0xA;
	s2 =	sadd.s32 s3, s2  }
0x8d: {  	s2 =	sadd.s32 s2, s16  }
0x8e: {  	[smem:$0x3FB9] =	sst s2  }
0x8f: {  	_ = 	snop  }
0x90: {  	(tm) =	ssettm $0x1  }
0x91: {  	s17 =	sld [smem:$0x3FFB];
	_ =	sdelay $0x3  }
0x92: {  	_ =	strace s17  }
0x93: {  	s2 =	sld [smem:$0x3FFC];
	_ =	sdelay $0x3  }
0x94: {  	_ =	strace s2  }
0x95: {  	s2 =	sld [smem:$0x3FFD];
	_ =	sdelay $0x3  }
0x96: {  	_ =	strace s2  }
0x97: {  	_ =	strace $0x8FFFFFFF  }
0x98: {  	s18 =	sld [smem:$0x3FDB];
	_ =	sdelay $0x1  }
0x99: {  	s19 =	simm.s32 $_scs_section_size  }
0x9a: {  	s4 =	simm.s32 $_size__tile_overlayer_lowered;
	s5 =	simm.s32 $_tile_overlayer_lowered  }
0x9b: {  	s22 =	simm.s32 $0x1BFF;
	s21 =	sshll.u32 s5, $0x1;
	s2 =	sadd.s32 s19, s18  }
0x9c: {  	s6 =	simm.s32 $0x0;
	s20 =	sshll.u32 s4, $0x1;
	s4 =	sadd.s32 s21, s2  }
0x9d: {  	[timem:s6], [sflag:s22] =	dma.local [hbm:s4], s20  }
0x9e: {  	_ =	swait.ge [sflag:s22], s20  }
0x9f: {  	s3 =	ssub.s32 $0x0, s20;
	[sflag:s22] =	ssyncset.done $0x0  }
0xa0: {  	[sflag:s22] =	ssyncadd.s32 s3;
	_ =	sdelay $0x1  }
0xa1: {  	s23 =	simm.s32 $0x1B8B  }
0xa2: {  	_ =	swait.ge [sflag:s23], $0x1  }
0xa3: {  	[sflag:s23] =	ssyncset.done $0x0  }
0xa4: {  	s25 =	simm.s32 $0x1B8E;
	s24 =	sld [smem:$0x3FFE];
	[sflag:s23] =	ssyncadd.s32 $0xFFFFFFFF  }
0xa5: {  	s26 =	simm.s32 $execute0_lowered;
	[smem:$0x3FD2] =	sst s25  }
0xa6: {  	s4 =	sshll.u32 s26, $0x1;
	_ =	strace $0x80000055;
	[dreg:$0x1] =	wrdreg $0xFFFFFFFF  }
0xa7: {  	s28 =	simm.s32 $_size_execute0_lowered;
	s2 =	sadd.s32 s2, s4;
	[dreg:$0x0] =	wrdreg $0x0  }
0xa8: {  	s4 =	sshll.u32 s28, $0x1;
	[dreg:$0x2] =	wrdreg s2  }
0xa9: {  	[dreg:$0x3] =	wrdreg s4  }
0xaa: {  	[dreg:$0x4] =	wrdreg $0xC0  }
0xab: {  	_ =	task [dreg:s6], $0x5FFFF  }
0xac: {  	[dreg:$0x1] =	wrdreg $0xFFFFFFFF  }
0xad: {  	[dreg:$0x0] =	wrdreg $0x60  }
0xae: {  	[dreg:$0x2] =	wrdreg s24  }
0xaf: {  	[dreg:$0x3] =	wrdreg $0x9  }
0xb0: {  	_ =	task.clear_ibuf [dreg:s6], $0x4FFFF;
	_ =	strace $0x90000055  }
0xb1: {  	s29 =	simm.s32 $0x9;
	_ =	strace $0x80000057  }
0xb2: {  	_ =	swait.ge [sflag:s29], $0x1  }
0xb3: {  	[sflag:s29] =	ssyncadd.s32 $0xFFFFFFFF  }
0xb4: {  	_ =	strace $0x90000057  }
0xb5: {  	_ =	sfence  }
0xb6: {  	s30 =	sld [smem:$0x0];
	_ =	sdelay $0x2  }
0xb7: {  	s31 =	sshll.u32 s1, $0xD;
	s1 =	sshrl.u32 s1, $0x2  }
0xb8: {  	s3 =	sand.u32 $0x4000, s31;
	s1 =	sadd.s32 s1, s30  }
0xb9: {  	s0 =	sor.u32 s3, s0;
	s1 =	sshll.u32 s1, $0x11  }
0xba: {  	s0 =	sor.u32 s1, s0  }
0xbb: {  	s0 =	sadd.s32 $0x8F2B, s0  }
0xbc: {  	[sflag:s0] =	ssyncadd.remote.s32 $0x1  }
0xbd: {  	_ =	sfence.sel $0xFFFF  }
0xbe: {  	[dreg:$0x0] =	wrdreg $0xFFFFFFFF;
	(pc) =	sbr.abs _section_cstart, $3  }
0xbf: {  	[dreg:$0x1] =	wrdreg $0xFFFFFFFF  }
0xc0: {  	_ =	task.clear_ibuf [dreg:s6], $0x2FFFF;
	_ =	strace $0x9FFFFFFF  }
0xc1: {  	(tm) =	ssettm $0x7FFFFFFF  }
tec
execute0_lowered:
.L_overlay_start_1:
0x0: {  	(tag) =	ssettag $0x1  }
0x1: {  	s4 =	rddreg [dreg:$0x0]  }
0x2: {  	s0 =	rddreg [dreg:$0x1]  }
0x3: {  	s2 =	simm.s32 $0x0;
	s1 =	stileid.u32;
	s3 =	srdreg.scid  }
0x4: {  	s12 =	simm.s32 $0x100;
	s13 =	simm.s32 $0x8200;
	s14 =	simm.s32 $0x180  }
0x5: {  	s15 =	simm.s32 $0xC200;
	s16 =	simm.s32 $0x1;
	s5 =	smul.u32 $0x28000, s1  }
0x6: {  	s17 =	simm.s32 $0x0;
	s6 =	sand.u32 $0x1, s3;
	s10 =	smul.u32 $0x500, s1  }
0x7: {  	[smem:$0x7FF] =	sst s2;
	s3 =	sadd.s32 $0x15800, s4;
	s8 =	smul.u32 $0x14000, s6  }
0x8: {  	_ =	strace $0x80000056;
	s7 =	ssub.s32 $0x2, s6;
	s30 =	smul.u32 $0x280, s6  }
0x9: {  	s9 =	sshrl.u32 s7, $0x1;
	s11 =	sadd.s32 s5, s4;
	s4 =	sadd.s32 $0x9000, s4  }
0xa: {  	s29 =	ssub.s32 s7, s9;
	s31 =	sadd.s32 s8, s11;
	s7 =	sadd.s32 s30, s10  }
0xb: {  	s8 =	simm.s32 $0x2;
	s9 =	simm.s32 $0x80;
	s10 =	simm.s32 $0x200  }
0xc: {  	s11 =	simm.s32 $0x4200;
	s5 =	smax.u32 s29, $0x1;
	s6 =	sadd.s32 $0x63C00, s31  }
.LBB2_1:
0xd: {  	s18 =	sadd.s32 $0x0, s7;
	s19 =	sand.u32 $0x40, s2  }
0xe: {  	s18 =	sand.u32 $0xFFFFF80, s18;
	s19 =	sadd.s32 s4, s19  }
0xf: {  	s18 =	sadd.s32 s18, s19  }
0x10: {  	[tilespmem:s2], [sflag:$0x2] =	stream.linear.gather [hbm4b:s18+s2], $0x200, $0x38;
	[tilespmem:$0x10200] =	vst v63  }
0x11: {  	_ =	swait.ge [sflag:s8], $0x200  }
0x12: {  	[sflag:s8] =	ssyncset.done $0x0  }
0x13: {  	[sflag:s8] =	ssyncadd.s32 $0xFFFFFE00  }
0x14: {  	[tilespmem:s10], [sflag:$0x1] =	stream.indirect.gather [hbm4b:s3+s9], $0x80, s2, s9, $0xb8;
	[tilespmem:$0x10200] =	vst v63  }
0x15: {  	_ = 	snop  }
0x16: {  	[tilespmem:s11], [sflag:$0x1] =	stream.indirect.gather [hbm4b:s3+s9], $0x80, s9, s9, $0xb8;
	[tilespmem:$0x10200] =	vst v63  }
0x17: {  	_ = 	snop  }
0x18: {  	[tilespmem:s13], [sflag:$0x1] =	stream.indirect.gather [hbm4b:s3+s9], $0x80, s12, s9, $0xb8;
	[tilespmem:$0x10200] =	vst v63  }
0x19: {  	_ = 	snop  }
0x1a: {  	[tilespmem:s15], [sflag:$0x1] =	stream.indirect.gather [hbm4b:s3+s9], $0x80, s14, s9, $0xb8;
	[tilespmem:$0x10200] =	vst v63  }
0x1b: {  	_ =	swait.ge [sflag:s16], $0x4000  }
0x1c: {  	[sflag:s16] =	ssyncset.done $0x0  }
0x1d: {  	[sflag:s16] =	ssyncadd.s32 $0xFFFFC000  }
0x1e: {  	_ =	swait.ge [sflag:s16], $0x4000  }
0x1f: {  	[sflag:s16] =	ssyncset.done $0x0  }
0x20: {  	[sflag:s16] =	ssyncadd.s32 $0xFFFFC000  }
0x21: {  	_ =	swait.ge [sflag:s16], $0x4000  }
0x22: {  	[sflag:s16] =	ssyncset.done $0x0  }
0x23: {  	[sflag:s16] =	ssyncadd.s32 $0xFFFFC000  }
0x24: {  	_ =	swait.ge [sflag:s16], $0x4000  }
0x25: {  	s20 =	simm.s32 $0x40;
	[sflag:s16] =	ssyncset.done $0x0  }
0x26: {  	s21 =	sadd.s32 $0x40, s7;
	s22 =	sand.u32 $0x40, s20;
	[sflag:s16] =	ssyncadd.s32 $0xFFFFC000  }
0x27: {  	[hbm4b:s6+s2] =	stream.linear.scatter [tilespmem:s10], [sflag:$0x2], $0x10000, $0x38;
	[tilespmem:$0x10200] =	vst v63  }
0x28: {  	s20 =	sand.u32 $0xFFFFF80, s21;
	s19 =	simm.s32 $0x80;
	_ =	swait.ge [sflag:s8], $0x10000  }
0x29: {  	s21 =	sadd.s32 s4, s22;
	s18 =	sadd.s32 $0x2000, s6;
	[sflag:s8] =	ssyncset.done $0x0  }
.LBB2_2:
0x2a: {  	s20 =	sadd.s32 s20, s21;
	[sflag:s8] =	ssyncadd.s32 $0xFFFF0000  }
0x2b: {  	s21 =	smov.u32 s19;
	s22 =	sadd.s32 $0x40, s19;
	s23 =	smov.u32 s18  }
0x2c: {  	[tilespmem:s2], [sflag:$0x2] =	stream.linear.gather [hbm4b:s20+s2], $0x200, $0x38;
	[tilespmem:$0x10200] =	vst v63  }
0x2d: {  	p0 =	sne.s32 s19, $0x240;
	_ =	swait.ge [sflag:s8], $0x200  }
0x2e: {  	[sflag:s8] =	ssyncset.done $0x0  }
0x2f: {  	[sflag:s8] =	ssyncadd.s32 $0xFFFFFE00  }
0x30: {  	[tilespmem:s10], [sflag:$0x1] =	stream.indirect.gather [hbm4b:s3+s9], $0x80, s2, s9, $0xb8;
	[tilespmem:$0x10200] =	vst v63  }
0x31: {  	_ = 	snop  }
0x32: {  	[tilespmem:s11], [sflag:$0x1] =	stream.indirect.gather [hbm4b:s3+s9], $0x80, s9, s9, $0xb8;
	[tilespmem:$0x10200] =	vst v63  }
0x33: {  	_ = 	snop  }
0x34: {  	[tilespmem:s13], [sflag:$0x1] =	stream.indirect.gather [hbm4b:s3+s9], $0x80, s12, s9, $0xb8;
	[tilespmem:$0x10200] =	vst v63  }
0x35: {  	_ = 	snop  }
0x36: {  	[tilespmem:s15], [sflag:$0x1] =	stream.indirect.gather [hbm4b:s3+s9], $0x80, s14, s9, $0xb8;
	[tilespmem:$0x10200] =	vst v63  }
0x37: {  	_ =	swait.ge [sflag:s16], $0x4000  }
0x38: {  	[sflag:s16] =	ssyncset.done $0x0  }
0x39: {  	[sflag:s16] =	ssyncadd.s32 $0xFFFFC000  }
0x3a: {  	_ =	swait.ge [sflag:s16], $0x4000  }
0x3b: {  	[sflag:s16] =	ssyncset.done $0x0  }
0x3c: {  	[sflag:s16] =	ssyncadd.s32 $0xFFFFC000  }
0x3d: {  	_ =	swait.ge [sflag:s16], $0x4000  }
0x3e: {  	[sflag:s16] =	ssyncset.done $0x0  }
0x3f: {  	[sflag:s16] =	ssyncadd.s32 $0xFFFFC000  }
0x40: {  	_ =	swait.ge [sflag:s16], $0x4000  }
.Ltmp0:
0x41: {  	[sflag:s16] =	ssyncset.done $0x0;
	(pc) =	sbr.rel @p0 .LBB2_2-.Ltmp0, $4  }
0x42: {  	s18 =	sadd.s32 $0x2000, s18;
	s19 =	sadd.s32 s21, s7;
	[sflag:s16] =	ssyncadd.s32 $0xFFFFC000  }
0x43: {  	[hbm4b:s23+s2] =	stream.linear.scatter [tilespmem:s10], [sflag:$0x2], $0x10000, $0x38;
	[tilespmem:$0x10200] =	vst v63  }
0x44: {  	s21 =	sand.u32 $0x40, s21;
	s20 =	sand.u32 $0xFFFFF80, s19;
	_ =	swait.ge [sflag:s8], $0x10000  }
0x45: {  	s21 =	sadd.s32 s4, s21;
	s19 =	smov.u32 s22;
	[sflag:s8] =	ssyncset.done $0x0  }
0x46: {  	s19 =	sadd.s32 s20, s21;
	[sflag:s8] =	ssyncadd.s32 $0xFFFF0000  }
0x47: {  	[tilespmem:s2], [sflag:$0x2] =	stream.linear.gather [hbm4b:s19+s2], $0x200, $0x38;
	[tilespmem:$0x10200] =	vst v63  }
0x48: {  	_ =	swait.ge [sflag:s8], $0x200  }
0x49: {  	[sflag:s8] =	ssyncset.done $0x0  }
0x4a: {  	[sflag:s8] =	ssyncadd.s32 $0xFFFFFE00  }
0x4b: {  	[tilespmem:s10], [sflag:$0x1] =	stream.indirect.gather [hbm4b:s3+s9], $0x80, s2, s9, $0xb8;
	[tilespmem:$0x10200] =	vst v63  }
0x4c: {  	_ = 	snop  }
0x4d: {  	[tilespmem:s11], [sflag:$0x1] =	stream.indirect.gather [hbm4b:s3+s9], $0x80, s9, s9, $0xb8;
	[tilespmem:$0x10200] =	vst v63  }
0x4e: {  	_ = 	snop  }
0x4f: {  	[tilespmem:s13], [sflag:$0x1] =	stream.indirect.gather [hbm4b:s3+s9], $0x80, s12, s9, $0xb8;
	[tilespmem:$0x10200] =	vst v63  }
0x50: {  	_ = 	snop  }
0x51: {  	[tilespmem:s15], [sflag:$0x1] =	stream.indirect.gather [hbm4b:s3+s9], $0x80, s14, s9, $0xb8;
	[tilespmem:$0x10200] =	vst v63  }
0x52: {  	_ =	swait.ge [sflag:s16], $0x4000  }
0x53: {  	[sflag:s16] =	ssyncset.done $0x0  }
0x54: {  	[sflag:s16] =	ssyncadd.s32 $0xFFFFC000  }
0x55: {  	_ =	swait.ge [sflag:s16], $0x4000  }
0x56: {  	[sflag:s16] =	ssyncset.done $0x0  }
0x57: {  	[sflag:s16] =	ssyncadd.s32 $0xFFFFC000  }
0x58: {  	_ =	swait.ge [sflag:s16], $0x4000  }
0x59: {  	[sflag:s16] =	ssyncset.done $0x0  }
0x5a: {  	[sflag:s16] =	ssyncadd.s32 $0xFFFFC000  }
0x5b: {  	s17 =	sadd.s32 $0x1, s17;
	_ =	swait.ge [sflag:s16], $0x4000  }
0x5c: {  	p0 =	sne.s32 s17, s5;
	[sflag:s16] =	ssyncset.done $0x0  }
.Ltmp1:
0x5d: {  	[sflag:s16] =	ssyncadd.s32 $0xFFFFC000;
	(pc) =	sbr.rel @p0 .LBB2_1-.Ltmp1, $4  }
0x5e: {  	[hbm4b:s18+s2] =	stream.linear.scatter [tilespmem:s10], [sflag:$0x2], $0x10000, $0x38;
	[tilespmem:$0x10200] =	vst v63  }
0x5f: {  	_ =	swait.ge [sflag:s8], $0x10000  }
0x60: {  	[sflag:s8] =	ssyncset.done $0x0  }
0x61: {  	[sflag:s8] =	ssyncadd.s32 $0xFFFF0000  }
0x62: {  	_ =	sfence.sel $0x180000  }
0x63: {  	[bflag:$0x0] =	sbarrier.arrive $0xFFFF  }
0x64: {  	p0 =	sne.s32 s1, $0x0;
	_ =	strace $0x90000056  }
0x65: {  	s0 =	sadd.s32 @!p0 $0x100000, s0;
	[bflag:$0x2] =	sbarrier.arrive $0xFFFF  }
0x66: {  	[sflag:s0] =	ssyncadd.tile.s32 @!p0 $0x1;
	_ =	shalt  }
.Lfunc_end2:
_tile_overlayer_lowered:
.L_overlay_start_2:
0x67: {  	(tag) =	ssettag $0x2  }
0x68: {  	s0 =	rddreg [dreg:$0x0];
	s2 =	stileid.u32  }
0x69: {  	s1 =	rddreg [dreg:$0x1];
	p0 =	sne.s32 s2, $0x0  }
0x6a: {  	s3 =	rddreg [dreg:$0x2];
	[bflag:$0x3] =	sbarrier.arrive $0xFFFF;
	s2 =	simm.s32 @!p0 $0x1C02  }
0x6b: {  	[timem:s3], [sflag:s2] =	dma.local @!p0 [hbm:s0], s1  }
0x6c: {  	s0 =	simm.s32 @!p0 $0x2  }
0x6d: {  	_ =	swait.ge @!p0 [sflag:s0], s1  }
0x6e: {  	s1 =	ssub.s32 @!p0 $0x0, s1;
	[sflag:s0] =	ssyncset.done @!p0 $0x0  }
0x6f: {  	[sflag:s0] =	ssyncadd.s32 @!p0 s1  }
0x70: {  	[bflag:$0x3] =	sbarrier.arrive $0xFFFF  }
0x71: {  	_ =	shalt  }

// kernel: kernel.48.cloned.1.call-start
scs
__scs_entry_jumppad:
0x0: {  	(pc) =	sbr.rel $0x88, $3  }
0x1: {  	(tag) =	ssettag $0x0;
	lr =	simm.s32 $0x1  }
0x2: {  	[smem:$0x3F92] =	sst lr;
	_ =	strace $0xD0000000  }
0x3: {  	_ = 	snop  }
0x4: {  	_ = 	snop  }
0x5: {  	_ = 	snop  }
0x6: {  	_ = 	snop  }
0x7: {  	_ = 	snop  }
__scs_overlays_trampoline_lowered:
0x8: {  	[smem:$0x3FA1] =	sst s0  }
0x9: {  	[smem:$0x3FA2] =	sst s1  }
0xa: {  	[smem:$0x3FA3] =	sst s2  }
0xb: {  	[smem:$0x3FA4] =	sst s3  }
0xc: {  	[smem:$0x3FA5] =	sst s4  }
0xd: {  	[smem:$0x3FA6] =	sst s5  }
0xe: {  	[smem:$0x3FA7] =	sst s6  }
0xf: {  	[smem:$0x3FA8] =	sst s7  }
0x10: {  	[smem:$0x3FA9] =	sst s8  }
0x11: {  	[smem:$0x3FAA] =	sst s9;
	s0 =	simm.s32 @!p0 $0x0  }
0x12: {  	s1 =	sld [smem:$0x3F90];
	s0 =	simm.s32 @p0 $0x1  }
0x13: {  	[smem:$0x3FAB] =	sst s0;
	s0 =	simm.s32 @!p1 $0x0  }
0x14: {  	s2 =	sld [smem:$0x3F8F];
	s0 =	simm.s32 @p1 $0x1  }
0x15: {  	[smem:$0x3FAC] =	sst s0;
	s0 =	simm.s32 @!p2 $0x0  }
0x16: {  	s3 =	sld [smem:$0x3FDB];
	s0 =	simm.s32 @p2 $0x1  }
0x17: {  	s4 =	simm.s32 $0x1BF5;
	[smem:$0x3FAE] =	sst s0  }
0x18: {  	s0 =	sld [smem:$0x3F91];
	_ =	swait.ge [sflag:s4], $0x0  }
0x19: {  	s7 =	sld [smem:$0x3F92]  }
0x1a: {  	s8 =	sadd.s32 $0xFFFFE003, lr  }
0x1b: {  	s9 =	sadd.s32 $0xFFFFFEF7, lr;
	s5 =	simm.s32 $0xFFFFFFFF;
	p2 =	slt.u32 s8, $0xFFFFF086  }
0x1c: {  	p1 =	slt.u32 s9, $0xF7A;
	s5 =	simm.s32 @!p2 $0x0  }
0x1d: {  	s5 =	simm.s32 @p1 $0x1;
	p0 =	seq.s32 s7, s2  }
0x1e: {  	s7 =	smul.u32 @!p0 $0xF7A, s2;
	p2 =	seq.s32 @!p0 s5, $0x0  }
0x1f: {  	s9 =	smul.u32 $0xF7A, s1;
	s8 =	simm.s32 @!p0 $0x1BF5;
	p2 =	por !p2, p0  }
0x20: {  	[sflag:s8] =	ssyncset.s32 @!p0 $0xFFFFF086;
	s6 =	sadd.s32 @!p0 s3, s7;
	s7 =	simm.s32 @!p0 $0x108  }
0x21: {  	s3 =	sadd.s32 s3, s9;
	s6 =	sadd.s32 @!p0 $0x88, s6;
	s7 =	simm.s32 @p2 $0x1082  }
0x22: {  	[simem:s7], [sflag:s8] =	dma.local @!p0 [hbm:s6], $0xF7A  }
0x23: {  	s9 =	sor.u32 $0xD0000000, s2;
	s6 =	simm.s32 $0x108;
	_ =	swait.ge @!p0 [sflag:s8], $0x0  }
0x24: {  	s3 =	sadd.s32 $0x88, s3;
	s6 =	simm.s32 @!p1 $0x1082;
	[sflag:s4] =	ssyncset.s32 $0xFFFFF086  }
0x25: {  	[simem:s6], [sflag:s4] =	dma.local [hbm:s3], $0xF7A  }
0x26: {  	[smem:$0x3F92] =	sst s1;
	(tag) =	ssettag s2;
	_ =	strace s9  }
0x27: {  	s1 =	sld [smem:$0x3FA2]  }
0x28: {  	s2 =	sld [smem:$0x3FA3]  }
0x29: {  	s4 =	sld [smem:$0x3FA5]  }
0x2a: {  	p0 =	seq.s32 s5, $0x0;
	s5 =	sld [smem:$0x3FA6]  }
0x2b: {  	s6 =	sld [smem:$0x3FA7]  }
0x2c: {  	s7 =	sld [smem:$0x3FA8]  }
0x2d: {  	s3 =	simm.s32 $0x108;
	s8 =	sld [smem:$0x3FA9]  }
0x2e: {  	s3 =	simm.s32 @!p0 $0x1082;
	s9 =	sld [smem:$0x3FAA]  }
0x2f: {  	lr =	sadd.s32 s0, s3;
	s0 =	sld [smem:$0x3FA1]  }
0x30: {  	s3 =	sld [smem:$0x3FA4]  }
0x31: {  	[smem:$0x3FAD] =	sst s10  }
0x32: {  	s10 =	sld [smem:$0x3FAB];
	_ =	sdelay $0x3  }
0x33: {  	p0 =	seq.s32 s10, $0x1;
	s10 =	sld [smem:$0x3FAD];
	_ =	sdelay $0x3  }
0x34: {  	[smem:$0x3FAD] =	sst s10  }
0x35: {  	s10 =	sld [smem:$0x3FAC];
	_ =	sdelay $0x3  }
0x36: {  	p1 =	seq.s32 s10, $0x1;
	s10 =	sld [smem:$0x3FAD];
	_ =	sdelay $0x3  }
0x37: {  	[smem:$0x3FAD] =	sst s10  }
0x38: {  	s10 =	sld [smem:$0x3FAE]  }
0x39: {  	_ = 	snop;
	(pc) =	sbr.ind lr, $3  }
0x3a: {  	_ = 	snop  }
0x3b: {  	_ = 	snop  }
0x3c: {  	p2 =	seq.s32 s10, $0x1;
	s10 =	sld [smem:$0x3FAD]  }
0x3d: {  	_ =	shalt  }
0x3e: {  	_ =	shalt  }
0x3f: {  	_ =	shalt  }
0x40: {  	_ =	shalt  }
0x41: {  	_ =	shalt  }
0x42: {  	_ =	shalt  }
0x43: {  	_ =	shalt  }
0x44: {  	_ =	shalt  }
0x45: {  	_ =	shalt  }
0x46: {  	_ =	shalt  }
0x47: {  	_ =	shalt  }
0x48: {  	_ =	shalt  }
0x49: {  	_ =	shalt  }
0x4a: {  	_ =	shalt  }
0x4b: {  	_ =	shalt  }
0x4c: {  	_ =	shalt  }
0x4d: {  	_ =	shalt  }
0x4e: {  	_ =	shalt  }
0x4f: {  	_ =	shalt  }
0x50: {  	_ =	shalt  }
0x51: {  	_ =	shalt  }
0x52: {  	_ =	shalt  }
0x53: {  	_ =	shalt  }
0x54: {  	_ =	shalt  }
0x55: {  	_ =	shalt  }
0x56: {  	_ =	shalt  }
0x57: {  	_ =	shalt  }
0x58: {  	_ =	shalt  }
0x59: {  	_ =	shalt  }
0x5a: {  	_ =	shalt  }
0x5b: {  	_ =	shalt  }
0x5c: {  	_ =	shalt  }
0x5d: {  	_ =	shalt  }
0x5e: {  	_ =	shalt  }
0x5f: {  	_ =	shalt  }
0x60: {  	_ =	shalt  }
0x61: {  	_ =	shalt  }
0x62: {  	_ =	shalt  }
0x63: {  	_ =	shalt  }
0x64: {  	_ =	shalt  }
0x65: {  	_ =	shalt  }
0x66: {  	_ =	shalt  }
0x67: {  	_ =	shalt  }
0x68: {  	_ =	shalt  }
0x69: {  	_ =	shalt  }
0x6a: {  	_ =	shalt  }
0x6b: {  	_ =	shalt  }
0x6c: {  	_ =	shalt  }
0x6d: {  	_ =	shalt  }
0x6e: {  	_ =	shalt  }
0x6f: {  	_ =	shalt  }
0x70: {  	_ =	shalt  }
0x71: {  	_ =	shalt  }
0x72: {  	_ =	shalt  }
0x73: {  	_ =	shalt  }
0x74: {  	_ =	shalt  }
0x75: {  	_ =	shalt  }
0x76: {  	_ =	shalt  }
0x77: {  	_ =	shalt  }
0x78: {  	_ =	shalt  }
0x79: {  	_ =	shalt  }
0x7a: {  	_ =	shalt  }
0x7b: {  	_ =	shalt  }
0x7c: {  	_ =	shalt  }
0x7d: {  	_ =	shalt  }
0x7e: {  	_ =	shalt  }
0x7f: {  	_ =	shalt  }
0x80: {  	_ =	shalt  }
0x81: {  	_ =	shalt  }
0x82: {  	_ =	shalt  }
0x83: {  	_ =	shalt  }
0x84: {  	_ =	shalt  }
0x85: {  	_ =	shalt  }
0x86: {  	_ =	shalt  }
0x87: {  	_ =	shalt  }
.Lfunc_end0:
.L_simem_size_0:
called_computation.6_lowered:
.L_overlay_start_0:
0x88: {  	s2 =	sld [smem:$0x3FD9]  }
0x89: {  	s3 =	sld [smem:$0x3FFE];
	_ =	sdelay $0x1  }
0x8a: {  	s1 =	srdreg.scid  }
0x8b: {  	s0 =	sand.u32 $0x1, s1  }
0x8c: {  	s16 =	sshll.u32 s0, $0xA;
	s2 =	sadd.s32 s3, s2  }
0x8d: {  	s2 =	sadd.s32 s2, s16  }
0x8e: {  	[smem:$0x3FB9] =	sst s2  }
0x8f: {  	_ = 	snop  }
0x90: {  	(tm) =	ssettm $0x1  }
0x91: {  	s17 =	sld [smem:$0x3FFB];
	_ =	sdelay $0x3  }
0x92: {  	_ =	strace s17  }
0x93: {  	s2 =	sld [smem:$0x3FFC];
	_ =	sdelay $0x3  }
0x94: {  	_ =	strace s2  }
0x95: {  	s2 =	sld [smem:$0x3FFD];
	_ =	sdelay $0x3  }
0x96: {  	_ =	strace s2  }
0x97: {  	_ =	strace $0x8FFFFFFF  }
0x98: {  	s18 =	sld [smem:$0x3FDB];
	_ =	sdelay $0x1  }
0x99: {  	s19 =	simm.s32 $_scs_section_size  }
0x9a: {  	s4 =	simm.s32 $_size__tile_overlayer_lowered;
	s5 =	simm.s32 $_tile_overlayer_lowered  }
0x9b: {  	s22 =	simm.s32 $0x1BFF;
	s21 =	sshll.u32 s5, $0x1;
	s2 =	sadd.s32 s19, s18  }
0x9c: {  	s6 =	simm.s32 $0x0;
	s20 =	sshll.u32 s4, $0x1;
	s4 =	sadd.s32 s21, s2  }
0x9d: {  	[timem:s6], [sflag:s22] =	dma.local [hbm:s4], s20  }
0x9e: {  	_ =	swait.ge [sflag:s22], s20  }
0x9f: {  	s3 =	ssub.s32 $0x0, s20;
	[sflag:s22] =	ssyncset.done $0x0  }
0xa0: {  	[sflag:s22] =	ssyncadd.s32 s3;
	_ =	sdelay $0x1  }
0xa1: {  	s23 =	simm.s32 $0x1B8B  }
0xa2: {  	_ =	swait.ge [sflag:s23], $0x1  }
0xa3: {  	[sflag:s23] =	ssyncset.done $0x0  }
0xa4: {  	s25 =	simm.s32 $0x1B8E;
	s24 =	sld [smem:$0x3FFE];
	[sflag:s23] =	ssyncadd.s32 $0xFFFFFFFF  }
0xa5: {  	s26 =	simm.s32 $execute0_lowered;
	[smem:$0x3FD2] =	sst s25  }
0xa6: {  	s4 =	sshll.u32 s26, $0x1;
	_ =	strace $0x80000058;
	[dreg:$0x1] =	wrdreg $0xFFFFFFFF  }
0xa7: {  	s28 =	simm.s32 $_size_execute0_lowered;
	s2 =	sadd.s32 s2, s4;
	[dreg:$0x0] =	wrdreg $0x0  }
0xa8: {  	s4 =	sshll.u32 s28, $0x1;
	[dreg:$0x2] =	wrdreg s2  }
0xa9: {  	[dreg:$0x3] =	wrdreg s4  }
0xaa: {  	[dreg:$0x4] =	wrdreg $0xC0  }
0xab: {  	_ =	task [dreg:s6], $0x5FFFF  }
0xac: {  	[dreg:$0x1] =	wrdreg $0xFFFFFFFF  }
0xad: {  	[dreg:$0x0] =	wrdreg $0x60  }
0xae: {  	[dreg:$0x2] =	wrdreg s24  }
0xaf: {  	[dreg:$0x3] =	wrdreg $0x81000  }
0xb0: {  	[dreg:$0x4] =	wrdreg $0x9  }
0xb1: {  	_ =	task.clear_ibuf [dreg:s6], $0x5FFFF;
	_ =	strace $0x90000058  }
0xb2: {  	s29 =	simm.s32 $0x9;
	_ =	strace $0x8000005A  }
0xb3: {  	_ =	swait.ge [sflag:s29], $0x1  }
0xb4: {  	[sflag:s29] =	ssyncadd.s32 $0xFFFFFFFF  }
0xb5: {  	_ =	strace $0x9000005A  }
0xb6: {  	_ =	sfence  }
0xb7: {  	s30 =	sld [smem:$0x0];
	_ =	sdelay $0x2  }
0xb8: {  	s31 =	sshll.u32 s1, $0xD;
	s1 =	sshrl.u32 s1, $0x2  }
0xb9: {  	s3 =	sand.u32 $0x4000, s31;
	s1 =	sadd.s32 s1, s30  }
0xba: {  	s0 =	sor.u32 s3, s0;
	s1 =	sshll.u32 s1, $0x11  }
0xbb: {  	s0 =	sor.u32 s1, s0  }
0xbc: {  	s0 =	sadd.s32 $0x8F2B, s0  }
0xbd: {  	[sflag:s0] =	ssyncadd.remote.s32 $0x1  }
0xbe: {  	_ =	sfence.sel $0xFFFF  }
0xbf: {  	[dreg:$0x0] =	wrdreg $0xFFFFFFFF;
	(pc) =	sbr.abs _section_cstart, $3  }
0xc0: {  	[dreg:$0x1] =	wrdreg $0xFFFFFFFF  }
0xc1: {  	_ =	task.clear_ibuf [dreg:s6], $0x2FFFF;
	_ =	strace $0x9FFFFFFF  }
0xc2: {  	(tm) =	ssettm $0x7FFFFFFF  }
0xc3: {  	_ =	shalt  }
tec
execute0_lowered:
.L_overlay_start_1:
0x0: {  	(tag) =	ssettag $0x1  }
0x1: {  	s6 =	rddreg [dreg:$0x0]  }
0x2: {  	s2 =	rddreg [dreg:$0x1]  }
0x3: {  	s0 =	rddreg [dreg:$0x2];
	s1 =	stileid.u32  }
0x4: {  	s3 =	simm.s32 $0x0;
	s4 =	srdreg.scid;
	s7 =	smul.u32 $0x2800, s1  }
0x5: {  	[smem:$0x7FF] =	sst s3;
	s13 =	sand.u32 $0x1, s4;
	s10 =	smul.u32 $0x50000, s1  }
0x6: {  	s16 =	sadd.s32 $0x2E4C00, s6;
	s4 =	sadd.s32 $0xE000, s6;
	s15 =	smul.u32 $0x50, s1  }
0x7: {  	s5 =	sadd.s32 $0x13000, s6;
	s19 =	sshll.u32 s1, $0x1;
	s30 =	smul.u32 $0x500, s1  }
0x8: {  	s24 =	sshll.u32 s1, $0x6;
	s8 =	smul.u32 $0x28000, s13;
	s9 =	ssub.s32 $0x2, s13  }
0x9: {  	_ =	strace $0x80000059;
	s18 =	smul.u32 $0x28, s13;
	s20 =	sshrl.u32 s9, $0x1  }
0xa: {  	s22 =	sshrl.u32 s10, $0x2;
	s7 =	sadd.s32 s7, s8;
	s8 =	sor.u32 s13, s19  }
0xb: {  	s12 =	ssub.s32 s9, s20;
	s17 =	sadd.s32 s22, s2;
	s20 =	smul.u32 $0x280, s13  }
0xc: {  	s15 =	sadd.s32 s18, s15;
	s18 =	simm.s32 $0x3;
	s21 =	smul.u32 $0x28, s8  }
0xd: {  	s22 =	simm.s32 $0x4100;
	s11 =	sadd.s32 s7, s6;
	s23 =	smul.u32 $0x280, s8  }
0xe: {  	s8 =	smul.u32 $0x14000, s8;
	s6 =	sor.u32 $0x1C03, s24;
	s10 =	smax.u32 s12, $0x1  }
0xf: {  	s29 =	sor.u32 $0x2, s15;
	s31 =	sshll.u32 s15, $0xB;
	s17 =	sshrl.u32 s17, $0x3  }
0x10: {  	s24 =	simm.s32 $0x0;
	s9 =	sadd.s32 $0x564C00, s11;
	s15 =	sadd.s32 s20, s30  }
0x11: {  	s20 =	simm.s32 $0x1;
	s14 =	sadd.s32 $0x26, s21;
	s7 =	sadd.s32 s4, s23  }
0x12: {  	s8 =	sadd.s32 s16, s8;
	s21 =	simm.s32 $0x80;
	s23 =	simm.s32 $0x2  }
0x13: {  	s25 =	sshll.u32 s14, $0x4;
	s28 =	sshll.u32 s14, $0xB;
	s14 =	sshrl.u32 s29, $0x1  }
0x14: {  	s26 =	sand.u32 $0xFF80, s25;
	s12 =	sadd.s32 s28, s16;
	s19 =	sshll.u32 s14, $0xC  }
0x15: {  	s14 =	sshll.u32 s14, $0x5;
	s11 =	sadd.s32 s4, s26;
	s12 =	sadd.s32 $0x800, s12  }
0x16: {  	s13 =	sadd.s32 s19, s16;
	s14 =	sadd.s32 s14, s4;
	s16 =	sadd.s32 s31, s16  }
0x17: {  	s19 =	simm.s32 $0x100;
	s11 =	sadd.s32 $0x70, s11;
	s16 =	sadd.s32 $0x800, s16  }
.LBB2_1:
0x18: {  	[spmem:s17], [sflag:s6] =	dma.local [hbm:s5], $0x2800  }
0x19: {  	_ =	swait.ge [sflag:s18], $0x2800  }
0x1a: {  	[sflag:s18] =	ssyncset.done $0x0  }
0x1b: {  	[sflag:s18] =	ssyncadd.s32 $0xFFFFD800  }
0x1c: {  	[bflag:$0x0] =	sbarrier.arrive $0xFFFF  }
0x1d: {  	[tilespmem:s3], [sflag:$0x3] =	stream.linear.gather [hbm4b:s7+s3], $0x80, $0x38;
	[tilespmem:$0x1C100] =	vst v63  }
0x1e: {  	_ =	swait.ge [sflag:s18], $0x80  }
0x1f: {  	[sflag:s18] =	ssyncset.done $0x0  }
0x20: {  	[sflag:s18] =	ssyncadd.s32 $0xFFFFFF80  }
0x21: {  	[tilespmem:s19], [sflag:$0x1] =	stream.linear.gather [hbm4b:s8+s3], $0x4000, $0x38;
	[tilespmem:$0x1C100] =	vst v63  }
0x22: {  	s25 =	sand.u32 $0xFFFFF80, s15;
	s26 =	sadd.s32 $0x10, s15;
	_ =	swait.ge [sflag:s20], $0x4000  }
0x23: {  	s26 =	sand.u32 $0x70, s26;
	s25 =	sadd.s32 s4, s25;
	[sflag:s20] =	ssyncset.done $0x0  }
0x24: {  	s25 =	sadd.s32 s26, s25;
	[sflag:s20] =	ssyncadd.s32 $0xFFFFC000  }
0x25: {  	[tilespmem:s21], [sflag:$0x3] =	stream.linear.gather [hbm4b:s25+s3], $0x80, $0x38;
	[tilespmem:$0x1C100] =	vst v63  }
0x26: {  	_ =	swait.ge [sflag:s18], $0x80  }
0x27: {  	[sflag:s18] =	ssyncset.done $0x0  }
0x28: {  	s30 =	sadd.s32 $0x0, s16;
	[sflag:s18] =	ssyncadd.s32 $0xFFFFFF80  }
0x29: {  	[tilespmem:s22], [sflag:$0x2] =	stream.linear.gather [hbm4b:s30+s3], $0x4000, $0x38;
	[tilespmem:$0x1C100] =	vst v63  }
0x2a: {  	_ = 	snop  }
0x2b: {  	[spmem:s2] =	stream.indirect.scatter.add.f32 [tilespmem:s19], [sflag:$0x3], $0x80, s3, s21, $0xb8;
	[tilespmem:$0x1C100] =	vst v63  }
0x2c: {  	_ =	swait.ge [sflag:s18], $0x4000  }
0x2d: {  	[sflag:s18] =	ssyncset.done $0x0  }
0x2e: {  	[sflag:s18] =	ssyncadd.s32 $0xFFFFC000  }
0x2f: {  	_ =	swait.ge [sflag:s23], $0x4000  }
0x30: {  	[sflag:s23] =	ssyncset.done $0x0  }
0x31: {  	[sflag:s23] =	ssyncadd.s32 $0xFFFFC000  }
0x32: {  	[tilespmem:s3], [sflag:$0x3] =	stream.linear.gather [hbm4b:s14+s3], $0x80, $0x38;
	[tilespmem:$0x1C100] =	vst v63  }
0x33: {  	_ =	swait.ge [sflag:s18], $0x80  }
0x34: {  	[sflag:s18] =	ssyncset.done $0x0  }
0x35: {  	s31 =	sadd.s32 $0x0, s13;
	[sflag:s18] =	ssyncadd.s32 $0xFFFFFF80  }
0x36: {  	[tilespmem:s19], [sflag:$0x1] =	stream.linear.gather [hbm4b:s31+s3], $0x4000, $0x38;
	[tilespmem:$0x1C100] =	vst v63  }
0x37: {  	_ = 	snop  }
0x38: {  	[spmem:s2] =	stream.indirect.scatter.add.f32 [tilespmem:s22], [sflag:$0x3], $0x80, s21, s21, $0xb8;
	[tilespmem:$0x1C100] =	vst v63  }
0x39: {  	s28 =	smov.u32 s15;
	_ =	swait.ge [sflag:s18], $0x4000  }
0x3a: {  	s26 =	smov.u32 s14;
	s25 =	simm.s32 $0x1000;
	[sflag:s18] =	ssyncset.done $0x0  }
.LBB2_2:
0x3b: {  	[sflag:s18] =	ssyncadd.s32 $0xFFFFC000  }
0x3c: {  	s26 =	sadd.s32 $0x20, s26;
	s28 =	sadd.s32 $0x20, s28;
	s29 =	smov.u32 s25  }
0x3d: {  	p0 =	sne.s32 s25, $0x12000;
	s25 =	sadd.s32 $0x1000, s25;
	_ =	swait.ge [sflag:s20], $0x4000  }
0x3e: {  	s30 =	sand.u32 $0xFFFFF80, s28;
	s31 =	sadd.s32 $0x10, s28;
	[sflag:s20] =	ssyncset.done $0x0  }
0x3f: {  	s31 =	sand.u32 $0x70, s31;
	s30 =	sadd.s32 s4, s30;
	[sflag:s20] =	ssyncadd.s32 $0xFFFFC000  }
0x40: {  	s30 =	sadd.s32 s31, s30  }
0x41: {  	[tilespmem:s21], [sflag:$0x3] =	stream.linear.gather [hbm4b:s30+s3], $0x80, $0x38;
	[tilespmem:$0x1C100] =	vst v63  }
0x42: {  	_ =	swait.ge [sflag:s18], $0x80  }
0x43: {  	[sflag:s18] =	ssyncset.done $0x0  }
0x44: {  	s30 =	sadd.s32 s29, s16;
	[sflag:s18] =	ssyncadd.s32 $0xFFFFFF80  }
0x45: {  	[tilespmem:s22], [sflag:$0x2] =	stream.linear.gather [hbm4b:s30+s3], $0x4000, $0x38;
	[tilespmem:$0x1C100] =	vst v63  }
0x46: {  	_ = 	snop  }
0x47: {  	[spmem:s2] =	stream.indirect.scatter.add.f32 [tilespmem:s19], [sflag:$0x3], $0x80, s3, s21, $0xb8;
	[tilespmem:$0x1C100] =	vst v63  }
0x48: {  	_ =	swait.ge [sflag:s18], $0x4000  }
0x49: {  	[sflag:s18] =	ssyncset.done $0x0  }
0x4a: {  	[sflag:s18] =	ssyncadd.s32 $0xFFFFC000  }
0x4b: {  	_ =	swait.ge [sflag:s23], $0x4000  }
0x4c: {  	[sflag:s23] =	ssyncset.done $0x0  }
0x4d: {  	[sflag:s23] =	ssyncadd.s32 $0xFFFFC000  }
0x4e: {  	[tilespmem:s3], [sflag:$0x3] =	stream.linear.gather [hbm4b:s26+s3], $0x80, $0x38;
	[tilespmem:$0x1C100] =	vst v63  }
0x4f: {  	_ =	swait.ge [sflag:s18], $0x80  }
0x50: {  	[sflag:s18] =	ssyncset.done $0x0  }
0x51: {  	s29 =	sadd.s32 s29, s13;
	[sflag:s18] =	ssyncadd.s32 $0xFFFFFF80  }
0x52: {  	[tilespmem:s19], [sflag:$0x1] =	stream.linear.gather [hbm4b:s29+s3], $0x4000, $0x38;
	[tilespmem:$0x1C100] =	vst v63  }
.Ltmp0:
0x53: {  	_ = 	snop;
	(pc) =	sbr.rel @p0 .LBB2_2-.Ltmp0, $4  }
0x54: {  	_ = 	snop  }
0x55: {  	[spmem:s2] =	stream.indirect.scatter.add.f32 [tilespmem:s22], [sflag:$0x3], $0x80, s21, s21, $0xb8;
	[tilespmem:$0x1C100] =	vst v63  }
0x56: {  	_ =	swait.ge [sflag:s18], $0x4000  }
0x57: {  	[sflag:s18] =	ssyncset.done $0x0  }
0x58: {  	[sflag:s18] =	ssyncadd.s32 $0xFFFFC000  }
0x59: {  	_ =	swait.ge [sflag:s20], $0x4000  }
0x5a: {  	[sflag:s20] =	ssyncset.done $0x0  }
0x5b: {  	[sflag:s20] =	ssyncadd.s32 $0xFFFFC000  }
0x5c: {  	[tilespmem:s21], [sflag:$0x3] =	stream.linear.gather [hbm4b:s11+s3], $0x80, $0x38;
	[tilespmem:$0x1C100] =	vst v63  }
0x5d: {  	_ =	swait.ge [sflag:s18], $0x80  }
0x5e: {  	[sflag:s18] =	ssyncset.done $0x0  }
0x5f: {  	[sflag:s18] =	ssyncadd.s32 $0xFFFFFF80  }
0x60: {  	[tilespmem:s22], [sflag:$0x2] =	stream.linear.gather [hbm4b:s12+s3], $0x4000, $0x38;
	[tilespmem:$0x1C100] =	vst v63  }
0x61: {  	_ = 	snop  }
0x62: {  	[spmem:s2] =	stream.indirect.scatter.add.f32 [tilespmem:s19], [sflag:$0x3], $0x80, s3, s21, $0xb8;
	[tilespmem:$0x1C100] =	vst v63  }
0x63: {  	_ =	swait.ge [sflag:s18], $0x4000  }
0x64: {  	[sflag:s18] =	ssyncset.done $0x0  }
0x65: {  	[sflag:s18] =	ssyncadd.s32 $0xFFFFC000  }
0x66: {  	_ =	swait.ge [sflag:s23], $0x4000  }
0x67: {  	[sflag:s23] =	ssyncset.done $0x0  }
0x68: {  	[sflag:s23] =	ssyncadd.s32 $0xFFFFC000  }
0x69: {  	[spmem:s2] =	stream.indirect.scatter.add.f32 [tilespmem:s22], [sflag:$0x3], $0x80, s21, s21, $0xb8;
	[tilespmem:$0x1C100] =	vst v63  }
0x6a: {  	_ =	swait.ge [sflag:s18], $0x4000  }
0x6b: {  	s24 =	sadd.s32 $0x1, s24;
	[sflag:s18] =	ssyncset.done $0x0  }
0x6c: {  	p0 =	sne.s32 s24, s10;
	[sflag:s18] =	ssyncadd.s32 $0xFFFFC000  }
.Ltmp1:
0x6d: {  	[bflag:$0x0] =	sbarrier.arrive $0xFFFF;
	(pc) =	sbr.rel @p0 .LBB2_1-.Ltmp1, $4  }
0x6e: {  	[hbm:s9], [sflag:s6] =	dma.local [spmem:s17], $0x2800  }
0x6f: {  	_ =	swait.ge [sflag:s18], $0x2800  }
0x70: {  	[sflag:s18] =	ssyncset.done $0x0  }
0x71: {  	[sflag:s18] =	ssyncadd.s32 $0xFFFFD800  }
0x72: {  	_ =	sfence.sel $0x180000  }
0x73: {  	[bflag:$0x0] =	sbarrier.arrive $0xFFFF  }
0x74: {  	p0 =	sne.s32 s1, $0x0;
	_ =	strace $0x90000059  }
0x75: {  	s0 =	sadd.s32 @!p0 $0x100000, s0;
	[bflag:$0x2] =	sbarrier.arrive $0xFFFF  }
0x76: {  	[sflag:s0] =	ssyncadd.tile.s32 @!p0 $0x1;
	_ =	shalt  }
.Lfunc_end2:
_tile_overlayer_lowered:
.L_overlay_start_2:
0x77: {  	(tag) =	ssettag $0x2  }
0x78: {  	s0 =	rddreg [dreg:$0x0];
	s2 =	stileid.u32  }
0x79: {  	s1 =	rddreg [dreg:$0x1];
	p0 =	sne.s32 s2, $0x0  }
0x7a: {  	s3 =	rddreg [dreg:$0x2];
	[bflag:$0x3] =	sbarrier.arrive $0xFFFF;
	s2 =	simm.s32 @!p0 $0x1C03  }
0x7b: {  	[timem:s3], [sflag:s2] =	dma.local @!p0 [hbm:s0], s1  }
0x7c: {  	s0 =	simm.s32 @!p0 $0x3  }
0x7d: {  	_ =	swait.ge @!p0 [sflag:s0], s1  }
0x7e: {  	s1 =	ssub.s32 @!p0 $0x0, s1;
	[sflag:s0] =	ssyncset.done @!p0 $0x0  }
0x7f: {  	[sflag:s0] =	ssyncadd.s32 @!p0 s1  }
0x80: {  	[bflag:$0x3] =	sbarrier.arrive $0xFFFF  }
0x81: {  	_ =	shalt  }

// kernel: kernel.51.cloned.1.call-start
scs
__scs_entry_jumppad:
0x0: {  	(pc) =	sbr.rel $0x88, $3  }
0x1: {  	(tag) =	ssettag $0x0;
	lr =	simm.s32 $0x1  }
0x2: {  	[smem:$0x3F92] =	sst lr;
	_ =	strace $0xD0000000  }
0x3: {  	_ = 	snop  }
0x4: {  	_ = 	snop  }
0x5: {  	_ = 	snop  }
0x6: {  	_ = 	snop  }
0x7: {  	_ = 	snop  }
__scs_overlays_trampoline_lowered:
0x8: {  	[smem:$0x3FA1] =	sst s0  }
0x9: {  	[smem:$0x3FA2] =	sst s1  }
0xa: {  	[smem:$0x3FA3] =	sst s2  }
0xb: {  	[smem:$0x3FA4] =	sst s3  }
0xc: {  	[smem:$0x3FA5] =	sst s4  }
0xd: {  	[smem:$0x3FA6] =	sst s5  }
0xe: {  	[smem:$0x3FA7] =	sst s6  }
0xf: {  	[smem:$0x3FA8] =	sst s7  }
0x10: {  	[smem:$0x3FA9] =	sst s8  }
0x11: {  	[smem:$0x3FAA] =	sst s9;
	s0 =	simm.s32 @!p0 $0x0  }
0x12: {  	s1 =	sld [smem:$0x3F90];
	s0 =	simm.s32 @p0 $0x1  }
0x13: {  	[smem:$0x3FAB] =	sst s0;
	s0 =	simm.s32 @!p1 $0x0  }
0x14: {  	s2 =	sld [smem:$0x3F8F];
	s0 =	simm.s32 @p1 $0x1  }
0x15: {  	[smem:$0x3FAC] =	sst s0;
	s0 =	simm.s32 @!p2 $0x0  }
0x16: {  	s3 =	sld [smem:$0x3FDB];
	s0 =	simm.s32 @p2 $0x1  }
0x17: {  	s4 =	simm.s32 $0x1BF5;
	[smem:$0x3FAE] =	sst s0  }
0x18: {  	s0 =	sld [smem:$0x3F91];
	_ =	swait.ge [sflag:s4], $0x0  }
0x19: {  	s7 =	sld [smem:$0x3F92]  }
0x1a: {  	s8 =	sadd.s32 $0xFFFFE003, lr  }
0x1b: {  	s9 =	sadd.s32 $0xFFFFFEF7, lr;
	s5 =	simm.s32 $0xFFFFFFFF;
	p2 =	slt.u32 s8, $0xFFFFF086  }
0x1c: {  	p1 =	slt.u32 s9, $0xF7A;
	s5 =	simm.s32 @!p2 $0x0  }
0x1d: {  	s5 =	simm.s32 @p1 $0x1;
	p0 =	seq.s32 s7, s2  }
0x1e: {  	s7 =	smul.u32 @!p0 $0xF7A, s2;
	p2 =	seq.s32 @!p0 s5, $0x0  }
0x1f: {  	s9 =	smul.u32 $0xF7A, s1;
	s8 =	simm.s32 @!p0 $0x1BF5;
	p2 =	por !p2, p0  }
0x20: {  	[sflag:s8] =	ssyncset.s32 @!p0 $0xFFFFF086;
	s6 =	sadd.s32 @!p0 s3, s7;
	s7 =	simm.s32 @!p0 $0x108  }
0x21: {  	s3 =	sadd.s32 s3, s9;
	s6 =	sadd.s32 @!p0 $0x88, s6;
	s7 =	simm.s32 @p2 $0x1082  }
0x22: {  	[simem:s7], [sflag:s8] =	dma.local @!p0 [hbm:s6], $0xF7A  }
0x23: {  	s9 =	sor.u32 $0xD0000000, s2;
	s6 =	simm.s32 $0x108;
	_ =	swait.ge @!p0 [sflag:s8], $0x0  }
0x24: {  	s3 =	sadd.s32 $0x88, s3;
	s6 =	simm.s32 @!p1 $0x1082;
	[sflag:s4] =	ssyncset.s32 $0xFFFFF086  }
0x25: {  	[simem:s6], [sflag:s4] =	dma.local [hbm:s3], $0xF7A  }
0x26: {  	[smem:$0x3F92] =	sst s1;
	(tag) =	ssettag s2;
	_ =	strace s9  }
0x27: {  	s1 =	sld [smem:$0x3FA2]  }
0x28: {  	s2 =	sld [smem:$0x3FA3]  }
0x29: {  	s4 =	sld [smem:$0x3FA5]  }
0x2a: {  	p0 =	seq.s32 s5, $0x0;
	s5 =	sld [smem:$0x3FA6]  }
0x2b: {  	s6 =	sld [smem:$0x3FA7]  }
0x2c: {  	s7 =	sld [smem:$0x3FA8]  }
0x2d: {  	s3 =	simm.s32 $0x108;
	s8 =	sld [smem:$0x3FA9]  }
0x2e: {  	s3 =	simm.s32 @!p0 $0x1082;
	s9 =	sld [smem:$0x3FAA]  }
0x2f: {  	lr =	sadd.s32 s0, s3;
	s0 =	sld [smem:$0x3FA1]  }
0x30: {  	s3 =	sld [smem:$0x3FA4]  }
0x31: {  	[smem:$0x3FAD] =	sst s10  }
0x32: {  	s10 =	sld [smem:$0x3FAB];
	_ =	sdelay $0x3  }
0x33: {  	p0 =	seq.s32 s10, $0x1;
	s10 =	sld [smem:$0x3FAD];
	_ =	sdelay $0x3  }
0x34: {  	[smem:$0x3FAD] =	sst s10  }
0x35: {  	s10 =	sld [smem:$0x3FAC];
	_ =	sdelay $0x3  }
0x36: {  	p1 =	seq.s32 s10, $0x1;
	s10 =	sld [smem:$0x3FAD];
	_ =	sdelay $0x3  }
0x37: {  	[smem:$0x3FAD] =	sst s10  }
0x38: {  	s10 =	sld [smem:$0x3FAE]  }
0x39: {  	_ = 	snop;
	(pc) =	sbr.ind lr, $3  }
0x3a: {  	_ = 	snop  }
0x3b: {  	_ = 	snop  }
0x3c: {  	p2 =	seq.s32 s10, $0x1;
	s10 =	sld [smem:$0x3FAD]  }
0x3d: {  	_ =	shalt  }
0x3e: {  	_ =	shalt  }
0x3f: {  	_ =	shalt  }
0x40: {  	_ =	shalt  }
0x41: {  	_ =	shalt  }
0x42: {  	_ =	shalt  }
0x43: {  	_ =	shalt  }
0x44: {  	_ =	shalt  }
0x45: {  	_ =	shalt  }
0x46: {  	_ =	shalt  }
0x47: {  	_ =	shalt  }
0x48: {  	_ =	shalt  }
0x49: {  	_ =	shalt  }
0x4a: {  	_ =	shalt  }
0x4b: {  	_ =	shalt  }
0x4c: {  	_ =	shalt  }
0x4d: {  	_ =	shalt  }
0x4e: {  	_ =	shalt  }
0x4f: {  	_ =	shalt  }
0x50: {  	_ =	shalt  }
0x51: {  	_ =	shalt  }
0x52: {  	_ =	shalt  }
0x53: {  	_ =	shalt  }
0x54: {  	_ =	shalt  }
0x55: {  	_ =	shalt  }
0x56: {  	_ =	shalt  }
0x57: {  	_ =	shalt  }
0x58: {  	_ =	shalt  }
0x59: {  	_ =	shalt  }
0x5a: {  	_ =	shalt  }
0x5b: {  	_ =	shalt  }
0x5c: {  	_ =	shalt  }
0x5d: {  	_ =	shalt  }
0x5e: {  	_ =	shalt  }
0x5f: {  	_ =	shalt  }
0x60: {  	_ =	shalt  }
0x61: {  	_ =	shalt  }
0x62: {  	_ =	shalt  }
0x63: {  	_ =	shalt  }
0x64: {  	_ =	shalt  }
0x65: {  	_ =	shalt  }
0x66: {  	_ =	shalt  }
0x67: {  	_ =	shalt  }
0x68: {  	_ =	shalt  }
0x69: {  	_ =	shalt  }
0x6a: {  	_ =	shalt  }
0x6b: {  	_ =	shalt  }
0x6c: {  	_ =	shalt  }
0x6d: {  	_ =	shalt  }
0x6e: {  	_ =	shalt  }
0x6f: {  	_ =	shalt  }
0x70: {  	_ =	shalt  }
0x71: {  	_ =	shalt  }
0x72: {  	_ =	shalt  }
0x73: {  	_ =	shalt  }
0x74: {  	_ =	shalt  }
0x75: {  	_ =	shalt  }
0x76: {  	_ =	shalt  }
0x77: {  	_ =	shalt  }
0x78: {  	_ =	shalt  }
0x79: {  	_ =	shalt  }
0x7a: {  	_ =	shalt  }
0x7b: {  	_ =	shalt  }
0x7c: {  	_ =	shalt  }
0x7d: {  	_ =	shalt  }
0x7e: {  	_ =	shalt  }
0x7f: {  	_ =	shalt  }
0x80: {  	_ =	shalt  }
0x81: {  	_ =	shalt  }
0x82: {  	_ =	shalt  }
0x83: {  	_ =	shalt  }
0x84: {  	_ =	shalt  }
0x85: {  	_ =	shalt  }
0x86: {  	_ =	shalt  }
0x87: {  	_ =	shalt  }
.Lfunc_end0:
.L_simem_size_0:
called_computation.7_lowered:
.L_overlay_start_0:
0x88: {  	s2 =	sld [smem:$0x3FD9]  }
0x89: {  	s3 =	sld [smem:$0x3FFE];
	_ =	sdelay $0x1  }
0x8a: {  	s1 =	srdreg.scid  }
0x8b: {  	s0 =	sand.u32 $0x1, s1  }
0x8c: {  	s16 =	sshll.u32 s0, $0xA;
	s2 =	sadd.s32 s3, s2  }
0x8d: {  	s2 =	sadd.s32 s2, s16  }
0x8e: {  	[smem:$0x3FB9] =	sst s2  }
0x8f: {  	_ = 	snop  }
0x90: {  	(tm) =	ssettm $0x1  }
0x91: {  	s17 =	sld [smem:$0x3FFB];
	_ =	sdelay $0x3  }
0x92: {  	_ =	strace s17  }
0x93: {  	s2 =	sld [smem:$0x3FFC];
	_ =	sdelay $0x3  }
0x94: {  	_ =	strace s2  }
0x95: {  	s2 =	sld [smem:$0x3FFD];
	_ =	sdelay $0x3  }
0x96: {  	_ =	strace s2  }
0x97: {  	_ =	strace $0x8FFFFFFF  }
0x98: {  	s18 =	sld [smem:$0x3FDB];
	_ =	sdelay $0x1  }
0x99: {  	s19 =	simm.s32 $_scs_section_size  }
0x9a: {  	s4 =	simm.s32 $_size__tile_overlayer_lowered;
	s5 =	simm.s32 $_tile_overlayer_lowered  }
0x9b: {  	s22 =	simm.s32 $0x1BFF;
	s21 =	sshll.u32 s5, $0x1;
	s2 =	sadd.s32 s19, s18  }
0x9c: {  	s6 =	simm.s32 $0x0;
	s20 =	sshll.u32 s4, $0x1;
	s4 =	sadd.s32 s21, s2  }
0x9d: {  	[timem:s6], [sflag:s22] =	dma.local [hbm:s4], s20  }
0x9e: {  	_ =	swait.ge [sflag:s22], s20  }
0x9f: {  	s3 =	ssub.s32 $0x0, s20;
	[sflag:s22] =	ssyncset.done $0x0  }
0xa0: {  	[sflag:s22] =	ssyncadd.s32 s3;
	_ =	sdelay $0x1  }
0xa1: {  	s23 =	simm.s32 $0x1B8B  }
0xa2: {  	_ =	swait.ge [sflag:s23], $0x1  }
0xa3: {  	[sflag:s23] =	ssyncset.done $0x0  }
0xa4: {  	s25 =	simm.s32 $0x1B8E;
	s24 =	sld [smem:$0x3FFE];
	[sflag:s23] =	ssyncadd.s32 $0xFFFFFFFF  }
0xa5: {  	s26 =	simm.s32 $execute0_lowered;
	[smem:$0x3FD2] =	sst s25  }
0xa6: {  	s4 =	sshll.u32 s26, $0x1;
	_ =	strace $0x8000005B;
	[dreg:$0x1] =	wrdreg $0xFFFFFFFF  }
0xa7: {  	s28 =	simm.s32 $_size_execute0_lowered;
	s2 =	sadd.s32 s2, s4;
	[dreg:$0x0] =	wrdreg $0x0  }
0xa8: {  	s4 =	sshll.u32 s28, $0x1;
	[dreg:$0x2] =	wrdreg s2  }
0xa9: {  	[dreg:$0x3] =	wrdreg s4  }
0xaa: {  	[dreg:$0x4] =	wrdreg $0xC0  }
0xab: {  	_ =	task [dreg:s6], $0x5FFFF  }
0xac: {  	[dreg:$0x1] =	wrdreg $0xFFFFFFFF  }
0xad: {  	[dreg:$0x0] =	wrdreg $0x60  }
0xae: {  	[dreg:$0x2] =	wrdreg s24  }
0xaf: {  	[dreg:$0x3] =	wrdreg $0x9  }
0xb0: {  	_ =	task.clear_ibuf [dreg:s6], $0x4FFFF;
	_ =	strace $0x9000005B  }
0xb1: {  	s29 =	simm.s32 $0x9;
	_ =	strace $0x8000005D  }
0xb2: {  	_ =	swait.ge [sflag:s29], $0x1  }
0xb3: {  	[sflag:s29] =	ssyncadd.s32 $0xFFFFFFFF  }
0xb4: {  	_ =	strace $0x9000005D  }
0xb5: {  	_ =	sfence  }
0xb6: {  	s30 =	sld [smem:$0x0];
	_ =	sdelay $0x2  }
0xb7: {  	s31 =	sshll.u32 s1, $0xD;
	s1 =	sshrl.u32 s1, $0x2  }
0xb8: {  	s3 =	sand.u32 $0x4000, s31;
	s1 =	sadd.s32 s1, s30  }
0xb9: {  	s0 =	sor.u32 s3, s0;
	s1 =	sshll.u32 s1, $0x11  }
0xba: {  	s0 =	sor.u32 s1, s0  }
0xbb: {  	s0 =	sadd.s32 $0x8F2B, s0  }
0xbc: {  	[sflag:s0] =	ssyncadd.remote.s32 $0x1  }
0xbd: {  	_ =	sfence.sel $0xFFFF  }
0xbe: {  	[dreg:$0x0] =	wrdreg $0xFFFFFFFF;
	(pc) =	sbr.abs _section_cstart, $3  }
0xbf: {  	[dreg:$0x1] =	wrdreg $0xFFFFFFFF  }
0xc0: {  	_ =	task.clear_ibuf [dreg:s6], $0x2FFFF;
	_ =	strace $0x9FFFFFFF  }
0xc1: {  	(tm) =	ssettm $0x7FFFFFFF  }
tec
execute0_lowered:
.L_overlay_start_1:
0x0: {  	(tag) =	ssettag $0x1  }
0x1: {  	s4 =	rddreg [dreg:$0x0]  }
0x2: {  	s0 =	rddreg [dreg:$0x1]  }
0x3: {  	s2 =	simm.s32 $0x0;
	s1 =	stileid.u32;
	s3 =	srdreg.scid  }
0x4: {  	s12 =	simm.s32 $0x100;
	s13 =	simm.s32 $0x8200;
	s14 =	simm.s32 $0x180  }
0x5: {  	s15 =	simm.s32 $0xC200;
	s16 =	simm.s32 $0x1;
	s5 =	smul.u32 $0x28000, s1  }
0x6: {  	s17 =	simm.s32 $0x0;
	s6 =	sand.u32 $0x1, s3;
	s10 =	smul.u32 $0x500, s1  }
0x7: {  	[smem:$0x7FF] =	sst s2;
	s3 =	sadd.s32 $0x15800, s4;
	s8 =	smul.u32 $0x14000, s6  }
0x8: {  	_ =	strace $0x8000005C;
	s7 =	ssub.s32 $0x2, s6;
	s30 =	smul.u32 $0x280, s6  }
0x9: {  	s9 =	sshrl.u32 s7, $0x1;
	s11 =	sadd.s32 s5, s4;
	s4 =	sadd.s32 $0x9000, s4  }
0xa: {  	s29 =	ssub.s32 s7, s9;
	s31 =	sadd.s32 s8, s11;
	s7 =	sadd.s32 s30, s10  }
0xb: {  	s8 =	simm.s32 $0x2;
	s9 =	simm.s32 $0x80;
	s10 =	simm.s32 $0x200  }
0xc: {  	s11 =	simm.s32 $0x4200;
	s5 =	smax.u32 s29, $0x1;
	s6 =	sadd.s32 $0x63C00, s31  }
.LBB2_1:
0xd: {  	s18 =	sadd.s32 $0x0, s7;
	s19 =	sand.u32 $0x40, s2  }
0xe: {  	s18 =	sand.u32 $0xFFFFF80, s18;
	s19 =	sadd.s32 s4, s19  }
0xf: {  	s18 =	sadd.s32 s18, s19  }
0x10: {  	[tilespmem:s2], [sflag:$0x2] =	stream.linear.gather [hbm4b:s18+s2], $0x200, $0x38;
	[tilespmem:$0x10200] =	vst v63  }
0x11: {  	_ =	swait.ge [sflag:s8], $0x200  }
0x12: {  	[sflag:s8] =	ssyncset.done $0x0  }
0x13: {  	[sflag:s8] =	ssyncadd.s32 $0xFFFFFE00  }
0x14: {  	[tilespmem:s10], [sflag:$0x1] =	stream.indirect.gather [hbm4b:s3+s9], $0x80, s2, s9, $0xb8;
	[tilespmem:$0x10200] =	vst v63  }
0x15: {  	_ = 	snop  }
0x16: {  	[tilespmem:s11], [sflag:$0x1] =	stream.indirect.gather [hbm4b:s3+s9], $0x80, s9, s9, $0xb8;
	[tilespmem:$0x10200] =	vst v63  }
0x17: {  	_ = 	snop  }
0x18: {  	[tilespmem:s13], [sflag:$0x1] =	stream.indirect.gather [hbm4b:s3+s9], $0x80, s12, s9, $0xb8;
	[tilespmem:$0x10200] =	vst v63  }
0x19: {  	_ = 	snop  }
0x1a: {  	[tilespmem:s15], [sflag:$0x1] =	stream.indirect.gather [hbm4b:s3+s9], $0x80, s14, s9, $0xb8;
	[tilespmem:$0x10200] =	vst v63  }
0x1b: {  	_ =	swait.ge [sflag:s16], $0x4000  }
0x1c: {  	[sflag:s16] =	ssyncset.done $0x0  }
0x1d: {  	[sflag:s16] =	ssyncadd.s32 $0xFFFFC000  }
0x1e: {  	_ =	swait.ge [sflag:s16], $0x4000  }
0x1f: {  	[sflag:s16] =	ssyncset.done $0x0  }
0x20: {  	[sflag:s16] =	ssyncadd.s32 $0xFFFFC000  }
0x21: {  	_ =	swait.ge [sflag:s16], $0x4000  }
0x22: {  	[sflag:s16] =	ssyncset.done $0x0  }
0x23: {  	[sflag:s16] =	ssyncadd.s32 $0xFFFFC000  }
0x24: {  	_ =	swait.ge [sflag:s16], $0x4000  }
0x25: {  	s20 =	simm.s32 $0x40;
	[sflag:s16] =	ssyncset.done $0x0  }
0x26: {  	s21 =	sadd.s32 $0x40, s7;
	s22 =	sand.u32 $0x40, s20;
	[sflag:s16] =	ssyncadd.s32 $0xFFFFC000  }
0x27: {  	[hbm4b:s6+s2] =	stream.linear.scatter [tilespmem:s10], [sflag:$0x2], $0x10000, $0x38;
	[tilespmem:$0x10200] =	vst v63  }
0x28: {  	s20 =	sand.u32 $0xFFFFF80, s21;
	s19 =	simm.s32 $0x80;
	_ =	swait.ge [sflag:s8], $0x10000  }
0x29: {  	s21 =	sadd.s32 s4, s22;
	s18 =	sadd.s32 $0x2000, s6;
	[sflag:s8] =	ssyncset.done $0x0  }
.LBB2_2:
0x2a: {  	s20 =	sadd.s32 s20, s21;
	[sflag:s8] =	ssyncadd.s32 $0xFFFF0000  }
0x2b: {  	s21 =	smov.u32 s19;
	s22 =	sadd.s32 $0x40, s19;
	s23 =	smov.u32 s18  }
0x2c: {  	[tilespmem:s2], [sflag:$0x2] =	stream.linear.gather [hbm4b:s20+s2], $0x200, $0x38;
	[tilespmem:$0x10200] =	vst v63  }
0x2d: {  	p0 =	sne.s32 s19, $0x240;
	_ =	swait.ge [sflag:s8], $0x200  }
0x2e: {  	[sflag:s8] =	ssyncset.done $0x0  }
0x2f: {  	[sflag:s8] =	ssyncadd.s32 $0xFFFFFE00  }
0x30: {  	[tilespmem:s10], [sflag:$0x1] =	stream.indirect.gather [hbm4b:s3+s9], $0x80, s2, s9, $0xb8;
	[tilespmem:$0x10200] =	vst v63  }
0x31: {  	_ = 	snop  }
0x32: {  	[tilespmem:s11], [sflag:$0x1] =	stream.indirect.gather [hbm4b:s3+s9], $0x80, s9, s9, $0xb8;
	[tilespmem:$0x10200] =	vst v63  }
0x33: {  	_ = 	snop  }
0x34: {  	[tilespmem:s13], [sflag:$0x1] =	stream.indirect.gather [hbm4b:s3+s9], $0x80, s12, s9, $0xb8;
	[tilespmem:$0x10200] =	vst v63  }
0x35: {  	_ = 	snop  }
0x36: {  	[tilespmem:s15], [sflag:$0x1] =	stream.indirect.gather [hbm4b:s3+s9], $0x80, s14, s9, $0xb8;
	[tilespmem:$0x10200] =	vst v63  }
0x37: {  	_ =	swait.ge [sflag:s16], $0x4000  }
0x38: {  	[sflag:s16] =	ssyncset.done $0x0  }
0x39: {  	[sflag:s16] =	ssyncadd.s32 $0xFFFFC000  }
0x3a: {  	_ =	swait.ge [sflag:s16], $0x4000  }
0x3b: {  	[sflag:s16] =	ssyncset.done $0x0  }
0x3c: {  	[sflag:s16] =	ssyncadd.s32 $0xFFFFC000  }
0x3d: {  	_ =	swait.ge [sflag:s16], $0x4000  }
0x3e: {  	[sflag:s16] =	ssyncset.done $0x0  }
0x3f: {  	[sflag:s16] =	ssyncadd.s32 $0xFFFFC000  }
0x40: {  	_ =	swait.ge [sflag:s16], $0x4000  }
.Ltmp0:
0x41: {  	[sflag:s16] =	ssyncset.done $0x0;
	(pc) =	sbr.rel @p0 .LBB2_2-.Ltmp0, $4  }
0x42: {  	s18 =	sadd.s32 $0x2000, s18;
	s19 =	sadd.s32 s21, s7;
	[sflag:s16] =	ssyncadd.s32 $0xFFFFC000  }
0x43: {  	[hbm4b:s23+s2] =	stream.linear.scatter [tilespmem:s10], [sflag:$0x2], $0x10000, $0x38;
	[tilespmem:$0x10200] =	vst v63  }
0x44: {  	s21 =	sand.u32 $0x40, s21;
	s20 =	sand.u32 $0xFFFFF80, s19;
	_ =	swait.ge [sflag:s8], $0x10000  }
0x45: {  	s21 =	sadd.s32 s4, s21;
	s19 =	smov.u32 s22;
	[sflag:s8] =	ssyncset.done $0x0  }
0x46: {  	s19 =	sadd.s32 s20, s21;
	[sflag:s8] =	ssyncadd.s32 $0xFFFF0000  }
0x47: {  	[tilespmem:s2], [sflag:$0x2] =	stream.linear.gather [hbm4b:s19+s2], $0x200, $0x38;
	[tilespmem:$0x10200] =	vst v63  }
0x48: {  	_ =	swait.ge [sflag:s8], $0x200  }
0x49: {  	[sflag:s8] =	ssyncset.done $0x0  }
0x4a: {  	[sflag:s8] =	ssyncadd.s32 $0xFFFFFE00  }
0x4b: {  	[tilespmem:s10], [sflag:$0x1] =	stream.indirect.gather [hbm4b:s3+s9], $0x80, s2, s9, $0xb8;
	[tilespmem:$0x10200] =	vst v63  }
0x4c: {  	_ = 	snop  }
0x4d: {  	[tilespmem:s11], [sflag:$0x1] =	stream.indirect.gather [hbm4b:s3+s9], $0x80, s9, s9, $0xb8;
	[tilespmem:$0x10200] =	vst v63  }
0x4e: {  	_ = 	snop  }
0x4f: {  	[tilespmem:s13], [sflag:$0x1] =	stream.indirect.gather [hbm4b:s3+s9], $0x80, s12, s9, $0xb8;
	[tilespmem:$0x10200] =	vst v63  }
0x50: {  	_ = 	snop  }
0x51: {  	[tilespmem:s15], [sflag:$0x1] =	stream.indirect.gather [hbm4b:s3+s9], $0x80, s14, s9, $0xb8;
	[tilespmem:$0x10200] =	vst v63  }
0x52: {  	_ =	swait.ge [sflag:s16], $0x4000  }
0x53: {  	[sflag:s16] =	ssyncset.done $0x0  }
0x54: {  	[sflag:s16] =	ssyncadd.s32 $0xFFFFC000  }
0x55: {  	_ =	swait.ge [sflag:s16], $0x4000  }
0x56: {  	[sflag:s16] =	ssyncset.done $0x0  }
0x57: {  	[sflag:s16] =	ssyncadd.s32 $0xFFFFC000  }
0x58: {  	_ =	swait.ge [sflag:s16], $0x4000  }
0x59: {  	[sflag:s16] =	ssyncset.done $0x0  }
0x5a: {  	[sflag:s16] =	ssyncadd.s32 $0xFFFFC000  }
0x5b: {  	s17 =	sadd.s32 $0x1, s17;
	_ =	swait.ge [sflag:s16], $0x4000  }
0x5c: {  	p0 =	sne.s32 s17, s5;
	[sflag:s16] =	ssyncset.done $0x0  }
.Ltmp1:
0x5d: {  	[sflag:s16] =	ssyncadd.s32 $0xFFFFC000;
	(pc) =	sbr.rel @p0 .LBB2_1-.Ltmp1, $4  }
0x5e: {  	[hbm4b:s18+s2] =	stream.linear.scatter [tilespmem:s10], [sflag:$0x2], $0x10000, $0x38;
	[tilespmem:$0x10200] =	vst v63  }
0x5f: {  	_ =	swait.ge [sflag:s8], $0x10000  }
0x60: {  	[sflag:s8] =	ssyncset.done $0x0  }
0x61: {  	[sflag:s8] =	ssyncadd.s32 $0xFFFF0000  }
0x62: {  	_ =	sfence.sel $0x180000  }
0x63: {  	[bflag:$0x0] =	sbarrier.arrive $0xFFFF  }
0x64: {  	p0 =	sne.s32 s1, $0x0;
	_ =	strace $0x9000005C  }
0x65: {  	s0 =	sadd.s32 @!p0 $0x100000, s0;
	[bflag:$0x2] =	sbarrier.arrive $0xFFFF  }
0x66: {  	[sflag:s0] =	ssyncadd.tile.s32 @!p0 $0x1;
	_ =	shalt  }
.Lfunc_end2:
_tile_overlayer_lowered:
.L_overlay_start_2:
0x67: {  	(tag) =	ssettag $0x2  }
0x68: {  	s0 =	rddreg [dreg:$0x0];
	s2 =	stileid.u32  }
0x69: {  	s1 =	rddreg [dreg:$0x1];
	p0 =	sne.s32 s2, $0x0  }
0x6a: {  	s3 =	rddreg [dreg:$0x2];
	[bflag:$0x3] =	sbarrier.arrive $0xFFFF;
	s2 =	simm.s32 @!p0 $0x1C02  }
0x6b: {  	[timem:s3], [sflag:s2] =	dma.local @!p0 [hbm:s0], s1  }
0x6c: {  	s0 =	simm.s32 @!p0 $0x2  }
0x6d: {  	_ =	swait.ge @!p0 [sflag:s0], s1  }
0x6e: {  	s1 =	ssub.s32 @!p0 $0x0, s1;
	[sflag:s0] =	ssyncset.done @!p0 $0x0  }
0x6f: {  	[sflag:s0] =	ssyncadd.s32 @!p0 s1  }
0x70: {  	[bflag:$0x3] =	sbarrier.arrive $0xFFFF  }
0x71: {  	_ =	shalt  }

// kernel: kernel.54.cloned.1.call-start
scs
__scs_entry_jumppad:
0x0: {  	(pc) =	sbr.rel $0x88, $3  }
0x1: {  	(tag) =	ssettag $0x0;
	lr =	simm.s32 $0x1  }
0x2: {  	[smem:$0x3F92] =	sst lr;
	_ =	strace $0xD0000000  }
0x3: {  	_ = 	snop  }
0x4: {  	_ = 	snop  }
0x5: {  	_ = 	snop  }
0x6: {  	_ = 	snop  }
0x7: {  	_ = 	snop  }
__scs_overlays_trampoline_lowered:
0x8: {  	[smem:$0x3FA1] =	sst s0  }
0x9: {  	[smem:$0x3FA2] =	sst s1  }
0xa: {  	[smem:$0x3FA3] =	sst s2  }
0xb: {  	[smem:$0x3FA4] =	sst s3  }
0xc: {  	[smem:$0x3FA5] =	sst s4  }
0xd: {  	[smem:$0x3FA6] =	sst s5  }
0xe: {  	[smem:$0x3FA7] =	sst s6  }
0xf: {  	[smem:$0x3FA8] =	sst s7  }
0x10: {  	[smem:$0x3FA9] =	sst s8  }
0x11: {  	[smem:$0x3FAA] =	sst s9;
	s0 =	simm.s32 @!p0 $0x0  }
0x12: {  	s1 =	sld [smem:$0x3F90];
	s0 =	simm.s32 @p0 $0x1  }
0x13: {  	[smem:$0x3FAB] =	sst s0;
	s0 =	simm.s32 @!p1 $0x0  }
0x14: {  	s2 =	sld [smem:$0x3F8F];
	s0 =	simm.s32 @p1 $0x1  }
0x15: {  	[smem:$0x3FAC] =	sst s0;
	s0 =	simm.s32 @!p2 $0x0  }
0x16: {  	s3 =	sld [smem:$0x3FDB];
	s0 =	simm.s32 @p2 $0x1  }
0x17: {  	s4 =	simm.s32 $0x1BF5;
	[smem:$0x3FAE] =	sst s0  }
0x18: {  	s0 =	sld [smem:$0x3F91];
	_ =	swait.ge [sflag:s4], $0x0  }
0x19: {  	s7 =	sld [smem:$0x3F92]  }
0x1a: {  	s8 =	sadd.s32 $0xFFFFE003, lr  }
0x1b: {  	s9 =	sadd.s32 $0xFFFFFEF7, lr;
	s5 =	simm.s32 $0xFFFFFFFF;
	p2 =	slt.u32 s8, $0xFFFFF086  }
0x1c: {  	p1 =	slt.u32 s9, $0xF7A;
	s5 =	simm.s32 @!p2 $0x0  }
0x1d: {  	s5 =	simm.s32 @p1 $0x1;
	p0 =	seq.s32 s7, s2  }
0x1e: {  	s7 =	smul.u32 @!p0 $0xF7A, s2;
	p2 =	seq.s32 @!p0 s5, $0x0  }
0x1f: {  	s9 =	smul.u32 $0xF7A, s1;
	s8 =	simm.s32 @!p0 $0x1BF5;
	p2 =	por !p2, p0  }
0x20: {  	[sflag:s8] =	ssyncset.s32 @!p0 $0xFFFFF086;
	s6 =	sadd.s32 @!p0 s3, s7;
	s7 =	simm.s32 @!p0 $0x108  }
0x21: {  	s3 =	sadd.s32 s3, s9;
	s6 =	sadd.s32 @!p0 $0x88, s6;
	s7 =	simm.s32 @p2 $0x1082  }
0x22: {  	[simem:s7], [sflag:s8] =	dma.local @!p0 [hbm:s6], $0xF7A  }
0x23: {  	s9 =	sor.u32 $0xD0000000, s2;
	s6 =	simm.s32 $0x108;
	_ =	swait.ge @!p0 [sflag:s8], $0x0  }
0x24: {  	s3 =	sadd.s32 $0x88, s3;
	s6 =	simm.s32 @!p1 $0x1082;
	[sflag:s4] =	ssyncset.s32 $0xFFFFF086  }
0x25: {  	[simem:s6], [sflag:s4] =	dma.local [hbm:s3], $0xF7A  }
0x26: {  	[smem:$0x3F92] =	sst s1;
	(tag) =	ssettag s2;
	_ =	strace s9  }
0x27: {  	s1 =	sld [smem:$0x3FA2]  }
0x28: {  	s2 =	sld [smem:$0x3FA3]  }
0x29: {  	s4 =	sld [smem:$0x3FA5]  }
0x2a: {  	p0 =	seq.s32 s5, $0x0;
	s5 =	sld [smem:$0x3FA6]  }
0x2b: {  	s6 =	sld [smem:$0x3FA7]  }
0x2c: {  	s7 =	sld [smem:$0x3FA8]  }
0x2d: {  	s3 =	simm.s32 $0x108;
	s8 =	sld [smem:$0x3FA9]  }
0x2e: {  	s3 =	simm.s32 @!p0 $0x1082;
	s9 =	sld [smem:$0x3FAA]  }
0x2f: {  	lr =	sadd.s32 s0, s3;
	s0 =	sld [smem:$0x3FA1]  }
0x30: {  	s3 =	sld [smem:$0x3FA4]  }
0x31: {  	[smem:$0x3FAD] =	sst s10  }
0x32: {  	s10 =	sld [smem:$0x3FAB];
	_ =	sdelay $0x3  }
0x33: {  	p0 =	seq.s32 s10, $0x1;
	s10 =	sld [smem:$0x3FAD];
	_ =	sdelay $0x3  }
0x34: {  	[smem:$0x3FAD] =	sst s10  }
0x35: {  	s10 =	sld [smem:$0x3FAC];
	_ =	sdelay $0x3  }
0x36: {  	p1 =	seq.s32 s10, $0x1;
	s10 =	sld [smem:$0x3FAD];
	_ =	sdelay $0x3  }
0x37: {  	[smem:$0x3FAD] =	sst s10  }
0x38: {  	s10 =	sld [smem:$0x3FAE]  }
0x39: {  	_ = 	snop;
	(pc) =	sbr.ind lr, $3  }
0x3a: {  	_ = 	snop  }
0x3b: {  	_ = 	snop  }
0x3c: {  	p2 =	seq.s32 s10, $0x1;
	s10 =	sld [smem:$0x3FAD]  }
0x3d: {  	_ =	shalt  }
0x3e: {  	_ =	shalt  }
0x3f: {  	_ =	shalt  }
0x40: {  	_ =	shalt  }
0x41: {  	_ =	shalt  }
0x42: {  	_ =	shalt  }
0x43: {  	_ =	shalt  }
0x44: {  	_ =	shalt  }
0x45: {  	_ =	shalt  }
0x46: {  	_ =	shalt  }
0x47: {  	_ =	shalt  }
0x48: {  	_ =	shalt  }
0x49: {  	_ =	shalt  }
0x4a: {  	_ =	shalt  }
0x4b: {  	_ =	shalt  }
0x4c: {  	_ =	shalt  }
0x4d: {  	_ =	shalt  }
0x4e: {  	_ =	shalt  }
0x4f: {  	_ =	shalt  }
0x50: {  	_ =	shalt  }
0x51: {  	_ =	shalt  }
0x52: {  	_ =	shalt  }
0x53: {  	_ =	shalt  }
0x54: {  	_ =	shalt  }
0x55: {  	_ =	shalt  }
0x56: {  	_ =	shalt  }
0x57: {  	_ =	shalt  }
0x58: {  	_ =	shalt  }
0x59: {  	_ =	shalt  }
0x5a: {  	_ =	shalt  }
0x5b: {  	_ =	shalt  }
0x5c: {  	_ =	shalt  }
0x5d: {  	_ =	shalt  }
0x5e: {  	_ =	shalt  }
0x5f: {  	_ =	shalt  }
0x60: {  	_ =	shalt  }
0x61: {  	_ =	shalt  }
0x62: {  	_ =	shalt  }
0x63: {  	_ =	shalt  }
0x64: {  	_ =	shalt  }
0x65: {  	_ =	shalt  }
0x66: {  	_ =	shalt  }
0x67: {  	_ =	shalt  }
0x68: {  	_ =	shalt  }
0x69: {  	_ =	shalt  }
0x6a: {  	_ =	shalt  }
0x6b: {  	_ =	shalt  }
0x6c: {  	_ =	shalt  }
0x6d: {  	_ =	shalt  }
0x6e: {  	_ =	shalt  }
0x6f: {  	_ =	shalt  }
0x70: {  	_ =	shalt  }
0x71: {  	_ =	shalt  }
0x72: {  	_ =	shalt  }
0x73: {  	_ =	shalt  }
0x74: {  	_ =	shalt  }
0x75: {  	_ =	shalt  }
0x76: {  	_ =	shalt  }
0x77: {  	_ =	shalt  }
0x78: {  	_ =	shalt  }
0x79: {  	_ =	shalt  }
0x7a: {  	_ =	shalt  }
0x7b: {  	_ =	shalt  }
0x7c: {  	_ =	shalt  }
0x7d: {  	_ =	shalt  }
0x7e: {  	_ =	shalt  }
0x7f: {  	_ =	shalt  }
0x80: {  	_ =	shalt  }
0x81: {  	_ =	shalt  }
0x82: {  	_ =	shalt  }
0x83: {  	_ =	shalt  }
0x84: {  	_ =	shalt  }
0x85: {  	_ =	shalt  }
0x86: {  	_ =	shalt  }
0x87: {  	_ =	shalt  }
.Lfunc_end0:
.L_simem_size_0:
called_computation.8_lowered:
.L_overlay_start_0:
0x88: {  	s2 =	sld [smem:$0x3FD9]  }
0x89: {  	s3 =	sld [smem:$0x3FFE];
	_ =	sdelay $0x1  }
0x8a: {  	s1 =	srdreg.scid  }
0x8b: {  	s0 =	sand.u32 $0x1, s1  }
0x8c: {  	s16 =	sshll.u32 s0, $0xA;
	s2 =	sadd.s32 s3, s2  }
0x8d: {  	s2 =	sadd.s32 s2, s16  }
0x8e: {  	[smem:$0x3FB9] =	sst s2  }
0x8f: {  	_ = 	snop  }
0x90: {  	(tm) =	ssettm $0x1  }
0x91: {  	s17 =	sld [smem:$0x3FFB];
	_ =	sdelay $0x3  }
0x92: {  	_ =	strace s17  }
0x93: {  	s2 =	sld [smem:$0x3FFC];
	_ =	sdelay $0x3  }
0x94: {  	_ =	strace s2  }
0x95: {  	s2 =	sld [smem:$0x3FFD];
	_ =	sdelay $0x3  }
0x96: {  	_ =	strace s2  }
0x97: {  	_ =	strace $0x8FFFFFFF  }
0x98: {  	s18 =	sld [smem:$0x3FDB];
	_ =	sdelay $0x1  }
0x99: {  	s19 =	simm.s32 $_scs_section_size  }
0x9a: {  	s4 =	simm.s32 $_size__tile_overlayer_lowered;
	s5 =	simm.s32 $_tile_overlayer_lowered  }
0x9b: {  	s22 =	simm.s32 $0x1BFF;
	s21 =	sshll.u32 s5, $0x1;
	s2 =	sadd.s32 s19, s18  }
0x9c: {  	s6 =	simm.s32 $0x0;
	s20 =	sshll.u32 s4, $0x1;
	s4 =	sadd.s32 s21, s2  }
0x9d: {  	[timem:s6], [sflag:s22] =	dma.local [hbm:s4], s20  }
0x9e: {  	_ =	swait.ge [sflag:s22], s20  }
0x9f: {  	s3 =	ssub.s32 $0x0, s20;
	[sflag:s22] =	ssyncset.done $0x0  }
0xa0: {  	[sflag:s22] =	ssyncadd.s32 s3;
	_ =	sdelay $0x1  }
0xa1: {  	s23 =	simm.s32 $0x1B8B  }
0xa2: {  	_ =	swait.ge [sflag:s23], $0x1  }
0xa3: {  	[sflag:s23] =	ssyncset.done $0x0  }
0xa4: {  	s25 =	simm.s32 $0x1B8E;
	s24 =	sld [smem:$0x3FFE];
	[sflag:s23] =	ssyncadd.s32 $0xFFFFFFFF  }
0xa5: {  	s26 =	simm.s32 $execute0_lowered;
	[smem:$0x3FD2] =	sst s25  }
0xa6: {  	s4 =	sshll.u32 s26, $0x1;
	_ =	strace $0x8000005E;
	[dreg:$0x1] =	wrdreg $0xFFFFFFFF  }
0xa7: {  	s28 =	simm.s32 $_size_execute0_lowered;
	s2 =	sadd.s32 s2, s4;
	[dreg:$0x0] =	wrdreg $0x0  }
0xa8: {  	s4 =	sshll.u32 s28, $0x1;
	[dreg:$0x2] =	wrdreg s2  }
0xa9: {  	[dreg:$0x3] =	wrdreg s4  }
0xaa: {  	[dreg:$0x4] =	wrdreg $0xC0  }
0xab: {  	_ =	task [dreg:s6], $0x5FFFF  }
0xac: {  	[dreg:$0x1] =	wrdreg $0xFFFFFFFF  }
0xad: {  	[dreg:$0x0] =	wrdreg $0x60  }
0xae: {  	[dreg:$0x2] =	wrdreg s24  }
0xaf: {  	[dreg:$0x3] =	wrdreg $0x81000  }
0xb0: {  	[dreg:$0x4] =	wrdreg $0x9  }
0xb1: {  	_ =	task.clear_ibuf [dreg:s6], $0x5FFFF;
	_ =	strace $0x9000005E  }
0xb2: {  	s29 =	simm.s32 $0x9;
	_ =	strace $0x80000060  }
0xb3: {  	_ =	swait.ge [sflag:s29], $0x1  }
0xb4: {  	[sflag:s29] =	ssyncadd.s32 $0xFFFFFFFF  }
0xb5: {  	_ =	strace $0x90000060  }
0xb6: {  	_ =	sfence  }
0xb7: {  	s30 =	sld [smem:$0x0];
	_ =	sdelay $0x2  }
0xb8: {  	s31 =	sshll.u32 s1, $0xD;
	s1 =	sshrl.u32 s1, $0x2  }
0xb9: {  	s3 =	sand.u32 $0x4000, s31;
	s1 =	sadd.s32 s1, s30  }
0xba: {  	s0 =	sor.u32 s3, s0;
	s1 =	sshll.u32 s1, $0x11  }
0xbb: {  	s0 =	sor.u32 s1, s0  }
0xbc: {  	s0 =	sadd.s32 $0x8F2B, s0  }
0xbd: {  	[sflag:s0] =	ssyncadd.remote.s32 $0x1  }
0xbe: {  	_ =	sfence.sel $0xFFFF  }
0xbf: {  	[dreg:$0x0] =	wrdreg $0xFFFFFFFF;
	(pc) =	sbr.abs _section_cstart, $3  }
0xc0: {  	[dreg:$0x1] =	wrdreg $0xFFFFFFFF  }
0xc1: {  	_ =	task.clear_ibuf [dreg:s6], $0x2FFFF;
	_ =	strace $0x9FFFFFFF  }
0xc2: {  	(tm) =	ssettm $0x7FFFFFFF  }
0xc3: {  	_ =	shalt  }
tec
execute0_lowered:
.L_overlay_start_1:
0x0: {  	(tag) =	ssettag $0x1  }
0x1: {  	s6 =	rddreg [dreg:$0x0]  }
0x2: {  	s2 =	rddreg [dreg:$0x1]  }
0x3: {  	s0 =	rddreg [dreg:$0x2];
	s1 =	stileid.u32  }
0x4: {  	s3 =	simm.s32 $0x0;
	s4 =	srdreg.scid;
	s7 =	smul.u32 $0x2800, s1  }
0x5: {  	[smem:$0x7FF] =	sst s3;
	s13 =	sand.u32 $0x1, s4;
	s10 =	smul.u32 $0x50000, s1  }
0x6: {  	s16 =	sadd.s32 $0x2E4C00, s6;
	s4 =	sadd.s32 $0xE000, s6;
	s15 =	smul.u32 $0x50, s1  }
0x7: {  	s5 =	sadd.s32 $0x13000, s6;
	s19 =	sshll.u32 s1, $0x1;
	s30 =	smul.u32 $0x500, s1  }
0x8: {  	s24 =	sshll.u32 s1, $0x6;
	s8 =	smul.u32 $0x28000, s13;
	s9 =	ssub.s32 $0x2, s13  }
0x9: {  	_ =	strace $0x8000005F;
	s18 =	smul.u32 $0x28, s13;
	s20 =	sshrl.u32 s9, $0x1  }
0xa: {  	s22 =	sshrl.u32 s10, $0x2;
	s7 =	sadd.s32 s7, s8;
	s8 =	sor.u32 s13, s19  }
0xb: {  	s12 =	ssub.s32 s9, s20;
	s17 =	sadd.s32 s22, s2;
	s20 =	smul.u32 $0x280, s13  }
0xc: {  	s15 =	sadd.s32 s18, s15;
	s18 =	simm.s32 $0x3;
	s21 =	smul.u32 $0x28, s8  }
0xd: {  	s22 =	simm.s32 $0x4100;
	s11 =	sadd.s32 s7, s6;
	s23 =	smul.u32 $0x280, s8  }
0xe: {  	s8 =	smul.u32 $0x14000, s8;
	s6 =	sor.u32 $0x1C03, s24;
	s10 =	smax.u32 s12, $0x1  }
0xf: {  	s29 =	sor.u32 $0x2, s15;
	s31 =	sshll.u32 s15, $0xB;
	s17 =	sshrl.u32 s17, $0x3  }
0x10: {  	s24 =	simm.s32 $0x0;
	s9 =	sadd.s32 $0x564C00, s11;
	s15 =	sadd.s32 s20, s30  }
0x11: {  	s20 =	simm.s32 $0x1;
	s14 =	sadd.s32 $0x26, s21;
	s7 =	sadd.s32 s4, s23  }
0x12: {  	s8 =	sadd.s32 s16, s8;
	s21 =	simm.s32 $0x80;
	s23 =	simm.s32 $0x2  }
0x13: {  	s25 =	sshll.u32 s14, $0x4;
	s28 =	sshll.u32 s14, $0xB;
	s14 =	sshrl.u32 s29, $0x1  }
0x14: {  	s26 =	sand.u32 $0xFF80, s25;
	s12 =	sadd.s32 s28, s16;
	s19 =	sshll.u32 s14, $0xC  }
0x15: {  	s14 =	sshll.u32 s14, $0x5;
	s11 =	sadd.s32 s4, s26;
	s12 =	sadd.s32 $0x800, s12  }
0x16: {  	s13 =	sadd.s32 s19, s16;
	s14 =	sadd.s32 s14, s4;
	s16 =	sadd.s32 s31, s16  }
0x17: {  	s19 =	simm.s32 $0x100;
	s11 =	sadd.s32 $0x70, s11;
	s16 =	sadd.s32 $0x800, s16  }
.LBB2_1:
0x18: {  	[spmem:s17], [sflag:s6] =	dma.local [hbm:s5], $0x2800  }
0x19: {  	_ =	swait.ge [sflag:s18], $0x2800  }
0x1a: {  	[sflag:s18] =	ssyncset.done $0x0  }
0x1b: {  	[sflag:s18] =	ssyncadd.s32 $0xFFFFD800  }
0x1c: {  	[bflag:$0x0] =	sbarrier.arrive $0xFFFF  }
0x1d: {  	[tilespmem:s3], [sflag:$0x3] =	stream.linear.gather [hbm4b:s7+s3], $0x80, $0x38;
	[tilespmem:$0x1C100] =	vst v63  }
0x1e: {  	_ =	swait.ge [sflag:s18], $0x80  }
0x1f: {  	[sflag:s18] =	ssyncset.done $0x0  }
0x20: {  	[sflag:s18] =	ssyncadd.s32 $0xFFFFFF80  }
0x21: {  	[tilespmem:s19], [sflag:$0x1] =	stream.linear.gather [hbm4b:s8+s3], $0x4000, $0x38;
	[tilespmem:$0x1C100] =	vst v63  }
0x22: {  	s25 =	sand.u32 $0xFFFFF80, s15;
	s26 =	sadd.s32 $0x10, s15;
	_ =	swait.ge [sflag:s20], $0x4000  }
0x23: {  	s26 =	sand.u32 $0x70, s26;
	s25 =	sadd.s32 s4, s25;
	[sflag:s20] =	ssyncset.done $0x0  }
0x24: {  	s25 =	sadd.s32 s26, s25;
	[sflag:s20] =	ssyncadd.s32 $0xFFFFC000  }
0x25: {  	[tilespmem:s21], [sflag:$0x3] =	stream.linear.gather [hbm4b:s25+s3], $0x80, $0x38;
	[tilespmem:$0x1C100] =	vst v63  }
0x26: {  	_ =	swait.ge [sflag:s18], $0x80  }
0x27: {  	[sflag:s18] =	ssyncset.done $0x0  }
0x28: {  	s30 =	sadd.s32 $0x0, s16;
	[sflag:s18] =	ssyncadd.s32 $0xFFFFFF80  }
0x29: {  	[tilespmem:s22], [sflag:$0x2] =	stream.linear.gather [hbm4b:s30+s3], $0x4000, $0x38;
	[tilespmem:$0x1C100] =	vst v63  }
0x2a: {  	_ = 	snop  }
0x2b: {  	[spmem:s2] =	stream.indirect.scatter.add.f32 [tilespmem:s19], [sflag:$0x3], $0x80, s3, s21, $0xb8;
	[tilespmem:$0x1C100] =	vst v63  }
0x2c: {  	_ =	swait.ge [sflag:s18], $0x4000  }
0x2d: {  	[sflag:s18] =	ssyncset.done $0x0  }
0x2e: {  	[sflag:s18] =	ssyncadd.s32 $0xFFFFC000  }
0x2f: {  	_ =	swait.ge [sflag:s23], $0x4000  }
0x30: {  	[sflag:s23] =	ssyncset.done $0x0  }
0x31: {  	[sflag:s23] =	ssyncadd.s32 $0xFFFFC000  }
0x32: {  	[tilespmem:s3], [sflag:$0x3] =	stream.linear.gather [hbm4b:s14+s3], $0x80, $0x38;
	[tilespmem:$0x1C100] =	vst v63  }
0x33: {  	_ =	swait.ge [sflag:s18], $0x80  }
0x34: {  	[sflag:s18] =	ssyncset.done $0x0  }
0x35: {  	s31 =	sadd.s32 $0x0, s13;
	[sflag:s18] =	ssyncadd.s32 $0xFFFFFF80  }
0x36: {  	[tilespmem:s19], [sflag:$0x1] =	stream.linear.gather [hbm4b:s31+s3], $0x4000, $0x38;
	[tilespmem:$0x1C100] =	vst v63  }
0x37: {  	_ = 	snop  }
0x38: {  	[spmem:s2] =	stream.indirect.scatter.add.f32 [tilespmem:s22], [sflag:$0x3], $0x80, s21, s21, $0xb8;
	[tilespmem:$0x1C100] =	vst v63  }
0x39: {  	s28 =	smov.u32 s15;
	_ =	swait.ge [sflag:s18], $0x4000  }
0x3a: {  	s26 =	smov.u32 s14;
	s25 =	simm.s32 $0x1000;
	[sflag:s18] =	ssyncset.done $0x0  }
.LBB2_2:
0x3b: {  	[sflag:s18] =	ssyncadd.s32 $0xFFFFC000  }
0x3c: {  	s26 =	sadd.s32 $0x20, s26;
	s28 =	sadd.s32 $0x20, s28;
	s29 =	smov.u32 s25  }
0x3d: {  	p0 =	sne.s32 s25, $0x12000;
	s25 =	sadd.s32 $0x1000, s25;
	_ =	swait.ge [sflag:s20], $0x4000  }
0x3e: {  	s30 =	sand.u32 $0xFFFFF80, s28;
	s31 =	sadd.s32 $0x10, s28;
	[sflag:s20] =	ssyncset.done $0x0  }
0x3f: {  	s31 =	sand.u32 $0x70, s31;
	s30 =	sadd.s32 s4, s30;
	[sflag:s20] =	ssyncadd.s32 $0xFFFFC000  }
0x40: {  	s30 =	sadd.s32 s31, s30  }
0x41: {  	[tilespmem:s21], [sflag:$0x3] =	stream.linear.gather [hbm4b:s30+s3], $0x80, $0x38;
	[tilespmem:$0x1C100] =	vst v63  }
0x42: {  	_ =	swait.ge [sflag:s18], $0x80  }
0x43: {  	[sflag:s18] =	ssyncset.done $0x0  }
0x44: {  	s30 =	sadd.s32 s29, s16;
	[sflag:s18] =	ssyncadd.s32 $0xFFFFFF80  }
0x45: {  	[tilespmem:s22], [sflag:$0x2] =	stream.linear.gather [hbm4b:s30+s3], $0x4000, $0x38;
	[tilespmem:$0x1C100] =	vst v63  }
0x46: {  	_ = 	snop  }
0x47: {  	[spmem:s2] =	stream.indirect.scatter.add.f32 [tilespmem:s19], [sflag:$0x3], $0x80, s3, s21, $0xb8;
	[tilespmem:$0x1C100] =	vst v63  }
0x48: {  	_ =	swait.ge [sflag:s18], $0x4000  }
0x49: {  	[sflag:s18] =	ssyncset.done $0x0  }
0x4a: {  	[sflag:s18] =	ssyncadd.s32 $0xFFFFC000  }
0x4b: {  	_ =	swait.ge [sflag:s23], $0x4000  }
0x4c: {  	[sflag:s23] =	ssyncset.done $0x0  }
0x4d: {  	[sflag:s23] =	ssyncadd.s32 $0xFFFFC000  }
0x4e: {  	[tilespmem:s3], [sflag:$0x3] =	stream.linear.gather [hbm4b:s26+s3], $0x80, $0x38;
	[tilespmem:$0x1C100] =	vst v63  }
0x4f: {  	_ =	swait.ge [sflag:s18], $0x80  }
0x50: {  	[sflag:s18] =	ssyncset.done $0x0  }
0x51: {  	s29 =	sadd.s32 s29, s13;
	[sflag:s18] =	ssyncadd.s32 $0xFFFFFF80  }
0x52: {  	[tilespmem:s19], [sflag:$0x1] =	stream.linear.gather [hbm4b:s29+s3], $0x4000, $0x38;
	[tilespmem:$0x1C100] =	vst v63  }
.Ltmp0:
0x53: {  	_ = 	snop;
	(pc) =	sbr.rel @p0 .LBB2_2-.Ltmp0, $4  }
0x54: {  	_ = 	snop  }
0x55: {  	[spmem:s2] =	stream.indirect.scatter.add.f32 [tilespmem:s22], [sflag:$0x3], $0x80, s21, s21, $0xb8;
	[tilespmem:$0x1C100] =	vst v63  }
0x56: {  	_ =	swait.ge [sflag:s18], $0x4000  }
0x57: {  	[sflag:s18] =	ssyncset.done $0x0  }
0x58: {  	[sflag:s18] =	ssyncadd.s32 $0xFFFFC000  }
0x59: {  	_ =	swait.ge [sflag:s20], $0x4000  }
0x5a: {  	[sflag:s20] =	ssyncset.done $0x0  }
0x5b: {  	[sflag:s20] =	ssyncadd.s32 $0xFFFFC000  }
0x5c: {  	[tilespmem:s21], [sflag:$0x3] =	stream.linear.gather [hbm4b:s11+s3], $0x80, $0x38;
	[tilespmem:$0x1C100] =	vst v63  }
0x5d: {  	_ =	swait.ge [sflag:s18], $0x80  }
0x5e: {  	[sflag:s18] =	ssyncset.done $0x0  }
0x5f: {  	[sflag:s18] =	ssyncadd.s32 $0xFFFFFF80  }
0x60: {  	[tilespmem:s22], [sflag:$0x2] =	stream.linear.gather [hbm4b:s12+s3], $0x4000, $0x38;
	[tilespmem:$0x1C100] =	vst v63  }
0x61: {  	_ = 	snop  }
0x62: {  	[spmem:s2] =	stream.indirect.scatter.add.f32 [tilespmem:s19], [sflag:$0x3], $0x80, s3, s21, $0xb8;
	[tilespmem:$0x1C100] =	vst v63  }
0x63: {  	_ =	swait.ge [sflag:s18], $0x4000  }
0x64: {  	[sflag:s18] =	ssyncset.done $0x0  }
0x65: {  	[sflag:s18] =	ssyncadd.s32 $0xFFFFC000  }
0x66: {  	_ =	swait.ge [sflag:s23], $0x4000  }
0x67: {  	[sflag:s23] =	ssyncset.done $0x0  }
0x68: {  	[sflag:s23] =	ssyncadd.s32 $0xFFFFC000  }
0x69: {  	[spmem:s2] =	stream.indirect.scatter.add.f32 [tilespmem:s22], [sflag:$0x3], $0x80, s21, s21, $0xb8;
	[tilespmem:$0x1C100] =	vst v63  }
0x6a: {  	_ =	swait.ge [sflag:s18], $0x4000  }
0x6b: {  	s24 =	sadd.s32 $0x1, s24;
	[sflag:s18] =	ssyncset.done $0x0  }
0x6c: {  	p0 =	sne.s32 s24, s10;
	[sflag:s18] =	ssyncadd.s32 $0xFFFFC000  }
.Ltmp1:
0x6d: {  	[bflag:$0x0] =	sbarrier.arrive $0xFFFF;
	(pc) =	sbr.rel @p0 .LBB2_1-.Ltmp1, $4  }
0x6e: {  	[hbm:s9], [sflag:s6] =	dma.local [spmem:s17], $0x2800  }
0x6f: {  	_ =	swait.ge [sflag:s18], $0x2800  }
0x70: {  	[sflag:s18] =	ssyncset.done $0x0  }
0x71: {  	[sflag:s18] =	ssyncadd.s32 $0xFFFFD800  }
0x72: {  	_ =	sfence.sel $0x180000  }
0x73: {  	[bflag:$0x0] =	sbarrier.arrive $0xFFFF  }
0x74: {  	p0 =	sne.s32 s1, $0x0;
	_ =	strace $0x9000005F  }
0x75: {  	s0 =	sadd.s32 @!p0 $0x100000, s0;
	[bflag:$0x2] =	sbarrier.arrive $0xFFFF  }
0x76: {  	[sflag:s0] =	ssyncadd.tile.s32 @!p0 $0x1;
	_ =	shalt  }
.Lfunc_end2:
_tile_overlayer_lowered:
.L_overlay_start_2:
0x77: {  	(tag) =	ssettag $0x2  }
0x78: {  	s0 =	rddreg [dreg:$0x0];
	s2 =	stileid.u32  }
0x79: {  	s1 =	rddreg [dreg:$0x1];
	p0 =	sne.s32 s2, $0x0  }
0x7a: {  	s3 =	rddreg [dreg:$0x2];
	[bflag:$0x3] =	sbarrier.arrive $0xFFFF;
	s2 =	simm.s32 @!p0 $0x1C03  }
0x7b: {  	[timem:s3], [sflag:s2] =	dma.local @!p0 [hbm:s0], s1  }
0x7c: {  	s0 =	simm.s32 @!p0 $0x3  }
0x7d: {  	_ =	swait.ge @!p0 [sflag:s0], s1  }
0x7e: {  	s1 =	ssub.s32 @!p0 $0x0, s1;
	[sflag:s0] =	ssyncset.done @!p0 $0x0  }
0x7f: {  	[sflag:s0] =	ssyncadd.s32 @!p0 s1  }
0x80: {  	[bflag:$0x3] =	sbarrier.arrive $0xFFFF  }
0x81: {  	_ =	shalt  }

// kernel: kernel.57.cloned.1.call-start
scs
__scs_entry_jumppad:
0x0: {  	(pc) =	sbr.rel $0x88, $3  }
0x1: {  	(tag) =	ssettag $0x0;
	lr =	simm.s32 $0x1  }
0x2: {  	[smem:$0x3F92] =	sst lr;
	_ =	strace $0xD0000000  }
0x3: {  	_ = 	snop  }
0x4: {  	_ = 	snop  }
0x5: {  	_ = 	snop  }
0x6: {  	_ = 	snop  }
0x7: {  	_ = 	snop  }
__scs_overlays_trampoline_lowered:
0x8: {  	[smem:$0x3FA1] =	sst s0  }
0x9: {  	[smem:$0x3FA2] =	sst s1  }
0xa: {  	[smem:$0x3FA3] =	sst s2  }
0xb: {  	[smem:$0x3FA4] =	sst s3  }
0xc: {  	[smem:$0x3FA5] =	sst s4  }
0xd: {  	[smem:$0x3FA6] =	sst s5  }
0xe: {  	[smem:$0x3FA7] =	sst s6  }
0xf: {  	[smem:$0x3FA8] =	sst s7  }
0x10: {  	[smem:$0x3FA9] =	sst s8  }
0x11: {  	[smem:$0x3FAA] =	sst s9;
	s0 =	simm.s32 @!p0 $0x0  }
0x12: {  	s1 =	sld [smem:$0x3F90];
	s0 =	simm.s32 @p0 $0x1  }
0x13: {  	[smem:$0x3FAB] =	sst s0;
	s0 =	simm.s32 @!p1 $0x0  }
0x14: {  	s2 =	sld [smem:$0x3F8F];
	s0 =	simm.s32 @p1 $0x1  }
0x15: {  	[smem:$0x3FAC] =	sst s0;
	s0 =	simm.s32 @!p2 $0x0  }
0x16: {  	s3 =	sld [smem:$0x3FDB];
	s0 =	simm.s32 @p2 $0x1  }
0x17: {  	s4 =	simm.s32 $0x1BF5;
	[smem:$0x3FAE] =	sst s0  }
0x18: {  	s0 =	sld [smem:$0x3F91];
	_ =	swait.ge [sflag:s4], $0x0  }
0x19: {  	s7 =	sld [smem:$0x3F92]  }
0x1a: {  	s8 =	sadd.s32 $0xFFFFE003, lr  }
0x1b: {  	s9 =	sadd.s32 $0xFFFFFEF7, lr;
	s5 =	simm.s32 $0xFFFFFFFF;
	p2 =	slt.u32 s8, $0xFFFFF086  }
0x1c: {  	p1 =	slt.u32 s9, $0xF7A;
	s5 =	simm.s32 @!p2 $0x0  }
0x1d: {  	s5 =	simm.s32 @p1 $0x1;
	p0 =	seq.s32 s7, s2  }
0x1e: {  	s7 =	smul.u32 @!p0 $0xF7A, s2;
	p2 =	seq.s32 @!p0 s5, $0x0  }
0x1f: {  	s9 =	smul.u32 $0xF7A, s1;
	s8 =	simm.s32 @!p0 $0x1BF5;
	p2 =	por !p2, p0  }
0x20: {  	[sflag:s8] =	ssyncset.s32 @!p0 $0xFFFFF086;
	s6 =	sadd.s32 @!p0 s3, s7;
	s7 =	simm.s32 @!p0 $0x108  }
0x21: {  	s3 =	sadd.s32 s3, s9;
	s6 =	sadd.s32 @!p0 $0x88, s6;
	s7 =	simm.s32 @p2 $0x1082  }
0x22: {  	[simem:s7], [sflag:s8] =	dma.local @!p0 [hbm:s6], $0xF7A  }
0x23: {  	s9 =	sor.u32 $0xD0000000, s2;
	s6 =	simm.s32 $0x108;
	_ =	swait.ge @!p0 [sflag:s8], $0x0  }
0x24: {  	s3 =	sadd.s32 $0x88, s3;
	s6 =	simm.s32 @!p1 $0x1082;
	[sflag:s4] =	ssyncset.s32 $0xFFFFF086  }
0x25: {  	[simem:s6], [sflag:s4] =	dma.local [hbm:s3], $0xF7A  }
0x26: {  	[smem:$0x3F92] =	sst s1;
	(tag) =	ssettag s2;
	_ =	strace s9  }
0x27: {  	s1 =	sld [smem:$0x3FA2]  }
0x28: {  	s2 =	sld [smem:$0x3FA3]  }
0x29: {  	s4 =	sld [smem:$0x3FA5]  }
0x2a: {  	p0 =	seq.s32 s5, $0x0;
	s5 =	sld [smem:$0x3FA6]  }
0x2b: {  	s6 =	sld [smem:$0x3FA7]  }
0x2c: {  	s7 =	sld [smem:$0x3FA8]  }
0x2d: {  	s3 =	simm.s32 $0x108;
	s8 =	sld [smem:$0x3FA9]  }
0x2e: {  	s3 =	simm.s32 @!p0 $0x1082;
	s9 =	sld [smem:$0x3FAA]  }
0x2f: {  	lr =	sadd.s32 s0, s3;
	s0 =	sld [smem:$0x3FA1]  }
0x30: {  	s3 =	sld [smem:$0x3FA4]  }
0x31: {  	[smem:$0x3FAD] =	sst s10  }
0x32: {  	s10 =	sld [smem:$0x3FAB];
	_ =	sdelay $0x3  }
0x33: {  	p0 =	seq.s32 s10, $0x1;
	s10 =	sld [smem:$0x3FAD];
	_ =	sdelay $0x3  }
0x34: {  	[smem:$0x3FAD] =	sst s10  }
0x35: {  	s10 =	sld [smem:$0x3FAC];
	_ =	sdelay $0x3  }
0x36: {  	p1 =	seq.s32 s10, $0x1;
	s10 =	sld [smem:$0x3FAD];
	_ =	sdelay $0x3  }
0x37: {  	[smem:$0x3FAD] =	sst s10  }
0x38: {  	s10 =	sld [smem:$0x3FAE]  }
0x39: {  	_ = 	snop;
	(pc) =	sbr.ind lr, $3  }
0x3a: {  	_ = 	snop  }
0x3b: {  	_ = 	snop  }
0x3c: {  	p2 =	seq.s32 s10, $0x1;
	s10 =	sld [smem:$0x3FAD]  }
0x3d: {  	_ =	shalt  }
0x3e: {  	_ =	shalt  }
0x3f: {  	_ =	shalt  }
0x40: {  	_ =	shalt  }
0x41: {  	_ =	shalt  }
0x42: {  	_ =	shalt  }
0x43: {  	_ =	shalt  }
0x44: {  	_ =	shalt  }
0x45: {  	_ =	shalt  }
0x46: {  	_ =	shalt  }
0x47: {  	_ =	shalt  }
0x48: {  	_ =	shalt  }
0x49: {  	_ =	shalt  }
0x4a: {  	_ =	shalt  }
0x4b: {  	_ =	shalt  }
0x4c: {  	_ =	shalt  }
0x4d: {  	_ =	shalt  }
0x4e: {  	_ =	shalt  }
0x4f: {  	_ =	shalt  }
0x50: {  	_ =	shalt  }
0x51: {  	_ =	shalt  }
0x52: {  	_ =	shalt  }
0x53: {  	_ =	shalt  }
0x54: {  	_ =	shalt  }
0x55: {  	_ =	shalt  }
0x56: {  	_ =	shalt  }
0x57: {  	_ =	shalt  }
0x58: {  	_ =	shalt  }
0x59: {  	_ =	shalt  }
0x5a: {  	_ =	shalt  }
0x5b: {  	_ =	shalt  }
0x5c: {  	_ =	shalt  }
0x5d: {  	_ =	shalt  }
0x5e: {  	_ =	shalt  }
0x5f: {  	_ =	shalt  }
0x60: {  	_ =	shalt  }
0x61: {  	_ =	shalt  }
0x62: {  	_ =	shalt  }
0x63: {  	_ =	shalt  }
0x64: {  	_ =	shalt  }
0x65: {  	_ =	shalt  }
0x66: {  	_ =	shalt  }
0x67: {  	_ =	shalt  }
0x68: {  	_ =	shalt  }
0x69: {  	_ =	shalt  }
0x6a: {  	_ =	shalt  }
0x6b: {  	_ =	shalt  }
0x6c: {  	_ =	shalt  }
0x6d: {  	_ =	shalt  }
0x6e: {  	_ =	shalt  }
0x6f: {  	_ =	shalt  }
0x70: {  	_ =	shalt  }
0x71: {  	_ =	shalt  }
0x72: {  	_ =	shalt  }
0x73: {  	_ =	shalt  }
0x74: {  	_ =	shalt  }
0x75: {  	_ =	shalt  }
0x76: {  	_ =	shalt  }
0x77: {  	_ =	shalt  }
0x78: {  	_ =	shalt  }
0x79: {  	_ =	shalt  }
0x7a: {  	_ =	shalt  }
0x7b: {  	_ =	shalt  }
0x7c: {  	_ =	shalt  }
0x7d: {  	_ =	shalt  }
0x7e: {  	_ =	shalt  }
0x7f: {  	_ =	shalt  }
0x80: {  	_ =	shalt  }
0x81: {  	_ =	shalt  }
0x82: {  	_ =	shalt  }
0x83: {  	_ =	shalt  }
0x84: {  	_ =	shalt  }
0x85: {  	_ =	shalt  }
0x86: {  	_ =	shalt  }
0x87: {  	_ =	shalt  }
.Lfunc_end0:
.L_simem_size_0:
called_computation.9_lowered:
.L_overlay_start_0:
0x88: {  	s2 =	sld [smem:$0x3FD9]  }
0x89: {  	s3 =	sld [smem:$0x3FFE];
	_ =	sdelay $0x1  }
0x8a: {  	s1 =	srdreg.scid  }
0x8b: {  	s0 =	sand.u32 $0x1, s1  }
0x8c: {  	s16 =	sshll.u32 s0, $0xA;
	s2 =	sadd.s32 s3, s2  }
0x8d: {  	s2 =	sadd.s32 s2, s16  }
0x8e: {  	[smem:$0x3FB9] =	sst s2  }
0x8f: {  	_ = 	snop  }
0x90: {  	(tm) =	ssettm $0x1  }
0x91: {  	s17 =	sld [smem:$0x3FFB];
	_ =	sdelay $0x3  }
0x92: {  	_ =	strace s17  }
0x93: {  	s2 =	sld [smem:$0x3FFC];
	_ =	sdelay $0x3  }
0x94: {  	_ =	strace s2  }
0x95: {  	s2 =	sld [smem:$0x3FFD];
	_ =	sdelay $0x3  }
0x96: {  	_ =	strace s2  }
0x97: {  	_ =	strace $0x8FFFFFFF  }
0x98: {  	s18 =	sld [smem:$0x3FDB];
	_ =	sdelay $0x1  }
0x99: {  	s19 =	simm.s32 $_scs_section_size  }
0x9a: {  	s4 =	simm.s32 $_size__tile_overlayer_lowered;
	s5 =	simm.s32 $_tile_overlayer_lowered  }
0x9b: {  	s22 =	simm.s32 $0x1BFF;
	s21 =	sshll.u32 s5, $0x1;
	s2 =	sadd.s32 s19, s18  }
0x9c: {  	s6 =	simm.s32 $0x0;
	s20 =	sshll.u32 s4, $0x1;
	s4 =	sadd.s32 s21, s2  }
0x9d: {  	[timem:s6], [sflag:s22] =	dma.local [hbm:s4], s20  }
0x9e: {  	_ =	swait.ge [sflag:s22], s20  }
0x9f: {  	s3 =	ssub.s32 $0x0, s20;
	[sflag:s22] =	ssyncset.done $0x0  }
0xa0: {  	[sflag:s22] =	ssyncadd.s32 s3;
	_ =	sdelay $0x1  }
0xa1: {  	s23 =	simm.s32 $0x1B8B  }
0xa2: {  	_ =	swait.ge [sflag:s23], $0x1  }
0xa3: {  	[sflag:s23] =	ssyncset.done $0x0  }
0xa4: {  	s25 =	simm.s32 $0x1B8E;
	s24 =	sld [smem:$0x3FFE];
	[sflag:s23] =	ssyncadd.s32 $0xFFFFFFFF  }
0xa5: {  	s26 =	simm.s32 $execute0_lowered;
	[smem:$0x3FD2] =	sst s25  }
0xa6: {  	s4 =	sshll.u32 s26, $0x1;
	_ =	strace $0x80000061;
	[dreg:$0x1] =	wrdreg $0xFFFFFFFF  }
0xa7: {  	s28 =	simm.s32 $_size_execute0_lowered;
	s2 =	sadd.s32 s2, s4;
	[dreg:$0x0] =	wrdreg $0x0  }
0xa8: {  	s4 =	sshll.u32 s28, $0x1;
	[dreg:$0x2] =	wrdreg s2  }
0xa9: {  	[dreg:$0x3] =	wrdreg s4  }
0xaa: {  	[dreg:$0x4] =	wrdreg $0xC0  }
0xab: {  	_ =	task [dreg:s6], $0x5FFFF  }
0xac: {  	[dreg:$0x1] =	wrdreg $0xFFFFFFFF  }
0xad: {  	[dreg:$0x0] =	wrdreg $0x60  }
0xae: {  	[dreg:$0x2] =	wrdreg s24  }
0xaf: {  	[dreg:$0x3] =	wrdreg $0x9  }
0xb0: {  	_ =	task.clear_ibuf [dreg:s6], $0x4FFFF;
	_ =	strace $0x90000061  }
0xb1: {  	s29 =	simm.s32 $0x9;
	_ =	strace $0x80000063  }
0xb2: {  	_ =	swait.ge [sflag:s29], $0x1  }
0xb3: {  	[sflag:s29] =	ssyncadd.s32 $0xFFFFFFFF  }
0xb4: {  	_ =	strace $0x90000063  }
0xb5: {  	_ =	sfence  }
0xb6: {  	s30 =	sld [smem:$0x0];
	_ =	sdelay $0x2  }
0xb7: {  	s31 =	sshll.u32 s1, $0xD;
	s1 =	sshrl.u32 s1, $0x2  }
0xb8: {  	s3 =	sand.u32 $0x4000, s31;
	s1 =	sadd.s32 s1, s30  }
0xb9: {  	s0 =	sor.u32 s3, s0;
	s1 =	sshll.u32 s1, $0x11  }
0xba: {  	s0 =	sor.u32 s1, s0  }
0xbb: {  	s0 =	sadd.s32 $0x8F2B, s0  }
0xbc: {  	[sflag:s0] =	ssyncadd.remote.s32 $0x1  }
0xbd: {  	_ =	sfence.sel $0xFFFF  }
0xbe: {  	[dreg:$0x0] =	wrdreg $0xFFFFFFFF;
	(pc) =	sbr.abs _section_cstart, $3  }
0xbf: {  	[dreg:$0x1] =	wrdreg $0xFFFFFFFF  }
0xc0: {  	_ =	task.clear_ibuf [dreg:s6], $0x2FFFF;
	_ =	strace $0x9FFFFFFF  }
0xc1: {  	(tm) =	ssettm $0x7FFFFFFF  }
tec
execute0_lowered:
.L_overlay_start_1:
0x0: {  	(tag) =	ssettag $0x1  }
0x1: {  	s4 =	rddreg [dreg:$0x0]  }
0x2: {  	s0 =	rddreg [dreg:$0x1]  }
0x3: {  	s2 =	simm.s32 $0x0;
	s1 =	stileid.u32;
	s3 =	srdreg.scid  }
0x4: {  	s12 =	simm.s32 $0x100;
	s13 =	simm.s32 $0x8200;
	s14 =	simm.s32 $0x180  }
0x5: {  	s15 =	simm.s32 $0xC200;
	s16 =	simm.s32 $0x1;
	s5 =	smul.u32 $0x28000, s1  }
0x6: {  	s17 =	simm.s32 $0x0;
	s6 =	sand.u32 $0x1, s3;
	s10 =	smul.u32 $0x500, s1  }
0x7: {  	[smem:$0x7FF] =	sst s2;
	s3 =	sadd.s32 $0x15800, s4;
	s8 =	smul.u32 $0x14000, s6  }
0x8: {  	_ =	strace $0x80000062;
	s7 =	ssub.s32 $0x2, s6;
	s30 =	smul.u32 $0x280, s6  }
0x9: {  	s9 =	sshrl.u32 s7, $0x1;
	s11 =	sadd.s32 s5, s4;
	s4 =	sadd.s32 $0x9000, s4  }
0xa: {  	s29 =	ssub.s32 s7, s9;
	s31 =	sadd.s32 s8, s11;
	s7 =	sadd.s32 s30, s10  }
0xb: {  	s8 =	simm.s32 $0x2;
	s9 =	simm.s32 $0x80;
	s10 =	simm.s32 $0x200  }
0xc: {  	s11 =	simm.s32 $0x4200;
	s5 =	smax.u32 s29, $0x1;
	s6 =	sadd.s32 $0x63C00, s31  }
.LBB2_1:
0xd: {  	s18 =	sadd.s32 $0x0, s7;
	s19 =	sand.u32 $0x40, s2  }
0xe: {  	s18 =	sand.u32 $0xFFFFF80, s18;
	s19 =	sadd.s32 s4, s19  }
0xf: {  	s18 =	sadd.s32 s18, s19  }
0x10: {  	[tilespmem:s2], [sflag:$0x2] =	stream.linear.gather [hbm4b:s18+s2], $0x200, $0x38;
	[tilespmem:$0x10200] =	vst v63  }
0x11: {  	_ =	swait.ge [sflag:s8], $0x200  }
0x12: {  	[sflag:s8] =	ssyncset.done $0x0  }
0x13: {  	[sflag:s8] =	ssyncadd.s32 $0xFFFFFE00  }
0x14: {  	[tilespmem:s10], [sflag:$0x1] =	stream.indirect.gather [hbm4b:s3+s9], $0x80, s2, s9, $0xb8;
	[tilespmem:$0x10200] =	vst v63  }
0x15: {  	_ = 	snop  }
0x16: {  	[tilespmem:s11], [sflag:$0x1] =	stream.indirect.gather [hbm4b:s3+s9], $0x80, s9, s9, $0xb8;
	[tilespmem:$0x10200] =	vst v63  }
0x17: {  	_ = 	snop  }
0x18: {  	[tilespmem:s13], [sflag:$0x1] =	stream.indirect.gather [hbm4b:s3+s9], $0x80, s12, s9, $0xb8;
	[tilespmem:$0x10200] =	vst v63  }
0x19: {  	_ = 	snop  }
0x1a: {  	[tilespmem:s15], [sflag:$0x1] =	stream.indirect.gather [hbm4b:s3+s9], $0x80, s14, s9, $0xb8;
	[tilespmem:$0x10200] =	vst v63  }
0x1b: {  	_ =	swait.ge [sflag:s16], $0x4000  }
0x1c: {  	[sflag:s16] =	ssyncset.done $0x0  }
0x1d: {  	[sflag:s16] =	ssyncadd.s32 $0xFFFFC000  }
0x1e: {  	_ =	swait.ge [sflag:s16], $0x4000  }
0x1f: {  	[sflag:s16] =	ssyncset.done $0x0  }
0x20: {  	[sflag:s16] =	ssyncadd.s32 $0xFFFFC000  }
0x21: {  	_ =	swait.ge [sflag:s16], $0x4000  }
0x22: {  	[sflag:s16] =	ssyncset.done $0x0  }
0x23: {  	[sflag:s16] =	ssyncadd.s32 $0xFFFFC000  }
0x24: {  	_ =	swait.ge [sflag:s16], $0x4000  }
0x25: {  	s20 =	simm.s32 $0x40;
	[sflag:s16] =	ssyncset.done $0x0  }
0x26: {  	s21 =	sadd.s32 $0x40, s7;
	s22 =	sand.u32 $0x40, s20;
	[sflag:s16] =	ssyncadd.s32 $0xFFFFC000  }
0x27: {  	[hbm4b:s6+s2] =	stream.linear.scatter [tilespmem:s10], [sflag:$0x2], $0x10000, $0x38;
	[tilespmem:$0x10200] =	vst v63  }
0x28: {  	s20 =	sand.u32 $0xFFFFF80, s21;
	s19 =	simm.s32 $0x80;
	_ =	swait.ge [sflag:s8], $0x10000  }
0x29: {  	s21 =	sadd.s32 s4, s22;
	s18 =	sadd.s32 $0x2000, s6;
	[sflag:s8] =	ssyncset.done $0x0  }
.LBB2_2:
0x2a: {  	s20 =	sadd.s32 s20, s21;
	[sflag:s8] =	ssyncadd.s32 $0xFFFF0000  }
0x2b: {  	s21 =	smov.u32 s19;
	s22 =	sadd.s32 $0x40, s19;
	s23 =	smov.u32 s18  }
0x2c: {  	[tilespmem:s2], [sflag:$0x2] =	stream.linear.gather [hbm4b:s20+s2], $0x200, $0x38;
	[tilespmem:$0x10200] =	vst v63  }
0x2d: {  	p0 =	sne.s32 s19, $0x240;
	_ =	swait.ge [sflag:s8], $0x200  }
0x2e: {  	[sflag:s8] =	ssyncset.done $0x0  }
0x2f: {  	[sflag:s8] =	ssyncadd.s32 $0xFFFFFE00  }
0x30: {  	[tilespmem:s10], [sflag:$0x1] =	stream.indirect.gather [hbm4b:s3+s9], $0x80, s2, s9, $0xb8;
	[tilespmem:$0x10200] =	vst v63  }
0x31: {  	_ = 	snop  }
0x32: {  	[tilespmem:s11], [sflag:$0x1] =	stream.indirect.gather [hbm4b:s3+s9], $0x80, s9, s9, $0xb8;
	[tilespmem:$0x10200] =	vst v63  }
0x33: {  	_ = 	snop  }
0x34: {  	[tilespmem:s13], [sflag:$0x1] =	stream.indirect.gather [hbm4b:s3+s9], $0x80, s12, s9, $0xb8;
	[tilespmem:$0x10200] =	vst v63  }
0x35: {  	_ = 	snop  }
0x36: {  	[tilespmem:s15], [sflag:$0x1] =	stream.indirect.gather [hbm4b:s3+s9], $0x80, s14, s9, $0xb8;
	[tilespmem:$0x10200] =	vst v63  }
0x37: {  	_ =	swait.ge [sflag:s16], $0x4000  }
0x38: {  	[sflag:s16] =	ssyncset.done $0x0  }
0x39: {  	[sflag:s16] =	ssyncadd.s32 $0xFFFFC000  }
0x3a: {  	_ =	swait.ge [sflag:s16], $0x4000  }
0x3b: {  	[sflag:s16] =	ssyncset.done $0x0  }
0x3c: {  	[sflag:s16] =	ssyncadd.s32 $0xFFFFC000  }
0x3d: {  	_ =	swait.ge [sflag:s16], $0x4000  }
0x3e: {  	[sflag:s16] =	ssyncset.done $0x0  }
0x3f: {  	[sflag:s16] =	ssyncadd.s32 $0xFFFFC000  }
0x40: {  	_ =	swait.ge [sflag:s16], $0x4000  }
.Ltmp0:
0x41: {  	[sflag:s16] =	ssyncset.done $0x0;
	(pc) =	sbr.rel @p0 .LBB2_2-.Ltmp0, $4  }
0x42: {  	s18 =	sadd.s32 $0x2000, s18;
	s19 =	sadd.s32 s21, s7;
	[sflag:s16] =	ssyncadd.s32 $0xFFFFC000  }
0x43: {  	[hbm4b:s23+s2] =	stream.linear.scatter [tilespmem:s10], [sflag:$0x2], $0x10000, $0x38;
	[tilespmem:$0x10200] =	vst v63  }
0x44: {  	s21 =	sand.u32 $0x40, s21;
	s20 =	sand.u32 $0xFFFFF80, s19;
	_ =	swait.ge [sflag:s8], $0x10000  }
0x45: {  	s21 =	sadd.s32 s4, s21;
	s19 =	smov.u32 s22;
	[sflag:s8] =	ssyncset.done $0x0  }
0x46: {  	s19 =	sadd.s32 s20, s21;
	[sflag:s8] =	ssyncadd.s32 $0xFFFF0000  }
0x47: {  	[tilespmem:s2], [sflag:$0x2] =	stream.linear.gather [hbm4b:s19+s2], $0x200, $0x38;
	[tilespmem:$0x10200] =	vst v63  }
0x48: {  	_ =	swait.ge [sflag:s8], $0x200  }
0x49: {  	[sflag:s8] =	ssyncset.done $0x0  }
0x4a: {  	[sflag:s8] =	ssyncadd.s32 $0xFFFFFE00  }
0x4b: {  	[tilespmem:s10], [sflag:$0x1] =	stream.indirect.gather [hbm4b:s3+s9], $0x80, s2, s9, $0xb8;
	[tilespmem:$0x10200] =	vst v63  }
0x4c: {  	_ = 	snop  }
0x4d: {  	[tilespmem:s11], [sflag:$0x1] =	stream.indirect.gather [hbm4b:s3+s9], $0x80, s9, s9, $0xb8;
	[tilespmem:$0x10200] =	vst v63  }
0x4e: {  	_ = 	snop  }
0x4f: {  	[tilespmem:s13], [sflag:$0x1] =	stream.indirect.gather [hbm4b:s3+s9], $0x80, s12, s9, $0xb8;
	[tilespmem:$0x10200] =	vst v63  }
0x50: {  	_ = 	snop  }
0x51: {  	[tilespmem:s15], [sflag:$0x1] =	stream.indirect.gather [hbm4b:s3+s9], $0x80, s14, s9, $0xb8;
	[tilespmem:$0x10200] =	vst v63  }
0x52: {  	_ =	swait.ge [sflag:s16], $0x4000  }
0x53: {  	[sflag:s16] =	ssyncset.done $0x0  }
0x54: {  	[sflag:s16] =	ssyncadd.s32 $0xFFFFC000  }
0x55: {  	_ =	swait.ge [sflag:s16], $0x4000  }
0x56: {  	[sflag:s16] =	ssyncset.done $0x0  }
0x57: {  	[sflag:s16] =	ssyncadd.s32 $0xFFFFC000  }
0x58: {  	_ =	swait.ge [sflag:s16], $0x4000  }
0x59: {  	[sflag:s16] =	ssyncset.done $0x0  }
0x5a: {  	[sflag:s16] =	ssyncadd.s32 $0xFFFFC000  }
0x5b: {  	s17 =	sadd.s32 $0x1, s17;
	_ =	swait.ge [sflag:s16], $0x4000  }
0x5c: {  	p0 =	sne.s32 s17, s5;
	[sflag:s16] =	ssyncset.done $0x0  }
.Ltmp1:
0x5d: {  	[sflag:s16] =	ssyncadd.s32 $0xFFFFC000;
	(pc) =	sbr.rel @p0 .LBB2_1-.Ltmp1, $4  }
0x5e: {  	[hbm4b:s18+s2] =	stream.linear.scatter [tilespmem:s10], [sflag:$0x2], $0x10000, $0x38;
	[tilespmem:$0x10200] =	vst v63  }
0x5f: {  	_ =	swait.ge [sflag:s8], $0x10000  }
0x60: {  	[sflag:s8] =	ssyncset.done $0x0  }
0x61: {  	[sflag:s8] =	ssyncadd.s32 $0xFFFF0000  }
0x62: {  	_ =	sfence.sel $0x180000  }
0x63: {  	[bflag:$0x0] =	sbarrier.arrive $0xFFFF  }
0x64: {  	p0 =	sne.s32 s1, $0x0;
	_ =	strace $0x90000062  }
0x65: {  	s0 =	sadd.s32 @!p0 $0x100000, s0;
	[bflag:$0x2] =	sbarrier.arrive $0xFFFF  }
0x66: {  	[sflag:s0] =	ssyncadd.tile.s32 @!p0 $0x1;
	_ =	shalt  }
.Lfunc_end2:
_tile_overlayer_lowered:
.L_overlay_start_2:
0x67: {  	(tag) =	ssettag $0x2  }
0x68: {  	s0 =	rddreg [dreg:$0x0];
	s2 =	stileid.u32  }
0x69: {  	s1 =	rddreg [dreg:$0x1];
	p0 =	sne.s32 s2, $0x0  }
0x6a: {  	s3 =	rddreg [dreg:$0x2];
	[bflag:$0x3] =	sbarrier.arrive $0xFFFF;
	s2 =	simm.s32 @!p0 $0x1C02  }
0x6b: {  	[timem:s3], [sflag:s2] =	dma.local @!p0 [hbm:s0], s1  }
0x6c: {  	s0 =	simm.s32 @!p0 $0x2  }
0x6d: {  	_ =	swait.ge @!p0 [sflag:s0], s1  }
0x6e: {  	s1 =	ssub.s32 @!p0 $0x0, s1;
	[sflag:s0] =	ssyncset.done @!p0 $0x0  }
0x6f: {  	[sflag:s0] =	ssyncadd.s32 @!p0 s1  }
0x70: {  	[bflag:$0x3] =	sbarrier.arrive $0xFFFF  }
0x71: {  	_ =	shalt  }

// kernel: kernel.60.cloned.1.call-start
scs
__scs_entry_jumppad:
0x0: {  	(pc) =	sbr.rel $0x88, $3  }
0x1: {  	(tag) =	ssettag $0x0;
	lr =	simm.s32 $0x1  }
0x2: {  	[smem:$0x3F92] =	sst lr;
	_ =	strace $0xD0000000  }
0x3: {  	_ = 	snop  }
0x4: {  	_ = 	snop  }
0x5: {  	_ = 	snop  }
0x6: {  	_ = 	snop  }
0x7: {  	_ = 	snop  }
__scs_overlays_trampoline_lowered:
0x8: {  	[smem:$0x3FA1] =	sst s0  }
0x9: {  	[smem:$0x3FA2] =	sst s1  }
0xa: {  	[smem:$0x3FA3] =	sst s2  }
0xb: {  	[smem:$0x3FA4] =	sst s3  }
0xc: {  	[smem:$0x3FA5] =	sst s4  }
0xd: {  	[smem:$0x3FA6] =	sst s5  }
0xe: {  	[smem:$0x3FA7] =	sst s6  }
0xf: {  	[smem:$0x3FA8] =	sst s7  }
0x10: {  	[smem:$0x3FA9] =	sst s8  }
0x11: {  	[smem:$0x3FAA] =	sst s9;
	s0 =	simm.s32 @!p0 $0x0  }
0x12: {  	s1 =	sld [smem:$0x3F90];
	s0 =	simm.s32 @p0 $0x1  }
0x13: {  	[smem:$0x3FAB] =	sst s0;
	s0 =	simm.s32 @!p1 $0x0  }
0x14: {  	s2 =	sld [smem:$0x3F8F];
	s0 =	simm.s32 @p1 $0x1  }
0x15: {  	[smem:$0x3FAC] =	sst s0;
	s0 =	simm.s32 @!p2 $0x0  }
0x16: {  	s3 =	sld [smem:$0x3FDB];
	s0 =	simm.s32 @p2 $0x1  }
0x17: {  	s4 =	simm.s32 $0x1BF5;
	[smem:$0x3FAE] =	sst s0  }
0x18: {  	s0 =	sld [smem:$0x3F91];
	_ =	swait.ge [sflag:s4], $0x0  }
0x19: {  	s7 =	sld [smem:$0x3F92]  }
0x1a: {  	s8 =	sadd.s32 $0xFFFFE003, lr  }
0x1b: {  	s9 =	sadd.s32 $0xFFFFFEF7, lr;
	s5 =	simm.s32 $0xFFFFFFFF;
	p2 =	slt.u32 s8, $0xFFFFF086  }
0x1c: {  	p1 =	slt.u32 s9, $0xF7A;
	s5 =	simm.s32 @!p2 $0x0  }
0x1d: {  	s5 =	simm.s32 @p1 $0x1;
	p0 =	seq.s32 s7, s2  }
0x1e: {  	s7 =	smul.u32 @!p0 $0xF7A, s2;
	p2 =	seq.s32 @!p0 s5, $0x0  }
0x1f: {  	s9 =	smul.u32 $0xF7A, s1;
	s8 =	simm.s32 @!p0 $0x1BF5;
	p2 =	por !p2, p0  }
0x20: {  	[sflag:s8] =	ssyncset.s32 @!p0 $0xFFFFF086;
	s6 =	sadd.s32 @!p0 s3, s7;
	s7 =	simm.s32 @!p0 $0x108  }
0x21: {  	s3 =	sadd.s32 s3, s9;
	s6 =	sadd.s32 @!p0 $0x88, s6;
	s7 =	simm.s32 @p2 $0x1082  }
0x22: {  	[simem:s7], [sflag:s8] =	dma.local @!p0 [hbm:s6], $0xF7A  }
0x23: {  	s9 =	sor.u32 $0xD0000000, s2;
	s6 =	simm.s32 $0x108;
	_ =	swait.ge @!p0 [sflag:s8], $0x0  }
0x24: {  	s3 =	sadd.s32 $0x88, s3;
	s6 =	simm.s32 @!p1 $0x1082;
	[sflag:s4] =	ssyncset.s32 $0xFFFFF086  }
0x25: {  	[simem:s6], [sflag:s4] =	dma.local [hbm:s3], $0xF7A  }
0x26: {  	[smem:$0x3F92] =	sst s1;
	(tag) =	ssettag s2;
	_ =	strace s9  }
0x27: {  	s1 =	sld [smem:$0x3FA2]  }
0x28: {  	s2 =	sld [smem:$0x3FA3]  }
0x29: {  	s4 =	sld [smem:$0x3FA5]  }
0x2a: {  	p0 =	seq.s32 s5, $0x0;
	s5 =	sld [smem:$0x3FA6]  }
0x2b: {  	s6 =	sld [smem:$0x3FA7]  }
0x2c: {  	s7 =	sld [smem:$0x3FA8]  }
0x2d: {  	s3 =	simm.s32 $0x108;
	s8 =	sld [smem:$0x3FA9]  }
0x2e: {  	s3 =	simm.s32 @!p0 $0x1082;
	s9 =	sld [smem:$0x3FAA]  }
0x2f: {  	lr =	sadd.s32 s0, s3;
	s0 =	sld [smem:$0x3FA1]  }
0x30: {  	s3 =	sld [smem:$0x3FA4]  }
0x31: {  	[smem:$0x3FAD] =	sst s10  }
0x32: {  	s10 =	sld [smem:$0x3FAB];
	_ =	sdelay $0x3  }
0x33: {  	p0 =	seq.s32 s10, $0x1;
	s10 =	sld [smem:$0x3FAD];
	_ =	sdelay $0x3  }
0x34: {  	[smem:$0x3FAD] =	sst s10  }
0x35: {  	s10 =	sld [smem:$0x3FAC];
	_ =	sdelay $0x3  }
0x36: {  	p1 =	seq.s32 s10, $0x1;
	s10 =	sld [smem:$0x3FAD];
	_ =	sdelay $0x3  }
0x37: {  	[smem:$0x3FAD] =	sst s10  }
0x38: {  	s10 =	sld [smem:$0x3FAE]  }
0x39: {  	_ = 	snop;
	(pc) =	sbr.ind lr, $3  }
0x3a: {  	_ = 	snop  }
0x3b: {  	_ = 	snop  }
0x3c: {  	p2 =	seq.s32 s10, $0x1;
	s10 =	sld [smem:$0x3FAD]  }
0x3d: {  	_ =	shalt  }
0x3e: {  	_ =	shalt  }
0x3f: {  	_ =	shalt  }
0x40: {  	_ =	shalt  }
0x41: {  	_ =	shalt  }
0x42: {  	_ =	shalt  }
0x43: {  	_ =	shalt  }
0x44: {  	_ =	shalt  }
0x45: {  	_ =	shalt  }
0x46: {  	_ =	shalt  }
0x47: {  	_ =	shalt  }
0x48: {  	_ =	shalt  }
0x49: {  	_ =	shalt  }
0x4a: {  	_ =	shalt  }
0x4b: {  	_ =	shalt  }
0x4c: {  	_ =	shalt  }
0x4d: {  	_ =	shalt  }
0x4e: {  	_ =	shalt  }
0x4f: {  	_ =	shalt  }
0x50: {  	_ =	shalt  }
0x51: {  	_ =	shalt  }
0x52: {  	_ =	shalt  }
0x53: {  	_ =	shalt  }
0x54: {  	_ =	shalt  }
0x55: {  	_ =	shalt  }
0x56: {  	_ =	shalt  }
0x57: {  	_ =	shalt  }
0x58: {  	_ =	shalt  }
0x59: {  	_ =	shalt  }
0x5a: {  	_ =	shalt  }
0x5b: {  	_ =	shalt  }
0x5c: {  	_ =	shalt  }
0x5d: {  	_ =	shalt  }
0x5e: {  	_ =	shalt  }
0x5f: {  	_ =	shalt  }
0x60: {  	_ =	shalt  }
0x61: {  	_ =	shalt  }
0x62: {  	_ =	shalt  }
0x63: {  	_ =	shalt  }
0x64: {  	_ =	shalt  }
0x65: {  	_ =	shalt  }
0x66: {  	_ =	shalt  }
0x67: {  	_ =	shalt  }
0x68: {  	_ =	shalt  }
0x69: {  	_ =	shalt  }
0x6a: {  	_ =	shalt  }
0x6b: {  	_ =	shalt  }
0x6c: {  	_ =	shalt  }
0x6d: {  	_ =	shalt  }
0x6e: {  	_ =	shalt  }
0x6f: {  	_ =	shalt  }
0x70: {  	_ =	shalt  }
0x71: {  	_ =	shalt  }
0x72: {  	_ =	shalt  }
0x73: {  	_ =	shalt  }
0x74: {  	_ =	shalt  }
0x75: {  	_ =	shalt  }
0x76: {  	_ =	shalt  }
0x77: {  	_ =	shalt  }
0x78: {  	_ =	shalt  }
0x79: {  	_ =	shalt  }
0x7a: {  	_ =	shalt  }
0x7b: {  	_ =	shalt  }
0x7c: {  	_ =	shalt  }
0x7d: {  	_ =	shalt  }
0x7e: {  	_ =	shalt  }
0x7f: {  	_ =	shalt  }
0x80: {  	_ =	shalt  }
0x81: {  	_ =	shalt  }
0x82: {  	_ =	shalt  }
0x83: {  	_ =	shalt  }
0x84: {  	_ =	shalt  }
0x85: {  	_ =	shalt  }
0x86: {  	_ =	shalt  }
0x87: {  	_ =	shalt  }
.Lfunc_end0:
.L_simem_size_0:
called_computation.10_lowered:
.L_overlay_start_0:
0x88: {  	s2 =	sld [smem:$0x3FD9]  }
0x89: {  	s3 =	sld [smem:$0x3FFE];
	_ =	sdelay $0x1  }
0x8a: {  	s1 =	srdreg.scid  }
0x8b: {  	s0 =	sand.u32 $0x1, s1  }
0x8c: {  	s16 =	sshll.u32 s0, $0xA;
	s2 =	sadd.s32 s3, s2  }
0x8d: {  	s2 =	sadd.s32 s2, s16  }
0x8e: {  	[smem:$0x3FB9] =	sst s2  }
0x8f: {  	_ = 	snop  }
0x90: {  	(tm) =	ssettm $0x1  }
0x91: {  	s17 =	sld [smem:$0x3FFB];
	_ =	sdelay $0x3  }
0x92: {  	_ =	strace s17  }
0x93: {  	s2 =	sld [smem:$0x3FFC];
	_ =	sdelay $0x3  }
0x94: {  	_ =	strace s2  }
0x95: {  	s2 =	sld [smem:$0x3FFD];
	_ =	sdelay $0x3  }
0x96: {  	_ =	strace s2  }
0x97: {  	_ =	strace $0x8FFFFFFF  }
0x98: {  	s18 =	sld [smem:$0x3FDB];
	_ =	sdelay $0x1  }
0x99: {  	s19 =	simm.s32 $_scs_section_size  }
0x9a: {  	s4 =	simm.s32 $_size__tile_overlayer_lowered;
	s5 =	simm.s32 $_tile_overlayer_lowered  }
0x9b: {  	s22 =	simm.s32 $0x1BFF;
	s21 =	sshll.u32 s5, $0x1;
	s2 =	sadd.s32 s19, s18  }
0x9c: {  	s6 =	simm.s32 $0x0;
	s20 =	sshll.u32 s4, $0x1;
	s4 =	sadd.s32 s21, s2  }
0x9d: {  	[timem:s6], [sflag:s22] =	dma.local [hbm:s4], s20  }
0x9e: {  	_ =	swait.ge [sflag:s22], s20  }
0x9f: {  	s3 =	ssub.s32 $0x0, s20;
	[sflag:s22] =	ssyncset.done $0x0  }
0xa0: {  	[sflag:s22] =	ssyncadd.s32 s3;
	_ =	sdelay $0x1  }
0xa1: {  	s23 =	simm.s32 $0x1B8B  }
0xa2: {  	_ =	swait.ge [sflag:s23], $0x1  }
0xa3: {  	[sflag:s23] =	ssyncset.done $0x0  }
0xa4: {  	s25 =	simm.s32 $0x1B8E;
	s24 =	sld [smem:$0x3FFE];
	[sflag:s23] =	ssyncadd.s32 $0xFFFFFFFF  }
0xa5: {  	s26 =	simm.s32 $execute0_lowered;
	[smem:$0x3FD2] =	sst s25  }
0xa6: {  	s4 =	sshll.u32 s26, $0x1;
	_ =	strace $0x80000064;
	[dreg:$0x1] =	wrdreg $0xFFFFFFFF  }
0xa7: {  	s28 =	simm.s32 $_size_execute0_lowered;
	s2 =	sadd.s32 s2, s4;
	[dreg:$0x0] =	wrdreg $0x0  }
0xa8: {  	s4 =	sshll.u32 s28, $0x1;
	[dreg:$0x2] =	wrdreg s2  }
0xa9: {  	[dreg:$0x3] =	wrdreg s4  }
0xaa: {  	[dreg:$0x4] =	wrdreg $0xC0  }
0xab: {  	_ =	task [dreg:s6], $0x5FFFF  }
0xac: {  	[dreg:$0x1] =	wrdreg $0xFFFFFFFF  }
0xad: {  	[dreg:$0x0] =	wrdreg $0x60  }
0xae: {  	[dreg:$0x2] =	wrdreg s24  }
0xaf: {  	[dreg:$0x3] =	wrdreg $0x81000  }
0xb0: {  	[dreg:$0x4] =	wrdreg $0x9  }
0xb1: {  	_ =	task.clear_ibuf [dreg:s6], $0x5FFFF;
	_ =	strace $0x90000064  }
0xb2: {  	s29 =	simm.s32 $0x9;
	_ =	strace $0x80000066  }
0xb3: {  	_ =	swait.ge [sflag:s29], $0x1  }
0xb4: {  	[sflag:s29] =	ssyncadd.s32 $0xFFFFFFFF  }
0xb5: {  	_ =	strace $0x90000066  }
0xb6: {  	_ =	sfence  }
0xb7: {  	s30 =	sld [smem:$0x0];
	_ =	sdelay $0x2  }
0xb8: {  	s31 =	sshll.u32 s1, $0xD;
	s1 =	sshrl.u32 s1, $0x2  }
0xb9: {  	s3 =	sand.u32 $0x4000, s31;
	s1 =	sadd.s32 s1, s30  }
0xba: {  	s0 =	sor.u32 s3, s0;
	s1 =	sshll.u32 s1, $0x11  }
0xbb: {  	s0 =	sor.u32 s1, s0  }
0xbc: {  	s0 =	sadd.s32 $0x8F2B, s0  }
0xbd: {  	[sflag:s0] =	ssyncadd.remote.s32 $0x1  }
0xbe: {  	_ =	sfence.sel $0xFFFF  }
0xbf: {  	[dreg:$0x0] =	wrdreg $0xFFFFFFFF;
	(pc) =	sbr.abs _section_cstart, $3  }
0xc0: {  	[dreg:$0x1] =	wrdreg $0xFFFFFFFF  }
0xc1: {  	_ =	task.clear_ibuf [dreg:s6], $0x2FFFF;
	_ =	strace $0x9FFFFFFF  }
0xc2: {  	(tm) =	ssettm $0x7FFFFFFF  }
0xc3: {  	_ =	shalt  }
tec
execute0_lowered:
.L_overlay_start_1:
0x0: {  	(tag) =	ssettag $0x1  }
0x1: {  	s6 =	rddreg [dreg:$0x0]  }
0x2: {  	s2 =	rddreg [dreg:$0x1]  }
0x3: {  	s0 =	rddreg [dreg:$0x2];
	s1 =	stileid.u32  }
0x4: {  	s3 =	simm.s32 $0x0;
	s4 =	srdreg.scid;
	s7 =	smul.u32 $0x2800, s1  }
0x5: {  	[smem:$0x7FF] =	sst s3;
	s13 =	sand.u32 $0x1, s4;
	s10 =	smul.u32 $0x50000, s1  }
0x6: {  	s16 =	sadd.s32 $0x2E4C00, s6;
	s4 =	sadd.s32 $0xE000, s6;
	s15 =	smul.u32 $0x50, s1  }
0x7: {  	s5 =	sadd.s32 $0x13000, s6;
	s19 =	sshll.u32 s1, $0x1;
	s30 =	smul.u32 $0x500, s1  }
0x8: {  	s24 =	sshll.u32 s1, $0x6;
	s8 =	smul.u32 $0x28000, s13;
	s9 =	ssub.s32 $0x2, s13  }
0x9: {  	_ =	strace $0x80000065;
	s18 =	smul.u32 $0x28, s13;
	s20 =	sshrl.u32 s9, $0x1  }
0xa: {  	s22 =	sshrl.u32 s10, $0x2;
	s7 =	sadd.s32 s7, s8;
	s8 =	sor.u32 s13, s19  }
0xb: {  	s12 =	ssub.s32 s9, s20;
	s17 =	sadd.s32 s22, s2;
	s20 =	smul.u32 $0x280, s13  }
0xc: {  	s15 =	sadd.s32 s18, s15;
	s18 =	simm.s32 $0x3;
	s21 =	smul.u32 $0x28, s8  }
0xd: {  	s22 =	simm.s32 $0x4100;
	s11 =	sadd.s32 s7, s6;
	s23 =	smul.u32 $0x280, s8  }
0xe: {  	s8 =	smul.u32 $0x14000, s8;
	s6 =	sor.u32 $0x1C03, s24;
	s10 =	smax.u32 s12, $0x1  }
0xf: {  	s29 =	sor.u32 $0x2, s15;
	s31 =	sshll.u32 s15, $0xB;
	s17 =	sshrl.u32 s17, $0x3  }
0x10: {  	s24 =	simm.s32 $0x0;
	s9 =	sadd.s32 $0x564C00, s11;
	s15 =	sadd.s32 s20, s30  }
0x11: {  	s20 =	simm.s32 $0x1;
	s14 =	sadd.s32 $0x26, s21;
	s7 =	sadd.s32 s4, s23  }
0x12: {  	s8 =	sadd.s32 s16, s8;
	s21 =	simm.s32 $0x80;
	s23 =	simm.s32 $0x2  }
0x13: {  	s25 =	sshll.u32 s14, $0x4;
	s28 =	sshll.u32 s14, $0xB;
	s14 =	sshrl.u32 s29, $0x1  }
0x14: {  	s26 =	sand.u32 $0xFF80, s25;
	s12 =	sadd.s32 s28, s16;
	s19 =	sshll.u32 s14, $0xC  }
0x15: {  	s14 =	sshll.u32 s14, $0x5;
	s11 =	sadd.s32 s4, s26;
	s12 =	sadd.s32 $0x800, s12  }
0x16: {  	s13 =	sadd.s32 s19, s16;
	s14 =	sadd.s32 s14, s4;
	s16 =	sadd.s32 s31, s16  }
0x17: {  	s19 =	simm.s32 $0x100;
	s11 =	sadd.s32 $0x70, s11;
	s16 =	sadd.s32 $0x800, s16  }
.LBB2_1:
0x18: {  	[spmem:s17], [sflag:s6] =	dma.local [hbm:s5], $0x2800  }
0x19: {  	_ =	swait.ge [sflag:s18], $0x2800  }
0x1a: {  	[sflag:s18] =	ssyncset.done $0x0  }
0x1b: {  	[sflag:s18] =	ssyncadd.s32 $0xFFFFD800  }
0x1c: {  	[bflag:$0x0] =	sbarrier.arrive $0xFFFF  }
0x1d: {  	[tilespmem:s3], [sflag:$0x3] =	stream.linear.gather [hbm4b:s7+s3], $0x80, $0x38;
	[tilespmem:$0x1C100] =	vst v63  }
0x1e: {  	_ =	swait.ge [sflag:s18], $0x80  }
0x1f: {  	[sflag:s18] =	ssyncset.done $0x0  }
0x20: {  	[sflag:s18] =	ssyncadd.s32 $0xFFFFFF80  }
0x21: {  	[tilespmem:s19], [sflag:$0x1] =	stream.linear.gather [hbm4b:s8+s3], $0x4000, $0x38;
	[tilespmem:$0x1C100] =	vst v63  }
0x22: {  	s25 =	sand.u32 $0xFFFFF80, s15;
	s26 =	sadd.s32 $0x10, s15;
	_ =	swait.ge [sflag:s20], $0x4000  }
0x23: {  	s26 =	sand.u32 $0x70, s26;
	s25 =	sadd.s32 s4, s25;
	[sflag:s20] =	ssyncset.done $0x0  }
0x24: {  	s25 =	sadd.s32 s26, s25;
	[sflag:s20] =	ssyncadd.s32 $0xFFFFC000  }
0x25: {  	[tilespmem:s21], [sflag:$0x3] =	stream.linear.gather [hbm4b:s25+s3], $0x80, $0x38;
	[tilespmem:$0x1C100] =	vst v63  }
0x26: {  	_ =	swait.ge [sflag:s18], $0x80  }
0x27: {  	[sflag:s18] =	ssyncset.done $0x0  }
0x28: {  	s30 =	sadd.s32 $0x0, s16;
	[sflag:s18] =	ssyncadd.s32 $0xFFFFFF80  }
0x29: {  	[tilespmem:s22], [sflag:$0x2] =	stream.linear.gather [hbm4b:s30+s3], $0x4000, $0x38;
	[tilespmem:$0x1C100] =	vst v63  }
0x2a: {  	_ = 	snop  }
0x2b: {  	[spmem:s2] =	stream.indirect.scatter.add.f32 [tilespmem:s19], [sflag:$0x3], $0x80, s3, s21, $0xb8;
	[tilespmem:$0x1C100] =	vst v63  }
0x2c: {  	_ =	swait.ge [sflag:s18], $0x4000  }
0x2d: {  	[sflag:s18] =	ssyncset.done $0x0  }
0x2e: {  	[sflag:s18] =	ssyncadd.s32 $0xFFFFC000  }
0x2f: {  	_ =	swait.ge [sflag:s23], $0x4000  }
0x30: {  	[sflag:s23] =	ssyncset.done $0x0  }
0x31: {  	[sflag:s23] =	ssyncadd.s32 $0xFFFFC000  }
0x32: {  	[tilespmem:s3], [sflag:$0x3] =	stream.linear.gather [hbm4b:s14+s3], $0x80, $0x38;
	[tilespmem:$0x1C100] =	vst v63  }
0x33: {  	_ =	swait.ge [sflag:s18], $0x80  }
0x34: {  	[sflag:s18] =	ssyncset.done $0x0  }
0x35: {  	s31 =	sadd.s32 $0x0, s13;
	[sflag:s18] =	ssyncadd.s32 $0xFFFFFF80  }
0x36: {  	[tilespmem:s19], [sflag:$0x1] =	stream.linear.gather [hbm4b:s31+s3], $0x4000, $0x38;
	[tilespmem:$0x1C100] =	vst v63  }
0x37: {  	_ = 	snop  }
0x38: {  	[spmem:s2] =	stream.indirect.scatter.add.f32 [tilespmem:s22], [sflag:$0x3], $0x80, s21, s21, $0xb8;
	[tilespmem:$0x1C100] =	vst v63  }
0x39: {  	s28 =	smov.u32 s15;
	_ =	swait.ge [sflag:s18], $0x4000  }
0x3a: {  	s26 =	smov.u32 s14;
	s25 =	simm.s32 $0x1000;
	[sflag:s18] =	ssyncset.done $0x0  }
.LBB2_2:
0x3b: {  	[sflag:s18] =	ssyncadd.s32 $0xFFFFC000  }
0x3c: {  	s26 =	sadd.s32 $0x20, s26;
	s28 =	sadd.s32 $0x20, s28;
	s29 =	smov.u32 s25  }
0x3d: {  	p0 =	sne.s32 s25, $0x12000;
	s25 =	sadd.s32 $0x1000, s25;
	_ =	swait.ge [sflag:s20], $0x4000  }
0x3e: {  	s30 =	sand.u32 $0xFFFFF80, s28;
	s31 =	sadd.s32 $0x10, s28;
	[sflag:s20] =	ssyncset.done $0x0  }
0x3f: {  	s31 =	sand.u32 $0x70, s31;
	s30 =	sadd.s32 s4, s30;
	[sflag:s20] =	ssyncadd.s32 $0xFFFFC000  }
0x40: {  	s30 =	sadd.s32 s31, s30  }
0x41: {  	[tilespmem:s21], [sflag:$0x3] =	stream.linear.gather [hbm4b:s30+s3], $0x80, $0x38;
	[tilespmem:$0x1C100] =	vst v63  }
0x42: {  	_ =	swait.ge [sflag:s18], $0x80  }
0x43: {  	[sflag:s18] =	ssyncset.done $0x0  }
0x44: {  	s30 =	sadd.s32 s29, s16;
	[sflag:s18] =	ssyncadd.s32 $0xFFFFFF80  }
0x45: {  	[tilespmem:s22], [sflag:$0x2] =	stream.linear.gather [hbm4b:s30+s3], $0x4000, $0x38;
	[tilespmem:$0x1C100] =	vst v63  }
0x46: {  	_ = 	snop  }
0x47: {  	[spmem:s2] =	stream.indirect.scatter.add.f32 [tilespmem:s19], [sflag:$0x3], $0x80, s3, s21, $0xb8;
	[tilespmem:$0x1C100] =	vst v63  }
0x48: {  	_ =	swait.ge [sflag:s18], $0x4000  }
0x49: {  	[sflag:s18] =	ssyncset.done $0x0  }
0x4a: {  	[sflag:s18] =	ssyncadd.s32 $0xFFFFC000  }
0x4b: {  	_ =	swait.ge [sflag:s23], $0x4000  }
0x4c: {  	[sflag:s23] =	ssyncset.done $0x0  }
0x4d: {  	[sflag:s23] =	ssyncadd.s32 $0xFFFFC000  }
0x4e: {  	[tilespmem:s3], [sflag:$0x3] =	stream.linear.gather [hbm4b:s26+s3], $0x80, $0x38;
	[tilespmem:$0x1C100] =	vst v63  }
0x4f: {  	_ =	swait.ge [sflag:s18], $0x80  }
0x50: {  	[sflag:s18] =	ssyncset.done $0x0  }
0x51: {  	s29 =	sadd.s32 s29, s13;
	[sflag:s18] =	ssyncadd.s32 $0xFFFFFF80  }
0x52: {  	[tilespmem:s19], [sflag:$0x1] =	stream.linear.gather [hbm4b:s29+s3], $0x4000, $0x38;
	[tilespmem:$0x1C100] =	vst v63  }
.Ltmp0:
0x53: {  	_ = 	snop;
	(pc) =	sbr.rel @p0 .LBB2_2-.Ltmp0, $4  }
0x54: {  	_ = 	snop  }
0x55: {  	[spmem:s2] =	stream.indirect.scatter.add.f32 [tilespmem:s22], [sflag:$0x3], $0x80, s21, s21, $0xb8;
	[tilespmem:$0x1C100] =	vst v63  }
0x56: {  	_ =	swait.ge [sflag:s18], $0x4000  }
0x57: {  	[sflag:s18] =	ssyncset.done $0x0  }
0x58: {  	[sflag:s18] =	ssyncadd.s32 $0xFFFFC000  }
0x59: {  	_ =	swait.ge [sflag:s20], $0x4000  }
0x5a: {  	[sflag:s20] =	ssyncset.done $0x0  }
0x5b: {  	[sflag:s20] =	ssyncadd.s32 $0xFFFFC000  }
0x5c: {  	[tilespmem:s21], [sflag:$0x3] =	stream.linear.gather [hbm4b:s11+s3], $0x80, $0x38;
	[tilespmem:$0x1C100] =	vst v63  }
0x5d: {  	_ =	swait.ge [sflag:s18], $0x80  }
0x5e: {  	[sflag:s18] =	ssyncset.done $0x0  }
0x5f: {  	[sflag:s18] =	ssyncadd.s32 $0xFFFFFF80  }
0x60: {  	[tilespmem:s22], [sflag:$0x2] =	stream.linear.gather [hbm4b:s12+s3], $0x4000, $0x38;
	[tilespmem:$0x1C100] =	vst v63  }
0x61: {  	_ = 	snop  }
0x62: {  	[spmem:s2] =	stream.indirect.scatter.add.f32 [tilespmem:s19], [sflag:$0x3], $0x80, s3, s21, $0xb8;
	[tilespmem:$0x1C100] =	vst v63  }
0x63: {  	_ =	swait.ge [sflag:s18], $0x4000  }
0x64: {  	[sflag:s18] =	ssyncset.done $0x0  }
0x65: {  	[sflag:s18] =	ssyncadd.s32 $0xFFFFC000  }
0x66: {  	_ =	swait.ge [sflag:s23], $0x4000  }
0x67: {  	[sflag:s23] =	ssyncset.done $0x0  }
0x68: {  	[sflag:s23] =	ssyncadd.s32 $0xFFFFC000  }
0x69: {  	[spmem:s2] =	stream.indirect.scatter.add.f32 [tilespmem:s22], [sflag:$0x3], $0x80, s21, s21, $0xb8;
	[tilespmem:$0x1C100] =	vst v63  }
0x6a: {  	_ =	swait.ge [sflag:s18], $0x4000  }
0x6b: {  	s24 =	sadd.s32 $0x1, s24;
	[sflag:s18] =	ssyncset.done $0x0  }
0x6c: {  	p0 =	sne.s32 s24, s10;
	[sflag:s18] =	ssyncadd.s32 $0xFFFFC000  }
.Ltmp1:
0x6d: {  	[bflag:$0x0] =	sbarrier.arrive $0xFFFF;
	(pc) =	sbr.rel @p0 .LBB2_1-.Ltmp1, $4  }
0x6e: {  	[hbm:s9], [sflag:s6] =	dma.local [spmem:s17], $0x2800  }
0x6f: {  	_ =	swait.ge [sflag:s18], $0x2800  }
0x70: {  	[sflag:s18] =	ssyncset.done $0x0  }
0x71: {  	[sflag:s18] =	ssyncadd.s32 $0xFFFFD800  }
0x72: {  	_ =	sfence.sel $0x180000  }
0x73: {  	[bflag:$0x0] =	sbarrier.arrive $0xFFFF  }
0x74: {  	p0 =	sne.s32 s1, $0x0;
	_ =	strace $0x90000065  }
0x75: {  	s0 =	sadd.s32 @!p0 $0x100000, s0;
	[bflag:$0x2] =	sbarrier.arrive $0xFFFF  }
0x76: {  	[sflag:s0] =	ssyncadd.tile.s32 @!p0 $0x1;
	_ =	shalt  }
.Lfunc_end2:
_tile_overlayer_lowered:
.L_overlay_start_2:
0x77: {  	(tag) =	ssettag $0x2  }
0x78: {  	s0 =	rddreg [dreg:$0x0];
	s2 =	stileid.u32  }
0x79: {  	s1 =	rddreg [dreg:$0x1];
	p0 =	sne.s32 s2, $0x0  }
0x7a: {  	s3 =	rddreg [dreg:$0x2];
	[bflag:$0x3] =	sbarrier.arrive $0xFFFF;
	s2 =	simm.s32 @!p0 $0x1C03  }
0x7b: {  	[timem:s3], [sflag:s2] =	dma.local @!p0 [hbm:s0], s1  }
0x7c: {  	s0 =	simm.s32 @!p0 $0x3  }
0x7d: {  	_ =	swait.ge @!p0 [sflag:s0], s1  }
0x7e: {  	s1 =	ssub.s32 @!p0 $0x0, s1;
	[sflag:s0] =	ssyncset.done @!p0 $0x0  }
0x7f: {  	[sflag:s0] =	ssyncadd.s32 @!p0 s1  }
0x80: {  	[bflag:$0x3] =	sbarrier.arrive $0xFFFF  }
0x81: {  	_ =	shalt  }

// kernel: kernel.63.cloned.1.call-start
scs
__scs_entry_jumppad:
0x0: {  	(pc) =	sbr.rel $0x88, $3  }
0x1: {  	(tag) =	ssettag $0x0;
	lr =	simm.s32 $0x1  }
0x2: {  	[smem:$0x3F92] =	sst lr;
	_ =	strace $0xD0000000  }
0x3: {  	_ = 	snop  }
0x4: {  	_ = 	snop  }
0x5: {  	_ = 	snop  }
0x6: {  	_ = 	snop  }
0x7: {  	_ = 	snop  }
__scs_overlays_trampoline_lowered:
0x8: {  	[smem:$0x3FA1] =	sst s0  }
0x9: {  	[smem:$0x3FA2] =	sst s1  }
0xa: {  	[smem:$0x3FA3] =	sst s2  }
0xb: {  	[smem:$0x3FA4] =	sst s3  }
0xc: {  	[smem:$0x3FA5] =	sst s4  }
0xd: {  	[smem:$0x3FA6] =	sst s5  }
0xe: {  	[smem:$0x3FA7] =	sst s6  }
0xf: {  	[smem:$0x3FA8] =	sst s7  }
0x10: {  	[smem:$0x3FA9] =	sst s8  }
0x11: {  	[smem:$0x3FAA] =	sst s9;
	s0 =	simm.s32 @!p0 $0x0  }
0x12: {  	s1 =	sld [smem:$0x3F90];
	s0 =	simm.s32 @p0 $0x1  }
0x13: {  	[smem:$0x3FAB] =	sst s0;
	s0 =	simm.s32 @!p1 $0x0  }
0x14: {  	s2 =	sld [smem:$0x3F8F];
	s0 =	simm.s32 @p1 $0x1  }
0x15: {  	[smem:$0x3FAC] =	sst s0;
	s0 =	simm.s32 @!p2 $0x0  }
0x16: {  	s3 =	sld [smem:$0x3FDB];
	s0 =	simm.s32 @p2 $0x1  }
0x17: {  	s4 =	simm.s32 $0x1BF5;
	[smem:$0x3FAE] =	sst s0  }
0x18: {  	s0 =	sld [smem:$0x3F91];
	_ =	swait.ge [sflag:s4], $0x0  }
0x19: {  	s7 =	sld [smem:$0x3F92]  }
0x1a: {  	s8 =	sadd.s32 $0xFFFFE003, lr  }
0x1b: {  	s9 =	sadd.s32 $0xFFFFFEF7, lr;
	s5 =	simm.s32 $0xFFFFFFFF;
	p2 =	slt.u32 s8, $0xFFFFF086  }
0x1c: {  	p1 =	slt.u32 s9, $0xF7A;
	s5 =	simm.s32 @!p2 $0x0  }
0x1d: {  	s5 =	simm.s32 @p1 $0x1;
	p0 =	seq.s32 s7, s2  }
0x1e: {  	s7 =	smul.u32 @!p0 $0xF7A, s2;
	p2 =	seq.s32 @!p0 s5, $0x0  }
0x1f: {  	s9 =	smul.u32 $0xF7A, s1;
	s8 =	simm.s32 @!p0 $0x1BF5;
	p2 =	por !p2, p0  }
0x20: {  	[sflag:s8] =	ssyncset.s32 @!p0 $0xFFFFF086;
	s6 =	sadd.s32 @!p0 s3, s7;
	s7 =	simm.s32 @!p0 $0x108  }
0x21: {  	s3 =	sadd.s32 s3, s9;
	s6 =	sadd.s32 @!p0 $0x88, s6;
	s7 =	simm.s32 @p2 $0x1082  }
0x22: {  	[simem:s7], [sflag:s8] =	dma.local @!p0 [hbm:s6], $0xF7A  }
0x23: {  	s9 =	sor.u32 $0xD0000000, s2;
	s6 =	simm.s32 $0x108;
	_ =	swait.ge @!p0 [sflag:s8], $0x0  }
0x24: {  	s3 =	sadd.s32 $0x88, s3;
	s6 =	simm.s32 @!p1 $0x1082;
	[sflag:s4] =	ssyncset.s32 $0xFFFFF086  }
0x25: {  	[simem:s6], [sflag:s4] =	dma.local [hbm:s3], $0xF7A  }
0x26: {  	[smem:$0x3F92] =	sst s1;
	(tag) =	ssettag s2;
	_ =	strace s9  }
0x27: {  	s1 =	sld [smem:$0x3FA2]  }
0x28: {  	s2 =	sld [smem:$0x3FA3]  }
0x29: {  	s4 =	sld [smem:$0x3FA5]  }
0x2a: {  	p0 =	seq.s32 s5, $0x0;
	s5 =	sld [smem:$0x3FA6]  }
0x2b: {  	s6 =	sld [smem:$0x3FA7]  }
0x2c: {  	s7 =	sld [smem:$0x3FA8]  }
0x2d: {  	s3 =	simm.s32 $0x108;
	s8 =	sld [smem:$0x3FA9]  }
0x2e: {  	s3 =	simm.s32 @!p0 $0x1082;
	s9 =	sld [smem:$0x3FAA]  }
0x2f: {  	lr =	sadd.s32 s0, s3;
	s0 =	sld [smem:$0x3FA1]  }
0x30: {  	s3 =	sld [smem:$0x3FA4]  }
0x31: {  	[smem:$0x3FAD] =	sst s10  }
0x32: {  	s10 =	sld [smem:$0x3FAB];
	_ =	sdelay $0x3  }
0x33: {  	p0 =	seq.s32 s10, $0x1;
	s10 =	sld [smem:$0x3FAD];
	_ =	sdelay $0x3  }
0x34: {  	[smem:$0x3FAD] =	sst s10  }
0x35: {  	s10 =	sld [smem:$0x3FAC];
	_ =	sdelay $0x3  }
0x36: {  	p1 =	seq.s32 s10, $0x1;
	s10 =	sld [smem:$0x3FAD];
	_ =	sdelay $0x3  }
0x37: {  	[smem:$0x3FAD] =	sst s10  }
0x38: {  	s10 =	sld [smem:$0x3FAE]  }
0x39: {  	_ = 	snop;
	(pc) =	sbr.ind lr, $3  }
0x3a: {  	_ = 	snop  }
0x3b: {  	_ = 	snop  }
0x3c: {  	p2 =	seq.s32 s10, $0x1;
	s10 =	sld [smem:$0x3FAD]  }
0x3d: {  	_ =	shalt  }
0x3e: {  	_ =	shalt  }
0x3f: {  	_ =	shalt  }
0x40: {  	_ =	shalt  }
0x41: {  	_ =	shalt  }
0x42: {  	_ =	shalt  }
0x43: {  	_ =	shalt  }
0x44: {  	_ =	shalt  }
0x45: {  	_ =	shalt  }
0x46: {  	_ =	shalt  }
0x47: {  	_ =	shalt  }
0x48: {  	_ =	shalt  }
0x49: {  	_ =	shalt  }
0x4a: {  	_ =	shalt  }
0x4b: {  	_ =	shalt  }
0x4c: {  	_ =	shalt  }
0x4d: {  	_ =	shalt  }
0x4e: {  	_ =	shalt  }
0x4f: {  	_ =	shalt  }
0x50: {  	_ =	shalt  }
0x51: {  	_ =	shalt  }
0x52: {  	_ =	shalt  }
0x53: {  	_ =	shalt  }
0x54: {  	_ =	shalt  }
0x55: {  	_ =	shalt  }
0x56: {  	_ =	shalt  }
0x57: {  	_ =	shalt  }
0x58: {  	_ =	shalt  }
0x59: {  	_ =	shalt  }
0x5a: {  	_ =	shalt  }
0x5b: {  	_ =	shalt  }
0x5c: {  	_ =	shalt  }
0x5d: {  	_ =	shalt  }
0x5e: {  	_ =	shalt  }
0x5f: {  	_ =	shalt  }
0x60: {  	_ =	shalt  }
0x61: {  	_ =	shalt  }
0x62: {  	_ =	shalt  }
0x63: {  	_ =	shalt  }
0x64: {  	_ =	shalt  }
0x65: {  	_ =	shalt  }
0x66: {  	_ =	shalt  }
0x67: {  	_ =	shalt  }
0x68: {  	_ =	shalt  }
0x69: {  	_ =	shalt  }
0x6a: {  	_ =	shalt  }
0x6b: {  	_ =	shalt  }
0x6c: {  	_ =	shalt  }
0x6d: {  	_ =	shalt  }
0x6e: {  	_ =	shalt  }
0x6f: {  	_ =	shalt  }
0x70: {  	_ =	shalt  }
0x71: {  	_ =	shalt  }
0x72: {  	_ =	shalt  }
0x73: {  	_ =	shalt  }
0x74: {  	_ =	shalt  }
0x75: {  	_ =	shalt  }
0x76: {  	_ =	shalt  }
0x77: {  	_ =	shalt  }
0x78: {  	_ =	shalt  }
0x79: {  	_ =	shalt  }
0x7a: {  	_ =	shalt  }
0x7b: {  	_ =	shalt  }
0x7c: {  	_ =	shalt  }
0x7d: {  	_ =	shalt  }
0x7e: {  	_ =	shalt  }
0x7f: {  	_ =	shalt  }
0x80: {  	_ =	shalt  }
0x81: {  	_ =	shalt  }
0x82: {  	_ =	shalt  }
0x83: {  	_ =	shalt  }
0x84: {  	_ =	shalt  }
0x85: {  	_ =	shalt  }
0x86: {  	_ =	shalt  }
0x87: {  	_ =	shalt  }
.Lfunc_end0:
.L_simem_size_0:
called_computation.11_lowered:
.L_overlay_start_0:
0x88: {  	s2 =	sld [smem:$0x3FD9]  }
0x89: {  	s3 =	sld [smem:$0x3FFE];
	_ =	sdelay $0x1  }
0x8a: {  	s1 =	srdreg.scid  }
0x8b: {  	s0 =	sand.u32 $0x1, s1  }
0x8c: {  	s16 =	sshll.u32 s0, $0xA;
	s2 =	sadd.s32 s3, s2  }
0x8d: {  	s2 =	sadd.s32 s2, s16  }
0x8e: {  	[smem:$0x3FB9] =	sst s2  }
0x8f: {  	_ = 	snop  }
0x90: {  	(tm) =	ssettm $0x1  }
0x91: {  	s17 =	sld [smem:$0x3FFB];
	_ =	sdelay $0x3  }
0x92: {  	_ =	strace s17  }
0x93: {  	s2 =	sld [smem:$0x3FFC];
	_ =	sdelay $0x3  }
0x94: {  	_ =	strace s2  }
0x95: {  	s2 =	sld [smem:$0x3FFD];
	_ =	sdelay $0x3  }
0x96: {  	_ =	strace s2  }
0x97: {  	_ =	strace $0x8FFFFFFF  }
0x98: {  	s18 =	sld [smem:$0x3FDB];
	_ =	sdelay $0x1  }
0x99: {  	s19 =	simm.s32 $_scs_section_size  }
0x9a: {  	s4 =	simm.s32 $_size__tile_overlayer_lowered;
	s5 =	simm.s32 $_tile_overlayer_lowered  }
0x9b: {  	s22 =	simm.s32 $0x1BFF;
	s21 =	sshll.u32 s5, $0x1;
	s2 =	sadd.s32 s19, s18  }
0x9c: {  	s6 =	simm.s32 $0x0;
	s20 =	sshll.u32 s4, $0x1;
	s4 =	sadd.s32 s21, s2  }
0x9d: {  	[timem:s6], [sflag:s22] =	dma.local [hbm:s4], s20  }
0x9e: {  	_ =	swait.ge [sflag:s22], s20  }
0x9f: {  	s3 =	ssub.s32 $0x0, s20;
	[sflag:s22] =	ssyncset.done $0x0  }
0xa0: {  	[sflag:s22] =	ssyncadd.s32 s3;
	_ =	sdelay $0x1  }
0xa1: {  	s23 =	simm.s32 $0x1B8B  }
0xa2: {  	_ =	swait.ge [sflag:s23], $0x1  }
0xa3: {  	[sflag:s23] =	ssyncset.done $0x0  }
0xa4: {  	s25 =	simm.s32 $0x1B8E;
	s24 =	sld [smem:$0x3FFE];
	[sflag:s23] =	ssyncadd.s32 $0xFFFFFFFF  }
0xa5: {  	s26 =	simm.s32 $execute0_lowered;
	[smem:$0x3FD2] =	sst s25  }
0xa6: {  	s4 =	sshll.u32 s26, $0x1;
	_ =	strace $0x80000067;
	[dreg:$0x1] =	wrdreg $0xFFFFFFFF  }
0xa7: {  	s28 =	simm.s32 $_size_execute0_lowered;
	s2 =	sadd.s32 s2, s4;
	[dreg:$0x0] =	wrdreg $0x0  }
0xa8: {  	s4 =	sshll.u32 s28, $0x1;
	[dreg:$0x2] =	wrdreg s2  }
0xa9: {  	[dreg:$0x3] =	wrdreg s4  }
0xaa: {  	[dreg:$0x4] =	wrdreg $0xC0  }
0xab: {  	_ =	task [dreg:s6], $0x5FFFF  }
0xac: {  	[dreg:$0x1] =	wrdreg $0xFFFFFFFF  }
0xad: {  	[dreg:$0x0] =	wrdreg $0x60  }
0xae: {  	[dreg:$0x2] =	wrdreg s24  }
0xaf: {  	[dreg:$0x3] =	wrdreg $0x9  }
0xb0: {  	_ =	task.clear_ibuf [dreg:s6], $0x4FFFF;
	_ =	strace $0x90000067  }
0xb1: {  	s29 =	simm.s32 $0x9;
	_ =	strace $0x80000069  }
0xb2: {  	_ =	swait.ge [sflag:s29], $0x1  }
0xb3: {  	[sflag:s29] =	ssyncadd.s32 $0xFFFFFFFF  }
0xb4: {  	_ =	strace $0x90000069  }
0xb5: {  	_ =	sfence  }
0xb6: {  	s30 =	sld [smem:$0x0];
	_ =	sdelay $0x2  }
0xb7: {  	s31 =	sshll.u32 s1, $0xD;
	s1 =	sshrl.u32 s1, $0x2  }
0xb8: {  	s3 =	sand.u32 $0x4000, s31;
	s1 =	sadd.s32 s1, s30  }
0xb9: {  	s0 =	sor.u32 s3, s0;
	s1 =	sshll.u32 s1, $0x11  }
0xba: {  	s0 =	sor.u32 s1, s0  }
0xbb: {  	s0 =	sadd.s32 $0x8F2B, s0  }
0xbc: {  	[sflag:s0] =	ssyncadd.remote.s32 $0x1  }
0xbd: {  	_ =	sfence.sel $0xFFFF  }
0xbe: {  	[dreg:$0x0] =	wrdreg $0xFFFFFFFF;
	(pc) =	sbr.abs _section_cstart, $3  }
0xbf: {  	[dreg:$0x1] =	wrdreg $0xFFFFFFFF  }
0xc0: {  	_ =	task.clear_ibuf [dreg:s6], $0x2FFFF;
	_ =	strace $0x9FFFFFFF  }
0xc1: {  	(tm) =	ssettm $0x7FFFFFFF  }
tec
execute0_lowered:
.L_overlay_start_1:
0x0: {  	(tag) =	ssettag $0x1  }
0x1: {  	s4 =	rddreg [dreg:$0x0]  }
0x2: {  	s0 =	rddreg [dreg:$0x1]  }
0x3: {  	s2 =	simm.s32 $0x0;
	s1 =	stileid.u32;
	s3 =	srdreg.scid  }
0x4: {  	s12 =	simm.s32 $0x100;
	s13 =	simm.s32 $0x8200;
	s14 =	simm.s32 $0x180  }
0x5: {  	s15 =	simm.s32 $0xC200;
	s16 =	simm.s32 $0x1;
	s5 =	smul.u32 $0x28000, s1  }
0x6: {  	s17 =	simm.s32 $0x0;
	s6 =	sand.u32 $0x1, s3;
	s10 =	smul.u32 $0x500, s1  }
0x7: {  	[smem:$0x7FF] =	sst s2;
	s3 =	sadd.s32 $0x15800, s4;
	s8 =	smul.u32 $0x14000, s6  }
0x8: {  	_ =	strace $0x80000068;
	s7 =	ssub.s32 $0x2, s6;
	s30 =	smul.u32 $0x280, s6  }
0x9: {  	s9 =	sshrl.u32 s7, $0x1;
	s11 =	sadd.s32 s5, s4;
	s4 =	sadd.s32 $0x9000, s4  }
0xa: {  	s29 =	ssub.s32 s7, s9;
	s31 =	sadd.s32 s8, s11;
	s7 =	sadd.s32 s30, s10  }
0xb: {  	s8 =	simm.s32 $0x2;
	s9 =	simm.s32 $0x80;
	s10 =	simm.s32 $0x200  }
0xc: {  	s11 =	simm.s32 $0x4200;
	s5 =	smax.u32 s29, $0x1;
	s6 =	sadd.s32 $0x63C00, s31  }
.LBB2_1:
0xd: {  	s18 =	sadd.s32 $0x0, s7;
	s19 =	sand.u32 $0x40, s2  }
0xe: {  	s18 =	sand.u32 $0xFFFFF80, s18;
	s19 =	sadd.s32 s4, s19  }
0xf: {  	s18 =	sadd.s32 s18, s19  }
0x10: {  	[tilespmem:s2], [sflag:$0x2] =	stream.linear.gather [hbm4b:s18+s2], $0x200, $0x38;
	[tilespmem:$0x10200] =	vst v63  }
0x11: {  	_ =	swait.ge [sflag:s8], $0x200  }
0x12: {  	[sflag:s8] =	ssyncset.done $0x0  }
0x13: {  	[sflag:s8] =	ssyncadd.s32 $0xFFFFFE00  }
0x14: {  	[tilespmem:s10], [sflag:$0x1] =	stream.indirect.gather [hbm4b:s3+s9], $0x80, s2, s9, $0xb8;
	[tilespmem:$0x10200] =	vst v63  }
0x15: {  	_ = 	snop  }
0x16: {  	[tilespmem:s11], [sflag:$0x1] =	stream.indirect.gather [hbm4b:s3+s9], $0x80, s9, s9, $0xb8;
	[tilespmem:$0x10200] =	vst v63  }
0x17: {  	_ = 	snop  }
0x18: {  	[tilespmem:s13], [sflag:$0x1] =	stream.indirect.gather [hbm4b:s3+s9], $0x80, s12, s9, $0xb8;
	[tilespmem:$0x10200] =	vst v63  }
0x19: {  	_ = 	snop  }
0x1a: {  	[tilespmem:s15], [sflag:$0x1] =	stream.indirect.gather [hbm4b:s3+s9], $0x80, s14, s9, $0xb8;
	[tilespmem:$0x10200] =	vst v63  }
0x1b: {  	_ =	swait.ge [sflag:s16], $0x4000  }
0x1c: {  	[sflag:s16] =	ssyncset.done $0x0  }
0x1d: {  	[sflag:s16] =	ssyncadd.s32 $0xFFFFC000  }
0x1e: {  	_ =	swait.ge [sflag:s16], $0x4000  }
0x1f: {  	[sflag:s16] =	ssyncset.done $0x0  }
0x20: {  	[sflag:s16] =	ssyncadd.s32 $0xFFFFC000  }
0x21: {  	_ =	swait.ge [sflag:s16], $0x4000  }
0x22: {  	[sflag:s16] =	ssyncset.done $0x0  }
0x23: {  	[sflag:s16] =	ssyncadd.s32 $0xFFFFC000  }
0x24: {  	_ =	swait.ge [sflag:s16], $0x4000  }
0x25: {  	s20 =	simm.s32 $0x40;
	[sflag:s16] =	ssyncset.done $0x0  }
0x26: {  	s21 =	sadd.s32 $0x40, s7;
	s22 =	sand.u32 $0x40, s20;
	[sflag:s16] =	ssyncadd.s32 $0xFFFFC000  }
0x27: {  	[hbm4b:s6+s2] =	stream.linear.scatter [tilespmem:s10], [sflag:$0x2], $0x10000, $0x38;
	[tilespmem:$0x10200] =	vst v63  }
0x28: {  	s20 =	sand.u32 $0xFFFFF80, s21;
	s19 =	simm.s32 $0x80;
	_ =	swait.ge [sflag:s8], $0x10000  }
0x29: {  	s21 =	sadd.s32 s4, s22;
	s18 =	sadd.s32 $0x2000, s6;
	[sflag:s8] =	ssyncset.done $0x0  }
.LBB2_2:
0x2a: {  	s20 =	sadd.s32 s20, s21;
	[sflag:s8] =	ssyncadd.s32 $0xFFFF0000  }
0x2b: {  	s21 =	smov.u32 s19;
	s22 =	sadd.s32 $0x40, s19;
	s23 =	smov.u32 s18  }
0x2c: {  	[tilespmem:s2], [sflag:$0x2] =	stream.linear.gather [hbm4b:s20+s2], $0x200, $0x38;
	[tilespmem:$0x10200] =	vst v63  }
0x2d: {  	p0 =	sne.s32 s19, $0x240;
	_ =	swait.ge [sflag:s8], $0x200  }
0x2e: {  	[sflag:s8] =	ssyncset.done $0x0  }
0x2f: {  	[sflag:s8] =	ssyncadd.s32 $0xFFFFFE00  }
0x30: {  	[tilespmem:s10], [sflag:$0x1] =	stream.indirect.gather [hbm4b:s3+s9], $0x80, s2, s9, $0xb8;
	[tilespmem:$0x10200] =	vst v63  }
0x31: {  	_ = 	snop  }
0x32: {  	[tilespmem:s11], [sflag:$0x1] =	stream.indirect.gather [hbm4b:s3+s9], $0x80, s9, s9, $0xb8;
	[tilespmem:$0x10200] =	vst v63  }
0x33: {  	_ = 	snop  }
0x34: {  	[tilespmem:s13], [sflag:$0x1] =	stream.indirect.gather [hbm4b:s3+s9], $0x80, s12, s9, $0xb8;
	[tilespmem:$0x10200] =	vst v63  }
0x35: {  	_ = 	snop  }
0x36: {  	[tilespmem:s15], [sflag:$0x1] =	stream.indirect.gather [hbm4b:s3+s9], $0x80, s14, s9, $0xb8;
	[tilespmem:$0x10200] =	vst v63  }
0x37: {  	_ =	swait.ge [sflag:s16], $0x4000  }
0x38: {  	[sflag:s16] =	ssyncset.done $0x0  }
0x39: {  	[sflag:s16] =	ssyncadd.s32 $0xFFFFC000  }
0x3a: {  	_ =	swait.ge [sflag:s16], $0x4000  }
0x3b: {  	[sflag:s16] =	ssyncset.done $0x0  }
0x3c: {  	[sflag:s16] =	ssyncadd.s32 $0xFFFFC000  }
0x3d: {  	_ =	swait.ge [sflag:s16], $0x4000  }
0x3e: {  	[sflag:s16] =	ssyncset.done $0x0  }
0x3f: {  	[sflag:s16] =	ssyncadd.s32 $0xFFFFC000  }
0x40: {  	_ =	swait.ge [sflag:s16], $0x4000  }
.Ltmp0:
0x41: {  	[sflag:s16] =	ssyncset.done $0x0;
	(pc) =	sbr.rel @p0 .LBB2_2-.Ltmp0, $4  }
0x42: {  	s18 =	sadd.s32 $0x2000, s18;
	s19 =	sadd.s32 s21, s7;
	[sflag:s16] =	ssyncadd.s32 $0xFFFFC000  }
0x43: {  	[hbm4b:s23+s2] =	stream.linear.scatter [tilespmem:s10], [sflag:$0x2], $0x10000, $0x38;
	[tilespmem:$0x10200] =	vst v63  }
0x44: {  	s21 =	sand.u32 $0x40, s21;
	s20 =	sand.u32 $0xFFFFF80, s19;
	_ =	swait.ge [sflag:s8], $0x10000  }
0x45: {  	s21 =	sadd.s32 s4, s21;
	s19 =	smov.u32 s22;
	[sflag:s8] =	ssyncset.done $0x0  }
0x46: {  	s19 =	sadd.s32 s20, s21;
	[sflag:s8] =	ssyncadd.s32 $0xFFFF0000  }
0x47: {  	[tilespmem:s2], [sflag:$0x2] =	stream.linear.gather [hbm4b:s19+s2], $0x200, $0x38;
	[tilespmem:$0x10200] =	vst v63  }
0x48: {  	_ =	swait.ge [sflag:s8], $0x200  }
0x49: {  	[sflag:s8] =	ssyncset.done $0x0  }
0x4a: {  	[sflag:s8] =	ssyncadd.s32 $0xFFFFFE00  }
0x4b: {  	[tilespmem:s10], [sflag:$0x1] =	stream.indirect.gather [hbm4b:s3+s9], $0x80, s2, s9, $0xb8;
	[tilespmem:$0x10200] =	vst v63  }
0x4c: {  	_ = 	snop  }
0x4d: {  	[tilespmem:s11], [sflag:$0x1] =	stream.indirect.gather [hbm4b:s3+s9], $0x80, s9, s9, $0xb8;
	[tilespmem:$0x10200] =	vst v63  }
0x4e: {  	_ = 	snop  }
0x4f: {  	[tilespmem:s13], [sflag:$0x1] =	stream.indirect.gather [hbm4b:s3+s9], $0x80, s12, s9, $0xb8;
	[tilespmem:$0x10200] =	vst v63  }
0x50: {  	_ = 	snop  }
0x51: {  	[tilespmem:s15], [sflag:$0x1] =	stream.indirect.gather [hbm4b:s3+s9], $0x80, s14, s9, $0xb8;
	[tilespmem:$0x10200] =	vst v63  }
0x52: {  	_ =	swait.ge [sflag:s16], $0x4000  }
0x53: {  	[sflag:s16] =	ssyncset.done $0x0  }
0x54: {  	[sflag:s16] =	ssyncadd.s32 $0xFFFFC000  }
0x55: {  	_ =	swait.ge [sflag:s16], $0x4000  }
0x56: {  	[sflag:s16] =	ssyncset.done $0x0  }
0x57: {  	[sflag:s16] =	ssyncadd.s32 $0xFFFFC000  }
0x58: {  	_ =	swait.ge [sflag:s16], $0x4000  }
0x59: {  	[sflag:s16] =	ssyncset.done $0x0  }
0x5a: {  	[sflag:s16] =	ssyncadd.s32 $0xFFFFC000  }
0x5b: {  	s17 =	sadd.s32 $0x1, s17;
	_ =	swait.ge [sflag:s16], $0x4000  }
0x5c: {  	p0 =	sne.s32 s17, s5;
	[sflag:s16] =	ssyncset.done $0x0  }
.Ltmp1:
0x5d: {  	[sflag:s16] =	ssyncadd.s32 $0xFFFFC000;
	(pc) =	sbr.rel @p0 .LBB2_1-.Ltmp1, $4  }
0x5e: {  	[hbm4b:s18+s2] =	stream.linear.scatter [tilespmem:s10], [sflag:$0x2], $0x10000, $0x38;
	[tilespmem:$0x10200] =	vst v63  }
0x5f: {  	_ =	swait.ge [sflag:s8], $0x10000  }
0x60: {  	[sflag:s8] =	ssyncset.done $0x0  }
0x61: {  	[sflag:s8] =	ssyncadd.s32 $0xFFFF0000  }
0x62: {  	_ =	sfence.sel $0x180000  }
0x63: {  	[bflag:$0x0] =	sbarrier.arrive $0xFFFF  }
0x64: {  	p0 =	sne.s32 s1, $0x0;
	_ =	strace $0x90000068  }
0x65: {  	s0 =	sadd.s32 @!p0 $0x100000, s0;
	[bflag:$0x2] =	sbarrier.arrive $0xFFFF  }
0x66: {  	[sflag:s0] =	ssyncadd.tile.s32 @!p0 $0x1;
	_ =	shalt  }
.Lfunc_end2:
_tile_overlayer_lowered:
.L_overlay_start_2:
0x67: {  	(tag) =	ssettag $0x2  }
0x68: {  	s0 =	rddreg [dreg:$0x0];
	s2 =	stileid.u32  }
0x69: {  	s1 =	rddreg [dreg:$0x1];
	p0 =	sne.s32 s2, $0x0  }
0x6a: {  	s3 =	rddreg [dreg:$0x2];
	[bflag:$0x3] =	sbarrier.arrive $0xFFFF;
	s2 =	simm.s32 @!p0 $0x1C02  }
0x6b: {  	[timem:s3], [sflag:s2] =	dma.local @!p0 [hbm:s0], s1  }
0x6c: {  	s0 =	simm.s32 @!p0 $0x2  }
0x6d: {  	_ =	swait.ge @!p0 [sflag:s0], s1  }
0x6e: {  	s1 =	ssub.s32 @!p0 $0x0, s1;
	[sflag:s0] =	ssyncset.done @!p0 $0x0  }
0x6f: {  	[sflag:s0] =	ssyncadd.s32 @!p0 s1  }
0x70: {  	[bflag:$0x3] =	sbarrier.arrive $0xFFFF  }
0x71: {  	_ =	shalt  }

// kernel: kernel.66.cloned.1.call-start
scs
__scs_entry_jumppad:
0x0: {  	(pc) =	sbr.rel $0x88, $3  }
0x1: {  	(tag) =	ssettag $0x0;
	lr =	simm.s32 $0x1  }
0x2: {  	[smem:$0x3F92] =	sst lr;
	_ =	strace $0xD0000000  }
0x3: {  	_ = 	snop  }
0x4: {  	_ = 	snop  }
0x5: {  	_ = 	snop  }
0x6: {  	_ = 	snop  }
0x7: {  	_ = 	snop  }
__scs_overlays_trampoline_lowered:
0x8: {  	[smem:$0x3FA1] =	sst s0  }
0x9: {  	[smem:$0x3FA2] =	sst s1  }
0xa: {  	[smem:$0x3FA3] =	sst s2  }
0xb: {  	[smem:$0x3FA4] =	sst s3  }
0xc: {  	[smem:$0x3FA5] =	sst s4  }
0xd: {  	[smem:$0x3FA6] =	sst s5  }
0xe: {  	[smem:$0x3FA7] =	sst s6  }
0xf: {  	[smem:$0x3FA8] =	sst s7  }
0x10: {  	[smem:$0x3FA9] =	sst s8  }
0x11: {  	[smem:$0x3FAA] =	sst s9;
	s0 =	simm.s32 @!p0 $0x0  }
0x12: {  	s1 =	sld [smem:$0x3F90];
	s0 =	simm.s32 @p0 $0x1  }
0x13: {  	[smem:$0x3FAB] =	sst s0;
	s0 =	simm.s32 @!p1 $0x0  }
0x14: {  	s2 =	sld [smem:$0x3F8F];
	s0 =	simm.s32 @p1 $0x1  }
0x15: {  	[smem:$0x3FAC] =	sst s0;
	s0 =	simm.s32 @!p2 $0x0  }
0x16: {  	s3 =	sld [smem:$0x3FDB];
	s0 =	simm.s32 @p2 $0x1  }
0x17: {  	s4 =	simm.s32 $0x1BF5;
	[smem:$0x3FAE] =	sst s0  }
0x18: {  	s0 =	sld [smem:$0x3F91];
	_ =	swait.ge [sflag:s4], $0x0  }
0x19: {  	s7 =	sld [smem:$0x3F92]  }
0x1a: {  	s8 =	sadd.s32 $0xFFFFE003, lr  }
0x1b: {  	s9 =	sadd.s32 $0xFFFFFEF7, lr;
	s5 =	simm.s32 $0xFFFFFFFF;
	p2 =	slt.u32 s8, $0xFFFFF086  }
0x1c: {  	p1 =	slt.u32 s9, $0xF7A;
	s5 =	simm.s32 @!p2 $0x0  }
0x1d: {  	s5 =	simm.s32 @p1 $0x1;
	p0 =	seq.s32 s7, s2  }
0x1e: {  	s7 =	smul.u32 @!p0 $0xF7A, s2;
	p2 =	seq.s32 @!p0 s5, $0x0  }
0x1f: {  	s9 =	smul.u32 $0xF7A, s1;
	s8 =	simm.s32 @!p0 $0x1BF5;
	p2 =	por !p2, p0  }
0x20: {  	[sflag:s8] =	ssyncset.s32 @!p0 $0xFFFFF086;
	s6 =	sadd.s32 @!p0 s3, s7;
	s7 =	simm.s32 @!p0 $0x108  }
0x21: {  	s3 =	sadd.s32 s3, s9;
	s6 =	sadd.s32 @!p0 $0x88, s6;
	s7 =	simm.s32 @p2 $0x1082  }
0x22: {  	[simem:s7], [sflag:s8] =	dma.local @!p0 [hbm:s6], $0xF7A  }
0x23: {  	s9 =	sor.u32 $0xD0000000, s2;
	s6 =	simm.s32 $0x108;
	_ =	swait.ge @!p0 [sflag:s8], $0x0  }
0x24: {  	s3 =	sadd.s32 $0x88, s3;
	s6 =	simm.s32 @!p1 $0x1082;
	[sflag:s4] =	ssyncset.s32 $0xFFFFF086  }
0x25: {  	[simem:s6], [sflag:s4] =	dma.local [hbm:s3], $0xF7A  }
0x26: {  	[smem:$0x3F92] =	sst s1;
	(tag) =	ssettag s2;
	_ =	strace s9  }
0x27: {  	s1 =	sld [smem:$0x3FA2]  }
0x28: {  	s2 =	sld [smem:$0x3FA3]  }
0x29: {  	s4 =	sld [smem:$0x3FA5]  }
0x2a: {  	p0 =	seq.s32 s5, $0x0;
	s5 =	sld [smem:$0x3FA6]  }
0x2b: {  	s6 =	sld [smem:$0x3FA7]  }
0x2c: {  	s7 =	sld [smem:$0x3FA8]  }
0x2d: {  	s3 =	simm.s32 $0x108;
	s8 =	sld [smem:$0x3FA9]  }
0x2e: {  	s3 =	simm.s32 @!p0 $0x1082;
	s9 =	sld [smem:$0x3FAA]  }
0x2f: {  	lr =	sadd.s32 s0, s3;
	s0 =	sld [smem:$0x3FA1]  }
0x30: {  	s3 =	sld [smem:$0x3FA4]  }
0x31: {  	[smem:$0x3FAD] =	sst s10  }
0x32: {  	s10 =	sld [smem:$0x3FAB];
	_ =	sdelay $0x3  }
0x33: {  	p0 =	seq.s32 s10, $0x1;
	s10 =	sld [smem:$0x3FAD];
	_ =	sdelay $0x3  }
0x34: {  	[smem:$0x3FAD] =	sst s10  }
0x35: {  	s10 =	sld [smem:$0x3FAC];
	_ =	sdelay $0x3  }
0x36: {  	p1 =	seq.s32 s10, $0x1;
	s10 =	sld [smem:$0x3FAD];
	_ =	sdelay $0x3  }
0x37: {  	[smem:$0x3FAD] =	sst s10  }
0x38: {  	s10 =	sld [smem:$0x3FAE]  }
0x39: {  	_ = 	snop;
	(pc) =	sbr.ind lr, $3  }
0x3a: {  	_ = 	snop  }
0x3b: {  	_ = 	snop  }
0x3c: {  	p2 =	seq.s32 s10, $0x1;
	s10 =	sld [smem:$0x3FAD]  }
0x3d: {  	_ =	shalt  }
0x3e: {  	_ =	shalt  }
0x3f: {  	_ =	shalt  }
0x40: {  	_ =	shalt  }
0x41: {  	_ =	shalt  }
0x42: {  	_ =	shalt  }
0x43: {  	_ =	shalt  }
0x44: {  	_ =	shalt  }
0x45: {  	_ =	shalt  }
0x46: {  	_ =	shalt  }
0x47: {  	_ =	shalt  }
0x48: {  	_ =	shalt  }
0x49: {  	_ =	shalt  }
0x4a: {  	_ =	shalt  }
0x4b: {  	_ =	shalt  }
0x4c: {  	_ =	shalt  }
0x4d: {  	_ =	shalt  }
0x4e: {  	_ =	shalt  }
0x4f: {  	_ =	shalt  }
0x50: {  	_ =	shalt  }
0x51: {  	_ =	shalt  }
0x52: {  	_ =	shalt  }
0x53: {  	_ =	shalt  }
0x54: {  	_ =	shalt  }
0x55: {  	_ =	shalt  }
0x56: {  	_ =	shalt  }
0x57: {  	_ =	shalt  }
0x58: {  	_ =	shalt  }
0x59: {  	_ =	shalt  }
0x5a: {  	_ =	shalt  }
0x5b: {  	_ =	shalt  }
0x5c: {  	_ =	shalt  }
0x5d: {  	_ =	shalt  }
0x5e: {  	_ =	shalt  }
0x5f: {  	_ =	shalt  }
0x60: {  	_ =	shalt  }
0x61: {  	_ =	shalt  }
0x62: {  	_ =	shalt  }
0x63: {  	_ =	shalt  }
0x64: {  	_ =	shalt  }
0x65: {  	_ =	shalt  }
0x66: {  	_ =	shalt  }
0x67: {  	_ =	shalt  }
0x68: {  	_ =	shalt  }
0x69: {  	_ =	shalt  }
0x6a: {  	_ =	shalt  }
0x6b: {  	_ =	shalt  }
0x6c: {  	_ =	shalt  }
0x6d: {  	_ =	shalt  }
0x6e: {  	_ =	shalt  }
0x6f: {  	_ =	shalt  }
0x70: {  	_ =	shalt  }
0x71: {  	_ =	shalt  }
0x72: {  	_ =	shalt  }
0x73: {  	_ =	shalt  }
0x74: {  	_ =	shalt  }
0x75: {  	_ =	shalt  }
0x76: {  	_ =	shalt  }
0x77: {  	_ =	shalt  }
0x78: {  	_ =	shalt  }
0x79: {  	_ =	shalt  }
0x7a: {  	_ =	shalt  }
0x7b: {  	_ =	shalt  }
0x7c: {  	_ =	shalt  }
0x7d: {  	_ =	shalt  }
0x7e: {  	_ =	shalt  }
0x7f: {  	_ =	shalt  }
0x80: {  	_ =	shalt  }
0x81: {  	_ =	shalt  }
0x82: {  	_ =	shalt  }
0x83: {  	_ =	shalt  }
0x84: {  	_ =	shalt  }
0x85: {  	_ =	shalt  }
0x86: {  	_ =	shalt  }
0x87: {  	_ =	shalt  }
.Lfunc_end0:
.L_simem_size_0:
called_computation.12_lowered:
.L_overlay_start_0:
0x88: {  	s2 =	sld [smem:$0x3FD9]  }
0x89: {  	s3 =	sld [smem:$0x3FFE];
	_ =	sdelay $0x1  }
0x8a: {  	s1 =	srdreg.scid  }
0x8b: {  	s0 =	sand.u32 $0x1, s1  }
0x8c: {  	s16 =	sshll.u32 s0, $0xA;
	s2 =	sadd.s32 s3, s2  }
0x8d: {  	s2 =	sadd.s32 s2, s16  }
0x8e: {  	[smem:$0x3FB9] =	sst s2  }
0x8f: {  	_ = 	snop  }
0x90: {  	(tm) =	ssettm $0x1  }
0x91: {  	s17 =	sld [smem:$0x3FFB];
	_ =	sdelay $0x3  }
0x92: {  	_ =	strace s17  }
0x93: {  	s2 =	sld [smem:$0x3FFC];
	_ =	sdelay $0x3  }
0x94: {  	_ =	strace s2  }
0x95: {  	s2 =	sld [smem:$0x3FFD];
	_ =	sdelay $0x3  }
0x96: {  	_ =	strace s2  }
0x97: {  	_ =	strace $0x8FFFFFFF  }
0x98: {  	s18 =	sld [smem:$0x3FDB];
	_ =	sdelay $0x1  }
0x99: {  	s19 =	simm.s32 $_scs_section_size  }
0x9a: {  	s4 =	simm.s32 $_size__tile_overlayer_lowered;
	s5 =	simm.s32 $_tile_overlayer_lowered  }
0x9b: {  	s22 =	simm.s32 $0x1BFF;
	s21 =	sshll.u32 s5, $0x1;
	s2 =	sadd.s32 s19, s18  }
0x9c: {  	s6 =	simm.s32 $0x0;
	s20 =	sshll.u32 s4, $0x1;
	s4 =	sadd.s32 s21, s2  }
0x9d: {  	[timem:s6], [sflag:s22] =	dma.local [hbm:s4], s20  }
0x9e: {  	_ =	swait.ge [sflag:s22], s20  }
0x9f: {  	s3 =	ssub.s32 $0x0, s20;
	[sflag:s22] =	ssyncset.done $0x0  }
0xa0: {  	[sflag:s22] =	ssyncadd.s32 s3;
	_ =	sdelay $0x1  }
0xa1: {  	s23 =	simm.s32 $0x1B8B  }
0xa2: {  	_ =	swait.ge [sflag:s23], $0x1  }
0xa3: {  	[sflag:s23] =	ssyncset.done $0x0  }
0xa4: {  	s25 =	simm.s32 $0x1B8E;
	s24 =	sld [smem:$0x3FFE];
	[sflag:s23] =	ssyncadd.s32 $0xFFFFFFFF  }
0xa5: {  	s26 =	simm.s32 $execute0_lowered;
	[smem:$0x3FD2] =	sst s25  }
0xa6: {  	s4 =	sshll.u32 s26, $0x1;
	_ =	strace $0x8000006A;
	[dreg:$0x1] =	wrdreg $0xFFFFFFFF  }
0xa7: {  	s28 =	simm.s32 $_size_execute0_lowered;
	s2 =	sadd.s32 s2, s4;
	[dreg:$0x0] =	wrdreg $0x0  }
0xa8: {  	s4 =	sshll.u32 s28, $0x1;
	[dreg:$0x2] =	wrdreg s2  }
0xa9: {  	[dreg:$0x3] =	wrdreg s4  }
0xaa: {  	[dreg:$0x4] =	wrdreg $0xC0  }
0xab: {  	_ =	task [dreg:s6], $0x5FFFF  }
0xac: {  	[dreg:$0x1] =	wrdreg $0xFFFFFFFF  }
0xad: {  	[dreg:$0x0] =	wrdreg $0x60  }
0xae: {  	[dreg:$0x2] =	wrdreg s24  }
0xaf: {  	[dreg:$0x3] =	wrdreg $0x81000  }
0xb0: {  	[dreg:$0x4] =	wrdreg $0x9  }
0xb1: {  	_ =	task.clear_ibuf [dreg:s6], $0x5FFFF;
	_ =	strace $0x9000006A  }
0xb2: {  	s29 =	simm.s32 $0x9;
	_ =	strace $0x8000006C  }
0xb3: {  	_ =	swait.ge [sflag:s29], $0x1  }
0xb4: {  	[sflag:s29] =	ssyncadd.s32 $0xFFFFFFFF  }
0xb5: {  	_ =	strace $0x9000006C  }
0xb6: {  	_ =	sfence  }
0xb7: {  	s30 =	sld [smem:$0x0];
	_ =	sdelay $0x2  }
0xb8: {  	s31 =	sshll.u32 s1, $0xD;
	s1 =	sshrl.u32 s1, $0x2  }
0xb9: {  	s3 =	sand.u32 $0x4000, s31;
	s1 =	sadd.s32 s1, s30  }
0xba: {  	s0 =	sor.u32 s3, s0;
	s1 =	sshll.u32 s1, $0x11  }
0xbb: {  	s0 =	sor.u32 s1, s0  }
0xbc: {  	s0 =	sadd.s32 $0x8F2B, s0  }
0xbd: {  	[sflag:s0] =	ssyncadd.remote.s32 $0x1  }
0xbe: {  	_ =	sfence.sel $0xFFFF  }
0xbf: {  	[dreg:$0x0] =	wrdreg $0xFFFFFFFF;
	(pc) =	sbr.abs _section_cstart, $3  }
0xc0: {  	[dreg:$0x1] =	wrdreg $0xFFFFFFFF  }
0xc1: {  	_ =	task.clear_ibuf [dreg:s6], $0x2FFFF;
	_ =	strace $0x9FFFFFFF  }
0xc2: {  	(tm) =	ssettm $0x7FFFFFFF  }
0xc3: {  	_ =	shalt  }
tec
execute0_lowered:
.L_overlay_start_1:
0x0: {  	(tag) =	ssettag $0x1  }
0x1: {  	s6 =	rddreg [dreg:$0x0]  }
0x2: {  	s2 =	rddreg [dreg:$0x1]  }
0x3: {  	s0 =	rddreg [dreg:$0x2];
	s1 =	stileid.u32  }
0x4: {  	s3 =	simm.s32 $0x0;
	s4 =	srdreg.scid;
	s7 =	smul.u32 $0x2800, s1  }
0x5: {  	[smem:$0x7FF] =	sst s3;
	s13 =	sand.u32 $0x1, s4;
	s10 =	smul.u32 $0x50000, s1  }
0x6: {  	s16 =	sadd.s32 $0x2E3C00, s6;
	s4 =	sadd.s32 $0xE000, s6;
	s15 =	smul.u32 $0x50, s1  }
0x7: {  	s5 =	sadd.s32 $0x13000, s6;
	s19 =	sshll.u32 s1, $0x1;
	s30 =	smul.u32 $0x500, s1  }
0x8: {  	s24 =	sshll.u32 s1, $0x6;
	s8 =	smul.u32 $0x28000, s13;
	s9 =	ssub.s32 $0x2, s13  }
0x9: {  	_ =	strace $0x8000006B;
	s18 =	smul.u32 $0x28, s13;
	s20 =	sshrl.u32 s9, $0x1  }
0xa: {  	s22 =	sshrl.u32 s10, $0x2;
	s7 =	sadd.s32 s7, s8;
	s8 =	sor.u32 s13, s19  }
0xb: {  	s12 =	ssub.s32 s9, s20;
	s17 =	sadd.s32 s22, s2;
	s20 =	smul.u32 $0x280, s13  }
0xc: {  	s15 =	sadd.s32 s18, s15;
	s18 =	simm.s32 $0x3;
	s21 =	smul.u32 $0x28, s8  }
0xd: {  	s22 =	simm.s32 $0x4100;
	s11 =	sadd.s32 s7, s6;
	s23 =	smul.u32 $0x280, s8  }
0xe: {  	s8 =	smul.u32 $0x14000, s8;
	s6 =	sor.u32 $0x1C03, s24;
	s10 =	smax.u32 s12, $0x1  }
0xf: {  	s29 =	sor.u32 $0x2, s15;
	s31 =	sshll.u32 s15, $0xB;
	s17 =	sshrl.u32 s17, $0x3  }
0x10: {  	s24 =	simm.s32 $0x0;
	s9 =	sadd.s32 $0x63C00, s11;
	s15 =	sadd.s32 s20, s30  }
0x11: {  	s20 =	simm.s32 $0x1;
	s14 =	sadd.s32 $0x26, s21;
	s7 =	sadd.s32 s4, s23  }
0x12: {  	s8 =	sadd.s32 s16, s8;
	s21 =	simm.s32 $0x80;
	s23 =	simm.s32 $0x2  }
0x13: {  	s25 =	sshll.u32 s14, $0x4;
	s28 =	sshll.u32 s14, $0xB;
	s14 =	sshrl.u32 s29, $0x1  }
0x14: {  	s26 =	sand.u32 $0xFF80, s25;
	s12 =	sadd.s32 s28, s16;
	s19 =	sshll.u32 s14, $0xC  }
0x15: {  	s14 =	sshll.u32 s14, $0x5;
	s11 =	sadd.s32 s4, s26;
	s12 =	sadd.s32 $0x800, s12  }
0x16: {  	s13 =	sadd.s32 s19, s16;
	s14 =	sadd.s32 s14, s4;
	s16 =	sadd.s32 s31, s16  }
0x17: {  	s19 =	simm.s32 $0x100;
	s11 =	sadd.s32 $0x70, s11;
	s16 =	sadd.s32 $0x800, s16  }
.LBB2_1:
0x18: {  	[spmem:s17], [sflag:s6] =	dma.local [hbm:s5], $0x2800  }
0x19: {  	_ =	swait.ge [sflag:s18], $0x2800  }
0x1a: {  	[sflag:s18] =	ssyncset.done $0x0  }
0x1b: {  	[sflag:s18] =	ssyncadd.s32 $0xFFFFD800  }
0x1c: {  	[bflag:$0x0] =	sbarrier.arrive $0xFFFF  }
0x1d: {  	[tilespmem:s3], [sflag:$0x3] =	stream.linear.gather [hbm4b:s7+s3], $0x80, $0x38;
	[tilespmem:$0x1C100] =	vst v63  }
0x1e: {  	_ =	swait.ge [sflag:s18], $0x80  }
0x1f: {  	[sflag:s18] =	ssyncset.done $0x0  }
0x20: {  	[sflag:s18] =	ssyncadd.s32 $0xFFFFFF80  }
0x21: {  	[tilespmem:s19], [sflag:$0x1] =	stream.linear.gather [hbm4b:s8+s3], $0x4000, $0x38;
	[tilespmem:$0x1C100] =	vst v63  }
0x22: {  	s25 =	sand.u32 $0xFFFFF80, s15;
	s26 =	sadd.s32 $0x10, s15;
	_ =	swait.ge [sflag:s20], $0x4000  }
0x23: {  	s26 =	sand.u32 $0x70, s26;
	s25 =	sadd.s32 s4, s25;
	[sflag:s20] =	ssyncset.done $0x0  }
0x24: {  	s25 =	sadd.s32 s26, s25;
	[sflag:s20] =	ssyncadd.s32 $0xFFFFC000  }
0x25: {  	[tilespmem:s21], [sflag:$0x3] =	stream.linear.gather [hbm4b:s25+s3], $0x80, $0x38;
	[tilespmem:$0x1C100] =	vst v63  }
0x26: {  	_ =	swait.ge [sflag:s18], $0x80  }
0x27: {  	[sflag:s18] =	ssyncset.done $0x0  }
0x28: {  	s30 =	sadd.s32 $0x0, s16;
	[sflag:s18] =	ssyncadd.s32 $0xFFFFFF80  }
0x29: {  	[tilespmem:s22], [sflag:$0x2] =	stream.linear.gather [hbm4b:s30+s3], $0x4000, $0x38;
	[tilespmem:$0x1C100] =	vst v63  }
0x2a: {  	_ = 	snop  }
0x2b: {  	[spmem:s2] =	stream.indirect.scatter.add.f32 [tilespmem:s19], [sflag:$0x3], $0x80, s3, s21, $0xb8;
	[tilespmem:$0x1C100] =	vst v63  }
0x2c: {  	_ =	swait.ge [sflag:s18], $0x4000  }
0x2d: {  	[sflag:s18] =	ssyncset.done $0x0  }
0x2e: {  	[sflag:s18] =	ssyncadd.s32 $0xFFFFC000  }
0x2f: {  	_ =	swait.ge [sflag:s23], $0x4000  }
0x30: {  	[sflag:s23] =	ssyncset.done $0x0  }
0x31: {  	[sflag:s23] =	ssyncadd.s32 $0xFFFFC000  }
0x32: {  	[tilespmem:s3], [sflag:$0x3] =	stream.linear.gather [hbm4b:s14+s3], $0x80, $0x38;
	[tilespmem:$0x1C100] =	vst v63  }
0x33: {  	_ =	swait.ge [sflag:s18], $0x80  }
0x34: {  	[sflag:s18] =	ssyncset.done $0x0  }
0x35: {  	s31 =	sadd.s32 $0x0, s13;
	[sflag:s18] =	ssyncadd.s32 $0xFFFFFF80  }
0x36: {  	[tilespmem:s19], [sflag:$0x1] =	stream.linear.gather [hbm4b:s31+s3], $0x4000, $0x38;
	[tilespmem:$0x1C100] =	vst v63  }
0x37: {  	_ = 	snop  }
0x38: {  	[spmem:s2] =	stream.indirect.scatter.add.f32 [tilespmem:s22], [sflag:$0x3], $0x80, s21, s21, $0xb8;
	[tilespmem:$0x1C100] =	vst v63  }
0x39: {  	s28 =	smov.u32 s15;
	_ =	swait.ge [sflag:s18], $0x4000  }
0x3a: {  	s26 =	smov.u32 s14;
	s25 =	simm.s32 $0x1000;
	[sflag:s18] =	ssyncset.done $0x0  }
.LBB2_2:
0x3b: {  	[sflag:s18] =	ssyncadd.s32 $0xFFFFC000  }
0x3c: {  	s26 =	sadd.s32 $0x20, s26;
	s28 =	sadd.s32 $0x20, s28;
	s29 =	smov.u32 s25  }
0x3d: {  	p0 =	sne.s32 s25, $0x12000;
	s25 =	sadd.s32 $0x1000, s25;
	_ =	swait.ge [sflag:s20], $0x4000  }
0x3e: {  	s30 =	sand.u32 $0xFFFFF80, s28;
	s31 =	sadd.s32 $0x10, s28;
	[sflag:s20] =	ssyncset.done $0x0  }
0x3f: {  	s31 =	sand.u32 $0x70, s31;
	s30 =	sadd.s32 s4, s30;
	[sflag:s20] =	ssyncadd.s32 $0xFFFFC000  }
0x40: {  	s30 =	sadd.s32 s31, s30  }
0x41: {  	[tilespmem:s21], [sflag:$0x3] =	stream.linear.gather [hbm4b:s30+s3], $0x80, $0x38;
	[tilespmem:$0x1C100] =	vst v63  }
0x42: {  	_ =	swait.ge [sflag:s18], $0x80  }
0x43: {  	[sflag:s18] =	ssyncset.done $0x0  }
0x44: {  	s30 =	sadd.s32 s29, s16;
	[sflag:s18] =	ssyncadd.s32 $0xFFFFFF80  }
0x45: {  	[tilespmem:s22], [sflag:$0x2] =	stream.linear.gather [hbm4b:s30+s3], $0x4000, $0x38;
	[tilespmem:$0x1C100] =	vst v63  }
0x46: {  	_ = 	snop  }
0x47: {  	[spmem:s2] =	stream.indirect.scatter.add.f32 [tilespmem:s19], [sflag:$0x3], $0x80, s3, s21, $0xb8;
	[tilespmem:$0x1C100] =	vst v63  }
0x48: {  	_ =	swait.ge [sflag:s18], $0x4000  }
0x49: {  	[sflag:s18] =	ssyncset.done $0x0  }
0x4a: {  	[sflag:s18] =	ssyncadd.s32 $0xFFFFC000  }
0x4b: {  	_ =	swait.ge [sflag:s23], $0x4000  }
0x4c: {  	[sflag:s23] =	ssyncset.done $0x0  }
0x4d: {  	[sflag:s23] =	ssyncadd.s32 $0xFFFFC000  }
0x4e: {  	[tilespmem:s3], [sflag:$0x3] =	stream.linear.gather [hbm4b:s26+s3], $0x80, $0x38;
	[tilespmem:$0x1C100] =	vst v63  }
0x4f: {  	_ =	swait.ge [sflag:s18], $0x80  }
0x50: {  	[sflag:s18] =	ssyncset.done $0x0  }
0x51: {  	s29 =	sadd.s32 s29, s13;
	[sflag:s18] =	ssyncadd.s32 $0xFFFFFF80  }
0x52: {  	[tilespmem:s19], [sflag:$0x1] =	stream.linear.gather [hbm4b:s29+s3], $0x4000, $0x38;
	[tilespmem:$0x1C100] =	vst v63  }
.Ltmp0:
0x53: {  	_ = 	snop;
	(pc) =	sbr.rel @p0 .LBB2_2-.Ltmp0, $4  }
0x54: {  	_ = 	snop  }
0x55: {  	[spmem:s2] =	stream.indirect.scatter.add.f32 [tilespmem:s22], [sflag:$0x3], $0x80, s21, s21, $0xb8;
	[tilespmem:$0x1C100] =	vst v63  }
0x56: {  	_ =	swait.ge [sflag:s18], $0x4000  }
0x57: {  	[sflag:s18] =	ssyncset.done $0x0  }
0x58: {  	[sflag:s18] =	ssyncadd.s32 $0xFFFFC000  }
0x59: {  	_ =	swait.ge [sflag:s20], $0x4000  }
0x5a: {  	[sflag:s20] =	ssyncset.done $0x0  }
0x5b: {  	[sflag:s20] =	ssyncadd.s32 $0xFFFFC000  }
0x5c: {  	[tilespmem:s21], [sflag:$0x3] =	stream.linear.gather [hbm4b:s11+s3], $0x80, $0x38;
	[tilespmem:$0x1C100] =	vst v63  }
0x5d: {  	_ =	swait.ge [sflag:s18], $0x80  }
0x5e: {  	[sflag:s18] =	ssyncset.done $0x0  }
0x5f: {  	[sflag:s18] =	ssyncadd.s32 $0xFFFFFF80  }
0x60: {  	[tilespmem:s22], [sflag:$0x2] =	stream.linear.gather [hbm4b:s12+s3], $0x4000, $0x38;
	[tilespmem:$0x1C100] =	vst v63  }
0x61: {  	_ = 	snop  }
0x62: {  	[spmem:s2] =	stream.indirect.scatter.add.f32 [tilespmem:s19], [sflag:$0x3], $0x80, s3, s21, $0xb8;
	[tilespmem:$0x1C100] =	vst v63  }
0x63: {  	_ =	swait.ge [sflag:s18], $0x4000  }
0x64: {  	[sflag:s18] =	ssyncset.done $0x0  }
0x65: {  	[sflag:s18] =	ssyncadd.s32 $0xFFFFC000  }
0x66: {  	_ =	swait.ge [sflag:s23], $0x4000  }
0x67: {  	[sflag:s23] =	ssyncset.done $0x0  }
0x68: {  	[sflag:s23] =	ssyncadd.s32 $0xFFFFC000  }
0x69: {  	[spmem:s2] =	stream.indirect.scatter.add.f32 [tilespmem:s22], [sflag:$0x3], $0x80, s21, s21, $0xb8;
	[tilespmem:$0x1C100] =	vst v63  }
0x6a: {  	_ =	swait.ge [sflag:s18], $0x4000  }
0x6b: {  	s24 =	sadd.s32 $0x1, s24;
	[sflag:s18] =	ssyncset.done $0x0  }
0x6c: {  	p0 =	sne.s32 s24, s10;
	[sflag:s18] =	ssyncadd.s32 $0xFFFFC000  }
.Ltmp1:
0x6d: {  	[bflag:$0x0] =	sbarrier.arrive $0xFFFF;
	(pc) =	sbr.rel @p0 .LBB2_1-.Ltmp1, $4  }
0x6e: {  	[hbm:s9], [sflag:s6] =	dma.local [spmem:s17], $0x2800  }
0x6f: {  	_ =	swait.ge [sflag:s18], $0x2800  }
0x70: {  	[sflag:s18] =	ssyncset.done $0x0  }
0x71: {  	[sflag:s18] =	ssyncadd.s32 $0xFFFFD800  }
0x72: {  	_ =	sfence.sel $0x180000  }
0x73: {  	[bflag:$0x0] =	sbarrier.arrive $0xFFFF  }
0x74: {  	p0 =	sne.s32 s1, $0x0;
	_ =	strace $0x9000006B  }
0x75: {  	s0 =	sadd.s32 @!p0 $0x100000, s0;
	[bflag:$0x2] =	sbarrier.arrive $0xFFFF  }
0x76: {  	[sflag:s0] =	ssyncadd.tile.s32 @!p0 $0x1;
	_ =	shalt  }
.Lfunc_end2:
_tile_overlayer_lowered:
.L_overlay_start_2:
0x77: {  	(tag) =	ssettag $0x2  }
0x78: {  	s0 =	rddreg [dreg:$0x0];
	s2 =	stileid.u32  }
0x79: {  	s1 =	rddreg [dreg:$0x1];
	p0 =	sne.s32 s2, $0x0  }
0x7a: {  	s3 =	rddreg [dreg:$0x2];
	[bflag:$0x3] =	sbarrier.arrive $0xFFFF;
	s2 =	simm.s32 @!p0 $0x1C03  }
0x7b: {  	[timem:s3], [sflag:s2] =	dma.local @!p0 [hbm:s0], s1  }
0x7c: {  	s0 =	simm.s32 @!p0 $0x3  }
0x7d: {  	_ =	swait.ge @!p0 [sflag:s0], s1  }
0x7e: {  	s1 =	ssub.s32 @!p0 $0x0, s1;
	[sflag:s0] =	ssyncset.done @!p0 $0x0  }
0x7f: {  	[sflag:s0] =	ssyncadd.s32 @!p0 s1  }
0x80: {  	[bflag:$0x3] =	sbarrier.arrive $0xFFFF  }
0x81: {  	_ =	shalt  }

</sc_bundles>
